<compile_context>
chip_gen: v7x
topology: tpu7x:2x2x1
jax: 0.10.2.dev20260603
libtpu: 0.0.44.dev20260713+nightly
codegen_flags: <defaults>
</compile_context>

<pallas_src>
import jax
import jax.numpy as jnp
from jax import lax
from jax.experimental import pallas as pl
from jax.experimental.pallas import tpu as pltpu
from jax.experimental.pallas import tpu_sc as plsc

_N = 10000
_E = 160000
_D = 256
_L = 16
_NK = _D // _L
_NC = 2
_NS = 16
_NW = _NC * _NS
_BLK = 128
_OB = 64
_HW = 128
_NPAD = ((_N + _HW - 1) // _HW) * _HW


def _body(hw_ref, h_ref, vi_ref, vj_ref, prm_ref, out_ref,
          vi_va, vi_vb, vj_va, vj_vb, hvj_a, hvj_b,
          outbuf, hww, prm_v, s0, s1):
    c = lax.axis_index("c")
    s = lax.axis_index("s")
    wid = s * _NC + c

    pltpu.sync_copy(prm_ref, prm_v)

    def sload(ref, i):
        return ref[pl.ds(i, _L)][0]

    e_lo = sload(prm_v, wid)
    e_hi = sload(prm_v, wid + 1)
    zb = sload(prm_v, _NW + 1 + wid)
    zb1 = sload(prm_v, _NW + 1 + wid + 1)

    zero = jnp.zeros((_L,), jnp.float32)

    def memset_buf():
        def mrow(r, carry):
            for k in range(_NK):
                outbuf[r, pl.ds(k * _L, _L)] = zero
            return carry
        lax.fori_loop(0, _OB, mrow, 0)

    memset_buf()

    def full_flush(win):
        pltpu.sync_copy(outbuf, out_ref.at[pl.ds(pl.multiple_of(win, 8), _OB)])
        memset_buf()

    def write_row(node, win, esum, accs):
        def advc(w):
            return node >= w + _OB

        def advb(w):
            full_flush(w)
            return w + _OB

        win = lax.while_loop(advc, advb, win)
        r = node - win
        rv = 1.0 / esum
        for k in range(_NK):
            outbuf[r, pl.ds(k * _L, _L)] = accs[k] * rv
        return win

    lanes = lax.iota(jnp.int32, _L)

    e_lo8 = jnp.bitwise_and(e_lo, jnp.int32(-8))
    span = e_hi - e_lo8
    nblk = (span + (_BLK - 1)) // _BLK

    def base_of(b):
        return pl.multiple_of(e_lo8 + b * _BLK, 8)

    bufs = ((vi_va, vj_va, hvj_a, s0), (vi_vb, vj_vb, hvj_b, s1))

    def load_and_issue(b, buf):
        vi_v, vj_v, hvj_v, sem = bufs[buf]
        base = base_of(b)
        pltpu.sync_copy(vi_ref.at[pl.ds(base, _BLK)],
                        vi_v.at[pl.ds(0, _BLK)])
        pltpu.sync_copy(vj_ref.at[pl.ds(base, _BLK)], vj_v)
        half = _BLK // 2
        pltpu.async_copy(h_ref.at[vj_v.at[pl.ds(0, half)]],
                         hvj_v.at[pl.ds(0, half)], sem)
        pltpu.async_copy(h_ref.at[vj_v.at[pl.ds(half, half)]],
                         hvj_v.at[pl.ds(half, half)], sem)

    def compute(b, buf, C):
        vi_v, vj_v, hvj_v, sem = bufs[buf]
        half = _BLK // 2
        pltpu.make_async_copy(h_ref.at[vj_v.at[pl.ds(0, half)]],
                              hvj_v.at[pl.ds(0, half)], sem).wait()
        pltpu.make_async_copy(h_ref.at[vj_v.at[pl.ds(half, half)]],
                              hvj_v.at[pl.ds(half, half)], sem).wait()
        base = base_of(b)

        def run_cond(S):
            return S[0] < _BLK

        def run_body(S):
            i = S[0]
            C = S[1:]
            node = vi_v[pl.ds(i, _L)][0]
            changed = node != C[0]

            def on_changed(C2):
                pos = jnp.max(C2[3]) > 0.0

                def fl(C3):
                    w3 = write_row(C3[0], C3[1], C3[3], C3[20:36])
                    return (C3[0], w3) + C3[2:]

                C2 = lax.cond(pos, fl, lambda x: x, C2)
                nwb = jnp.bitwise_and(node, jnp.int32(-_HW))

                @pl.when(nwb != C2[2])
                def _():
                    pltpu.sync_copy(
                        hw_ref.at[pl.ds(pl.multiple_of(nwb, 8), _HW)], hww)

                r = jnp.bitwise_and(node, jnp.int32(_HW - 1))
                svi = tuple(hww[r, pl.ds(k * _L, _L)] for k in range(_NK))
                return (node, C2[1], nwb, zero) + svi + (zero,) * _NK

            C = lax.cond(changed, on_changed, lambda x: x, C)
            svi = C[4:20]

            def f_cond(T):
                return T[1] >= _L

            def f_body(T):
                j = T[0]
                v = vi_v[pl.ds(j, _L)]
                m = jnp.logical_or(v != node, lanes >= (_BLK - j))
                f = plsc.all_reduce_ffs(m)[0]
                return (j + f, f)

            j = lax.while_loop(f_cond, f_body, (i, jnp.int32(_L)))[0]

            owned = jnp.logical_and(base + i >= e_lo, base + i < e_hi)

            def accum(A):
                @plsc.parallel_loop(i, j, unroll=2, carry=A)
                def inner(ii, A2):
                    esum, accs = A2[0], A2[1:]
                    hj = [hvj_v[ii, pl.ds(k * _L, _L)] for k in range(_NK)]
                    p = [svi[k] * hj[k] for k in range(_NK)]
                    while len(p) > 1:
                        p = [p[2 * m] + p[2 * m + 1]
                             for m in range(len(p) // 2)]
                    logit = jnp.sum(p[0])
                    pv = jnp.exp(jnp.full((_L,), logit, jnp.float32))
                    esum = esum + pv
                    accs = tuple(accs[k] + pv * hj[k] for k in range(_NK))
                    return (esum,) + accs

                return inner

            A = (C[3],) + C[20:36]
            A = lax.cond(owned, accum, lambda x: x, A)
            return (j,) + C[:3] + (A[0],) + svi + A[1:]

        S = lax.while_loop(run_cond, run_body, (jnp.int32(0),) + C)
        return S[1:]

    @pl.when(nblk > 0)
    def _():
        load_and_issue(0, 0)

    def blk2(b2, C):
        b = b2 * 2

        @pl.when(b + 1 < nblk)
        def _():
            load_and_issue(b + 1, 1)

        C = compute(b, 0, C)

        @pl.when(b + 2 < nblk)
        def _():
            load_and_issue(b + 2, 0)

        C = lax.cond(b + 1 < nblk,
                     lambda CC: compute(b + 1, 1, CC),
                     lambda CC: CC, C)
        return C

    C0 = ((jnp.int32(-1), zb, jnp.int32(-(1 << 30)), zero)
          + (zero,) * _NK + (zero,) * _NK)
    C = lax.fori_loop(0, (nblk + 1) // 2, blk2, C0)

    pos = jnp.max(C[3]) > 0.0
    win = lax.cond(pos,
                   lambda w: write_row(C[0], w, C[3], C[20:36]),
                   lambda w: w, C[1])

    def swc(w):
        return w + _OB <= zb1

    def swb(w):
        full_flush(w)
        return w + _OB

    win = lax.while_loop(swc, swb, win)
    rem = zb1 - win
    off = jnp.int32(0)
    for sz in (32, 16, 8):
        p = jnp.bitwise_and(rem, sz) != 0

        @pl.when(p)
        def _(off=off, sz=sz):
            pltpu.sync_copy(outbuf.at[pl.ds(pl.multiple_of(off, 8), sz)],
                            out_ref.at[pl.ds(pl.multiple_of(win + off, 8), sz)])

        off = jnp.where(p, off + sz, off)


def kernel(hidden, selected_edges, score_weight, bias):
    del bias
    h = hidden[0]
    vi = selected_edges[:, 1]
    vj = selected_edges[:, 2]
    hw = jnp.concatenate(
        [h * score_weight[None, :],
         jnp.zeros((_NPAD - _N, _D), jnp.float32)])

    raw = jnp.arange(_NW, dtype=jnp.int32) * (_E // _NW)
    nbv = jnp.bitwise_and(vi[raw], -8)
    bv = jnp.searchsorted(vi, nbv, side="left").astype(jnp.int32)
    bfull = jnp.concatenate([bv, jnp.array([_E], jnp.int32)])
    zbv = jnp.concatenate([jnp.array([0], jnp.int32), nbv[1:],
                           jnp.array([_N], jnp.int32)])
    prm = jnp.concatenate([bfull, zbv,
                           jnp.zeros((96 - 2 * (_NW + 1),), jnp.int32)])
    vi_p = jnp.concatenate([vi, jnp.full((_BLK,), _N, jnp.int32)])
    vj_p = jnp.concatenate([vj, jnp.zeros((_BLK,), jnp.int32)])

    mesh = plsc.VectorSubcoreMesh(core_axis_name="c", subcore_axis_name="s",
                                  num_cores=_NC, num_subcores=_NS)
    fn = pl.kernel(
        _body,
        out_type=jax.ShapeDtypeStruct((_N, _D), jnp.float32),
        mesh=mesh,
        compiler_params=pltpu.CompilerParams(needs_layout_passes=False),
        scratch_types=[
            pltpu.VMEM((_BLK + _L,), jnp.int32),
            pltpu.VMEM((_BLK + _L,), jnp.int32),
            pltpu.VMEM((_BLK,), jnp.int32),
            pltpu.VMEM((_BLK,), jnp.int32),
            pltpu.VMEM((_BLK, _D), jnp.float32),
            pltpu.VMEM((_BLK, _D), jnp.float32),
            pltpu.VMEM((_OB, _D), jnp.float32),
            pltpu.VMEM((_HW, _D), jnp.float32),
            pltpu.VMEM((96,), jnp.int32),
            pltpu.SemaphoreType.DMA,
            pltpu.SemaphoreType.DMA,
        ],
    )
    out = fn(hw, h, vi_p, vj_p, prm)
    return out[None]

# --- scband reference (transcript-rebuilt; emitter-appended) ---
"""Pipeline reference for scband-attention-flow-25323127177413 (READ-ONLY COPY).

The authoritative reference and input builder live on the scoring server;
editing this copy changes nothing except your own understanding.
"""

import jax, jax.numpy as jnp
import numpy as np

N_NODES = 10000
N_EDGES = 160000
N_DIMS = 256


def setup_inputs(seed: int = 0) -> dict:
    key = jax.random.key(seed)
    k1, k2, k3, k4, k5 = jax.random.split(key, 5)
    # selected_edges[i] = (idx, vi, vj, rel, idx_vi, idx_vj, new_idx_e2vi, new_idx_e2vj), sorted by (idx, vi)
    vi = jnp.sort(jax.random.randint(k1, (N_EDGES,), 0, N_NODES))
    vj = jax.random.randint(k2, (N_EDGES,), 0, N_NODES)
    rel = jax.random.randint(k3, (N_EDGES,), 0, 16)
    idx = jnp.zeros((N_EDGES,), dtype=jnp.int32)
    selected_edges = jnp.stack(
        [idx, vi.astype(jnp.int32), vj.astype(jnp.int32), rel.astype(jnp.int32),
         vi.astype(jnp.int32), vj.astype(jnp.int32), vi.astype(jnp.int32), vj.astype(jnp.int32)],
        axis=1,
    )
    hidden = jax.random.normal(k4, (1, N_NODES, N_DIMS), dtype=jnp.float32)
    score_weight = jax.random.normal(k5, (N_DIMS,), dtype=jnp.float32) * 0.1
    bias = jnp.zeros((), dtype=jnp.float32)
    return {"hidden": hidden, "selected_edges": selected_edges, "score_weight": score_weight, "bias": bias}


def reference(hidden, selected_edges, score_weight, bias):
    # node2edge_op: gather endpoint hidden states onto edges (batch_size == 1 so idx col is 0)
    vi = selected_edges[:, 1]
    vj = selected_edges[:, 2]
    idx_vi = selected_edges[:, 4]
    h = hidden[0]                       # [N, d]
    hidden_vi = jnp.take(h, vi, axis=0)  # [E, d]
    hidden_vj = jnp.take(h, vj, axis=0)  # [E, d]
    # scorer: weighted bilinear interaction logit per edge
    logits = jnp.sum(hidden_vi * hidden_vj * score_weight, axis=-1) + bias  # [E]
    # neighbor_softmax_op at 'vi' (sparse_softmax_op with sorted segment ids)
    logits_max = jax.ops.segment_max(logits, idx_vi, num_segments=N_NODES)
    logits_diff = logits - jnp.take(logits_max, idx_vi)
    logits_exp = jnp.exp(logits_diff)
    logits_expsum = jax.ops.segment_sum(logits_exp, idx_vi, num_segments=N_NODES)
    attn = logits_exp / jnp.take(logits_expsum, idx_vi)  # [E]
    # attention-weighted message then aggregate_op (scatter-add back to nodes)
    edge_vec = attn[:, None] * hidden_vj  # [E, d]
    node_vec = jax.ops.segment_sum(edge_vec, idx_vi, num_segments=N_NODES)  # [N, d]
    # scatter_nd into output_shape (1, N, d); with batch idx == 0 this is a reshape
    out = node_vec[None, :, :]
    return out

if __name__ == "__main__":
    import jax
    _d = setup_inputs()
    print(jax.jit(kernel)(*tuple(_d.values())))

</pallas_src>

<mosaic_0001>
#map = affine_map<(d0, d1) -> (0, 0)>
#map1 = affine_map<(d0, d1) -> (0)>
module attributes {stable_mosaic.version = 14 : i64} {
  func.func @_body(%arg0: i32, %arg1: i32, %arg2: memref<10112x256xf32, #tpu.memory_space<hbm>>, %arg3: memref<10000x256xf32, #tpu.memory_space<hbm>>, %arg4: memref<160128xi32, #tpu.memory_space<hbm>>, %arg5: memref<160128xi32, #tpu.memory_space<hbm>>, %arg6: memref<96xi32, #tpu.memory_space<hbm>>, %arg7: memref<10000x256xf32, #tpu.memory_space<hbm>>, %arg8: memref<144xi32, #tpu.memory_space<vmem>>, %arg9: memref<144xi32, #tpu.memory_space<vmem>>, %arg10: memref<128xi32, #tpu.memory_space<vmem>>, %arg11: memref<128xi32, #tpu.memory_space<vmem>>, %arg12: memref<128x256xf32, #tpu.memory_space<vmem>>, %arg13: memref<128x256xf32, #tpu.memory_space<vmem>>, %arg14: memref<64x256xf32, #tpu.memory_space<vmem>>, %arg15: memref<128x256xf32, #tpu.memory_space<vmem>>, %arg16: memref<96xi32, #tpu.memory_space<vmem>>, %arg17: memref<!tpu.dma_semaphore, #tpu.memory_space<semaphore_mem>>, %arg18: memref<!tpu.dma_semaphore, #tpu.memory_space<semaphore_mem>>) attributes {dimension_semantics = [#tpu.dimension_semantics<core_parallel>, #tpu.dimension_semantics<subcore_parallel>], iteration_bounds = array<i64: 2, 16>, scalar_prefetch = 0 : i64, scratch_operands = 11 : i64, tpu.core_type = #tpu.core_type<sc_vector_subcore>, window_params = [{transform_indices = #map}, {transform_indices = #map}, {transform_indices = #map1}, {transform_indices = #map1}, {transform_indices = #map1}, {transform_indices = #map}]} {
    %mul3A = arith.constant 2 : i32
    %mul3A_0 = arith.muli %arg1, %mul3A : i32
    %add3A = arith.addi %mul3A_0, %arg0 : i32
    "tpu.region"() ({
      %run_scoped3A = tpu.sem_alloc : memref<!tpu.dma_semaphore, #tpu.memory_space<semaphore_mem>>
      tpu.enqueue_dma source(%arg6 : memref<96xi32, #tpu.memory_space<hbm>>) target(%arg16 : memref<96xi32, #tpu.memory_space<vmem>>) target_semaphore(%run_scoped3A : memref<!tpu.dma_semaphore, #tpu.memory_space<semaphore_mem>>)
      tpu.wait_dma2 semaphore(%run_scoped3A : memref<!tpu.dma_semaphore, #tpu.memory_space<semaphore_mem>>) src(%arg6 : memref<96xi32, #tpu.memory_space<hbm>>) dst(%arg16 : memref<96xi32, #tpu.memory_space<vmem>>)
      tpu.yield
    }) : () -> ()
    %get3A = arith.index_cast %add3A : i32 to index
    %get3A_1 = tpu.vector_load %arg16[%get3A] {strides = array<i32>} : memref<96xi32, #tpu.memory_space<vmem>>, vector<16xi32>,
    %slice3A = vector.extract_strided_slice %get3A_1 {offsets = [0], sizes = [1], strides = [1]} : vector<16xi32> to vector<1xi32>
    %squeeze3A = vector.extract %slice3A[0] : i32 from vector<1xi32>
    %add3A_2 = arith.constant 1 : i32
    %add3A_3 = arith.addi %add3A, %add3A_2 : i32
    %get3A_4 = arith.index_cast %add3A_3 : i32 to index
    %get3A_5 = tpu.vector_load %arg16[%get3A_4] {strides = array<i32>} : memref<96xi32, #tpu.memory_space<vmem>>, vector<16xi32>,
    %slice3A_6 = vector.extract_strided_slice %get3A_5 {offsets = [0], sizes = [1], strides = [1]} : vector<16xi32> to vector<1xi32>
    %squeeze3A_7 = vector.extract %slice3A_6[0] : i32 from vector<1xi32>
    %add3A_8 = arith.constant 33 : i32
    %add3A_9 = arith.addi %add3A_8, %add3A : i32
    %get3A_10 = arith.index_cast %add3A_9 : i32 to index
    %get3A_11 = tpu.vector_load %arg16[%get3A_10] {strides = array<i32>} : memref<96xi32, #tpu.memory_space<vmem>>, vector<16xi32>,
    %slice3A_12 = vector.extract_strided_slice %get3A_11 {offsets = [0], sizes = [1], strides = [1]} : vector<16xi32> to vector<1xi32>
    %squeeze3A_13 = vector.extract %slice3A_12[0] : i32 from vector<1xi32>
    %add3A_14 = arith.constant 33 : i32
    %add3A_15 = arith.addi %add3A_14, %add3A : i32
    %add3A_16 = arith.constant 1 : i32
    %add3A_17 = arith.addi %add3A_15, %add3A_16 : i32
    %get3A_18 = arith.index_cast %add3A_17 : i32 to index
    %get3A_19 = tpu.vector_load %arg16[%get3A_18] {strides = array<i32>} : memref<96xi32, #tpu.memory_space<vmem>>, vector<16xi32>,
    %slice3A_20 = vector.extract_strided_slice %get3A_19 {offsets = [0], sizes = [1], strides = [1]} : vector<16xi32> to vector<1xi32>
    %squeeze3A_21 = vector.extract %slice3A_20[0] : i32 from vector<1xi32>
    %broadcast_in_dim3A = arith.constant 0.000000e+00 : f32
    %broadcast_in_dim3A_22 = vector.broadcast %broadcast_in_dim3A : f32 to vector<16xf32>
    %scan3A = arith.constant 0 : i32
    %scan3A_23 = arith.constant 0 : i32
    %scan3A_24 = arith.constant 64 : i32
    %scan3A_25 = arith.addi %scan3A_23, %scan3A_24 : i32
    %scan3A_26 = arith.constant 1 : i32
    scf.for %scan3A_133 = %scan3A_23 to %scan3A_25 step %scan3A_26  : i32 {
      %swap3A = arith.index_cast %scan3A_133 : i32 to index
      %swap3A_134 = arith.constant 0 : index
      %swap3A_135 = tpu.vector_load %arg14[%swap3A, %swap3A_134] {strides = array<i32>} : memref<64x256xf32, #tpu.memory_space<vmem>>, vector<16xf32>,
      tpu.vector_store %arg14[%swap3A, %swap3A_134], %broadcast_in_dim3A_22 {strides = array<i32>} : memref<64x256xf32, #tpu.memory_space<vmem>>, vector<16xf32>,
      %swap3A_136 = arith.index_cast %scan3A_133 : i32 to index
      %swap3A_137 = arith.constant 16 : index
      %swap3A_138 = tpu.vector_load %arg14[%swap3A_136, %swap3A_137] {strides = array<i32>} : memref<64x256xf32, #tpu.memory_space<vmem>>, vector<16xf32>,
      tpu.vector_store %arg14[%swap3A_136, %swap3A_137], %broadcast_in_dim3A_22 {strides = array<i32>} : memref<64x256xf32, #tpu.memory_space<vmem>>, vector<16xf32>,
      %swap3A_139 = arith.index_cast %scan3A_133 : i32 to index
      %swap3A_140 = arith.constant 32 : index
      %swap3A_141 = tpu.vector_load %arg14[%swap3A_139, %swap3A_140] {strides = array<i32>} : memref<64x256xf32, #tpu.memory_space<vmem>>, vector<16xf32>,
      tpu.vector_store %arg14[%swap3A_139, %swap3A_140], %broadcast_in_dim3A_22 {strides = array<i32>} : memref<64x256xf32, #tpu.memory_space<vmem>>, vector<16xf32>,
      %swap3A_142 = arith.index_cast %scan3A_133 : i32 to index
      %swap3A_143 = arith.constant 48 : index
      %swap3A_144 = tpu.vector_load %arg14[%swap3A_142, %swap3A_143] {strides = array<i32>} : memref<64x256xf32, #tpu.memory_space<vmem>>, vector<16xf32>,
      tpu.vector_store %arg14[%swap3A_142, %swap3A_143], %broadcast_in_dim3A_22 {strides = array<i32>} : memref<64x256xf32, #tpu.memory_space<vmem>>, vector<16xf32>,
      %swap3A_145 = arith.index_cast %scan3A_133 : i32 to index
      %swap3A_146 = arith.constant 64 : index
      %swap3A_147 = tpu.vector_load %arg14[%swap3A_145, %swap3A_146] {strides = array<i32>} : memref<64x256xf32, #tpu.memory_space<vmem>>, vector<16xf32>,
      tpu.vector_store %arg14[%swap3A_145, %swap3A_146], %broadcast_in_dim3A_22 {strides = array<i32>} : memref<64x256xf32, #tpu.memory_space<vmem>>, vector<16xf32>,
      %swap3A_148 = arith.index_cast %scan3A_133 : i32 to index
      %swap3A_149 = arith.constant 80 : index
      %swap3A_150 = tpu.vector_load %arg14[%swap3A_148, %swap3A_149] {strides = array<i32>} : memref<64x256xf32, #tpu.memory_space<vmem>>, vector<16xf32>,
      tpu.vector_store %arg14[%swap3A_148, %swap3A_149], %broadcast_in_dim3A_22 {strides = array<i32>} : memref<64x256xf32, #tpu.memory_space<vmem>>, vector<16xf32>,
      %swap3A_151 = arith.index_cast %scan3A_133 : i32 to index
      %swap3A_152 = arith.constant 96 : index
      %swap3A_153 = tpu.vector_load %arg14[%swap3A_151, %swap3A_152] {strides = array<i32>} : memref<64x256xf32, #tpu.memory_space<vmem>>, vector<16xf32>,
      tpu.vector_store %arg14[%swap3A_151, %swap3A_152], %broadcast_in_dim3A_22 {strides = array<i32>} : memref<64x256xf32, #tpu.memory_space<vmem>>, vector<16xf32>,
      %swap3A_154 = arith.index_cast %scan3A_133 : i32 to index
      %swap3A_155 = arith.constant 112 : index
      %swap3A_156 = tpu.vector_load %arg14[%swap3A_154, %swap3A_155] {strides = array<i32>} : memref<64x256xf32, #tpu.memory_space<vmem>>, vector<16xf32>,
      tpu.vector_store %arg14[%swap3A_154, %swap3A_155], %broadcast_in_dim3A_22 {strides = array<i32>} : memref<64x256xf32, #tpu.memory_space<vmem>>, vector<16xf32>,
      %swap3A_157 = arith.index_cast %scan3A_133 : i32 to index
      %swap3A_158 = arith.constant 128 : index
      %swap3A_159 = tpu.vector_load %arg14[%swap3A_157, %swap3A_158] {strides = array<i32>} : memref<64x256xf32, #tpu.memory_space<vmem>>, vector<16xf32>,
      tpu.vector_store %arg14[%swap3A_157, %swap3A_158], %broadcast_in_dim3A_22 {strides = array<i32>} : memref<64x256xf32, #tpu.memory_space<vmem>>, vector<16xf32>,
      %swap3A_160 = arith.index_cast %scan3A_133 : i32 to index
      %swap3A_161 = arith.constant 144 : index
      %swap3A_162 = tpu.vector_load %arg14[%swap3A_160, %swap3A_161] {strides = array<i32>} : memref<64x256xf32, #tpu.memory_space<vmem>>, vector<16xf32>,
      tpu.vector_store %arg14[%swap3A_160, %swap3A_161], %broadcast_in_dim3A_22 {strides = array<i32>} : memref<64x256xf32, #tpu.memory_space<vmem>>, vector<16xf32>,
      %swap3A_163 = arith.index_cast %scan3A_133 : i32 to index
      %swap3A_164 = arith.constant 160 : index
      %swap3A_165 = tpu.vector_load %arg14[%swap3A_163, %swap3A_164] {strides = array<i32>} : memref<64x256xf32, #tpu.memory_space<vmem>>, vector<16xf32>,
      tpu.vector_store %arg14[%swap3A_163, %swap3A_164], %broadcast_in_dim3A_22 {strides = array<i32>} : memref<64x256xf32, #tpu.memory_space<vmem>>, vector<16xf32>,
      %swap3A_166 = arith.index_cast %scan3A_133 : i32 to index
      %swap3A_167 = arith.constant 176 : index
      %swap3A_168 = tpu.vector_load %arg14[%swap3A_166, %swap3A_167] {strides = array<i32>} : memref<64x256xf32, #tpu.memory_space<vmem>>, vector<16xf32>,
      tpu.vector_store %arg14[%swap3A_166, %swap3A_167], %broadcast_in_dim3A_22 {strides = array<i32>} : memref<64x256xf32, #tpu.memory_space<vmem>>, vector<16xf32>,
      %swap3A_169 = arith.index_cast %scan3A_133 : i32 to index
      %swap3A_170 = arith.constant 192 : index
      %swap3A_171 = tpu.vector_load %arg14[%swap3A_169, %swap3A_170] {strides = array<i32>} : memref<64x256xf32, #tpu.memory_space<vmem>>, vector<16xf32>,
      tpu.vector_store %arg14[%swap3A_169, %swap3A_170], %broadcast_in_dim3A_22 {strides = array<i32>} : memref<64x256xf32, #tpu.memory_space<vmem>>, vector<16xf32>,
      %swap3A_172 = arith.index_cast %scan3A_133 : i32 to index
      %swap3A_173 = arith.constant 208 : index
      %swap3A_174 = tpu.vector_load %arg14[%swap3A_172, %swap3A_173] {strides = array<i32>} : memref<64x256xf32, #tpu.memory_space<vmem>>, vector<16xf32>,
      tpu.vector_store %arg14[%swap3A_172, %swap3A_173], %broadcast_in_dim3A_22 {strides = array<i32>} : memref<64x256xf32, #tpu.memory_space<vmem>>, vector<16xf32>,
      %swap3A_175 = arith.index_cast %scan3A_133 : i32 to index
      %swap3A_176 = arith.constant 224 : index
      %swap3A_177 = tpu.vector_load %arg14[%swap3A_175, %swap3A_176] {strides = array<i32>} : memref<64x256xf32, #tpu.memory_space<vmem>>, vector<16xf32>,
      tpu.vector_store %arg14[%swap3A_175, %swap3A_176], %broadcast_in_dim3A_22 {strides = array<i32>} : memref<64x256xf32, #tpu.memory_space<vmem>>, vector<16xf32>,
      %swap3A_178 = arith.index_cast %scan3A_133 : i32 to index
      %swap3A_179 = arith.constant 240 : index
      %swap3A_180 = tpu.vector_load %arg14[%swap3A_178, %swap3A_179] {strides = array<i32>} : memref<64x256xf32, #tpu.memory_space<vmem>>, vector<16xf32>,
      tpu.vector_store %arg14[%swap3A_178, %swap3A_179], %broadcast_in_dim3A_22 {strides = array<i32>} : memref<64x256xf32, #tpu.memory_space<vmem>>, vector<16xf32>,
    }
    %scan3A_27 = arith.constant 64 : i32
    %iota3A = tpu.iota {dimensions = array<i32: 0>} : vector<16xi32>
    %and3A = arith.constant -8 : i32
    %and3A_28 = arith.andi %squeeze3A, %and3A : i32
    %sub3A = arith.subi %squeeze3A_7, %and3A_28 : i32
    %add3A_29 = arith.constant 127 : i32
    %add3A_30 = arith.addi %sub3A, %add3A_29 : i32
    %jit3A = arith.constant 128 : i32
    %div3A = arith.divsi %add3A_30, %jit3A : i32
    %sign3A = arith.constant 0 : i32
    %sign3A_31 = arith.cmpi sgt, %add3A_30, %sign3A : i32
    %sign3A_32 = arith.extui %sign3A_31 : i1 to i32
    %sign3A_33 = arith.constant 0 : i32
    %sign3A_34 = arith.cmpi slt, %add3A_30, %sign3A_33 : i32
    %sign3A_35 = arith.extui %sign3A_34 : i1 to i32
    %sign3A_36 = arith.subi %sign3A_32, %sign3A_35 : i32
    %sign3A_37 = arith.constant 0 : i32
    %sign3A_38 = arith.cmpi sgt, %jit3A, %sign3A_37 : i32
    %sign3A_39 = arith.extui %sign3A_38 : i1 to i32
    %sign3A_40 = arith.constant 0 : i32
    %sign3A_41 = arith.cmpi slt, %jit3A, %sign3A_40 : i32
    %sign3A_42 = arith.extui %sign3A_41 : i1 to i32
    %sign3A_43 = arith.subi %sign3A_39, %sign3A_42 : i32
    %ne3A = arith.cmpi ne, %sign3A_36, %sign3A_43 : i32
    %rem3A = arith.remsi %add3A_30, %jit3A : i32
    %ne3A_44 = arith.constant 0 : i32
    %ne3A_45 = arith.cmpi ne, %rem3A, %ne3A_44 : i32
    %and3A_46 = arith.andi %ne3A, %ne3A_45 : i1
    %sub3A_47 = arith.constant 1 : i32
    %sub3A_48 = arith.subi %div3A, %sub3A_47 : i32
    %select_n3A = arith.select %and3A_46, %sub3A_48, %div3A : i32
    %gt3A = arith.constant 0 : i32
    %gt3A_49 = arith.cmpi sgt, %select_n3A, %gt3A : i32
    %convert_element_type3A = arith.extui %gt3A_49 : i1 to i32
    %cond3A = arith.constant 0 : i32
    %cond3A_50 = arith.cmpi ne, %convert_element_type3A, %cond3A : i32
    scf.if %cond3A_50 {
      %add3A_133 = arith.constant 0 : i32
      %add3A_134 = arith.addi %and3A_28, %add3A_133 : i32
      %multiple_of3A = tpu.assume_multiple %add3A_134, 8 : i32
      "tpu.region"() ({
        %run_scoped3A = tpu.sem_alloc : memref<!tpu.dma_semaphore, #tpu.memory_space<semaphore_mem>>
        %dma_start3A_150 = arith.constant 0 : i32
        %dma_start3A_151 = tpu.memref_slice %arg8[%dma_start3A_150] : memref<144xi32, #tpu.memory_space<vmem>> -> memref<128xi32, #tpu.memory_space<vmem>>
        %dma_start3A_152 = tpu.memref_slice %arg4[%multiple_of3A] : memref<160128xi32, #tpu.memory_space<hbm>> -> memref<128xi32, #tpu.memory_space<hbm>>
        %dma_start3A_153 = arith.constant 0 : i32
        %dma_start3A_154 = tpu.memref_slice %arg8[%dma_start3A_153] : memref<144xi32, #tpu.memory_space<vmem>> -> memref<128xi32, #tpu.memory_space<vmem>>
        %dma_start3A_155 = tpu.memref_slice %arg4[%multiple_of3A] : memref<160128xi32, #tpu.memory_space<hbm>> -> memref<128xi32, #tpu.memory_space<hbm>>
        tpu.enqueue_dma source(%dma_start3A_155 : memref<128xi32, #tpu.memory_space<hbm>>) target(%dma_start3A_154 : memref<128xi32, #tpu.memory_space<vmem>>) target_semaphore(%run_scoped3A : memref<!tpu.dma_semaphore, #tpu.memory_space<semaphore_mem>>)
        %dma_wait3A = arith.constant 0 : i32
        %dma_wait3A_156 = tpu.memref_slice %arg8[%dma_wait3A] : memref<144xi32, #tpu.memory_space<vmem>> -> memref<128xi32, #tpu.memory_space<vmem>>
        %dma_wait3A_157 = tpu.memref_slice %arg4[%multiple_of3A] : memref<160128xi32, #tpu.memory_space<hbm>> -> memref<128xi32, #tpu.memory_space<hbm>>
        %dma_wait3A_158 = arith.constant 0 : i32
        %dma_wait3A_159 = tpu.memref_slice %arg8[%dma_wait3A_158] : memref<144xi32, #tpu.memory_space<vmem>> -> memref<128xi32, #tpu.memory_space<vmem>>
        %dma_wait3A_160 = tpu.memref_slice %arg4[%multiple_of3A] : memref<160128xi32, #tpu.memory_space<hbm>> -> memref<128xi32, #tpu.memory_space<hbm>>
        tpu.wait_dma2 semaphore(%run_scoped3A : memref<!tpu.dma_semaphore, #tpu.memory_space<semaphore_mem>>) src(%dma_wait3A_160 : memref<128xi32, #tpu.memory_space<hbm>>) dst(%dma_wait3A_159 : memref<128xi32, #tpu.memory_space<vmem>>)
        tpu.yield
      }) : () -> ()
      "tpu.region"() ({
        %run_scoped3A = tpu.sem_alloc : memref<!tpu.dma_semaphore, #tpu.memory_space<semaphore_mem>>
        %dma_start3A_150 = tpu.memref_slice %arg5[%multiple_of3A] : memref<160128xi32, #tpu.memory_space<hbm>> -> memref<128xi32, #tpu.memory_space<hbm>>
        %dma_start3A_151 = tpu.memref_slice %arg5[%multiple_of3A] : memref<160128xi32, #tpu.memory_space<hbm>> -> memref<128xi32, #tpu.memory_space<hbm>>
        tpu.enqueue_dma source(%dma_start3A_151 : memref<128xi32, #tpu.memory_space<hbm>>) target(%arg10 : memref<128xi32, #tpu.memory_space<vmem>>) target_semaphore(%run_scoped3A : memref<!tpu.dma_semaphore, #tpu.memory_space<semaphore_mem>>)
        %dma_wait3A = tpu.memref_slice %arg5[%multiple_of3A] : memref<160128xi32, #tpu.memory_space<hbm>> -> memref<128xi32, #tpu.memory_space<hbm>>
        %dma_wait3A_152 = tpu.memref_slice %arg5[%multiple_of3A] : memref<160128xi32, #tpu.memory_space<hbm>> -> memref<128xi32, #tpu.memory_space<hbm>>
        tpu.wait_dma2 semaphore(%run_scoped3A : memref<!tpu.dma_semaphore, #tpu.memory_space<semaphore_mem>>) src(%dma_wait3A_152 : memref<128xi32, #tpu.memory_space<hbm>>) dst(%arg10 : memref<128xi32, #tpu.memory_space<vmem>>)
        tpu.yield
      }) : () -> ()
      %dma_start3A = arith.constant 0 : i32
      %dma_start3A_135 = arith.constant 0 : i32
      %dma_start3A_136 = tpu.memref_slice %arg12[%dma_start3A, %dma_start3A_135] : memref<128x256xf32, #tpu.memory_space<vmem>> -> memref<64x256xf32, #tpu.memory_space<vmem>>
      %dma_start3A_137 = arith.constant 0 : i32
      %dma_start3A_138 = tpu.memref_slice %arg10[%dma_start3A_137] : memref<128xi32, #tpu.memory_space<vmem>> -> memref<64xi32, #tpu.memory_space<vmem>>
      %dma_start3A_139 = arith.constant 0 : i32
      %dma_start3A_140 = arith.constant 0 : i32
      %dma_start3A_141 = tpu.memref_slice %arg3[%dma_start3A_139, %dma_start3A_140] : memref<10000x256xf32, #tpu.memory_space<hbm>> -> memref<10000x256xf32, #tpu.memory_space<hbm>>
      tpu.enqueue_indirect_dma source(%dma_start3A_141 : memref<10000x256xf32, #tpu.memory_space<hbm>>) target(%dma_start3A_136 : memref<64x256xf32, #tpu.memory_space<vmem>>) offsets(%dma_start3A_138 : memref<64xi32, #tpu.memory_space<vmem>>) semaphore(%arg17 : memref<!tpu.dma_semaphore, #tpu.memory_space<semaphore_mem>>)
      %dma_start3A_142 = arith.constant 64 : i32
      %dma_start3A_143 = arith.constant 0 : i32
      %dma_start3A_144 = tpu.memref_slice %arg12[%dma_start3A_142, %dma_start3A_143] : memref<128x256xf32, #tpu.memory_space<vmem>> -> memref<64x256xf32, #tpu.memory_space<vmem>>
      %dma_start3A_145 = arith.constant 64 : i32
      %dma_start3A_146 = tpu.memref_slice %arg10[%dma_start3A_145] : memref<128xi32, #tpu.memory_space<vmem>> -> memref<64xi32, #tpu.memory_space<vmem>>
      %dma_start3A_147 = arith.constant 0 : i32
      %dma_start3A_148 = arith.constant 0 : i32
      %dma_start3A_149 = tpu.memref_slice %arg3[%dma_start3A_147, %dma_start3A_148] : memref<10000x256xf32, #tpu.memory_space<hbm>> -> memref<10000x256xf32, #tpu.memory_space<hbm>>
      tpu.enqueue_indirect_dma source(%dma_start3A_149 : memref<10000x256xf32, #tpu.memory_space<hbm>>) target(%dma_start3A_144 : memref<64x256xf32, #tpu.memory_space<vmem>>) offsets(%dma_start3A_146 : memref<64xi32, #tpu.memory_space<vmem>>) semaphore(%arg17 : memref<!tpu.dma_semaphore, #tpu.memory_space<semaphore_mem>>)
    } else {
    }
    %add3A_51 = arith.constant 1 : i32
    %add3A_52 = arith.addi %select_n3A, %add3A_51 : i32
    %jit3A_53 = arith.constant 2 : i32
    %div3A_54 = arith.divsi %add3A_52, %jit3A_53 : i32
    %sign3A_55 = arith.constant 0 : i32
    %sign3A_56 = arith.cmpi sgt, %add3A_52, %sign3A_55 : i32
    %sign3A_57 = arith.extui %sign3A_56 : i1 to i32
    %sign3A_58 = arith.constant 0 : i32
    %sign3A_59 = arith.cmpi slt, %add3A_52, %sign3A_58 : i32
    %sign3A_60 = arith.extui %sign3A_59 : i1 to i32
    %sign3A_61 = arith.subi %sign3A_57, %sign3A_60 : i32
    %sign3A_62 = arith.constant 0 : i32
    %sign3A_63 = arith.cmpi sgt, %jit3A_53, %sign3A_62 : i32
    %sign3A_64 = arith.extui %sign3A_63 : i1 to i32
    %sign3A_65 = arith.constant 0 : i32
    %sign3A_66 = arith.cmpi slt, %jit3A_53, %sign3A_65 : i32
    %sign3A_67 = arith.extui %sign3A_66 : i1 to i32
    %sign3A_68 = arith.subi %sign3A_64, %sign3A_67 : i32
    %ne3A_69 = arith.cmpi ne, %sign3A_61, %sign3A_68 : i32
    %rem3A_70 = arith.remsi %add3A_52, %jit3A_53 : i32
    %ne3A_71 = arith.constant 0 : i32
    %ne3A_72 = arith.cmpi ne, %rem3A_70, %ne3A_71 : i32
    %and3A_73 = arith.andi %ne3A_69, %ne3A_72 : i1
    %sub3A_74 = arith.constant 1 : i32
    %sub3A_75 = arith.subi %div3A_54, %sub3A_74 : i32
    %select_n3A_76 = arith.select %and3A_73, %sub3A_75, %div3A_54 : i32
    %while3A = arith.constant 0 : i32
    %while3A_77 = arith.constant -1 : i32
    %while3A_78 = arith.constant -1073741824 : i32
    %while3A_79 = arith.subi %select_n3A_76, %while3A : i32
    %while3A_80 = arith.addi %while3A, %while3A_79 : i32
    %while3A_81 = arith.constant 1 : i32
    %while3A_82 = arith.divsi %while3A_79, %while3A_81 : i32
    %while3A_83 = arith.muli %while3A_82, %while3A_81 : i32
    %while3A_84 = arith.addi %while3A, %while3A_83 : i32
    %while3A_85 = arith.constant 1 : i32
    %while3A_86:36 = scf.for %while3A_133 = %while3A to %while3A_84 step %while3A_85 iter_args(%while3A_134 = %while3A_77, %while3A_135 = %squeeze3A_13, %while3A_136 = %while3A_78, %while3A_137 = %broadcast_in_dim3A_22, %while3A_138 = %broadcast_in_dim3A_22, %while3A_139 = %broadcast_in_dim3A_22, %while3A_140 = %broadcast_in_dim3A_22, %while3A_141 = %broadcast_in_dim3A_22, %while3A_142 = %broadcast_in_dim3A_22, %while3A_143 = %broadcast_in_dim3A_22, %while3A_144 = %broadcast_in_dim3A_22, %while3A_145 = %broadcast_in_dim3A_22, %while3A_146 = %broadcast_in_dim3A_22, %while3A_147 = %broadcast_in_dim3A_22, %while3A_148 = %broadcast_in_dim3A_22, %while3A_149 = %broadcast_in_dim3A_22, %while3A_150 = %broadcast_in_dim3A_22, %while3A_151 = %broadcast_in_dim3A_22, %while3A_152 = %broadcast_in_dim3A_22, %while3A_153 = %broadcast_in_dim3A_22, %while3A_154 = %broadcast_in_dim3A_22, %while3A_155 = %broadcast_in_dim3A_22, %while3A_156 = %broadcast_in_dim3A_22, %while3A_157 = %broadcast_in_dim3A_22, %while3A_158 = %broadcast_in_dim3A_22, %while3A_159 = %broadcast_in_dim3A_22, %while3A_160 = %broadcast_in_dim3A_22, %while3A_161 = %broadcast_in_dim3A_22, %while3A_162 = %broadcast_in_dim3A_22, %while3A_163 = %broadcast_in_dim3A_22, %while3A_164 = %broadcast_in_dim3A_22, %while3A_165 = %broadcast_in_dim3A_22, %while3A_166 = %broadcast_in_dim3A_22, %while3A_167 = %broadcast_in_dim3A_22, %while3A_168 = %broadcast_in_dim3A_22, %while3A_169 = %broadcast_in_dim3A_22) -> (i32, i32, i32, vector<16xf32>, vector<16xf32>, vector<16xf32>, vector<16xf32>, vector<16xf32>, vector<16xf32>, vector<16xf32>, vector<16xf32>, vector<16xf32>, vector<16xf32>, vector<16xf32>, vector<16xf32>, vector<16xf32>, vector<16xf32>, vector<16xf32>, vector<16xf32>, vector<16xf32>, vector<16xf32>, vector<16xf32>, vector<16xf32>, vector<16xf32>, vector<16xf32>, vector<16xf32>, vector<16xf32>, vector<16xf32>, vector<16xf32>, vector<16xf32>, vector<16xf32>, vector<16xf32>, vector<16xf32>, vector<16xf32>, vector<16xf32>, vector<16xf32>)  : i32 {
      %mul3A_170 = arith.constant 2 : i32
      %mul3A_171 = arith.muli %while3A_133, %mul3A_170 : i32
      %add3A_172 = arith.constant 1 : i32
      %add3A_173 = arith.addi %mul3A_171, %add3A_172 : i32
      %lt3A = arith.cmpi slt, %add3A_173, %select_n3A : i32
      %convert_element_type3A_174 = arith.extui %lt3A : i1 to i32
      %cond3A_175 = arith.constant 0 : i32
      %cond3A_176 = arith.cmpi ne, %convert_element_type3A_174, %cond3A_175 : i32
      scf.if %cond3A_176 {
        %add3A_210 = arith.constant 1 : i32
        %add3A_211 = arith.addi %mul3A_171, %add3A_210 : i32
        %mul3A_212 = arith.constant 128 : i32
        %mul3A_213 = arith.muli %add3A_211, %mul3A_212 : i32
        %add3A_214 = arith.addi %and3A_28, %mul3A_213 : i32
        %multiple_of3A_215 = tpu.assume_multiple %add3A_214, 8 : i32
        "tpu.region"() ({
          %run_scoped3A = tpu.sem_alloc : memref<!tpu.dma_semaphore, #tpu.memory_space<semaphore_mem>>
          %dma_start3A_231 = arith.constant 0 : i32
          %dma_start3A_232 = tpu.memref_slice %arg9[%dma_start3A_231] : memref<144xi32, #tpu.memory_space<vmem>> -> memref<128xi32, #tpu.memory_space<vmem>>
          %dma_start3A_233 = tpu.memref_slice %arg4[%multiple_of3A_215] : memref<160128xi32, #tpu.memory_space<hbm>> -> memref<128xi32, #tpu.memory_space<hbm>>
          %dma_start3A_234 = arith.constant 0 : i32
          %dma_start3A_235 = tpu.memref_slice %arg9[%dma_start3A_234] : memref<144xi32, #tpu.memory_space<vmem>> -> memref<128xi32, #tpu.memory_space<vmem>>
          %dma_start3A_236 = tpu.memref_slice %arg4[%multiple_of3A_215] : memref<160128xi32, #tpu.memory_space<hbm>> -> memref<128xi32, #tpu.memory_space<hbm>>
          tpu.enqueue_dma source(%dma_start3A_236 : memref<128xi32, #tpu.memory_space<hbm>>) target(%dma_start3A_235 : memref<128xi32, #tpu.memory_space<vmem>>) target_semaphore(%run_scoped3A : memref<!tpu.dma_semaphore, #tpu.memory_space<semaphore_mem>>)
          %dma_wait3A_237 = arith.constant 0 : i32
          %dma_wait3A_238 = tpu.memref_slice %arg9[%dma_wait3A_237] : memref<144xi32, #tpu.memory_space<vmem>> -> memref<128xi32, #tpu.memory_space<vmem>>
          %dma_wait3A_239 = tpu.memref_slice %arg4[%multiple_of3A_215] : memref<160128xi32, #tpu.memory_space<hbm>> -> memref<128xi32, #tpu.memory_space<hbm>>
          %dma_wait3A_240 = arith.constant 0 : i32
          %dma_wait3A_241 = tpu.memref_slice %arg9[%dma_wait3A_240] : memref<144xi32, #tpu.memory_space<vmem>> -> memref<128xi32, #tpu.memory_space<vmem>>
          %dma_wait3A_242 = tpu.memref_slice %arg4[%multiple_of3A_215] : memref<160128xi32, #tpu.memory_space<hbm>> -> memref<128xi32, #tpu.memory_space<hbm>>
          tpu.wait_dma2 semaphore(%run_scoped3A : memref<!tpu.dma_semaphore, #tpu.memory_space<semaphore_mem>>) src(%dma_wait3A_242 : memref<128xi32, #tpu.memory_space<hbm>>) dst(%dma_wait3A_241 : memref<128xi32, #tpu.memory_space<vmem>>)
          tpu.yield
        }) : () -> ()
        "tpu.region"() ({
          %run_scoped3A = tpu.sem_alloc : memref<!tpu.dma_semaphore, #tpu.memory_space<semaphore_mem>>
          %dma_start3A_231 = tpu.memref_slice %arg5[%multiple_of3A_215] : memref<160128xi32, #tpu.memory_space<hbm>> -> memref<128xi32, #tpu.memory_space<hbm>>
          %dma_start3A_232 = tpu.memref_slice %arg5[%multiple_of3A_215] : memref<160128xi32, #tpu.memory_space<hbm>> -> memref<128xi32, #tpu.memory_space<hbm>>
          tpu.enqueue_dma source(%dma_start3A_232 : memref<128xi32, #tpu.memory_space<hbm>>) target(%arg11 : memref<128xi32, #tpu.memory_space<vmem>>) target_semaphore(%run_scoped3A : memref<!tpu.dma_semaphore, #tpu.memory_space<semaphore_mem>>)
          %dma_wait3A_233 = tpu.memref_slice %arg5[%multiple_of3A_215] : memref<160128xi32, #tpu.memory_space<hbm>> -> memref<128xi32, #tpu.memory_space<hbm>>
          %dma_wait3A_234 = tpu.memref_slice %arg5[%multiple_of3A_215] : memref<160128xi32, #tpu.memory_space<hbm>> -> memref<128xi32, #tpu.memory_space<hbm>>
          tpu.wait_dma2 semaphore(%run_scoped3A : memref<!tpu.dma_semaphore, #tpu.memory_space<semaphore_mem>>) src(%dma_wait3A_234 : memref<128xi32, #tpu.memory_space<hbm>>) dst(%arg11 : memref<128xi32, #tpu.memory_space<vmem>>)
          tpu.yield
        }) : () -> ()
        %dma_start3A = arith.constant 0 : i32
        %dma_start3A_216 = arith.constant 0 : i32
        %dma_start3A_217 = tpu.memref_slice %arg13[%dma_start3A, %dma_start3A_216] : memref<128x256xf32, #tpu.memory_space<vmem>> -> memref<64x256xf32, #tpu.memory_space<vmem>>
        %dma_start3A_218 = arith.constant 0 : i32
        %dma_start3A_219 = tpu.memref_slice %arg11[%dma_start3A_218] : memref<128xi32, #tpu.memory_space<vmem>> -> memref<64xi32, #tpu.memory_space<vmem>>
        %dma_start3A_220 = arith.constant 0 : i32
        %dma_start3A_221 = arith.constant 0 : i32
        %dma_start3A_222 = tpu.memref_slice %arg3[%dma_start3A_220, %dma_start3A_221] : memref<10000x256xf32, #tpu.memory_space<hbm>> -> memref<10000x256xf32, #tpu.memory_space<hbm>>
        tpu.enqueue_indirect_dma source(%dma_start3A_222 : memref<10000x256xf32, #tpu.memory_space<hbm>>) target(%dma_start3A_217 : memref<64x256xf32, #tpu.memory_space<vmem>>) offsets(%dma_start3A_219 : memref<64xi32, #tpu.memory_space<vmem>>) semaphore(%arg18 : memref<!tpu.dma_semaphore, #tpu.memory_space<semaphore_mem>>)
        %dma_start3A_223 = arith.constant 64 : i32
        %dma_start3A_224 = arith.constant 0 : i32
        %dma_start3A_225 = tpu.memref_slice %arg13[%dma_start3A_223, %dma_start3A_224] : memref<128x256xf32, #tpu.memory_space<vmem>> -> memref<64x256xf32, #tpu.memory_space<vmem>>
        %dma_start3A_226 = arith.constant 64 : i32
        %dma_start3A_227 = tpu.memref_slice %arg11[%dma_start3A_226] : memref<128xi32, #tpu.memory_space<vmem>> -> memref<64xi32, #tpu.memory_space<vmem>>
        %dma_start3A_228 = arith.constant 0 : i32
        %dma_start3A_229 = arith.constant 0 : i32
        %dma_start3A_230 = tpu.memref_slice %arg3[%dma_start3A_228, %dma_start3A_229] : memref<10000x256xf32, #tpu.memory_space<hbm>> -> memref<10000x256xf32, #tpu.memory_space<hbm>>
        tpu.enqueue_indirect_dma source(%dma_start3A_230 : memref<10000x256xf32, #tpu.memory_space<hbm>>) target(%dma_start3A_225 : memref<64x256xf32, #tpu.memory_space<vmem>>) offsets(%dma_start3A_227 : memref<64xi32, #tpu.memory_space<vmem>>) semaphore(%arg18 : memref<!tpu.dma_semaphore, #tpu.memory_space<semaphore_mem>>)
      } else {
      }
      %dma_wait3A = arith.constant 0 : i32
      %dma_wait3A_177 = arith.constant 0 : i32
      %dma_wait3A_178 = tpu.memref_slice %arg12[%dma_wait3A, %dma_wait3A_177] : memref<128x256xf32, #tpu.memory_space<vmem>> -> memref<64x256xf32, #tpu.memory_space<vmem>>
      %dma_wait3A_179 = arith.constant 0 : i32
      %dma_wait3A_180 = tpu.memref_slice %arg10[%dma_wait3A_179] : memref<128xi32, #tpu.memory_space<vmem>> -> memref<64xi32, #tpu.memory_space<vmem>>
      %dma_wait3A_181 = arith.constant 0 : i32
      %dma_wait3A_182 = arith.constant 0 : i32
      %dma_wait3A_183 = tpu.memref_slice %arg3[%dma_wait3A_181, %dma_wait3A_182] : memref<10000x256xf32, #tpu.memory_space<hbm>> -> memref<10000x256xf32, #tpu.memory_space<hbm>>
      tpu.wait_indirect_dma semaphore(%arg17 : memref<!tpu.dma_semaphore, #tpu.memory_space<semaphore_mem>>) src(%dma_wait3A_183 : memref<10000x256xf32, #tpu.memory_space<hbm>>) dst(%dma_wait3A_178 : memref<64x256xf32, #tpu.memory_space<vmem>>)
      %dma_wait3A_184 = arith.constant 64 : i32
      %dma_wait3A_185 = arith.constant 0 : i32
      %dma_wait3A_186 = tpu.memref_slice %arg12[%dma_wait3A_184, %dma_wait3A_185] : memref<128x256xf32, #tpu.memory_space<vmem>> -> memref<64x256xf32, #tpu.memory_space<vmem>>
      %dma_wait3A_187 = arith.constant 64 : i32
      %dma_wait3A_188 = tpu.memref_slice %arg10[%dma_wait3A_187] : memref<128xi32, #tpu.memory_space<vmem>> -> memref<64xi32, #tpu.memory_space<vmem>>
      %dma_wait3A_189 = arith.constant 0 : i32
      %dma_wait3A_190 = arith.constant 0 : i32
      %dma_wait3A_191 = tpu.memref_slice %arg3[%dma_wait3A_189, %dma_wait3A_190] : memref<10000x256xf32, #tpu.memory_space<hbm>> -> memref<10000x256xf32, #tpu.memory_space<hbm>>
      tpu.wait_indirect_dma semaphore(%arg17 : memref<!tpu.dma_semaphore, #tpu.memory_space<semaphore_mem>>) src(%dma_wait3A_191 : memref<10000x256xf32, #tpu.memory_space<hbm>>) dst(%dma_wait3A_186 : memref<64x256xf32, #tpu.memory_space<vmem>>)
      %mul3A_192 = arith.constant 128 : i32
      %mul3A_193 = arith.muli %mul3A_171, %mul3A_192 : i32
      %add3A_194 = arith.addi %and3A_28, %mul3A_193 : i32
      %multiple_of3A = tpu.assume_multiple %add3A_194, 8 : i32
      %while3A_195 = arith.constant 0 : i32
      %while3A_196:37 = scf.while (%while3A_210 = %while3A_195, %while3A_211 = %while3A_134, %while3A_212 = %while3A_135, %while3A_213 = %while3A_136, %while3A_214 = %while3A_137, %while3A_215 = %while3A_138, %while3A_216 = %while3A_139, %while3A_217 = %while3A_140, %while3A_218 = %while3A_141, %while3A_219 = %while3A_142, %while3A_220 = %while3A_143, %while3A_221 = %while3A_144, %while3A_222 = %while3A_145, %while3A_223 = %while3A_146, %while3A_224 = %while3A_147, %while3A_225 = %while3A_148, %while3A_226 = %while3A_149, %while3A_227 = %while3A_150, %while3A_228 = %while3A_151, %while3A_229 = %while3A_152, %while3A_230 = %while3A_153, %while3A_231 = %while3A_154, %while3A_232 = %while3A_155, %while3A_233 = %while3A_156, %while3A_234 = %while3A_157, %while3A_235 = %while3A_158, %while3A_236 = %while3A_159, %while3A_237 = %while3A_160, %while3A_238 = %while3A_161, %while3A_239 = %while3A_162, %while3A_240 = %while3A_163, %while3A_241 = %while3A_164, %while3A_242 = %while3A_165, %while3A_243 = %while3A_166, %while3A_244 = %while3A_167, %while3A_245 = %while3A_168, %while3A_246 = %while3A_169) : (i32, i32, i32, i32, vector<16xf32>, vector<16xf32>, vector<16xf32>, vector<16xf32>, vector<16xf32>, vector<16xf32>, vector<16xf32>, vector<16xf32>, vector<16xf32>, vector<16xf32>, vector<16xf32>, vector<16xf32>, vector<16xf32>, vector<16xf32>, vector<16xf32>, vector<16xf32>, vector<16xf32>, vector<16xf32>, vector<16xf32>, vector<16xf32>, vector<16xf32>, vector<16xf32>, vector<16xf32>, vector<16xf32>, vector<16xf32>, vector<16xf32>, vector<16xf32>, vector<16xf32>, vector<16xf32>, vector<16xf32>, vector<16xf32>, vector<16xf32>, vector<16xf32>) -> (i32, i32, i32, i32, vector<16xf32>, vector<16xf32>, vector<16xf32>, vector<16xf32>, vector<16xf32>, vector<16xf32>, vector<16xf32>, vector<16xf32>, vector<16xf32>, vector<16xf32>, vector<16xf32>, vector<16xf32>, vector<16xf32>, vector<16xf32>, vector<16xf32>, vector<16xf32>, vector<16xf32>, vector<16xf32>, vector<16xf32>, vector<16xf32>, vector<16xf32>, vector<16xf32>, vector<16xf32>, vector<16xf32>, vector<16xf32>, vector<16xf32>, vector<16xf32>, vector<16xf32>, vector<16xf32>, vector<16xf32>, vector<16xf32>, vector<16xf32>, vector<16xf32>) {
        %lt3A_247 = arith.constant 128 : i32
        %lt3A_248 = arith.cmpi slt, %while3A_210, %lt3A_247 : i32
        scf.condition(%lt3A_248) %while3A_210, %while3A_211, %while3A_212, %while3A_213, %while3A_214, %while3A_215, %while3A_216, %while3A_217, %while3A_218, %while3A_219, %while3A_220, %while3A_221, %while3A_222, %while3A_223, %while3A_224, %while3A_225, %while3A_226, %while3A_227, %while3A_228, %while3A_229, %while3A_230, %while3A_231, %while3A_232, %while3A_233, %while3A_234, %while3A_235, %while3A_236, %while3A_237, %while3A_238, %while3A_239, %while3A_240, %while3A_241, %while3A_242, %while3A_243, %while3A_244, %while3A_245, %while3A_246 : i32, i32, i32, i32, vector<16xf32>, vector<16xf32>, vector<16xf32>, vector<16xf32>, vector<16xf32>, vector<16xf32>, vector<16xf32>, vector<16xf32>, vector<16xf32>, vector<16xf32>, vector<16xf32>, vector<16xf32>, vector<16xf32>, vector<16xf32>, vector<16xf32>, vector<16xf32>, vector<16xf32>, vector<16xf32>, vector<16xf32>, vector<16xf32>, vector<16xf32>, vector<16xf32>, vector<16xf32>, vector<16xf32>, vector<16xf32>, vector<16xf32>, vector<16xf32>, vector<16xf32>, vector<16xf32>, vector<16xf32>, vector<16xf32>, vector<16xf32>, vector<16xf32>
      } do {
      ^bb0(%while3A_210: i32, %while3A_211: i32, %while3A_212: i32, %while3A_213: i32, %while3A_214: vector<16xf32>, %while3A_215: vector<16xf32>, %while3A_216: vector<16xf32>, %while3A_217: vector<16xf32>, %while3A_218: vector<16xf32>, %while3A_219: vector<16xf32>, %while3A_220: vector<16xf32>, %while3A_221: vector<16xf32>, %while3A_222: vector<16xf32>, %while3A_223: vector<16xf32>, %while3A_224: vector<16xf32>, %while3A_225: vector<16xf32>, %while3A_226: vector<16xf32>, %while3A_227: vector<16xf32>, %while3A_228: vector<16xf32>, %while3A_229: vector<16xf32>, %while3A_230: vector<16xf32>, %while3A_231: vector<16xf32>, %while3A_232: vector<16xf32>, %while3A_233: vector<16xf32>, %while3A_234: vector<16xf32>, %while3A_235: vector<16xf32>, %while3A_236: vector<16xf32>, %while3A_237: vector<16xf32>, %while3A_238: vector<16xf32>, %while3A_239: vector<16xf32>, %while3A_240: vector<16xf32>, %while3A_241: vector<16xf32>, %while3A_242: vector<16xf32>, %while3A_243: vector<16xf32>, %while3A_244: vector<16xf32>, %while3A_245: vector<16xf32>, %while3A_246: vector<16xf32>):
        %get3A_247 = arith.index_cast %while3A_210 : i32 to index
        %get3A_248 = tpu.vector_load %arg8[%get3A_247] {strides = array<i32>} : memref<144xi32, #tpu.memory_space<vmem>>, vector<16xi32>,
        %slice3A_249 = vector.extract_strided_slice %get3A_248 {offsets = [0], sizes = [1], strides = [1]} : vector<16xi32> to vector<1xi32>
        %squeeze3A_250 = vector.extract %slice3A_249[0] : i32 from vector<1xi32>
        %ne3A_251 = arith.cmpi ne, %squeeze3A_250, %while3A_211 : i32
        %convert_element_type3A_252 = arith.extui %ne3A_251 : i1 to i32
        %cond3A_253 = arith.constant 0 : i32
        %cond3A_254 = arith.cmpi ne, %convert_element_type3A_252, %cond3A_253 : i32
        %cond3A_255:36 = scf.if %cond3A_254 -> (i32, i32, i32, vector<16xf32>, vector<16xf32>, vector<16xf32>, vector<16xf32>, vector<16xf32>, vector<16xf32>, vector<16xf32>, vector<16xf32>, vector<16xf32>, vector<16xf32>, vector<16xf32>, vector<16xf32>, vector<16xf32>, vector<16xf32>, vector<16xf32>, vector<16xf32>, vector<16xf32>, vector<16xf32>, vector<16xf32>, vector<16xf32>, vector<16xf32>, vector<16xf32>, vector<16xf32>, vector<16xf32>, vector<16xf32>, vector<16xf32>, vector<16xf32>, vector<16xf32>, vector<16xf32>, vector<16xf32>, vector<16xf32>, vector<16xf32>, vector<16xf32>) {
          %reduce_max3A_266 = arith.constant true
          %reduce_max3A_267 = vector.broadcast %reduce_max3A_266 : i1 to vector<16xi1>
          %reduce_max3A_268 = tpu.scan <max>, %while3A_214 masked %reduce_max3A_267 : vector<16xf32>, vector<16xi1> -> vector<16xf32>
          %reduce_max3A_269 = vector.extract %reduce_max3A_268[15] : f32 from vector<16xf32>
          %gt3A_270 = arith.constant 0.000000e+00 : f32
          %gt3A_271 = arith.cmpf ogt, %reduce_max3A_269, %gt3A_270 : f32
          %convert_element_type3A_272 = arith.extui %gt3A_271 : i1 to i32
          %cond3A_273 = arith.constant 0 : i32
          %cond3A_274 = arith.cmpi ne, %convert_element_type3A_272, %cond3A_273 : i32
          %cond3A_275 = scf.if %cond3A_274 -> (i32) {
            %while3A_332 = scf.while (%while3A_400 = %while3A_212) : (i32) -> i32 {
              %add3A_401 = arith.constant 64 : i32
              %add3A_402 = arith.addi %while3A_400, %add3A_401 : i32
              %ge3A_403 = arith.cmpi sge, %while3A_211, %add3A_402 : i32
              scf.condition(%ge3A_403) %while3A_400 : i32
            } do {
            ^bb0(%while3A_400: i32):
              %multiple_of3A_401 = tpu.assume_multiple %while3A_400, 8 : i32
              "tpu.region"() ({
                %run_scoped3A = tpu.sem_alloc : memref<!tpu.dma_semaphore, #tpu.memory_space<semaphore_mem>>
                %dma_start3A = arith.constant 0 : i32
                %dma_start3A_410 = tpu.memref_slice %arg7[%multiple_of3A_401, %dma_start3A] : memref<10000x256xf32, #tpu.memory_space<hbm>> -> memref<64x256xf32, #tpu.memory_space<hbm>>
                %dma_start3A_411 = arith.constant 0 : i32
                %dma_start3A_412 = tpu.memref_slice %arg7[%multiple_of3A_401, %dma_start3A_411] : memref<10000x256xf32, #tpu.memory_space<hbm>> -> memref<64x256xf32, #tpu.memory_space<hbm>>
                tpu.enqueue_dma source(%arg14 : memref<64x256xf32, #tpu.memory_space<vmem>>) target(%dma_start3A_412 : memref<64x256xf32, #tpu.memory_space<hbm>>) target_semaphore(%run_scoped3A : memref<!tpu.dma_semaphore, #tpu.memory_space<semaphore_mem>>)
                %dma_wait3A_413 = arith.constant 0 : i32
                %dma_wait3A_414 = tpu.memref_slice %arg7[%multiple_of3A_401, %dma_wait3A_413] : memref<10000x256xf32, #tpu.memory_space<hbm>> -> memref<64x256xf32, #tpu.memory_space<hbm>>
                %dma_wait3A_415 = arith.constant 0 : i32
                %dma_wait3A_416 = tpu.memref_slice %arg7[%multiple_of3A_401, %dma_wait3A_415] : memref<10000x256xf32, #tpu.memory_space<hbm>> -> memref<64x256xf32, #tpu.memory_space<hbm>>
                tpu.wait_dma2 semaphore(%run_scoped3A : memref<!tpu.dma_semaphore, #tpu.memory_space<semaphore_mem>>) src(%arg14 : memref<64x256xf32, #tpu.memory_space<vmem>>) dst(%dma_wait3A_416 : memref<64x256xf32, #tpu.memory_space<hbm>>)
                tpu.yield
              }) : () -> ()
              %scan3A_402 = arith.constant 0 : i32
              %scan3A_403 = arith.constant 0 : i32
              %scan3A_404 = arith.constant 64 : i32
              %scan3A_405 = arith.addi %scan3A_403, %scan3A_404 : i32
              %scan3A_406 = arith.constant 1 : i32
              scf.for %scan3A_410 = %scan3A_403 to %scan3A_405 step %scan3A_406  : i32 {
                %swap3A_411 = arith.index_cast %scan3A_410 : i32 to index
                %swap3A_412 = arith.constant 0 : index
                %swap3A_413 = tpu.vector_load %arg14[%swap3A_411, %swap3A_412] {strides = array<i32>} : memref<64x256xf32, #tpu.memory_space<vmem>>, vector<16xf32>,
                tpu.vector_store %arg14[%swap3A_411, %swap3A_412], %broadcast_in_dim3A_22 {strides = array<i32>} : memref<64x256xf32, #tpu.memory_space<vmem>>, vector<16xf32>,
                %swap3A_414 = arith.index_cast %scan3A_410 : i32 to index
                %swap3A_415 = arith.constant 16 : index
                %swap3A_416 = tpu.vector_load %arg14[%swap3A_414, %swap3A_415] {strides = array<i32>} : memref<64x256xf32, #tpu.memory_space<vmem>>, vector<16xf32>,
                tpu.vector_store %arg14[%swap3A_414, %swap3A_415], %broadcast_in_dim3A_22 {strides = array<i32>} : memref<64x256xf32, #tpu.memory_space<vmem>>, vector<16xf32>,
                %swap3A_417 = arith.index_cast %scan3A_410 : i32 to index
                %swap3A_418 = arith.constant 32 : index
                %swap3A_419 = tpu.vector_load %arg14[%swap3A_417, %swap3A_418] {strides = array<i32>} : memref<64x256xf32, #tpu.memory_space<vmem>>, vector<16xf32>,
                tpu.vector_store %arg14[%swap3A_417, %swap3A_418], %broadcast_in_dim3A_22 {strides = array<i32>} : memref<64x256xf32, #tpu.memory_space<vmem>>, vector<16xf32>,
                %swap3A_420 = arith.index_cast %scan3A_410 : i32 to index
                %swap3A_421 = arith.constant 48 : index
                %swap3A_422 = tpu.vector_load %arg14[%swap3A_420, %swap3A_421] {strides = array<i32>} : memref<64x256xf32, #tpu.memory_space<vmem>>, vector<16xf32>,
                tpu.vector_store %arg14[%swap3A_420, %swap3A_421], %broadcast_in_dim3A_22 {strides = array<i32>} : memref<64x256xf32, #tpu.memory_space<vmem>>, vector<16xf32>,
                %swap3A_423 = arith.index_cast %scan3A_410 : i32 to index
                %swap3A_424 = arith.constant 64 : index
                %swap3A_425 = tpu.vector_load %arg14[%swap3A_423, %swap3A_424] {strides = array<i32>} : memref<64x256xf32, #tpu.memory_space<vmem>>, vector<16xf32>,
                tpu.vector_store %arg14[%swap3A_423, %swap3A_424], %broadcast_in_dim3A_22 {strides = array<i32>} : memref<64x256xf32, #tpu.memory_space<vmem>>, vector<16xf32>,
                %swap3A_426 = arith.index_cast %scan3A_410 : i32 to index
                %swap3A_427 = arith.constant 80 : index
                %swap3A_428 = tpu.vector_load %arg14[%swap3A_426, %swap3A_427] {strides = array<i32>} : memref<64x256xf32, #tpu.memory_space<vmem>>, vector<16xf32>,
                tpu.vector_store %arg14[%swap3A_426, %swap3A_427], %broadcast_in_dim3A_22 {strides = array<i32>} : memref<64x256xf32, #tpu.memory_space<vmem>>, vector<16xf32>,
                %swap3A_429 = arith.index_cast %scan3A_410 : i32 to index
                %swap3A_430 = arith.constant 96 : index
                %swap3A_431 = tpu.vector_load %arg14[%swap3A_429, %swap3A_430] {strides = array<i32>} : memref<64x256xf32, #tpu.memory_space<vmem>>, vector<16xf32>,
                tpu.vector_store %arg14[%swap3A_429, %swap3A_430], %broadcast_in_dim3A_22 {strides = array<i32>} : memref<64x256xf32, #tpu.memory_space<vmem>>, vector<16xf32>,
                %swap3A_432 = arith.index_cast %scan3A_410 : i32 to index
                %swap3A_433 = arith.constant 112 : index
                %swap3A_434 = tpu.vector_load %arg14[%swap3A_432, %swap3A_433] {strides = array<i32>} : memref<64x256xf32, #tpu.memory_space<vmem>>, vector<16xf32>,
                tpu.vector_store %arg14[%swap3A_432, %swap3A_433], %broadcast_in_dim3A_22 {strides = array<i32>} : memref<64x256xf32, #tpu.memory_space<vmem>>, vector<16xf32>,
                %swap3A_435 = arith.index_cast %scan3A_410 : i32 to index
                %swap3A_436 = arith.constant 128 : index
                %swap3A_437 = tpu.vector_load %arg14[%swap3A_435, %swap3A_436] {strides = array<i32>} : memref<64x256xf32, #tpu.memory_space<vmem>>, vector<16xf32>,
                tpu.vector_store %arg14[%swap3A_435, %swap3A_436], %broadcast_in_dim3A_22 {strides = array<i32>} : memref<64x256xf32, #tpu.memory_space<vmem>>, vector<16xf32>,
                %swap3A_438 = arith.index_cast %scan3A_410 : i32 to index
                %swap3A_439 = arith.constant 144 : index
                %swap3A_440 = tpu.vector_load %arg14[%swap3A_438, %swap3A_439] {strides = array<i32>} : memref<64x256xf32, #tpu.memory_space<vmem>>, vector<16xf32>,
                tpu.vector_store %arg14[%swap3A_438, %swap3A_439], %broadcast_in_dim3A_22 {strides = array<i32>} : memref<64x256xf32, #tpu.memory_space<vmem>>, vector<16xf32>,
                %swap3A_441 = arith.index_cast %scan3A_410 : i32 to index
                %swap3A_442 = arith.constant 160 : index
                %swap3A_443 = tpu.vector_load %arg14[%swap3A_441, %swap3A_442] {strides = array<i32>} : memref<64x256xf32, #tpu.memory_space<vmem>>, vector<16xf32>,
                tpu.vector_store %arg14[%swap3A_441, %swap3A_442], %broadcast_in_dim3A_22 {strides = array<i32>} : memref<64x256xf32, #tpu.memory_space<vmem>>, vector<16xf32>,
                %swap3A_444 = arith.index_cast %scan3A_410 : i32 to index
                %swap3A_445 = arith.constant 176 : index
                %swap3A_446 = tpu.vector_load %arg14[%swap3A_444, %swap3A_445] {strides = array<i32>} : memref<64x256xf32, #tpu.memory_space<vmem>>, vector<16xf32>,
                tpu.vector_store %arg14[%swap3A_444, %swap3A_445], %broadcast_in_dim3A_22 {strides = array<i32>} : memref<64x256xf32, #tpu.memory_space<vmem>>, vector<16xf32>,
                %swap3A_447 = arith.index_cast %scan3A_410 : i32 to index
                %swap3A_448 = arith.constant 192 : index
                %swap3A_449 = tpu.vector_load %arg14[%swap3A_447, %swap3A_448] {strides = array<i32>} : memref<64x256xf32, #tpu.memory_space<vmem>>, vector<16xf32>,
                tpu.vector_store %arg14[%swap3A_447, %swap3A_448], %broadcast_in_dim3A_22 {strides = array<i32>} : memref<64x256xf32, #tpu.memory_space<vmem>>, vector<16xf32>,
                %swap3A_450 = arith.index_cast %scan3A_410 : i32 to index
                %swap3A_451 = arith.constant 208 : index
                %swap3A_452 = tpu.vector_load %arg14[%swap3A_450, %swap3A_451] {strides = array<i32>} : memref<64x256xf32, #tpu.memory_space<vmem>>, vector<16xf32>,
                tpu.vector_store %arg14[%swap3A_450, %swap3A_451], %broadcast_in_dim3A_22 {strides = array<i32>} : memref<64x256xf32, #tpu.memory_space<vmem>>, vector<16xf32>,
                %swap3A_453 = arith.index_cast %scan3A_410 : i32 to index
                %swap3A_454 = arith.constant 224 : index
                %swap3A_455 = tpu.vector_load %arg14[%swap3A_453, %swap3A_454] {strides = array<i32>} : memref<64x256xf32, #tpu.memory_space<vmem>>, vector<16xf32>,
                tpu.vector_store %arg14[%swap3A_453, %swap3A_454], %broadcast_in_dim3A_22 {strides = array<i32>} : memref<64x256xf32, #tpu.memory_space<vmem>>, vector<16xf32>,
                %swap3A_456 = arith.index_cast %scan3A_410 : i32 to index
                %swap3A_457 = arith.constant 240 : index
                %swap3A_458 = tpu.vector_load %arg14[%swap3A_456, %swap3A_457] {strides = array<i32>} : memref<64x256xf32, #tpu.memory_space<vmem>>, vector<16xf32>,
                tpu.vector_store %arg14[%swap3A_456, %swap3A_457], %broadcast_in_dim3A_22 {strides = array<i32>} : memref<64x256xf32, #tpu.memory_space<vmem>>, vector<16xf32>,
              }
              %scan3A_407 = arith.constant 64 : i32
              %add3A_408 = arith.constant 64 : i32
              %add3A_409 = arith.addi %while3A_400, %add3A_408 : i32
              scf.yield %add3A_409 : i32
            }
            %sub3A_333 = arith.subi %while3A_211, %while3A_332 : i32
            %div3A_334 = arith.constant 1.000000e+00 : f32
            %div3A_335 = vector.broadcast %div3A_334 : f32 to vector<16xf32>
            %div3A_336 = arith.divf %div3A_335, %while3A_214 : vector<16xf32>
            %mul3A_337 = arith.mulf %while3A_231, %div3A_336 : vector<16xf32>
            %swap3A = arith.index_cast %sub3A_333 : i32 to index
            %swap3A_338 = arith.constant 0 : index
            %swap3A_339 = tpu.vector_load %arg14[%swap3A, %swap3A_338] {strides = array<i32>} : memref<64x256xf32, #tpu.memory_space<vmem>>, vector<16xf32>,
            tpu.vector_store %arg14[%swap3A, %swap3A_338], %mul3A_337 {strides = array<i32>} : memref<64x256xf32, #tpu.memory_space<vmem>>, vector<16xf32>,
            %mul3A_340 = arith.mulf %while3A_232, %div3A_336 : vector<16xf32>
            %swap3A_341 = arith.index_cast %sub3A_333 : i32 to index
            %swap3A_342 = arith.constant 16 : index
            %swap3A_343 = tpu.vector_load %arg14[%swap3A_341, %swap3A_342] {strides = array<i32>} : memref<64x256xf32, #tpu.memory_space<vmem>>, vector<16xf32>,
            tpu.vector_store %arg14[%swap3A_341, %swap3A_342], %mul3A_340 {strides = array<i32>} : memref<64x256xf32, #tpu.memory_space<vmem>>, vector<16xf32>,
            %mul3A_344 = arith.mulf %while3A_233, %div3A_336 : vector<16xf32>
            %swap3A_345 = arith.index_cast %sub3A_333 : i32 to index
            %swap3A_346 = arith.constant 32 : index
            %swap3A_347 = tpu.vector_load %arg14[%swap3A_345, %swap3A_346] {strides = array<i32>} : memref<64x256xf32, #tpu.memory_space<vmem>>, vector<16xf32>,
            tpu.vector_store %arg14[%swap3A_345, %swap3A_346], %mul3A_344 {strides = array<i32>} : memref<64x256xf32, #tpu.memory_space<vmem>>, vector<16xf32>,
            %mul3A_348 = arith.mulf %while3A_234, %div3A_336 : vector<16xf32>
            %swap3A_349 = arith.index_cast %sub3A_333 : i32 to index
            %swap3A_350 = arith.constant 48 : index
            %swap3A_351 = tpu.vector_load %arg14[%swap3A_349, %swap3A_350] {strides = array<i32>} : memref<64x256xf32, #tpu.memory_space<vmem>>, vector<16xf32>,
            tpu.vector_store %arg14[%swap3A_349, %swap3A_350], %mul3A_348 {strides = array<i32>} : memref<64x256xf32, #tpu.memory_space<vmem>>, vector<16xf32>,
            %mul3A_352 = arith.mulf %while3A_235, %div3A_336 : vector<16xf32>
            %swap3A_353 = arith.index_cast %sub3A_333 : i32 to index
            %swap3A_354 = arith.constant 64 : index
            %swap3A_355 = tpu.vector_load %arg14[%swap3A_353, %swap3A_354] {strides = array<i32>} : memref<64x256xf32, #tpu.memory_space<vmem>>, vector<16xf32>,
            tpu.vector_store %arg14[%swap3A_353, %swap3A_354], %mul3A_352 {strides = array<i32>} : memref<64x256xf32, #tpu.memory_space<vmem>>, vector<16xf32>,
            %mul3A_356 = arith.mulf %while3A_236, %div3A_336 : vector<16xf32>
            %swap3A_357 = arith.index_cast %sub3A_333 : i32 to index
            %swap3A_358 = arith.constant 80 : index
            %swap3A_359 = tpu.vector_load %arg14[%swap3A_357, %swap3A_358] {strides = array<i32>} : memref<64x256xf32, #tpu.memory_space<vmem>>, vector<16xf32>,
            tpu.vector_store %arg14[%swap3A_357, %swap3A_358], %mul3A_356 {strides = array<i32>} : memref<64x256xf32, #tpu.memory_space<vmem>>, vector<16xf32>,
            %mul3A_360 = arith.mulf %while3A_237, %div3A_336 : vector<16xf32>
            %swap3A_361 = arith.index_cast %sub3A_333 : i32 to index
            %swap3A_362 = arith.constant 96 : index
            %swap3A_363 = tpu.vector_load %arg14[%swap3A_361, %swap3A_362] {strides = array<i32>} : memref<64x256xf32, #tpu.memory_space<vmem>>, vector<16xf32>,
            tpu.vector_store %arg14[%swap3A_361, %swap3A_362], %mul3A_360 {strides = array<i32>} : memref<64x256xf32, #tpu.memory_space<vmem>>, vector<16xf32>,
            %mul3A_364 = arith.mulf %while3A_238, %div3A_336 : vector<16xf32>
            %swap3A_365 = arith.index_cast %sub3A_333 : i32 to index
            %swap3A_366 = arith.constant 112 : index
            %swap3A_367 = tpu.vector_load %arg14[%swap3A_365, %swap3A_366] {strides = array<i32>} : memref<64x256xf32, #tpu.memory_space<vmem>>, vector<16xf32>,
            tpu.vector_store %arg14[%swap3A_365, %swap3A_366], %mul3A_364 {strides = array<i32>} : memref<64x256xf32, #tpu.memory_space<vmem>>, vector<16xf32>,
            %mul3A_368 = arith.mulf %while3A_239, %div3A_336 : vector<16xf32>
            %swap3A_369 = arith.index_cast %sub3A_333 : i32 to index
            %swap3A_370 = arith.constant 128 : index
            %swap3A_371 = tpu.vector_load %arg14[%swap3A_369, %swap3A_370] {strides = array<i32>} : memref<64x256xf32, #tpu.memory_space<vmem>>, vector<16xf32>,
            tpu.vector_store %arg14[%swap3A_369, %swap3A_370], %mul3A_368 {strides = array<i32>} : memref<64x256xf32, #tpu.memory_space<vmem>>, vector<16xf32>,
            %mul3A_372 = arith.mulf %while3A_240, %div3A_336 : vector<16xf32>
            %swap3A_373 = arith.index_cast %sub3A_333 : i32 to index
            %swap3A_374 = arith.constant 144 : index
            %swap3A_375 = tpu.vector_load %arg14[%swap3A_373, %swap3A_374] {strides = array<i32>} : memref<64x256xf32, #tpu.memory_space<vmem>>, vector<16xf32>,
            tpu.vector_store %arg14[%swap3A_373, %swap3A_374], %mul3A_372 {strides = array<i32>} : memref<64x256xf32, #tpu.memory_space<vmem>>, vector<16xf32>,
            %mul3A_376 = arith.mulf %while3A_241, %div3A_336 : vector<16xf32>
            %swap3A_377 = arith.index_cast %sub3A_333 : i32 to index
            %swap3A_378 = arith.constant 160 : index
            %swap3A_379 = tpu.vector_load %arg14[%swap3A_377, %swap3A_378] {strides = array<i32>} : memref<64x256xf32, #tpu.memory_space<vmem>>, vector<16xf32>,
            tpu.vector_store %arg14[%swap3A_377, %swap3A_378], %mul3A_376 {strides = array<i32>} : memref<64x256xf32, #tpu.memory_space<vmem>>, vector<16xf32>,
            %mul3A_380 = arith.mulf %while3A_242, %div3A_336 : vector<16xf32>
            %swap3A_381 = arith.index_cast %sub3A_333 : i32 to index
            %swap3A_382 = arith.constant 176 : index
            %swap3A_383 = tpu.vector_load %arg14[%swap3A_381, %swap3A_382] {strides = array<i32>} : memref<64x256xf32, #tpu.memory_space<vmem>>, vector<16xf32>,
            tpu.vector_store %arg14[%swap3A_381, %swap3A_382], %mul3A_380 {strides = array<i32>} : memref<64x256xf32, #tpu.memory_space<vmem>>, vector<16xf32>,
            %mul3A_384 = arith.mulf %while3A_243, %div3A_336 : vector<16xf32>
            %swap3A_385 = arith.index_cast %sub3A_333 : i32 to index
            %swap3A_386 = arith.constant 192 : index
            %swap3A_387 = tpu.vector_load %arg14[%swap3A_385, %swap3A_386] {strides = array<i32>} : memref<64x256xf32, #tpu.memory_space<vmem>>, vector<16xf32>,
            tpu.vector_store %arg14[%swap3A_385, %swap3A_386], %mul3A_384 {strides = array<i32>} : memref<64x256xf32, #tpu.memory_space<vmem>>, vector<16xf32>,
            %mul3A_388 = arith.mulf %while3A_244, %div3A_336 : vector<16xf32>
            %swap3A_389 = arith.index_cast %sub3A_333 : i32 to index
            %swap3A_390 = arith.constant 208 : index
            %swap3A_391 = tpu.vector_load %arg14[%swap3A_389, %swap3A_390] {strides = array<i32>} : memref<64x256xf32, #tpu.memory_space<vmem>>, vector<16xf32>,
            tpu.vector_store %arg14[%swap3A_389, %swap3A_390], %mul3A_388 {strides = array<i32>} : memref<64x256xf32, #tpu.memory_space<vmem>>, vector<16xf32>,
            %mul3A_392 = arith.mulf %while3A_245, %div3A_336 : vector<16xf32>
            %swap3A_393 = arith.index_cast %sub3A_333 : i32 to index
            %swap3A_394 = arith.constant 224 : index
            %swap3A_395 = tpu.vector_load %arg14[%swap3A_393, %swap3A_394] {strides = array<i32>} : memref<64x256xf32, #tpu.memory_space<vmem>>, vector<16xf32>,
            tpu.vector_store %arg14[%swap3A_393, %swap3A_394], %mul3A_392 {strides = array<i32>} : memref<64x256xf32, #tpu.memory_space<vmem>>, vector<16xf32>,
            %mul3A_396 = arith.mulf %while3A_246, %div3A_336 : vector<16xf32>
            %swap3A_397 = arith.index_cast %sub3A_333 : i32 to index
            %swap3A_398 = arith.constant 240 : index
            %swap3A_399 = tpu.vector_load %arg14[%swap3A_397, %swap3A_398] {strides = array<i32>} : memref<64x256xf32, #tpu.memory_space<vmem>>, vector<16xf32>,
            tpu.vector_store %arg14[%swap3A_397, %swap3A_398], %mul3A_396 {strides = array<i32>} : memref<64x256xf32, #tpu.memory_space<vmem>>, vector<16xf32>,
            scf.yield %while3A_332 : i32
          } else {
            scf.yield %while3A_212 : i32
          }
          %and3A_276 = arith.constant -128 : i32
          %and3A_277 = arith.andi %squeeze3A_250, %and3A_276 : i32
          %ne3A_278 = arith.cmpi ne, %and3A_277, %while3A_213 : i32
          %convert_element_type3A_279 = arith.extui %ne3A_278 : i1 to i32
          %cond3A_280 = arith.constant 0 : i32
          %cond3A_281 = arith.cmpi ne, %convert_element_type3A_279, %cond3A_280 : i32
          scf.if %cond3A_281 {
            %multiple_of3A_332 = tpu.assume_multiple %and3A_277, 8 : i32
            "tpu.region"() ({
              %run_scoped3A = tpu.sem_alloc : memref<!tpu.dma_semaphore, #tpu.memory_space<semaphore_mem>>
              %dma_start3A = arith.constant 0 : i32
              %dma_start3A_333 = tpu.memref_slice %arg2[%multiple_of3A_332, %dma_start3A] : memref<10112x256xf32, #tpu.memory_space<hbm>> -> memref<128x256xf32, #tpu.memory_space<hbm>>
              %dma_start3A_334 = arith.constant 0 : i32
              %dma_start3A_335 = tpu.memref_slice %arg2[%multiple_of3A_332, %dma_start3A_334] : memref<10112x256xf32, #tpu.memory_space<hbm>> -> memref<128x256xf32, #tpu.memory_space<hbm>>
              tpu.enqueue_dma source(%dma_start3A_335 : memref<128x256xf32, #tpu.memory_space<hbm>>) target(%arg15 : memref<128x256xf32, #tpu.memory_space<vmem>>) target_semaphore(%run_scoped3A : memref<!tpu.dma_semaphore, #tpu.memory_space<semaphore_mem>>)
              %dma_wait3A_336 = arith.constant 0 : i32
              %dma_wait3A_337 = tpu.memref_slice %arg2[%multiple_of3A_332, %dma_wait3A_336] : memref<10112x256xf32, #tpu.memory_space<hbm>> -> memref<128x256xf32, #tpu.memory_space<hbm>>
              %dma_wait3A_338 = arith.constant 0 : i32
              %dma_wait3A_339 = tpu.memref_slice %arg2[%multiple_of3A_332, %dma_wait3A_338] : memref<10112x256xf32, #tpu.memory_space<hbm>> -> memref<128x256xf32, #tpu.memory_space<hbm>>
              tpu.wait_dma2 semaphore(%run_scoped3A : memref<!tpu.dma_semaphore, #tpu.memory_space<semaphore_mem>>) src(%dma_wait3A_339 : memref<128x256xf32, #tpu.memory_space<hbm>>) dst(%arg15 : memref<128x256xf32, #tpu.memory_space<vmem>>)
              tpu.yield
            }) : () -> ()
          } else {
          }
          %and3A_282 = arith.constant 127 : i32
          %and3A_283 = arith.andi %squeeze3A_250, %and3A_282 : i32
          %get3A_284 = arith.index_cast %and3A_283 : i32 to index
          %get3A_285 = arith.constant 0 : index
          %get3A_286 = tpu.vector_load %arg15[%get3A_284, %get3A_285] {strides = array<i32>} : memref<128x256xf32, #tpu.memory_space<vmem>>, vector<16xf32>,
          %get3A_287 = arith.index_cast %and3A_283 : i32 to index
          %get3A_288 = arith.constant 16 : index
          %get3A_289 = tpu.vector_load %arg15[%get3A_287, %get3A_288] {strides = array<i32>} : memref<128x256xf32, #tpu.memory_space<vmem>>, vector<16xf32>,
          %get3A_290 = arith.index_cast %and3A_283 : i32 to index
          %get3A_291 = arith.constant 32 : index
          %get3A_292 = tpu.vector_load %arg15[%get3A_290, %get3A_291] {strides = array<i32>} : memref<128x256xf32, #tpu.memory_space<vmem>>, vector<16xf32>,
          %get3A_293 = arith.index_cast %and3A_283 : i32 to index
          %get3A_294 = arith.constant 48 : index
          %get3A_295 = tpu.vector_load %arg15[%get3A_293, %get3A_294] {strides = array<i32>} : memref<128x256xf32, #tpu.memory_space<vmem>>, vector<16xf32>,
          %get3A_296 = arith.index_cast %and3A_283 : i32 to index
          %get3A_297 = arith.constant 64 : index
          %get3A_298 = tpu.vector_load %arg15[%get3A_296, %get3A_297] {strides = array<i32>} : memref<128x256xf32, #tpu.memory_space<vmem>>, vector<16xf32>,
          %get3A_299 = arith.index_cast %and3A_283 : i32 to index
          %get3A_300 = arith.constant 80 : index
          %get3A_301 = tpu.vector_load %arg15[%get3A_299, %get3A_300] {strides = array<i32>} : memref<128x256xf32, #tpu.memory_space<vmem>>, vector<16xf32>,
          %get3A_302 = arith.index_cast %and3A_283 : i32 to index
          %get3A_303 = arith.constant 96 : index
          %get3A_304 = tpu.vector_load %arg15[%get3A_302, %get3A_303] {strides = array<i32>} : memref<128x256xf32, #tpu.memory_space<vmem>>, vector<16xf32>,
          %get3A_305 = arith.index_cast %and3A_283 : i32 to index
          %get3A_306 = arith.constant 112 : index
          %get3A_307 = tpu.vector_load %arg15[%get3A_305, %get3A_306] {strides = array<i32>} : memref<128x256xf32, #tpu.memory_space<vmem>>, vector<16xf32>,
          %get3A_308 = arith.index_cast %and3A_283 : i32 to index
          %get3A_309 = arith.constant 128 : index
          %get3A_310 = tpu.vector_load %arg15[%get3A_308, %get3A_309] {strides = array<i32>} : memref<128x256xf32, #tpu.memory_space<vmem>>, vector<16xf32>,
          %get3A_311 = arith.index_cast %and3A_283 : i32 to index
          %get3A_312 = arith.constant 144 : index
          %get3A_313 = tpu.vector_load %arg15[%get3A_311, %get3A_312] {strides = array<i32>} : memref<128x256xf32, #tpu.memory_space<vmem>>, vector<16xf32>,
          %get3A_314 = arith.index_cast %and3A_283 : i32 to index
          %get3A_315 = arith.constant 160 : index
          %get3A_316 = tpu.vector_load %arg15[%get3A_314, %get3A_315] {strides = array<i32>} : memref<128x256xf32, #tpu.memory_space<vmem>>, vector<16xf32>,
          %get3A_317 = arith.index_cast %and3A_283 : i32 to index
          %get3A_318 = arith.constant 176 : index
          %get3A_319 = tpu.vector_load %arg15[%get3A_317, %get3A_318] {strides = array<i32>} : memref<128x256xf32, #tpu.memory_space<vmem>>, vector<16xf32>,
          %get3A_320 = arith.index_cast %and3A_283 : i32 to index
          %get3A_321 = arith.constant 192 : index
          %get3A_322 = tpu.vector_load %arg15[%get3A_320, %get3A_321] {strides = array<i32>} : memref<128x256xf32, #tpu.memory_space<vmem>>, vector<16xf32>,
          %get3A_323 = arith.index_cast %and3A_283 : i32 to index
          %get3A_324 = arith.constant 208 : index
          %get3A_325 = tpu.vector_load %arg15[%get3A_323, %get3A_324] {strides = array<i32>} : memref<128x256xf32, #tpu.memory_space<vmem>>, vector<16xf32>,
          %get3A_326 = arith.index_cast %and3A_283 : i32 to index
          %get3A_327 = arith.constant 224 : index
          %get3A_328 = tpu.vector_load %arg15[%get3A_326, %get3A_327] {strides = array<i32>} : memref<128x256xf32, #tpu.memory_space<vmem>>, vector<16xf32>,
          %get3A_329 = arith.index_cast %and3A_283 : i32 to index
          %get3A_330 = arith.constant 240 : index
          %get3A_331 = tpu.vector_load %arg15[%get3A_329, %get3A_330] {strides = array<i32>} : memref<128x256xf32, #tpu.memory_space<vmem>>, vector<16xf32>,
          scf.yield %squeeze3A_250, %cond3A_275, %and3A_277, %broadcast_in_dim3A_22, %get3A_286, %get3A_289, %get3A_292, %get3A_295, %get3A_298, %get3A_301, %get3A_304, %get3A_307, %get3A_310, %get3A_313, %get3A_316, %get3A_319, %get3A_322, %get3A_325, %get3A_328, %get3A_331, %broadcast_in_dim3A_22, %broadcast_in_dim3A_22, %broadcast_in_dim3A_22, %broadcast_in_dim3A_22, %broadcast_in_dim3A_22, %broadcast_in_dim3A_22, %broadcast_in_dim3A_22, %broadcast_in_dim3A_22, %broadcast_in_dim3A_22, %broadcast_in_dim3A_22, %broadcast_in_dim3A_22, %broadcast_in_dim3A_22, %broadcast_in_dim3A_22, %broadcast_in_dim3A_22, %broadcast_in_dim3A_22, %broadcast_in_dim3A_22 : i32, i32, i32, vector<16xf32>, vector<16xf32>, vector<16xf32>, vector<16xf32>, vector<16xf32>, vector<16xf32>, vector<16xf32>, vector<16xf32>, vector<16xf32>, vector<16xf32>, vector<16xf32>, vector<16xf32>, vector<16xf32>, vector<16xf32>, vector<16xf32>, vector<16xf32>, vector<16xf32>, vector<16xf32>, vector<16xf32>, vector<16xf32>, vector<16xf32>, vector<16xf32>, vector<16xf32>, vector<16xf32>, vector<16xf32>, vector<16xf32>, vector<16xf32>, vector<16xf32>, vector<16xf32>, vector<16xf32>, vector<16xf32>, vector<16xf32>, vector<16xf32>
        } else {
          scf.yield %while3A_211, %while3A_212, %while3A_213, %while3A_214, %while3A_215, %while3A_216, %while3A_217, %while3A_218, %while3A_219, %while3A_220, %while3A_221, %while3A_222, %while3A_223, %while3A_224, %while3A_225, %while3A_226, %while3A_227, %while3A_228, %while3A_229, %while3A_230, %while3A_231, %while3A_232, %while3A_233, %while3A_234, %while3A_235, %while3A_236, %while3A_237, %while3A_238, %while3A_239, %while3A_240, %while3A_241, %while3A_242, %while3A_243, %while3A_244, %while3A_245, %while3A_246 : i32, i32, i32, vector<16xf32>, vector<16xf32>, vector<16xf32>, vector<16xf32>, vector<16xf32>, vector<16xf32>, vector<16xf32>, vector<16xf32>, vector<16xf32>, vector<16xf32>, vector<16xf32>, vector<16xf32>, vector<16xf32>, vector<16xf32>, vector<16xf32>, vector<16xf32>, vector<16xf32>, vector<16xf32>, vector<16xf32>, vector<16xf32>, vector<16xf32>, vector<16xf32>, vector<16xf32>, vector<16xf32>, vector<16xf32>, vector<16xf32>, vector<16xf32>, vector<16xf32>, vector<16xf32>, vector<16xf32>, vector<16xf32>, vector<16xf32>, vector<16xf32>
        }
        %while3A_256 = arith.constant 16 : i32
        %while3A_257:2 = scf.while (%while3A_266 = %while3A_210, %while3A_267 = %while3A_256) : (i32, i32) -> (i32, i32) {
          %ge3A_268 = arith.constant 16 : i32
          %ge3A_269 = arith.cmpi sge, %while3A_267, %ge3A_268 : i32
          scf.condition(%ge3A_269) %while3A_266, %while3A_267 : i32, i32
        } do {
        ^bb0(%while3A_266: i32, %while3A_267: i32):
          %get3A_268 = arith.index_cast %while3A_266 : i32 to index
          %get3A_269 = tpu.vector_load %arg8[%get3A_268] {strides = array<i32>} : memref<144xi32, #tpu.memory_space<vmem>>, vector<16xi32>,
          %ne3A_270 = vector.broadcast %squeeze3A_250 : i32 to vector<16xi32>
          %ne3A_271 = arith.cmpi ne, %get3A_269, %ne3A_270 : vector<16xi32>
          %sub3A_272 = arith.constant 128 : i32
          %sub3A_273 = arith.subi %sub3A_272, %while3A_266 : i32
          %ge3A_274 = vector.broadcast %sub3A_273 : i32 to vector<16xi32>
          %ge3A_275 = arith.cmpi sge, %iota3A, %ge3A_274 : vector<16xi32>
          %or3A = arith.ori %ne3A_271, %ge3A_275 : vector<16xi1>
          %all_reduce_ffs3A = tpu.all_reduce %or3A {dim = 0 : i64, kind = #tpu.reduction_kind<find_first_set>} : vector<16xi1> -> vector<16xi32>
          %slice3A_276 = vector.extract_strided_slice %all_reduce_ffs3A {offsets = [0], sizes = [1], strides = [1]} : vector<16xi32> to vector<1xi32>
          %squeeze3A_277 = vector.extract %slice3A_276[0] : i32 from vector<1xi32>
          %add3A_278 = arith.addi %while3A_266, %squeeze3A_277 : i32
          scf.yield %add3A_278, %squeeze3A_277 : i32, i32
        }
        %add3A_258 = arith.addi %multiple_of3A, %while3A_210 : i32
        %ge3A = arith.cmpi sge, %add3A_258, %squeeze3A : i32
        %add3A_259 = arith.addi %multiple_of3A, %while3A_210 : i32
        %lt3A_260 = arith.cmpi slt, %add3A_259, %squeeze3A_7 : i32
        %and3A_261 = arith.andi %ge3A, %lt3A_260 : i1
        %convert_element_type3A_262 = arith.extui %and3A_261 : i1 to i32
        %cond3A_263 = arith.constant 0 : i32
        %cond3A_264 = arith.cmpi ne, %convert_element_type3A_262, %cond3A_263 : i32
        %cond3A_265:17 = scf.if %cond3A_264 -> (vector<16xf32>, vector<16xf32>, vector<16xf32>, vector<16xf32>, vector<16xf32>, vector<16xf32>, vector<16xf32>, vector<16xf32>, vector<16xf32>, vector<16xf32>, vector<16xf32>, vector<16xf32>, vector<16xf32>, vector<16xf32>, vector<16xf32>, vector<16xf32>, vector<16xf32>) {
          %parallel_loop3A = arith.constant 1 : i32
          %parallel_loop3A_266:17 = scf.for %parallel_loop3A_267 = %while3A_210 to %while3A_257#0 step %parallel_loop3A iter_args(%parallel_loop3A_268 = %cond3A_255#3, %parallel_loop3A_269 = %cond3A_255#20, %parallel_loop3A_270 = %cond3A_255#21, %parallel_loop3A_271 = %cond3A_255#22, %parallel_loop3A_272 = %cond3A_255#23, %parallel_loop3A_273 = %cond3A_255#24, %parallel_loop3A_274 = %cond3A_255#25, %parallel_loop3A_275 = %cond3A_255#26, %parallel_loop3A_276 = %cond3A_255#27, %parallel_loop3A_277 = %cond3A_255#28, %parallel_loop3A_278 = %cond3A_255#29, %parallel_loop3A_279 = %cond3A_255#30, %parallel_loop3A_280 = %cond3A_255#31, %parallel_loop3A_281 = %cond3A_255#32, %parallel_loop3A_282 = %cond3A_255#33, %parallel_loop3A_283 = %cond3A_255#34, %parallel_loop3A_284 = %cond3A_255#35) -> (vector<16xf32>, vector<16xf32>, vector<16xf32>, vector<16xf32>, vector<16xf32>, vector<16xf32>, vector<16xf32>, vector<16xf32>, vector<16xf32>, vector<16xf32>, vector<16xf32>, vector<16xf32>, vector<16xf32>, vector<16xf32>, vector<16xf32>, vector<16xf32>, vector<16xf32>)  : i32 {
            %parallel_loop3A_285 = arith.index_cast %parallel_loop3A_267 : i32 to index
            %parallel_loop3A_286 = arith.constant 0 : index
            %parallel_loop3A_287 = tpu.vector_load %arg12[%parallel_loop3A_285, %parallel_loop3A_286] {strides = array<i32>} : memref<128x256xf32, #tpu.memory_space<vmem>>, vector<16xf32>,
            %parallel_loop3A_288 = arith.index_cast %parallel_loop3A_267 : i32 to index
            %parallel_loop3A_289 = arith.constant 16 : index
            %parallel_loop3A_290 = tpu.vector_load %arg12[%parallel_loop3A_288, %parallel_loop3A_289] {strides = array<i32>} : memref<128x256xf32, #tpu.memory_space<vmem>>, vector<16xf32>,
            %parallel_loop3A_291 = arith.index_cast %parallel_loop3A_267 : i32 to index
            %parallel_loop3A_292 = arith.constant 32 : index
            %parallel_loop3A_293 = tpu.vector_load %arg12[%parallel_loop3A_291, %parallel_loop3A_292] {strides = array<i32>} : memref<128x256xf32, #tpu.memory_space<vmem>>, vector<16xf32>,
            %parallel_loop3A_294 = arith.index_cast %parallel_loop3A_267 : i32 to index
            %parallel_loop3A_295 = arith.constant 48 : index
            %parallel_loop3A_296 = tpu.vector_load %arg12[%parallel_loop3A_294, %parallel_loop3A_295] {strides = array<i32>} : memref<128x256xf32, #tpu.memory_space<vmem>>, vector<16xf32>,
            %parallel_loop3A_297 = arith.index_cast %parallel_loop3A_267 : i32 to index
            %parallel_loop3A_298 = arith.constant 64 : index
            %parallel_loop3A_299 = tpu.vector_load %arg12[%parallel_loop3A_297, %parallel_loop3A_298] {strides = array<i32>} : memref<128x256xf32, #tpu.memory_space<vmem>>, vector<16xf32>,
            %parallel_loop3A_300 = arith.index_cast %parallel_loop3A_267 : i32 to index
            %parallel_loop3A_301 = arith.constant 80 : index
            %parallel_loop3A_302 = tpu.vector_load %arg12[%parallel_loop3A_300, %parallel_loop3A_301] {strides = array<i32>} : memref<128x256xf32, #tpu.memory_space<vmem>>, vector<16xf32>,
            %parallel_loop3A_303 = arith.index_cast %parallel_loop3A_267 : i32 to index
            %parallel_loop3A_304 = arith.constant 96 : index
            %parallel_loop3A_305 = tpu.vector_load %arg12[%parallel_loop3A_303, %parallel_loop3A_304] {strides = array<i32>} : memref<128x256xf32, #tpu.memory_space<vmem>>, vector<16xf32>,
            %parallel_loop3A_306 = arith.index_cast %parallel_loop3A_267 : i32 to index
            %parallel_loop3A_307 = arith.constant 112 : index
            %parallel_loop3A_308 = tpu.vector_load %arg12[%parallel_loop3A_306, %parallel_loop3A_307] {strides = array<i32>} : memref<128x256xf32, #tpu.memory_space<vmem>>, vector<16xf32>,
            %parallel_loop3A_309 = arith.index_cast %parallel_loop3A_267 : i32 to index
            %parallel_loop3A_310 = arith.constant 128 : index
            %parallel_loop3A_311 = tpu.vector_load %arg12[%parallel_loop3A_309, %parallel_loop3A_310] {strides = array<i32>} : memref<128x256xf32, #tpu.memory_space<vmem>>, vector<16xf32>,
            %parallel_loop3A_312 = arith.index_cast %parallel_loop3A_267 : i32 to index
            %parallel_loop3A_313 = arith.constant 144 : index
            %parallel_loop3A_314 = tpu.vector_load %arg12[%parallel_loop3A_312, %parallel_loop3A_313] {strides = array<i32>} : memref<128x256xf32, #tpu.memory_space<vmem>>, vector<16xf32>,
            %parallel_loop3A_315 = arith.index_cast %parallel_loop3A_267 : i32 to index
            %parallel_loop3A_316 = arith.constant 160 : index
            %parallel_loop3A_317 = tpu.vector_load %arg12[%parallel_loop3A_315, %parallel_loop3A_316] {strides = array<i32>} : memref<128x256xf32, #tpu.memory_space<vmem>>, vector<16xf32>,
            %parallel_loop3A_318 = arith.index_cast %parallel_loop3A_267 : i32 to index
            %parallel_loop3A_319 = arith.constant 176 : index
            %parallel_loop3A_320 = tpu.vector_load %arg12[%parallel_loop3A_318, %parallel_loop3A_319] {strides = array<i32>} : memref<128x256xf32, #tpu.memory_space<vmem>>, vector<16xf32>,
            %parallel_loop3A_321 = arith.index_cast %parallel_loop3A_267 : i32 to index
            %parallel_loop3A_322 = arith.constant 192 : index
            %parallel_loop3A_323 = tpu.vector_load %arg12[%parallel_loop3A_321, %parallel_loop3A_322] {strides = array<i32>} : memref<128x256xf32, #tpu.memory_space<vmem>>, vector<16xf32>,
            %parallel_loop3A_324 = arith.index_cast %parallel_loop3A_267 : i32 to index
            %parallel_loop3A_325 = arith.constant 208 : index
            %parallel_loop3A_326 = tpu.vector_load %arg12[%parallel_loop3A_324, %parallel_loop3A_325] {strides = array<i32>} : memref<128x256xf32, #tpu.memory_space<vmem>>, vector<16xf32>,
            %parallel_loop3A_327 = arith.index_cast %parallel_loop3A_267 : i32 to index
            %parallel_loop3A_328 = arith.constant 224 : index
            %parallel_loop3A_329 = tpu.vector_load %arg12[%parallel_loop3A_327, %parallel_loop3A_328] {strides = array<i32>} : memref<128x256xf32, #tpu.memory_space<vmem>>, vector<16xf32>,
            %parallel_loop3A_330 = arith.index_cast %parallel_loop3A_267 : i32 to index
            %parallel_loop3A_331 = arith.constant 240 : index
            %parallel_loop3A_332 = tpu.vector_load %arg12[%parallel_loop3A_330, %parallel_loop3A_331] {strides = array<i32>} : memref<128x256xf32, #tpu.memory_space<vmem>>, vector<16xf32>,
            %parallel_loop3A_333 = arith.mulf %cond3A_255#4, %parallel_loop3A_287 : vector<16xf32>
            %parallel_loop3A_334 = arith.mulf %cond3A_255#5, %parallel_loop3A_290 : vector<16xf32>
            %parallel_loop3A_335 = arith.mulf %cond3A_255#6, %parallel_loop3A_293 : vector<16xf32>
            %parallel_loop3A_336 = arith.mulf %cond3A_255#7, %parallel_loop3A_296 : vector<16xf32>
            %parallel_loop3A_337 = arith.mulf %cond3A_255#8, %parallel_loop3A_299 : vector<16xf32>
            %parallel_loop3A_338 = arith.mulf %cond3A_255#9, %parallel_loop3A_302 : vector<16xf32>
            %parallel_loop3A_339 = arith.mulf %cond3A_255#10, %parallel_loop3A_305 : vector<16xf32>
            %parallel_loop3A_340 = arith.mulf %cond3A_255#11, %parallel_loop3A_308 : vector<16xf32>
            %parallel_loop3A_341 = arith.mulf %cond3A_255#12, %parallel_loop3A_311 : vector<16xf32>
            %parallel_loop3A_342 = arith.mulf %cond3A_255#13, %parallel_loop3A_314 : vector<16xf32>
            %parallel_loop3A_343 = arith.mulf %cond3A_255#14, %parallel_loop3A_317 : vector<16xf32>
            %parallel_loop3A_344 = arith.mulf %cond3A_255#15, %parallel_loop3A_320 : vector<16xf32>
            %parallel_loop3A_345 = arith.mulf %cond3A_255#16, %parallel_loop3A_323 : vector<16xf32>
            %parallel_loop3A_346 = arith.mulf %cond3A_255#17, %parallel_loop3A_326 : vector<16xf32>
            %parallel_loop3A_347 = arith.mulf %cond3A_255#18, %parallel_loop3A_329 : vector<16xf32>
            %parallel_loop3A_348 = arith.mulf %cond3A_255#19, %parallel_loop3A_332 : vector<16xf32>
            %parallel_loop3A_349 = arith.addf %parallel_loop3A_333, %parallel_loop3A_334 : vector<16xf32>
            %parallel_loop3A_350 = arith.addf %parallel_loop3A_335, %parallel_loop3A_336 : vector<16xf32>
            %parallel_loop3A_351 = arith.addf %parallel_loop3A_337, %parallel_loop3A_338 : vector<16xf32>
            %parallel_loop3A_352 = arith.addf %parallel_loop3A_339, %parallel_loop3A_340 : vector<16xf32>
            %parallel_loop3A_353 = arith.addf %parallel_loop3A_341, %parallel_loop3A_342 : vector<16xf32>
            %parallel_loop3A_354 = arith.addf %parallel_loop3A_343, %parallel_loop3A_344 : vector<16xf32>
            %parallel_loop3A_355 = arith.addf %parallel_loop3A_345, %parallel_loop3A_346 : vector<16xf32>
            %parallel_loop3A_356 = arith.addf %parallel_loop3A_347, %parallel_loop3A_348 : vector<16xf32>
            %parallel_loop3A_357 = arith.addf %parallel_loop3A_349, %parallel_loop3A_350 : vector<16xf32>
            %parallel_loop3A_358 = arith.addf %parallel_loop3A_351, %parallel_loop3A_352 : vector<16xf32>
            %parallel_loop3A_359 = arith.addf %parallel_loop3A_353, %parallel_loop3A_354 : vector<16xf32>
            %parallel_loop3A_360 = arith.addf %parallel_loop3A_355, %parallel_loop3A_356 : vector<16xf32>
            %parallel_loop3A_361 = arith.addf %parallel_loop3A_357, %parallel_loop3A_358 : vector<16xf32>
            %parallel_loop3A_362 = arith.addf %parallel_loop3A_359, %parallel_loop3A_360 : vector<16xf32>
            %parallel_loop3A_363 = arith.addf %parallel_loop3A_361, %parallel_loop3A_362 : vector<16xf32>
            %parallel_loop3A_364 = arith.constant true
            %parallel_loop3A_365 = vector.broadcast %parallel_loop3A_364 : i1 to vector<16xi1>
            %parallel_loop3A_366 = tpu.scan <sum>, %parallel_loop3A_363 masked %parallel_loop3A_365 : vector<16xf32>, vector<16xi1> -> vector<16xf32>
            %parallel_loop3A_367 = vector.extract %parallel_loop3A_366[15] : f32 from vector<16xf32>
            %parallel_loop3A_368 = vector.broadcast %parallel_loop3A_367 : f32 to vector<16xf32>
            %parallel_loop3A_369 = math.exp %parallel_loop3A_368 : vector<16xf32>
            %parallel_loop3A_370 = arith.addf %parallel_loop3A_268, %parallel_loop3A_369 : vector<16xf32>
            %parallel_loop3A_371 = arith.mulf %parallel_loop3A_369, %parallel_loop3A_287 : vector<16xf32>
            %parallel_loop3A_372 = arith.addf %parallel_loop3A_269, %parallel_loop3A_371 : vector<16xf32>
            %parallel_loop3A_373 = arith.mulf %parallel_loop3A_369, %parallel_loop3A_290 : vector<16xf32>
            %parallel_loop3A_374 = arith.addf %parallel_loop3A_270, %parallel_loop3A_373 : vector<16xf32>
            %parallel_loop3A_375 = arith.mulf %parallel_loop3A_369, %parallel_loop3A_293 : vector<16xf32>
            %parallel_loop3A_376 = arith.addf %parallel_loop3A_271, %parallel_loop3A_375 : vector<16xf32>
            %parallel_loop3A_377 = arith.mulf %parallel_loop3A_369, %parallel_loop3A_296 : vector<16xf32>
            %parallel_loop3A_378 = arith.addf %parallel_loop3A_272, %parallel_loop3A_377 : vector<16xf32>
            %parallel_loop3A_379 = arith.mulf %parallel_loop3A_369, %parallel_loop3A_299 : vector<16xf32>
            %parallel_loop3A_380 = arith.addf %parallel_loop3A_273, %parallel_loop3A_379 : vector<16xf32>
            %parallel_loop3A_381 = arith.mulf %parallel_loop3A_369, %parallel_loop3A_302 : vector<16xf32>
            %parallel_loop3A_382 = arith.addf %parallel_loop3A_274, %parallel_loop3A_381 : vector<16xf32>
            %parallel_loop3A_383 = arith.mulf %parallel_loop3A_369, %parallel_loop3A_305 : vector<16xf32>
            %parallel_loop3A_384 = arith.addf %parallel_loop3A_275, %parallel_loop3A_383 : vector<16xf32>
            %parallel_loop3A_385 = arith.mulf %parallel_loop3A_369, %parallel_loop3A_308 : vector<16xf32>
            %parallel_loop3A_386 = arith.addf %parallel_loop3A_276, %parallel_loop3A_385 : vector<16xf32>
            %parallel_loop3A_387 = arith.mulf %parallel_loop3A_369, %parallel_loop3A_311 : vector<16xf32>
            %parallel_loop3A_388 = arith.addf %parallel_loop3A_277, %parallel_loop3A_387 : vector<16xf32>
            %parallel_loop3A_389 = arith.mulf %parallel_loop3A_369, %parallel_loop3A_314 : vector<16xf32>
            %parallel_loop3A_390 = arith.addf %parallel_loop3A_278, %parallel_loop3A_389 : vector<16xf32>
            %parallel_loop3A_391 = arith.mulf %parallel_loop3A_369, %parallel_loop3A_317 : vector<16xf32>
            %parallel_loop3A_392 = arith.addf %parallel_loop3A_279, %parallel_loop3A_391 : vector<16xf32>
            %parallel_loop3A_393 = arith.mulf %parallel_loop3A_369, %parallel_loop3A_320 : vector<16xf32>
            %parallel_loop3A_394 = arith.addf %parallel_loop3A_280, %parallel_loop3A_393 : vector<16xf32>
            %parallel_loop3A_395 = arith.mulf %parallel_loop3A_369, %parallel_loop3A_323 : vector<16xf32>
            %parallel_loop3A_396 = arith.addf %parallel_loop3A_281, %parallel_loop3A_395 : vector<16xf32>
            %parallel_loop3A_397 = arith.mulf %parallel_loop3A_369, %parallel_loop3A_326 : vector<16xf32>
            %parallel_loop3A_398 = arith.addf %parallel_loop3A_282, %parallel_loop3A_397 : vector<16xf32>
            %parallel_loop3A_399 = arith.mulf %parallel_loop3A_369, %parallel_loop3A_329 : vector<16xf32>
            %parallel_loop3A_400 = arith.addf %parallel_loop3A_283, %parallel_loop3A_399 : vector<16xf32>
            %parallel_loop3A_401 = arith.mulf %parallel_loop3A_369, %parallel_loop3A_332 : vector<16xf32>
            %parallel_loop3A_402 = arith.addf %parallel_loop3A_284, %parallel_loop3A_401 : vector<16xf32>
            scf.yield %parallel_loop3A_370, %parallel_loop3A_372, %parallel_loop3A_374, %parallel_loop3A_376, %parallel_loop3A_378, %parallel_loop3A_380, %parallel_loop3A_382, %parallel_loop3A_384, %parallel_loop3A_386, %parallel_loop3A_388, %parallel_loop3A_390, %parallel_loop3A_392, %parallel_loop3A_394, %parallel_loop3A_396, %parallel_loop3A_398, %parallel_loop3A_400, %parallel_loop3A_402 : vector<16xf32>, vector<16xf32>, vector<16xf32>, vector<16xf32>, vector<16xf32>, vector<16xf32>, vector<16xf32>, vector<16xf32>, vector<16xf32>, vector<16xf32>, vector<16xf32>, vector<16xf32>, vector<16xf32>, vector<16xf32>, vector<16xf32>, vector<16xf32>, vector<16xf32>
          } {sc.loop_unroll_factor = 2 : i64, sc.parallel_access}
          scf.yield %parallel_loop3A_266#0, %parallel_loop3A_266#1, %parallel_loop3A_266#2, %parallel_loop3A_266#3, %parallel_loop3A_266#4, %parallel_loop3A_266#5, %parallel_loop3A_266#6, %parallel_loop3A_266#7, %parallel_loop3A_266#8, %parallel_loop3A_266#9, %parallel_loop3A_266#10, %parallel_loop3A_266#11, %parallel_loop3A_266#12, %parallel_loop3A_266#13, %parallel_loop3A_266#14, %parallel_loop3A_266#15, %parallel_loop3A_266#16 : vector<16xf32>, vector<16xf32>, vector<16xf32>, vector<16xf32>, vector<16xf32>, vector<16xf32>, vector<16xf32>, vector<16xf32>, vector<16xf32>, vector<16xf32>, vector<16xf32>, vector<16xf32>, vector<16xf32>, vector<16xf32>, vector<16xf32>, vector<16xf32>, vector<16xf32>
        } else {
          scf.yield %cond3A_255#3, %cond3A_255#20, %cond3A_255#21, %cond3A_255#22, %cond3A_255#23, %cond3A_255#24, %cond3A_255#25, %cond3A_255#26, %cond3A_255#27, %cond3A_255#28, %cond3A_255#29, %cond3A_255#30, %cond3A_255#31, %cond3A_255#32, %cond3A_255#33, %cond3A_255#34, %cond3A_255#35 : vector<16xf32>, vector<16xf32>, vector<16xf32>, vector<16xf32>, vector<16xf32>, vector<16xf32>, vector<16xf32>, vector<16xf32>, vector<16xf32>, vector<16xf32>, vector<16xf32>, vector<16xf32>, vector<16xf32>, vector<16xf32>, vector<16xf32>, vector<16xf32>, vector<16xf32>
        }
        scf.yield %while3A_257#0, %cond3A_255#0, %cond3A_255#1, %cond3A_255#2, %cond3A_265#0, %cond3A_255#4, %cond3A_255#5, %cond3A_255#6, %cond3A_255#7, %cond3A_255#8, %cond3A_255#9, %cond3A_255#10, %cond3A_255#11, %cond3A_255#12, %cond3A_255#13, %cond3A_255#14, %cond3A_255#15, %cond3A_255#16, %cond3A_255#17, %cond3A_255#18, %cond3A_255#19, %cond3A_265#1, %cond3A_265#2, %cond3A_265#3, %cond3A_265#4, %cond3A_265#5, %cond3A_265#6, %cond3A_265#7, %cond3A_265#8, %cond3A_265#9, %cond3A_265#10, %cond3A_265#11, %cond3A_265#12, %cond3A_265#13, %cond3A_265#14, %cond3A_265#15, %cond3A_265#16 : i32, i32, i32, i32, vector<16xf32>, vector<16xf32>, vector<16xf32>, vector<16xf32>, vector<16xf32>, vector<16xf32>, vector<16xf32>, vector<16xf32>, vector<16xf32>, vector<16xf32>, vector<16xf32>, vector<16xf32>, vector<16xf32>, vector<16xf32>, vector<16xf32>, vector<16xf32>, vector<16xf32>, vector<16xf32>, vector<16xf32>, vector<16xf32>, vector<16xf32>, vector<16xf32>, vector<16xf32>, vector<16xf32>, vector<16xf32>, vector<16xf32>, vector<16xf32>, vector<16xf32>, vector<16xf32>, vector<16xf32>, vector<16xf32>, vector<16xf32>, vector<16xf32>
      }
      %add3A_197 = arith.constant 2 : i32
      %add3A_198 = arith.addi %mul3A_171, %add3A_197 : i32
      %lt3A_199 = arith.cmpi slt, %add3A_198, %select_n3A : i32
      %convert_element_type3A_200 = arith.extui %lt3A_199 : i1 to i32
      %cond3A_201 = arith.constant 0 : i32
      %cond3A_202 = arith.cmpi ne, %convert_element_type3A_200, %cond3A_201 : i32
      scf.if %cond3A_202 {
        %add3A_210 = arith.constant 2 : i32
        %add3A_211 = arith.addi %mul3A_171, %add3A_210 : i32
        %mul3A_212 = arith.constant 128 : i32
        %mul3A_213 = arith.muli %add3A_211, %mul3A_212 : i32
        %add3A_214 = arith.addi %and3A_28, %mul3A_213 : i32
        %multiple_of3A_215 = tpu.assume_multiple %add3A_214, 8 : i32
        "tpu.region"() ({
          %run_scoped3A = tpu.sem_alloc : memref<!tpu.dma_semaphore, #tpu.memory_space<semaphore_mem>>
          %dma_start3A_231 = arith.constant 0 : i32
          %dma_start3A_232 = tpu.memref_slice %arg8[%dma_start3A_231] : memref<144xi32, #tpu.memory_space<vmem>> -> memref<128xi32, #tpu.memory_space<vmem>>
          %dma_start3A_233 = tpu.memref_slice %arg4[%multiple_of3A_215] : memref<160128xi32, #tpu.memory_space<hbm>> -> memref<128xi32, #tpu.memory_space<hbm>>
          %dma_start3A_234 = arith.constant 0 : i32
          %dma_start3A_235 = tpu.memref_slice %arg8[%dma_start3A_234] : memref<144xi32, #tpu.memory_space<vmem>> -> memref<128xi32, #tpu.memory_space<vmem>>
          %dma_start3A_236 = tpu.memref_slice %arg4[%multiple_of3A_215] : memref<160128xi32, #tpu.memory_space<hbm>> -> memref<128xi32, #tpu.memory_space<hbm>>
          tpu.enqueue_dma source(%dma_start3A_236 : memref<128xi32, #tpu.memory_space<hbm>>) target(%dma_start3A_235 : memref<128xi32, #tpu.memory_space<vmem>>) target_semaphore(%run_scoped3A : memref<!tpu.dma_semaphore, #tpu.memory_space<semaphore_mem>>)
          %dma_wait3A_237 = arith.constant 0 : i32
          %dma_wait3A_238 = tpu.memref_slice %arg8[%dma_wait3A_237] : memref<144xi32, #tpu.memory_space<vmem>> -> memref<128xi32, #tpu.memory_space<vmem>>
          %dma_wait3A_239 = tpu.memref_slice %arg4[%multiple_of3A_215] : memref<160128xi32, #tpu.memory_space<hbm>> -> memref<128xi32, #tpu.memory_space<hbm>>
          %dma_wait3A_240 = arith.constant 0 : i32
          %dma_wait3A_241 = tpu.memref_slice %arg8[%dma_wait3A_240] : memref<144xi32, #tpu.memory_space<vmem>> -> memref<128xi32, #tpu.memory_space<vmem>>
          %dma_wait3A_242 = tpu.memref_slice %arg4[%multiple_of3A_215] : memref<160128xi32, #tpu.memory_space<hbm>> -> memref<128xi32, #tpu.memory_space<hbm>>
          tpu.wait_dma2 semaphore(%run_scoped3A : memref<!tpu.dma_semaphore, #tpu.memory_space<semaphore_mem>>) src(%dma_wait3A_242 : memref<128xi32, #tpu.memory_space<hbm>>) dst(%dma_wait3A_241 : memref<128xi32, #tpu.memory_space<vmem>>)
          tpu.yield
        }) : () -> ()
        "tpu.region"() ({
          %run_scoped3A = tpu.sem_alloc : memref<!tpu.dma_semaphore, #tpu.memory_space<semaphore_mem>>
          %dma_start3A_231 = tpu.memref_slice %arg5[%multiple_of3A_215] : memref<160128xi32, #tpu.memory_space<hbm>> -> memref<128xi32, #tpu.memory_space<hbm>>
          %dma_start3A_232 = tpu.memref_slice %arg5[%multiple_of3A_215] : memref<160128xi32, #tpu.memory_space<hbm>> -> memref<128xi32, #tpu.memory_space<hbm>>
          tpu.enqueue_dma source(%dma_start3A_232 : memref<128xi32, #tpu.memory_space<hbm>>) target(%arg10 : memref<128xi32, #tpu.memory_space<vmem>>) target_semaphore(%run_scoped3A : memref<!tpu.dma_semaphore, #tpu.memory_space<semaphore_mem>>)
          %dma_wait3A_233 = tpu.memref_slice %arg5[%multiple_of3A_215] : memref<160128xi32, #tpu.memory_space<hbm>> -> memref<128xi32, #tpu.memory_space<hbm>>
          %dma_wait3A_234 = tpu.memref_slice %arg5[%multiple_of3A_215] : memref<160128xi32, #tpu.memory_space<hbm>> -> memref<128xi32, #tpu.memory_space<hbm>>
          tpu.wait_dma2 semaphore(%run_scoped3A : memref<!tpu.dma_semaphore, #tpu.memory_space<semaphore_mem>>) src(%dma_wait3A_234 : memref<128xi32, #tpu.memory_space<hbm>>) dst(%arg10 : memref<128xi32, #tpu.memory_space<vmem>>)
          tpu.yield
        }) : () -> ()
        %dma_start3A = arith.constant 0 : i32
        %dma_start3A_216 = arith.constant 0 : i32
        %dma_start3A_217 = tpu.memref_slice %arg12[%dma_start3A, %dma_start3A_216] : memref<128x256xf32, #tpu.memory_space<vmem>> -> memref<64x256xf32, #tpu.memory_space<vmem>>
        %dma_start3A_218 = arith.constant 0 : i32
        %dma_start3A_219 = tpu.memref_slice %arg10[%dma_start3A_218] : memref<128xi32, #tpu.memory_space<vmem>> -> memref<64xi32, #tpu.memory_space<vmem>>
        %dma_start3A_220 = arith.constant 0 : i32
        %dma_start3A_221 = arith.constant 0 : i32
        %dma_start3A_222 = tpu.memref_slice %arg3[%dma_start3A_220, %dma_start3A_221] : memref<10000x256xf32, #tpu.memory_space<hbm>> -> memref<10000x256xf32, #tpu.memory_space<hbm>>
        tpu.enqueue_indirect_dma source(%dma_start3A_222 : memref<10000x256xf32, #tpu.memory_space<hbm>>) target(%dma_start3A_217 : memref<64x256xf32, #tpu.memory_space<vmem>>) offsets(%dma_start3A_219 : memref<64xi32, #tpu.memory_space<vmem>>) semaphore(%arg17 : memref<!tpu.dma_semaphore, #tpu.memory_space<semaphore_mem>>)
        %dma_start3A_223 = arith.constant 64 : i32
        %dma_start3A_224 = arith.constant 0 : i32
        %dma_start3A_225 = tpu.memref_slice %arg12[%dma_start3A_223, %dma_start3A_224] : memref<128x256xf32, #tpu.memory_space<vmem>> -> memref<64x256xf32, #tpu.memory_space<vmem>>
        %dma_start3A_226 = arith.constant 64 : i32
        %dma_start3A_227 = tpu.memref_slice %arg10[%dma_start3A_226] : memref<128xi32, #tpu.memory_space<vmem>> -> memref<64xi32, #tpu.memory_space<vmem>>
        %dma_start3A_228 = arith.constant 0 : i32
        %dma_start3A_229 = arith.constant 0 : i32
        %dma_start3A_230 = tpu.memref_slice %arg3[%dma_start3A_228, %dma_start3A_229] : memref<10000x256xf32, #tpu.memory_space<hbm>> -> memref<10000x256xf32, #tpu.memory_space<hbm>>
        tpu.enqueue_indirect_dma source(%dma_start3A_230 : memref<10000x256xf32, #tpu.memory_space<hbm>>) target(%dma_start3A_225 : memref<64x256xf32, #tpu.memory_space<vmem>>) offsets(%dma_start3A_227 : memref<64xi32, #tpu.memory_space<vmem>>) semaphore(%arg17 : memref<!tpu.dma_semaphore, #tpu.memory_space<semaphore_mem>>)
      } else {
      }
      %add3A_203 = arith.constant 1 : i32
      %add3A_204 = arith.addi %mul3A_171, %add3A_203 : i32
      %lt3A_205 = arith.cmpi slt, %add3A_204, %select_n3A : i32
      %convert_element_type3A_206 = arith.extui %lt3A_205 : i1 to i32
      %cond3A_207 = arith.constant 0 : i32
      %cond3A_208 = arith.cmpi ne, %convert_element_type3A_206, %cond3A_207 : i32
      %cond3A_209:36 = scf.if %cond3A_208 -> (i32, i32, i32, vector<16xf32>, vector<16xf32>, vector<16xf32>, vector<16xf32>, vector<16xf32>, vector<16xf32>, vector<16xf32>, vector<16xf32>, vector<16xf32>, vector<16xf32>, vector<16xf32>, vector<16xf32>, vector<16xf32>, vector<16xf32>, vector<16xf32>, vector<16xf32>, vector<16xf32>, vector<16xf32>, vector<16xf32>, vector<16xf32>, vector<16xf32>, vector<16xf32>, vector<16xf32>, vector<16xf32>, vector<16xf32>, vector<16xf32>, vector<16xf32>, vector<16xf32>, vector<16xf32>, vector<16xf32>, vector<16xf32>, vector<16xf32>, vector<16xf32>) {
        %add3A_210 = arith.constant 1 : i32
        %add3A_211 = arith.addi %mul3A_171, %add3A_210 : i32
        %dma_wait3A_212 = arith.constant 0 : i32
        %dma_wait3A_213 = arith.constant 0 : i32
        %dma_wait3A_214 = tpu.memref_slice %arg13[%dma_wait3A_212, %dma_wait3A_213] : memref<128x256xf32, #tpu.memory_space<vmem>> -> memref<64x256xf32, #tpu.memory_space<vmem>>
        %dma_wait3A_215 = arith.constant 0 : i32
        %dma_wait3A_216 = tpu.memref_slice %arg11[%dma_wait3A_215] : memref<128xi32, #tpu.memory_space<vmem>> -> memref<64xi32, #tpu.memory_space<vmem>>
        %dma_wait3A_217 = arith.constant 0 : i32
        %dma_wait3A_218 = arith.constant 0 : i32
        %dma_wait3A_219 = tpu.memref_slice %arg3[%dma_wait3A_217, %dma_wait3A_218] : memref<10000x256xf32, #tpu.memory_space<hbm>> -> memref<10000x256xf32, #tpu.memory_space<hbm>>
        tpu.wait_indirect_dma semaphore(%arg18 : memref<!tpu.dma_semaphore, #tpu.memory_space<semaphore_mem>>) src(%dma_wait3A_219 : memref<10000x256xf32, #tpu.memory_space<hbm>>) dst(%dma_wait3A_214 : memref<64x256xf32, #tpu.memory_space<vmem>>)
        %dma_wait3A_220 = arith.constant 64 : i32
        %dma_wait3A_221 = arith.constant 0 : i32
        %dma_wait3A_222 = tpu.memref_slice %arg13[%dma_wait3A_220, %dma_wait3A_221] : memref<128x256xf32, #tpu.memory_space<vmem>> -> memref<64x256xf32, #tpu.memory_space<vmem>>
        %dma_wait3A_223 = arith.constant 64 : i32
        %dma_wait3A_224 = tpu.memref_slice %arg11[%dma_wait3A_223] : memref<128xi32, #tpu.memory_space<vmem>> -> memref<64xi32, #tpu.memory_space<vmem>>
        %dma_wait3A_225 = arith.constant 0 : i32
        %dma_wait3A_226 = arith.constant 0 : i32
        %dma_wait3A_227 = tpu.memref_slice %arg3[%dma_wait3A_225, %dma_wait3A_226] : memref<10000x256xf32, #tpu.memory_space<hbm>> -> memref<10000x256xf32, #tpu.memory_space<hbm>>
        tpu.wait_indirect_dma semaphore(%arg18 : memref<!tpu.dma_semaphore, #tpu.memory_space<semaphore_mem>>) src(%dma_wait3A_227 : memref<10000x256xf32, #tpu.memory_space<hbm>>) dst(%dma_wait3A_222 : memref<64x256xf32, #tpu.memory_space<vmem>>)
        %mul3A_228 = arith.constant 128 : i32
        %mul3A_229 = arith.muli %add3A_211, %mul3A_228 : i32
        %add3A_230 = arith.addi %and3A_28, %mul3A_229 : i32
        %multiple_of3A_231 = tpu.assume_multiple %add3A_230, 8 : i32
        %while3A_232 = arith.constant 0 : i32
        %while3A_233:37 = scf.while (%while3A_234 = %while3A_232, %while3A_235 = %while3A_196#1, %while3A_236 = %while3A_196#2, %while3A_237 = %while3A_196#3, %while3A_238 = %while3A_196#4, %while3A_239 = %while3A_196#5, %while3A_240 = %while3A_196#6, %while3A_241 = %while3A_196#7, %while3A_242 = %while3A_196#8, %while3A_243 = %while3A_196#9, %while3A_244 = %while3A_196#10, %while3A_245 = %while3A_196#11, %while3A_246 = %while3A_196#12, %while3A_247 = %while3A_196#13, %while3A_248 = %while3A_196#14, %while3A_249 = %while3A_196#15, %while3A_250 = %while3A_196#16, %while3A_251 = %while3A_196#17, %while3A_252 = %while3A_196#18, %while3A_253 = %while3A_196#19, %while3A_254 = %while3A_196#20, %while3A_255 = %while3A_196#21, %while3A_256 = %while3A_196#22, %while3A_257 = %while3A_196#23, %while3A_258 = %while3A_196#24, %while3A_259 = %while3A_196#25, %while3A_260 = %while3A_196#26, %while3A_261 = %while3A_196#27, %while3A_262 = %while3A_196#28, %while3A_263 = %while3A_196#29, %while3A_264 = %while3A_196#30, %while3A_265 = %while3A_196#31, %while3A_266 = %while3A_196#32, %while3A_267 = %while3A_196#33, %while3A_268 = %while3A_196#34, %while3A_269 = %while3A_196#35, %while3A_270 = %while3A_196#36) : (i32, i32, i32, i32, vector<16xf32>, vector<16xf32>, vector<16xf32>, vector<16xf32>, vector<16xf32>, vector<16xf32>, vector<16xf32>, vector<16xf32>, vector<16xf32>, vector<16xf32>, vector<16xf32>, vector<16xf32>, vector<16xf32>, vector<16xf32>, vector<16xf32>, vector<16xf32>, vector<16xf32>, vector<16xf32>, vector<16xf32>, vector<16xf32>, vector<16xf32>, vector<16xf32>, vector<16xf32>, vector<16xf32>, vector<16xf32>, vector<16xf32>, vector<16xf32>, vector<16xf32>, vector<16xf32>, vector<16xf32>, vector<16xf32>, vector<16xf32>, vector<16xf32>) -> (i32, i32, i32, i32, vector<16xf32>, vector<16xf32>, vector<16xf32>, vector<16xf32>, vector<16xf32>, vector<16xf32>, vector<16xf32>, vector<16xf32>, vector<16xf32>, vector<16xf32>, vector<16xf32>, vector<16xf32>, vector<16xf32>, vector<16xf32>, vector<16xf32>, vector<16xf32>, vector<16xf32>, vector<16xf32>, vector<16xf32>, vector<16xf32>, vector<16xf32>, vector<16xf32>, vector<16xf32>, vector<16xf32>, vector<16xf32>, vector<16xf32>, vector<16xf32>, vector<16xf32>, vector<16xf32>, vector<16xf32>, vector<16xf32>, vector<16xf32>, vector<16xf32>) {
          %lt3A_271 = arith.constant 128 : i32
          %lt3A_272 = arith.cmpi slt, %while3A_234, %lt3A_271 : i32
          scf.condition(%lt3A_272) %while3A_234, %while3A_235, %while3A_236, %while3A_237, %while3A_238, %while3A_239, %while3A_240, %while3A_241, %while3A_242, %while3A_243, %while3A_244, %while3A_245, %while3A_246, %while3A_247, %while3A_248, %while3A_249, %while3A_250, %while3A_251, %while3A_252, %while3A_253, %while3A_254, %while3A_255, %while3A_256, %while3A_257, %while3A_258, %while3A_259, %while3A_260, %while3A_261, %while3A_262, %while3A_263, %while3A_264, %while3A_265, %while3A_266, %while3A_267, %while3A_268, %while3A_269, %while3A_270 : i32, i32, i32, i32, vector<16xf32>, vector<16xf32>, vector<16xf32>, vector<16xf32>, vector<16xf32>, vector<16xf32>, vector<16xf32>, vector<16xf32>, vector<16xf32>, vector<16xf32>, vector<16xf32>, vector<16xf32>, vector<16xf32>, vector<16xf32>, vector<16xf32>, vector<16xf32>, vector<16xf32>, vector<16xf32>, vector<16xf32>, vector<16xf32>, vector<16xf32>, vector<16xf32>, vector<16xf32>, vector<16xf32>, vector<16xf32>, vector<16xf32>, vector<16xf32>, vector<16xf32>, vector<16xf32>, vector<16xf32>, vector<16xf32>, vector<16xf32>, vector<16xf32>
        } do {
        ^bb0(%while3A_234: i32, %while3A_235: i32, %while3A_236: i32, %while3A_237: i32, %while3A_238: vector<16xf32>, %while3A_239: vector<16xf32>, %while3A_240: vector<16xf32>, %while3A_241: vector<16xf32>, %while3A_242: vector<16xf32>, %while3A_243: vector<16xf32>, %while3A_244: vector<16xf32>, %while3A_245: vector<16xf32>, %while3A_246: vector<16xf32>, %while3A_247: vector<16xf32>, %while3A_248: vector<16xf32>, %while3A_249: vector<16xf32>, %while3A_250: vector<16xf32>, %while3A_251: vector<16xf32>, %while3A_252: vector<16xf32>, %while3A_253: vector<16xf32>, %while3A_254: vector<16xf32>, %while3A_255: vector<16xf32>, %while3A_256: vector<16xf32>, %while3A_257: vector<16xf32>, %while3A_258: vector<16xf32>, %while3A_259: vector<16xf32>, %while3A_260: vector<16xf32>, %while3A_261: vector<16xf32>, %while3A_262: vector<16xf32>, %while3A_263: vector<16xf32>, %while3A_264: vector<16xf32>, %while3A_265: vector<16xf32>, %while3A_266: vector<16xf32>, %while3A_267: vector<16xf32>, %while3A_268: vector<16xf32>, %while3A_269: vector<16xf32>, %while3A_270: vector<16xf32>):
          %get3A_271 = arith.index_cast %while3A_234 : i32 to index
          %get3A_272 = tpu.vector_load %arg9[%get3A_271] {strides = array<i32>} : memref<144xi32, #tpu.memory_space<vmem>>, vector<16xi32>,
          %slice3A_273 = vector.extract_strided_slice %get3A_272 {offsets = [0], sizes = [1], strides = [1]} : vector<16xi32> to vector<1xi32>
          %squeeze3A_274 = vector.extract %slice3A_273[0] : i32 from vector<1xi32>
          %ne3A_275 = arith.cmpi ne, %squeeze3A_274, %while3A_235 : i32
          %convert_element_type3A_276 = arith.extui %ne3A_275 : i1 to i32
          %cond3A_277 = arith.constant 0 : i32
          %cond3A_278 = arith.cmpi ne, %convert_element_type3A_276, %cond3A_277 : i32
          %cond3A_279:36 = scf.if %cond3A_278 -> (i32, i32, i32, vector<16xf32>, vector<16xf32>, vector<16xf32>, vector<16xf32>, vector<16xf32>, vector<16xf32>, vector<16xf32>, vector<16xf32>, vector<16xf32>, vector<16xf32>, vector<16xf32>, vector<16xf32>, vector<16xf32>, vector<16xf32>, vector<16xf32>, vector<16xf32>, vector<16xf32>, vector<16xf32>, vector<16xf32>, vector<16xf32>, vector<16xf32>, vector<16xf32>, vector<16xf32>, vector<16xf32>, vector<16xf32>, vector<16xf32>, vector<16xf32>, vector<16xf32>, vector<16xf32>, vector<16xf32>, vector<16xf32>, vector<16xf32>, vector<16xf32>) {
            %reduce_max3A_290 = arith.constant true
            %reduce_max3A_291 = vector.broadcast %reduce_max3A_290 : i1 to vector<16xi1>
            %reduce_max3A_292 = tpu.scan <max>, %while3A_238 masked %reduce_max3A_291 : vector<16xf32>, vector<16xi1> -> vector<16xf32>
            %reduce_max3A_293 = vector.extract %reduce_max3A_292[15] : f32 from vector<16xf32>
            %gt3A_294 = arith.constant 0.000000e+00 : f32
            %gt3A_295 = arith.cmpf ogt, %reduce_max3A_293, %gt3A_294 : f32
            %convert_element_type3A_296 = arith.extui %gt3A_295 : i1 to i32
            %cond3A_297 = arith.constant 0 : i32
            %cond3A_298 = arith.cmpi ne, %convert_element_type3A_296, %cond3A_297 : i32
            %cond3A_299 = scf.if %cond3A_298 -> (i32) {
              %while3A_356 = scf.while (%while3A_424 = %while3A_236) : (i32) -> i32 {
                %add3A_425 = arith.constant 64 : i32
                %add3A_426 = arith.addi %while3A_424, %add3A_425 : i32
                %ge3A_427 = arith.cmpi sge, %while3A_235, %add3A_426 : i32
                scf.condition(%ge3A_427) %while3A_424 : i32
              } do {
              ^bb0(%while3A_424: i32):
                %multiple_of3A_425 = tpu.assume_multiple %while3A_424, 8 : i32
                "tpu.region"() ({
                  %run_scoped3A = tpu.sem_alloc : memref<!tpu.dma_semaphore, #tpu.memory_space<semaphore_mem>>
                  %dma_start3A = arith.constant 0 : i32
                  %dma_start3A_434 = tpu.memref_slice %arg7[%multiple_of3A_425, %dma_start3A] : memref<10000x256xf32, #tpu.memory_space<hbm>> -> memref<64x256xf32, #tpu.memory_space<hbm>>
                  %dma_start3A_435 = arith.constant 0 : i32
                  %dma_start3A_436 = tpu.memref_slice %arg7[%multiple_of3A_425, %dma_start3A_435] : memref<10000x256xf32, #tpu.memory_space<hbm>> -> memref<64x256xf32, #tpu.memory_space<hbm>>
                  tpu.enqueue_dma source(%arg14 : memref<64x256xf32, #tpu.memory_space<vmem>>) target(%dma_start3A_436 : memref<64x256xf32, #tpu.memory_space<hbm>>) target_semaphore(%run_scoped3A : memref<!tpu.dma_semaphore, #tpu.memory_space<semaphore_mem>>)
                  %dma_wait3A_437 = arith.constant 0 : i32
                  %dma_wait3A_438 = tpu.memref_slice %arg7[%multiple_of3A_425, %dma_wait3A_437] : memref<10000x256xf32, #tpu.memory_space<hbm>> -> memref<64x256xf32, #tpu.memory_space<hbm>>
                  %dma_wait3A_439 = arith.constant 0 : i32
                  %dma_wait3A_440 = tpu.memref_slice %arg7[%multiple_of3A_425, %dma_wait3A_439] : memref<10000x256xf32, #tpu.memory_space<hbm>> -> memref<64x256xf32, #tpu.memory_space<hbm>>
                  tpu.wait_dma2 semaphore(%run_scoped3A : memref<!tpu.dma_semaphore, #tpu.memory_space<semaphore_mem>>) src(%arg14 : memref<64x256xf32, #tpu.memory_space<vmem>>) dst(%dma_wait3A_440 : memref<64x256xf32, #tpu.memory_space<hbm>>)
                  tpu.yield
                }) : () -> ()
                %scan3A_426 = arith.constant 0 : i32
                %scan3A_427 = arith.constant 0 : i32
                %scan3A_428 = arith.constant 64 : i32
                %scan3A_429 = arith.addi %scan3A_427, %scan3A_428 : i32
                %scan3A_430 = arith.constant 1 : i32
                scf.for %scan3A_434 = %scan3A_427 to %scan3A_429 step %scan3A_430  : i32 {
                  %swap3A_435 = arith.index_cast %scan3A_434 : i32 to index
                  %swap3A_436 = arith.constant 0 : index
                  %swap3A_437 = tpu.vector_load %arg14[%swap3A_435, %swap3A_436] {strides = array<i32>} : memref<64x256xf32, #tpu.memory_space<vmem>>, vector<16xf32>,
                  tpu.vector_store %arg14[%swap3A_435, %swap3A_436], %broadcast_in_dim3A_22 {strides = array<i32>} : memref<64x256xf32, #tpu.memory_space<vmem>>, vector<16xf32>,
                  %swap3A_438 = arith.index_cast %scan3A_434 : i32 to index
                  %swap3A_439 = arith.constant 16 : index
                  %swap3A_440 = tpu.vector_load %arg14[%swap3A_438, %swap3A_439] {strides = array<i32>} : memref<64x256xf32, #tpu.memory_space<vmem>>, vector<16xf32>,
                  tpu.vector_store %arg14[%swap3A_438, %swap3A_439], %broadcast_in_dim3A_22 {strides = array<i32>} : memref<64x256xf32, #tpu.memory_space<vmem>>, vector<16xf32>,
                  %swap3A_441 = arith.index_cast %scan3A_434 : i32 to index
                  %swap3A_442 = arith.constant 32 : index
                  %swap3A_443 = tpu.vector_load %arg14[%swap3A_441, %swap3A_442] {strides = array<i32>} : memref<64x256xf32, #tpu.memory_space<vmem>>, vector<16xf32>,
                  tpu.vector_store %arg14[%swap3A_441, %swap3A_442], %broadcast_in_dim3A_22 {strides = array<i32>} : memref<64x256xf32, #tpu.memory_space<vmem>>, vector<16xf32>,
                  %swap3A_444 = arith.index_cast %scan3A_434 : i32 to index
                  %swap3A_445 = arith.constant 48 : index
                  %swap3A_446 = tpu.vector_load %arg14[%swap3A_444, %swap3A_445] {strides = array<i32>} : memref<64x256xf32, #tpu.memory_space<vmem>>, vector<16xf32>,
                  tpu.vector_store %arg14[%swap3A_444, %swap3A_445], %broadcast_in_dim3A_22 {strides = array<i32>} : memref<64x256xf32, #tpu.memory_space<vmem>>, vector<16xf32>,
                  %swap3A_447 = arith.index_cast %scan3A_434 : i32 to index
                  %swap3A_448 = arith.constant 64 : index
                  %swap3A_449 = tpu.vector_load %arg14[%swap3A_447, %swap3A_448] {strides = array<i32>} : memref<64x256xf32, #tpu.memory_space<vmem>>, vector<16xf32>,
                  tpu.vector_store %arg14[%swap3A_447, %swap3A_448], %broadcast_in_dim3A_22 {strides = array<i32>} : memref<64x256xf32, #tpu.memory_space<vmem>>, vector<16xf32>,
                  %swap3A_450 = arith.index_cast %scan3A_434 : i32 to index
                  %swap3A_451 = arith.constant 80 : index
                  %swap3A_452 = tpu.vector_load %arg14[%swap3A_450, %swap3A_451] {strides = array<i32>} : memref<64x256xf32, #tpu.memory_space<vmem>>, vector<16xf32>,
                  tpu.vector_store %arg14[%swap3A_450, %swap3A_451], %broadcast_in_dim3A_22 {strides = array<i32>} : memref<64x256xf32, #tpu.memory_space<vmem>>, vector<16xf32>,
                  %swap3A_453 = arith.index_cast %scan3A_434 : i32 to index
                  %swap3A_454 = arith.constant 96 : index
                  %swap3A_455 = tpu.vector_load %arg14[%swap3A_453, %swap3A_454] {strides = array<i32>} : memref<64x256xf32, #tpu.memory_space<vmem>>, vector<16xf32>,
                  tpu.vector_store %arg14[%swap3A_453, %swap3A_454], %broadcast_in_dim3A_22 {strides = array<i32>} : memref<64x256xf32, #tpu.memory_space<vmem>>, vector<16xf32>,
                  %swap3A_456 = arith.index_cast %scan3A_434 : i32 to index
                  %swap3A_457 = arith.constant 112 : index
                  %swap3A_458 = tpu.vector_load %arg14[%swap3A_456, %swap3A_457] {strides = array<i32>} : memref<64x256xf32, #tpu.memory_space<vmem>>, vector<16xf32>,
                  tpu.vector_store %arg14[%swap3A_456, %swap3A_457], %broadcast_in_dim3A_22 {strides = array<i32>} : memref<64x256xf32, #tpu.memory_space<vmem>>, vector<16xf32>,
                  %swap3A_459 = arith.index_cast %scan3A_434 : i32 to index
                  %swap3A_460 = arith.constant 128 : index
                  %swap3A_461 = tpu.vector_load %arg14[%swap3A_459, %swap3A_460] {strides = array<i32>} : memref<64x256xf32, #tpu.memory_space<vmem>>, vector<16xf32>,
                  tpu.vector_store %arg14[%swap3A_459, %swap3A_460], %broadcast_in_dim3A_22 {strides = array<i32>} : memref<64x256xf32, #tpu.memory_space<vmem>>, vector<16xf32>,
                  %swap3A_462 = arith.index_cast %scan3A_434 : i32 to index
                  %swap3A_463 = arith.constant 144 : index
                  %swap3A_464 = tpu.vector_load %arg14[%swap3A_462, %swap3A_463] {strides = array<i32>} : memref<64x256xf32, #tpu.memory_space<vmem>>, vector<16xf32>,
                  tpu.vector_store %arg14[%swap3A_462, %swap3A_463], %broadcast_in_dim3A_22 {strides = array<i32>} : memref<64x256xf32, #tpu.memory_space<vmem>>, vector<16xf32>,
                  %swap3A_465 = arith.index_cast %scan3A_434 : i32 to index
                  %swap3A_466 = arith.constant 160 : index
                  %swap3A_467 = tpu.vector_load %arg14[%swap3A_465, %swap3A_466] {strides = array<i32>} : memref<64x256xf32, #tpu.memory_space<vmem>>, vector<16xf32>,
                  tpu.vector_store %arg14[%swap3A_465, %swap3A_466], %broadcast_in_dim3A_22 {strides = array<i32>} : memref<64x256xf32, #tpu.memory_space<vmem>>, vector<16xf32>,
                  %swap3A_468 = arith.index_cast %scan3A_434 : i32 to index
                  %swap3A_469 = arith.constant 176 : index
                  %swap3A_470 = tpu.vector_load %arg14[%swap3A_468, %swap3A_469] {strides = array<i32>} : memref<64x256xf32, #tpu.memory_space<vmem>>, vector<16xf32>,
                  tpu.vector_store %arg14[%swap3A_468, %swap3A_469], %broadcast_in_dim3A_22 {strides = array<i32>} : memref<64x256xf32, #tpu.memory_space<vmem>>, vector<16xf32>,
                  %swap3A_471 = arith.index_cast %scan3A_434 : i32 to index
                  %swap3A_472 = arith.constant 192 : index
                  %swap3A_473 = tpu.vector_load %arg14[%swap3A_471, %swap3A_472] {strides = array<i32>} : memref<64x256xf32, #tpu.memory_space<vmem>>, vector<16xf32>,
                  tpu.vector_store %arg14[%swap3A_471, %swap3A_472], %broadcast_in_dim3A_22 {strides = array<i32>} : memref<64x256xf32, #tpu.memory_space<vmem>>, vector<16xf32>,
                  %swap3A_474 = arith.index_cast %scan3A_434 : i32 to index
                  %swap3A_475 = arith.constant 208 : index
                  %swap3A_476 = tpu.vector_load %arg14[%swap3A_474, %swap3A_475] {strides = array<i32>} : memref<64x256xf32, #tpu.memory_space<vmem>>, vector<16xf32>,
                  tpu.vector_store %arg14[%swap3A_474, %swap3A_475], %broadcast_in_dim3A_22 {strides = array<i32>} : memref<64x256xf32, #tpu.memory_space<vmem>>, vector<16xf32>,
                  %swap3A_477 = arith.index_cast %scan3A_434 : i32 to index
                  %swap3A_478 = arith.constant 224 : index
                  %swap3A_479 = tpu.vector_load %arg14[%swap3A_477, %swap3A_478] {strides = array<i32>} : memref<64x256xf32, #tpu.memory_space<vmem>>, vector<16xf32>,
                  tpu.vector_store %arg14[%swap3A_477, %swap3A_478], %broadcast_in_dim3A_22 {strides = array<i32>} : memref<64x256xf32, #tpu.memory_space<vmem>>, vector<16xf32>,
                  %swap3A_480 = arith.index_cast %scan3A_434 : i32 to index
                  %swap3A_481 = arith.constant 240 : index
                  %swap3A_482 = tpu.vector_load %arg14[%swap3A_480, %swap3A_481] {strides = array<i32>} : memref<64x256xf32, #tpu.memory_space<vmem>>, vector<16xf32>,
                  tpu.vector_store %arg14[%swap3A_480, %swap3A_481], %broadcast_in_dim3A_22 {strides = array<i32>} : memref<64x256xf32, #tpu.memory_space<vmem>>, vector<16xf32>,
                }
                %scan3A_431 = arith.constant 64 : i32
                %add3A_432 = arith.constant 64 : i32
                %add3A_433 = arith.addi %while3A_424, %add3A_432 : i32
                scf.yield %add3A_433 : i32
              }
              %sub3A_357 = arith.subi %while3A_235, %while3A_356 : i32
              %div3A_358 = arith.constant 1.000000e+00 : f32
              %div3A_359 = vector.broadcast %div3A_358 : f32 to vector<16xf32>
              %div3A_360 = arith.divf %div3A_359, %while3A_238 : vector<16xf32>
              %mul3A_361 = arith.mulf %while3A_255, %div3A_360 : vector<16xf32>
              %swap3A = arith.index_cast %sub3A_357 : i32 to index
              %swap3A_362 = arith.constant 0 : index
              %swap3A_363 = tpu.vector_load %arg14[%swap3A, %swap3A_362] {strides = array<i32>} : memref<64x256xf32, #tpu.memory_space<vmem>>, vector<16xf32>,
              tpu.vector_store %arg14[%swap3A, %swap3A_362], %mul3A_361 {strides = array<i32>} : memref<64x256xf32, #tpu.memory_space<vmem>>, vector<16xf32>,
              %mul3A_364 = arith.mulf %while3A_256, %div3A_360 : vector<16xf32>
              %swap3A_365 = arith.index_cast %sub3A_357 : i32 to index
              %swap3A_366 = arith.constant 16 : index
              %swap3A_367 = tpu.vector_load %arg14[%swap3A_365, %swap3A_366] {strides = array<i32>} : memref<64x256xf32, #tpu.memory_space<vmem>>, vector<16xf32>,
              tpu.vector_store %arg14[%swap3A_365, %swap3A_366], %mul3A_364 {strides = array<i32>} : memref<64x256xf32, #tpu.memory_space<vmem>>, vector<16xf32>,
              %mul3A_368 = arith.mulf %while3A_257, %div3A_360 : vector<16xf32>
              %swap3A_369 = arith.index_cast %sub3A_357 : i32 to index
              %swap3A_370 = arith.constant 32 : index
              %swap3A_371 = tpu.vector_load %arg14[%swap3A_369, %swap3A_370] {strides = array<i32>} : memref<64x256xf32, #tpu.memory_space<vmem>>, vector<16xf32>,
              tpu.vector_store %arg14[%swap3A_369, %swap3A_370], %mul3A_368 {strides = array<i32>} : memref<64x256xf32, #tpu.memory_space<vmem>>, vector<16xf32>,
              %mul3A_372 = arith.mulf %while3A_258, %div3A_360 : vector<16xf32>
              %swap3A_373 = arith.index_cast %sub3A_357 : i32 to index
              %swap3A_374 = arith.constant 48 : index
              %swap3A_375 = tpu.vector_load %arg14[%swap3A_373, %swap3A_374] {strides = array<i32>} : memref<64x256xf32, #tpu.memory_space<vmem>>, vector<16xf32>,
              tpu.vector_store %arg14[%swap3A_373, %swap3A_374], %mul3A_372 {strides = array<i32>} : memref<64x256xf32, #tpu.memory_space<vmem>>, vector<16xf32>,
              %mul3A_376 = arith.mulf %while3A_259, %div3A_360 : vector<16xf32>
              %swap3A_377 = arith.index_cast %sub3A_357 : i32 to index
              %swap3A_378 = arith.constant 64 : index
              %swap3A_379 = tpu.vector_load %arg14[%swap3A_377, %swap3A_378] {strides = array<i32>} : memref<64x256xf32, #tpu.memory_space<vmem>>, vector<16xf32>,
              tpu.vector_store %arg14[%swap3A_377, %swap3A_378], %mul3A_376 {strides = array<i32>} : memref<64x256xf32, #tpu.memory_space<vmem>>, vector<16xf32>,
              %mul3A_380 = arith.mulf %while3A_260, %div3A_360 : vector<16xf32>
              %swap3A_381 = arith.index_cast %sub3A_357 : i32 to index
              %swap3A_382 = arith.constant 80 : index
              %swap3A_383 = tpu.vector_load %arg14[%swap3A_381, %swap3A_382] {strides = array<i32>} : memref<64x256xf32, #tpu.memory_space<vmem>>, vector<16xf32>,
              tpu.vector_store %arg14[%swap3A_381, %swap3A_382], %mul3A_380 {strides = array<i32>} : memref<64x256xf32, #tpu.memory_space<vmem>>, vector<16xf32>,
              %mul3A_384 = arith.mulf %while3A_261, %div3A_360 : vector<16xf32>
              %swap3A_385 = arith.index_cast %sub3A_357 : i32 to index
              %swap3A_386 = arith.constant 96 : index
              %swap3A_387 = tpu.vector_load %arg14[%swap3A_385, %swap3A_386] {strides = array<i32>} : memref<64x256xf32, #tpu.memory_space<vmem>>, vector<16xf32>,
              tpu.vector_store %arg14[%swap3A_385, %swap3A_386], %mul3A_384 {strides = array<i32>} : memref<64x256xf32, #tpu.memory_space<vmem>>, vector<16xf32>,
              %mul3A_388 = arith.mulf %while3A_262, %div3A_360 : vector<16xf32>
              %swap3A_389 = arith.index_cast %sub3A_357 : i32 to index
              %swap3A_390 = arith.constant 112 : index
              %swap3A_391 = tpu.vector_load %arg14[%swap3A_389, %swap3A_390] {strides = array<i32>} : memref<64x256xf32, #tpu.memory_space<vmem>>, vector<16xf32>,
              tpu.vector_store %arg14[%swap3A_389, %swap3A_390], %mul3A_388 {strides = array<i32>} : memref<64x256xf32, #tpu.memory_space<vmem>>, vector<16xf32>,
              %mul3A_392 = arith.mulf %while3A_263, %div3A_360 : vector<16xf32>
              %swap3A_393 = arith.index_cast %sub3A_357 : i32 to index
              %swap3A_394 = arith.constant 128 : index
              %swap3A_395 = tpu.vector_load %arg14[%swap3A_393, %swap3A_394] {strides = array<i32>} : memref<64x256xf32, #tpu.memory_space<vmem>>, vector<16xf32>,
              tpu.vector_store %arg14[%swap3A_393, %swap3A_394], %mul3A_392 {strides = array<i32>} : memref<64x256xf32, #tpu.memory_space<vmem>>, vector<16xf32>,
              %mul3A_396 = arith.mulf %while3A_264, %div3A_360 : vector<16xf32>
              %swap3A_397 = arith.index_cast %sub3A_357 : i32 to index
              %swap3A_398 = arith.constant 144 : index
              %swap3A_399 = tpu.vector_load %arg14[%swap3A_397, %swap3A_398] {strides = array<i32>} : memref<64x256xf32, #tpu.memory_space<vmem>>, vector<16xf32>,
              tpu.vector_store %arg14[%swap3A_397, %swap3A_398], %mul3A_396 {strides = array<i32>} : memref<64x256xf32, #tpu.memory_space<vmem>>, vector<16xf32>,
              %mul3A_400 = arith.mulf %while3A_265, %div3A_360 : vector<16xf32>
              %swap3A_401 = arith.index_cast %sub3A_357 : i32 to index
              %swap3A_402 = arith.constant 160 : index
              %swap3A_403 = tpu.vector_load %arg14[%swap3A_401, %swap3A_402] {strides = array<i32>} : memref<64x256xf32, #tpu.memory_space<vmem>>, vector<16xf32>,
              tpu.vector_store %arg14[%swap3A_401, %swap3A_402], %mul3A_400 {strides = array<i32>} : memref<64x256xf32, #tpu.memory_space<vmem>>, vector<16xf32>,
              %mul3A_404 = arith.mulf %while3A_266, %div3A_360 : vector<16xf32>
              %swap3A_405 = arith.index_cast %sub3A_357 : i32 to index
              %swap3A_406 = arith.constant 176 : index
              %swap3A_407 = tpu.vector_load %arg14[%swap3A_405, %swap3A_406] {strides = array<i32>} : memref<64x256xf32, #tpu.memory_space<vmem>>, vector<16xf32>,
              tpu.vector_store %arg14[%swap3A_405, %swap3A_406], %mul3A_404 {strides = array<i32>} : memref<64x256xf32, #tpu.memory_space<vmem>>, vector<16xf32>,
              %mul3A_408 = arith.mulf %while3A_267, %div3A_360 : vector<16xf32>
              %swap3A_409 = arith.index_cast %sub3A_357 : i32 to index
              %swap3A_410 = arith.constant 192 : index
              %swap3A_411 = tpu.vector_load %arg14[%swap3A_409, %swap3A_410] {strides = array<i32>} : memref<64x256xf32, #tpu.memory_space<vmem>>, vector<16xf32>,
              tpu.vector_store %arg14[%swap3A_409, %swap3A_410], %mul3A_408 {strides = array<i32>} : memref<64x256xf32, #tpu.memory_space<vmem>>, vector<16xf32>,
              %mul3A_412 = arith.mulf %while3A_268, %div3A_360 : vector<16xf32>
              %swap3A_413 = arith.index_cast %sub3A_357 : i32 to index
              %swap3A_414 = arith.constant 208 : index
              %swap3A_415 = tpu.vector_load %arg14[%swap3A_413, %swap3A_414] {strides = array<i32>} : memref<64x256xf32, #tpu.memory_space<vmem>>, vector<16xf32>,
              tpu.vector_store %arg14[%swap3A_413, %swap3A_414], %mul3A_412 {strides = array<i32>} : memref<64x256xf32, #tpu.memory_space<vmem>>, vector<16xf32>,
              %mul3A_416 = arith.mulf %while3A_269, %div3A_360 : vector<16xf32>
              %swap3A_417 = arith.index_cast %sub3A_357 : i32 to index
              %swap3A_418 = arith.constant 224 : index
              %swap3A_419 = tpu.vector_load %arg14[%swap3A_417, %swap3A_418] {strides = array<i32>} : memref<64x256xf32, #tpu.memory_space<vmem>>, vector<16xf32>,
              tpu.vector_store %arg14[%swap3A_417, %swap3A_418], %mul3A_416 {strides = array<i32>} : memref<64x256xf32, #tpu.memory_space<vmem>>, vector<16xf32>,
              %mul3A_420 = arith.mulf %while3A_270, %div3A_360 : vector<16xf32>
              %swap3A_421 = arith.index_cast %sub3A_357 : i32 to index
              %swap3A_422 = arith.constant 240 : index
              %swap3A_423 = tpu.vector_load %arg14[%swap3A_421, %swap3A_422] {strides = array<i32>} : memref<64x256xf32, #tpu.memory_space<vmem>>, vector<16xf32>,
              tpu.vector_store %arg14[%swap3A_421, %swap3A_422], %mul3A_420 {strides = array<i32>} : memref<64x256xf32, #tpu.memory_space<vmem>>, vector<16xf32>,
              scf.yield %while3A_356 : i32
            } else {
              scf.yield %while3A_236 : i32
            }
            %and3A_300 = arith.constant -128 : i32
            %and3A_301 = arith.andi %squeeze3A_274, %and3A_300 : i32
            %ne3A_302 = arith.cmpi ne, %and3A_301, %while3A_237 : i32
            %convert_element_type3A_303 = arith.extui %ne3A_302 : i1 to i32
            %cond3A_304 = arith.constant 0 : i32
            %cond3A_305 = arith.cmpi ne, %convert_element_type3A_303, %cond3A_304 : i32
            scf.if %cond3A_305 {
              %multiple_of3A_356 = tpu.assume_multiple %and3A_301, 8 : i32
              "tpu.region"() ({
                %run_scoped3A = tpu.sem_alloc : memref<!tpu.dma_semaphore, #tpu.memory_space<semaphore_mem>>
                %dma_start3A = arith.constant 0 : i32
                %dma_start3A_357 = tpu.memref_slice %arg2[%multiple_of3A_356, %dma_start3A] : memref<10112x256xf32, #tpu.memory_space<hbm>> -> memref<128x256xf32, #tpu.memory_space<hbm>>
                %dma_start3A_358 = arith.constant 0 : i32
                %dma_start3A_359 = tpu.memref_slice %arg2[%multiple_of3A_356, %dma_start3A_358] : memref<10112x256xf32, #tpu.memory_space<hbm>> -> memref<128x256xf32, #tpu.memory_space<hbm>>
                tpu.enqueue_dma source(%dma_start3A_359 : memref<128x256xf32, #tpu.memory_space<hbm>>) target(%arg15 : memref<128x256xf32, #tpu.memory_space<vmem>>) target_semaphore(%run_scoped3A : memref<!tpu.dma_semaphore, #tpu.memory_space<semaphore_mem>>)
                %dma_wait3A_360 = arith.constant 0 : i32
                %dma_wait3A_361 = tpu.memref_slice %arg2[%multiple_of3A_356, %dma_wait3A_360] : memref<10112x256xf32, #tpu.memory_space<hbm>> -> memref<128x256xf32, #tpu.memory_space<hbm>>
                %dma_wait3A_362 = arith.constant 0 : i32
                %dma_wait3A_363 = tpu.memref_slice %arg2[%multiple_of3A_356, %dma_wait3A_362] : memref<10112x256xf32, #tpu.memory_space<hbm>> -> memref<128x256xf32, #tpu.memory_space<hbm>>
                tpu.wait_dma2 semaphore(%run_scoped3A : memref<!tpu.dma_semaphore, #tpu.memory_space<semaphore_mem>>) src(%dma_wait3A_363 : memref<128x256xf32, #tpu.memory_space<hbm>>) dst(%arg15 : memref<128x256xf32, #tpu.memory_space<vmem>>)
                tpu.yield
              }) : () -> ()
            } else {
            }
            %and3A_306 = arith.constant 127 : i32
            %and3A_307 = arith.andi %squeeze3A_274, %and3A_306 : i32
            %get3A_308 = arith.index_cast %and3A_307 : i32 to index
            %get3A_309 = arith.constant 0 : index
            %get3A_310 = tpu.vector_load %arg15[%get3A_308, %get3A_309] {strides = array<i32>} : memref<128x256xf32, #tpu.memory_space<vmem>>, vector<16xf32>,
            %get3A_311 = arith.index_cast %and3A_307 : i32 to index
            %get3A_312 = arith.constant 16 : index
            %get3A_313 = tpu.vector_load %arg15[%get3A_311, %get3A_312] {strides = array<i32>} : memref<128x256xf32, #tpu.memory_space<vmem>>, vector<16xf32>,
            %get3A_314 = arith.index_cast %and3A_307 : i32 to index
            %get3A_315 = arith.constant 32 : index
            %get3A_316 = tpu.vector_load %arg15[%get3A_314, %get3A_315] {strides = array<i32>} : memref<128x256xf32, #tpu.memory_space<vmem>>, vector<16xf32>,
            %get3A_317 = arith.index_cast %and3A_307 : i32 to index
            %get3A_318 = arith.constant 48 : index
            %get3A_319 = tpu.vector_load %arg15[%get3A_317, %get3A_318] {strides = array<i32>} : memref<128x256xf32, #tpu.memory_space<vmem>>, vector<16xf32>,
            %get3A_320 = arith.index_cast %and3A_307 : i32 to index
            %get3A_321 = arith.constant 64 : index
            %get3A_322 = tpu.vector_load %arg15[%get3A_320, %get3A_321] {strides = array<i32>} : memref<128x256xf32, #tpu.memory_space<vmem>>, vector<16xf32>,
            %get3A_323 = arith.index_cast %and3A_307 : i32 to index
            %get3A_324 = arith.constant 80 : index
            %get3A_325 = tpu.vector_load %arg15[%get3A_323, %get3A_324] {strides = array<i32>} : memref<128x256xf32, #tpu.memory_space<vmem>>, vector<16xf32>,
            %get3A_326 = arith.index_cast %and3A_307 : i32 to index
            %get3A_327 = arith.constant 96 : index
            %get3A_328 = tpu.vector_load %arg15[%get3A_326, %get3A_327] {strides = array<i32>} : memref<128x256xf32, #tpu.memory_space<vmem>>, vector<16xf32>,
            %get3A_329 = arith.index_cast %and3A_307 : i32 to index
            %get3A_330 = arith.constant 112 : index
            %get3A_331 = tpu.vector_load %arg15[%get3A_329, %get3A_330] {strides = array<i32>} : memref<128x256xf32, #tpu.memory_space<vmem>>, vector<16xf32>,
            %get3A_332 = arith.index_cast %and3A_307 : i32 to index
            %get3A_333 = arith.constant 128 : index
            %get3A_334 = tpu.vector_load %arg15[%get3A_332, %get3A_333] {strides = array<i32>} : memref<128x256xf32, #tpu.memory_space<vmem>>, vector<16xf32>,
            %get3A_335 = arith.index_cast %and3A_307 : i32 to index
            %get3A_336 = arith.constant 144 : index
            %get3A_337 = tpu.vector_load %arg15[%get3A_335, %get3A_336] {strides = array<i32>} : memref<128x256xf32, #tpu.memory_space<vmem>>, vector<16xf32>,
            %get3A_338 = arith.index_cast %and3A_307 : i32 to index
            %get3A_339 = arith.constant 160 : index
            %get3A_340 = tpu.vector_load %arg15[%get3A_338, %get3A_339] {strides = array<i32>} : memref<128x256xf32, #tpu.memory_space<vmem>>, vector<16xf32>,
            %get3A_341 = arith.index_cast %and3A_307 : i32 to index
            %get3A_342 = arith.constant 176 : index
            %get3A_343 = tpu.vector_load %arg15[%get3A_341, %get3A_342] {strides = array<i32>} : memref<128x256xf32, #tpu.memory_space<vmem>>, vector<16xf32>,
            %get3A_344 = arith.index_cast %and3A_307 : i32 to index
            %get3A_345 = arith.constant 192 : index
            %get3A_346 = tpu.vector_load %arg15[%get3A_344, %get3A_345] {strides = array<i32>} : memref<128x256xf32, #tpu.memory_space<vmem>>, vector<16xf32>,
            %get3A_347 = arith.index_cast %and3A_307 : i32 to index
            %get3A_348 = arith.constant 208 : index
            %get3A_349 = tpu.vector_load %arg15[%get3A_347, %get3A_348] {strides = array<i32>} : memref<128x256xf32, #tpu.memory_space<vmem>>, vector<16xf32>,
            %get3A_350 = arith.index_cast %and3A_307 : i32 to index
            %get3A_351 = arith.constant 224 : index
            %get3A_352 = tpu.vector_load %arg15[%get3A_350, %get3A_351] {strides = array<i32>} : memref<128x256xf32, #tpu.memory_space<vmem>>, vector<16xf32>,
            %get3A_353 = arith.index_cast %and3A_307 : i32 to index
            %get3A_354 = arith.constant 240 : index
            %get3A_355 = tpu.vector_load %arg15[%get3A_353, %get3A_354] {strides = array<i32>} : memref<128x256xf32, #tpu.memory_space<vmem>>, vector<16xf32>,
            scf.yield %squeeze3A_274, %cond3A_299, %and3A_301, %broadcast_in_dim3A_22, %get3A_310, %get3A_313, %get3A_316, %get3A_319, %get3A_322, %get3A_325, %get3A_328, %get3A_331, %get3A_334, %get3A_337, %get3A_340, %get3A_343, %get3A_346, %get3A_349, %get3A_352, %get3A_355, %broadcast_in_dim3A_22, %broadcast_in_dim3A_22, %broadcast_in_dim3A_22, %broadcast_in_dim3A_22, %broadcast_in_dim3A_22, %broadcast_in_dim3A_22, %broadcast_in_dim3A_22, %broadcast_in_dim3A_22, %broadcast_in_dim3A_22, %broadcast_in_dim3A_22, %broadcast_in_dim3A_22, %broadcast_in_dim3A_22, %broadcast_in_dim3A_22, %broadcast_in_dim3A_22, %broadcast_in_dim3A_22, %broadcast_in_dim3A_22 : i32, i32, i32, vector<16xf32>, vector<16xf32>, vector<16xf32>, vector<16xf32>, vector<16xf32>, vector<16xf32>, vector<16xf32>, vector<16xf32>, vector<16xf32>, vector<16xf32>, vector<16xf32>, vector<16xf32>, vector<16xf32>, vector<16xf32>, vector<16xf32>, vector<16xf32>, vector<16xf32>, vector<16xf32>, vector<16xf32>, vector<16xf32>, vector<16xf32>, vector<16xf32>, vector<16xf32>, vector<16xf32>, vector<16xf32>, vector<16xf32>, vector<16xf32>, vector<16xf32>, vector<16xf32>, vector<16xf32>, vector<16xf32>, vector<16xf32>, vector<16xf32>
          } else {
            scf.yield %while3A_235, %while3A_236, %while3A_237, %while3A_238, %while3A_239, %while3A_240, %while3A_241, %while3A_242, %while3A_243, %while3A_244, %while3A_245, %while3A_246, %while3A_247, %while3A_248, %while3A_249, %while3A_250, %while3A_251, %while3A_252, %while3A_253, %while3A_254, %while3A_255, %while3A_256, %while3A_257, %while3A_258, %while3A_259, %while3A_260, %while3A_261, %while3A_262, %while3A_263, %while3A_264, %while3A_265, %while3A_266, %while3A_267, %while3A_268, %while3A_269, %while3A_270 : i32, i32, i32, vector<16xf32>, vector<16xf32>, vector<16xf32>, vector<16xf32>, vector<16xf32>, vector<16xf32>, vector<16xf32>, vector<16xf32>, vector<16xf32>, vector<16xf32>, vector<16xf32>, vector<16xf32>, vector<16xf32>, vector<16xf32>, vector<16xf32>, vector<16xf32>, vector<16xf32>, vector<16xf32>, vector<16xf32>, vector<16xf32>, vector<16xf32>, vector<16xf32>, vector<16xf32>, vector<16xf32>, vector<16xf32>, vector<16xf32>, vector<16xf32>, vector<16xf32>, vector<16xf32>, vector<16xf32>, vector<16xf32>, vector<16xf32>, vector<16xf32>
          }
          %while3A_280 = arith.constant 16 : i32
          %while3A_281:2 = scf.while (%while3A_290 = %while3A_234, %while3A_291 = %while3A_280) : (i32, i32) -> (i32, i32) {
            %ge3A_292 = arith.constant 16 : i32
            %ge3A_293 = arith.cmpi sge, %while3A_291, %ge3A_292 : i32
            scf.condition(%ge3A_293) %while3A_290, %while3A_291 : i32, i32
          } do {
          ^bb0(%while3A_290: i32, %while3A_291: i32):
            %get3A_292 = arith.index_cast %while3A_290 : i32 to index
            %get3A_293 = tpu.vector_load %arg9[%get3A_292] {strides = array<i32>} : memref<144xi32, #tpu.memory_space<vmem>>, vector<16xi32>,
            %ne3A_294 = vector.broadcast %squeeze3A_274 : i32 to vector<16xi32>
            %ne3A_295 = arith.cmpi ne, %get3A_293, %ne3A_294 : vector<16xi32>
            %sub3A_296 = arith.constant 128 : i32
            %sub3A_297 = arith.subi %sub3A_296, %while3A_290 : i32
            %ge3A_298 = vector.broadcast %sub3A_297 : i32 to vector<16xi32>
            %ge3A_299 = arith.cmpi sge, %iota3A, %ge3A_298 : vector<16xi32>
            %or3A = arith.ori %ne3A_295, %ge3A_299 : vector<16xi1>
            %all_reduce_ffs3A = tpu.all_reduce %or3A {dim = 0 : i64, kind = #tpu.reduction_kind<find_first_set>} : vector<16xi1> -> vector<16xi32>
            %slice3A_300 = vector.extract_strided_slice %all_reduce_ffs3A {offsets = [0], sizes = [1], strides = [1]} : vector<16xi32> to vector<1xi32>
            %squeeze3A_301 = vector.extract %slice3A_300[0] : i32 from vector<1xi32>
            %add3A_302 = arith.addi %while3A_290, %squeeze3A_301 : i32
            scf.yield %add3A_302, %squeeze3A_301 : i32, i32
          }
          %add3A_282 = arith.addi %multiple_of3A_231, %while3A_234 : i32
          %ge3A = arith.cmpi sge, %add3A_282, %squeeze3A : i32
          %add3A_283 = arith.addi %multiple_of3A_231, %while3A_234 : i32
          %lt3A_284 = arith.cmpi slt, %add3A_283, %squeeze3A_7 : i32
          %and3A_285 = arith.andi %ge3A, %lt3A_284 : i1
          %convert_element_type3A_286 = arith.extui %and3A_285 : i1 to i32
          %cond3A_287 = arith.constant 0 : i32
          %cond3A_288 = arith.cmpi ne, %convert_element_type3A_286, %cond3A_287 : i32
          %cond3A_289:17 = scf.if %cond3A_288 -> (vector<16xf32>, vector<16xf32>, vector<16xf32>, vector<16xf32>, vector<16xf32>, vector<16xf32>, vector<16xf32>, vector<16xf32>, vector<16xf32>, vector<16xf32>, vector<16xf32>, vector<16xf32>, vector<16xf32>, vector<16xf32>, vector<16xf32>, vector<16xf32>, vector<16xf32>) {
            %parallel_loop3A = arith.constant 1 : i32
            %parallel_loop3A_290:17 = scf.for %parallel_loop3A_291 = %while3A_234 to %while3A_281#0 step %parallel_loop3A iter_args(%parallel_loop3A_292 = %cond3A_279#3, %parallel_loop3A_293 = %cond3A_279#20, %parallel_loop3A_294 = %cond3A_279#21, %parallel_loop3A_295 = %cond3A_279#22, %parallel_loop3A_296 = %cond3A_279#23, %parallel_loop3A_297 = %cond3A_279#24, %parallel_loop3A_298 = %cond3A_279#25, %parallel_loop3A_299 = %cond3A_279#26, %parallel_loop3A_300 = %cond3A_279#27, %parallel_loop3A_301 = %cond3A_279#28, %parallel_loop3A_302 = %cond3A_279#29, %parallel_loop3A_303 = %cond3A_279#30, %parallel_loop3A_304 = %cond3A_279#31, %parallel_loop3A_305 = %cond3A_279#32, %parallel_loop3A_306 = %cond3A_279#33, %parallel_loop3A_307 = %cond3A_279#34, %parallel_loop3A_308 = %cond3A_279#35) -> (vector<16xf32>, vector<16xf32>, vector<16xf32>, vector<16xf32>, vector<16xf32>, vector<16xf32>, vector<16xf32>, vector<16xf32>, vector<16xf32>, vector<16xf32>, vector<16xf32>, vector<16xf32>, vector<16xf32>, vector<16xf32>, vector<16xf32>, vector<16xf32>, vector<16xf32>)  : i32 {
              %parallel_loop3A_309 = arith.index_cast %parallel_loop3A_291 : i32 to index
              %parallel_loop3A_310 = arith.constant 0 : index
              %parallel_loop3A_311 = tpu.vector_load %arg13[%parallel_loop3A_309, %parallel_loop3A_310] {strides = array<i32>} : memref<128x256xf32, #tpu.memory_space<vmem>>, vector<16xf32>,
              %parallel_loop3A_312 = arith.index_cast %parallel_loop3A_291 : i32 to index
              %parallel_loop3A_313 = arith.constant 16 : index
              %parallel_loop3A_314 = tpu.vector_load %arg13[%parallel_loop3A_312, %parallel_loop3A_313] {strides = array<i32>} : memref<128x256xf32, #tpu.memory_space<vmem>>, vector<16xf32>,
              %parallel_loop3A_315 = arith.index_cast %parallel_loop3A_291 : i32 to index
              %parallel_loop3A_316 = arith.constant 32 : index
              %parallel_loop3A_317 = tpu.vector_load %arg13[%parallel_loop3A_315, %parallel_loop3A_316] {strides = array<i32>} : memref<128x256xf32, #tpu.memory_space<vmem>>, vector<16xf32>,
              %parallel_loop3A_318 = arith.index_cast %parallel_loop3A_291 : i32 to index
              %parallel_loop3A_319 = arith.constant 48 : index
              %parallel_loop3A_320 = tpu.vector_load %arg13[%parallel_loop3A_318, %parallel_loop3A_319] {strides = array<i32>} : memref<128x256xf32, #tpu.memory_space<vmem>>, vector<16xf32>,
              %parallel_loop3A_321 = arith.index_cast %parallel_loop3A_291 : i32 to index
              %parallel_loop3A_322 = arith.constant 64 : index
              %parallel_loop3A_323 = tpu.vector_load %arg13[%parallel_loop3A_321, %parallel_loop3A_322] {strides = array<i32>} : memref<128x256xf32, #tpu.memory_space<vmem>>, vector<16xf32>,
              %parallel_loop3A_324 = arith.index_cast %parallel_loop3A_291 : i32 to index
              %parallel_loop3A_325 = arith.constant 80 : index
              %parallel_loop3A_326 = tpu.vector_load %arg13[%parallel_loop3A_324, %parallel_loop3A_325] {strides = array<i32>} : memref<128x256xf32, #tpu.memory_space<vmem>>, vector<16xf32>,
              %parallel_loop3A_327 = arith.index_cast %parallel_loop3A_291 : i32 to index
              %parallel_loop3A_328 = arith.constant 96 : index
              %parallel_loop3A_329 = tpu.vector_load %arg13[%parallel_loop3A_327, %parallel_loop3A_328] {strides = array<i32>} : memref<128x256xf32, #tpu.memory_space<vmem>>, vector<16xf32>,
              %parallel_loop3A_330 = arith.index_cast %parallel_loop3A_291 : i32 to index
              %parallel_loop3A_331 = arith.constant 112 : index
              %parallel_loop3A_332 = tpu.vector_load %arg13[%parallel_loop3A_330, %parallel_loop3A_331] {strides = array<i32>} : memref<128x256xf32, #tpu.memory_space<vmem>>, vector<16xf32>,
              %parallel_loop3A_333 = arith.index_cast %parallel_loop3A_291 : i32 to index
              %parallel_loop3A_334 = arith.constant 128 : index
              %parallel_loop3A_335 = tpu.vector_load %arg13[%parallel_loop3A_333, %parallel_loop3A_334] {strides = array<i32>} : memref<128x256xf32, #tpu.memory_space<vmem>>, vector<16xf32>,
              %parallel_loop3A_336 = arith.index_cast %parallel_loop3A_291 : i32 to index
              %parallel_loop3A_337 = arith.constant 144 : index
              %parallel_loop3A_338 = tpu.vector_load %arg13[%parallel_loop3A_336, %parallel_loop3A_337] {strides = array<i32>} : memref<128x256xf32, #tpu.memory_space<vmem>>, vector<16xf32>,
              %parallel_loop3A_339 = arith.index_cast %parallel_loop3A_291 : i32 to index
              %parallel_loop3A_340 = arith.constant 160 : index
              %parallel_loop3A_341 = tpu.vector_load %arg13[%parallel_loop3A_339, %parallel_loop3A_340] {strides = array<i32>} : memref<128x256xf32, #tpu.memory_space<vmem>>, vector<16xf32>,
              %parallel_loop3A_342 = arith.index_cast %parallel_loop3A_291 : i32 to index
              %parallel_loop3A_343 = arith.constant 176 : index
              %parallel_loop3A_344 = tpu.vector_load %arg13[%parallel_loop3A_342, %parallel_loop3A_343] {strides = array<i32>} : memref<128x256xf32, #tpu.memory_space<vmem>>, vector<16xf32>,
              %parallel_loop3A_345 = arith.index_cast %parallel_loop3A_291 : i32 to index
              %parallel_loop3A_346 = arith.constant 192 : index
              %parallel_loop3A_347 = tpu.vector_load %arg13[%parallel_loop3A_345, %parallel_loop3A_346] {strides = array<i32>} : memref<128x256xf32, #tpu.memory_space<vmem>>, vector<16xf32>,
              %parallel_loop3A_348 = arith.index_cast %parallel_loop3A_291 : i32 to index
              %parallel_loop3A_349 = arith.constant 208 : index
              %parallel_loop3A_350 = tpu.vector_load %arg13[%parallel_loop3A_348, %parallel_loop3A_349] {strides = array<i32>} : memref<128x256xf32, #tpu.memory_space<vmem>>, vector<16xf32>,
              %parallel_loop3A_351 = arith.index_cast %parallel_loop3A_291 : i32 to index
              %parallel_loop3A_352 = arith.constant 224 : index
              %parallel_loop3A_353 = tpu.vector_load %arg13[%parallel_loop3A_351, %parallel_loop3A_352] {strides = array<i32>} : memref<128x256xf32, #tpu.memory_space<vmem>>, vector<16xf32>,
              %parallel_loop3A_354 = arith.index_cast %parallel_loop3A_291 : i32 to index
              %parallel_loop3A_355 = arith.constant 240 : index
              %parallel_loop3A_356 = tpu.vector_load %arg13[%parallel_loop3A_354, %parallel_loop3A_355] {strides = array<i32>} : memref<128x256xf32, #tpu.memory_space<vmem>>, vector<16xf32>,
              %parallel_loop3A_357 = arith.mulf %cond3A_279#4, %parallel_loop3A_311 : vector<16xf32>
              %parallel_loop3A_358 = arith.mulf %cond3A_279#5, %parallel_loop3A_314 : vector<16xf32>
              %parallel_loop3A_359 = arith.mulf %cond3A_279#6, %parallel_loop3A_317 : vector<16xf32>
              %parallel_loop3A_360 = arith.mulf %cond3A_279#7, %parallel_loop3A_320 : vector<16xf32>
              %parallel_loop3A_361 = arith.mulf %cond3A_279#8, %parallel_loop3A_323 : vector<16xf32>
              %parallel_loop3A_362 = arith.mulf %cond3A_279#9, %parallel_loop3A_326 : vector<16xf32>
              %parallel_loop3A_363 = arith.mulf %cond3A_279#10, %parallel_loop3A_329 : vector<16xf32>
              %parallel_loop3A_364 = arith.mulf %cond3A_279#11, %parallel_loop3A_332 : vector<16xf32>
              %parallel_loop3A_365 = arith.mulf %cond3A_279#12, %parallel_loop3A_335 : vector<16xf32>
              %parallel_loop3A_366 = arith.mulf %cond3A_279#13, %parallel_loop3A_338 : vector<16xf32>
              %parallel_loop3A_367 = arith.mulf %cond3A_279#14, %parallel_loop3A_341 : vector<16xf32>
              %parallel_loop3A_368 = arith.mulf %cond3A_279#15, %parallel_loop3A_344 : vector<16xf32>
              %parallel_loop3A_369 = arith.mulf %cond3A_279#16, %parallel_loop3A_347 : vector<16xf32>
              %parallel_loop3A_370 = arith.mulf %cond3A_279#17, %parallel_loop3A_350 : vector<16xf32>
              %parallel_loop3A_371 = arith.mulf %cond3A_279#18, %parallel_loop3A_353 : vector<16xf32>
              %parallel_loop3A_372 = arith.mulf %cond3A_279#19, %parallel_loop3A_356 : vector<16xf32>
              %parallel_loop3A_373 = arith.addf %parallel_loop3A_357, %parallel_loop3A_358 : vector<16xf32>
              %parallel_loop3A_374 = arith.addf %parallel_loop3A_359, %parallel_loop3A_360 : vector<16xf32>
              %parallel_loop3A_375 = arith.addf %parallel_loop3A_361, %parallel_loop3A_362 : vector<16xf32>
              %parallel_loop3A_376 = arith.addf %parallel_loop3A_363, %parallel_loop3A_364 : vector<16xf32>
              %parallel_loop3A_377 = arith.addf %parallel_loop3A_365, %parallel_loop3A_366 : vector<16xf32>
              %parallel_loop3A_378 = arith.addf %parallel_loop3A_367, %parallel_loop3A_368 : vector<16xf32>
              %parallel_loop3A_379 = arith.addf %parallel_loop3A_369, %parallel_loop3A_370 : vector<16xf32>
              %parallel_loop3A_380 = arith.addf %parallel_loop3A_371, %parallel_loop3A_372 : vector<16xf32>
              %parallel_loop3A_381 = arith.addf %parallel_loop3A_373, %parallel_loop3A_374 : vector<16xf32>
              %parallel_loop3A_382 = arith.addf %parallel_loop3A_375, %parallel_loop3A_376 : vector<16xf32>
              %parallel_loop3A_383 = arith.addf %parallel_loop3A_377, %parallel_loop3A_378 : vector<16xf32>
              %parallel_loop3A_384 = arith.addf %parallel_loop3A_379, %parallel_loop3A_380 : vector<16xf32>
              %parallel_loop3A_385 = arith.addf %parallel_loop3A_381, %parallel_loop3A_382 : vector<16xf32>
              %parallel_loop3A_386 = arith.addf %parallel_loop3A_383, %parallel_loop3A_384 : vector<16xf32>
              %parallel_loop3A_387 = arith.addf %parallel_loop3A_385, %parallel_loop3A_386 : vector<16xf32>
              %parallel_loop3A_388 = arith.constant true
              %parallel_loop3A_389 = vector.broadcast %parallel_loop3A_388 : i1 to vector<16xi1>
              %parallel_loop3A_390 = tpu.scan <sum>, %parallel_loop3A_387 masked %parallel_loop3A_389 : vector<16xf32>, vector<16xi1> -> vector<16xf32>
              %parallel_loop3A_391 = vector.extract %parallel_loop3A_390[15] : f32 from vector<16xf32>
              %parallel_loop3A_392 = vector.broadcast %parallel_loop3A_391 : f32 to vector<16xf32>
              %parallel_loop3A_393 = math.exp %parallel_loop3A_392 : vector<16xf32>
              %parallel_loop3A_394 = arith.addf %parallel_loop3A_292, %parallel_loop3A_393 : vector<16xf32>
              %parallel_loop3A_395 = arith.mulf %parallel_loop3A_393, %parallel_loop3A_311 : vector<16xf32>
              %parallel_loop3A_396 = arith.addf %parallel_loop3A_293, %parallel_loop3A_395 : vector<16xf32>
              %parallel_loop3A_397 = arith.mulf %parallel_loop3A_393, %parallel_loop3A_314 : vector<16xf32>
              %parallel_loop3A_398 = arith.addf %parallel_loop3A_294, %parallel_loop3A_397 : vector<16xf32>
              %parallel_loop3A_399 = arith.mulf %parallel_loop3A_393, %parallel_loop3A_317 : vector<16xf32>
              %parallel_loop3A_400 = arith.addf %parallel_loop3A_295, %parallel_loop3A_399 : vector<16xf32>
              %parallel_loop3A_401 = arith.mulf %parallel_loop3A_393, %parallel_loop3A_320 : vector<16xf32>
              %parallel_loop3A_402 = arith.addf %parallel_loop3A_296, %parallel_loop3A_401 : vector<16xf32>
              %parallel_loop3A_403 = arith.mulf %parallel_loop3A_393, %parallel_loop3A_323 : vector<16xf32>
              %parallel_loop3A_404 = arith.addf %parallel_loop3A_297, %parallel_loop3A_403 : vector<16xf32>
              %parallel_loop3A_405 = arith.mulf %parallel_loop3A_393, %parallel_loop3A_326 : vector<16xf32>
              %parallel_loop3A_406 = arith.addf %parallel_loop3A_298, %parallel_loop3A_405 : vector<16xf32>
              %parallel_loop3A_407 = arith.mulf %parallel_loop3A_393, %parallel_loop3A_329 : vector<16xf32>
              %parallel_loop3A_408 = arith.addf %parallel_loop3A_299, %parallel_loop3A_407 : vector<16xf32>
              %parallel_loop3A_409 = arith.mulf %parallel_loop3A_393, %parallel_loop3A_332 : vector<16xf32>
              %parallel_loop3A_410 = arith.addf %parallel_loop3A_300, %parallel_loop3A_409 : vector<16xf32>
              %parallel_loop3A_411 = arith.mulf %parallel_loop3A_393, %parallel_loop3A_335 : vector<16xf32>
              %parallel_loop3A_412 = arith.addf %parallel_loop3A_301, %parallel_loop3A_411 : vector<16xf32>
              %parallel_loop3A_413 = arith.mulf %parallel_loop3A_393, %parallel_loop3A_338 : vector<16xf32>
              %parallel_loop3A_414 = arith.addf %parallel_loop3A_302, %parallel_loop3A_413 : vector<16xf32>
              %parallel_loop3A_415 = arith.mulf %parallel_loop3A_393, %parallel_loop3A_341 : vector<16xf32>
              %parallel_loop3A_416 = arith.addf %parallel_loop3A_303, %parallel_loop3A_415 : vector<16xf32>
              %parallel_loop3A_417 = arith.mulf %parallel_loop3A_393, %parallel_loop3A_344 : vector<16xf32>
              %parallel_loop3A_418 = arith.addf %parallel_loop3A_304, %parallel_loop3A_417 : vector<16xf32>
              %parallel_loop3A_419 = arith.mulf %parallel_loop3A_393, %parallel_loop3A_347 : vector<16xf32>
              %parallel_loop3A_420 = arith.addf %parallel_loop3A_305, %parallel_loop3A_419 : vector<16xf32>
              %parallel_loop3A_421 = arith.mulf %parallel_loop3A_393, %parallel_loop3A_350 : vector<16xf32>
              %parallel_loop3A_422 = arith.addf %parallel_loop3A_306, %parallel_loop3A_421 : vector<16xf32>
              %parallel_loop3A_423 = arith.mulf %parallel_loop3A_393, %parallel_loop3A_353 : vector<16xf32>
              %parallel_loop3A_424 = arith.addf %parallel_loop3A_307, %parallel_loop3A_423 : vector<16xf32>
              %parallel_loop3A_425 = arith.mulf %parallel_loop3A_393, %parallel_loop3A_356 : vector<16xf32>
              %parallel_loop3A_426 = arith.addf %parallel_loop3A_308, %parallel_loop3A_425 : vector<16xf32>
              scf.yield %parallel_loop3A_394, %parallel_loop3A_396, %parallel_loop3A_398, %parallel_loop3A_400, %parallel_loop3A_402, %parallel_loop3A_404, %parallel_loop3A_406, %parallel_loop3A_408, %parallel_loop3A_410, %parallel_loop3A_412, %parallel_loop3A_414, %parallel_loop3A_416, %parallel_loop3A_418, %parallel_loop3A_420, %parallel_loop3A_422, %parallel_loop3A_424, %parallel_loop3A_426 : vector<16xf32>, vector<16xf32>, vector<16xf32>, vector<16xf32>, vector<16xf32>, vector<16xf32>, vector<16xf32>, vector<16xf32>, vector<16xf32>, vector<16xf32>, vector<16xf32>, vector<16xf32>, vector<16xf32>, vector<16xf32>, vector<16xf32>, vector<16xf32>, vector<16xf32>
            } {sc.loop_unroll_factor = 2 : i64, sc.parallel_access}
            scf.yield %parallel_loop3A_290#0, %parallel_loop3A_290#1, %parallel_loop3A_290#2, %parallel_loop3A_290#3, %parallel_loop3A_290#4, %parallel_loop3A_290#5, %parallel_loop3A_290#6, %parallel_loop3A_290#7, %parallel_loop3A_290#8, %parallel_loop3A_290#9, %parallel_loop3A_290#10, %parallel_loop3A_290#11, %parallel_loop3A_290#12, %parallel_loop3A_290#13, %parallel_loop3A_290#14, %parallel_loop3A_290#15, %parallel_loop3A_290#16 : vector<16xf32>, vector<16xf32>, vector<16xf32>, vector<16xf32>, vector<16xf32>, vector<16xf32>, vector<16xf32>, vector<16xf32>, vector<16xf32>, vector<16xf32>, vector<16xf32>, vector<16xf32>, vector<16xf32>, vector<16xf32>, vector<16xf32>, vector<16xf32>, vector<16xf32>
          } else {
            scf.yield %cond3A_279#3, %cond3A_279#20, %cond3A_279#21, %cond3A_279#22, %cond3A_279#23, %cond3A_279#24, %cond3A_279#25, %cond3A_279#26, %cond3A_279#27, %cond3A_279#28, %cond3A_279#29, %cond3A_279#30, %cond3A_279#31, %cond3A_279#32, %cond3A_279#33, %cond3A_279#34, %cond3A_279#35 : vector<16xf32>, vector<16xf32>, vector<16xf32>, vector<16xf32>, vector<16xf32>, vector<16xf32>, vector<16xf32>, vector<16xf32>, vector<16xf32>, vector<16xf32>, vector<16xf32>, vector<16xf32>, vector<16xf32>, vector<16xf32>, vector<16xf32>, vector<16xf32>, vector<16xf32>
          }
          scf.yield %while3A_281#0, %cond3A_279#0, %cond3A_279#1, %cond3A_279#2, %cond3A_289#0, %cond3A_279#4, %cond3A_279#5, %cond3A_279#6, %cond3A_279#7, %cond3A_279#8, %cond3A_279#9, %cond3A_279#10, %cond3A_279#11, %cond3A_279#12, %cond3A_279#13, %cond3A_279#14, %cond3A_279#15, %cond3A_279#16, %cond3A_279#17, %cond3A_279#18, %cond3A_279#19, %cond3A_289#1, %cond3A_289#2, %cond3A_289#3, %cond3A_289#4, %cond3A_289#5, %cond3A_289#6, %cond3A_289#7, %cond3A_289#8, %cond3A_289#9, %cond3A_289#10, %cond3A_289#11, %cond3A_289#12, %cond3A_289#13, %cond3A_289#14, %cond3A_289#15, %cond3A_289#16 : i32, i32, i32, i32, vector<16xf32>, vector<16xf32>, vector<16xf32>, vector<16xf32>, vector<16xf32>, vector<16xf32>, vector<16xf32>, vector<16xf32>, vector<16xf32>, vector<16xf32>, vector<16xf32>, vector<16xf32>, vector<16xf32>, vector<16xf32>, vector<16xf32>, vector<16xf32>, vector<16xf32>, vector<16xf32>, vector<16xf32>, vector<16xf32>, vector<16xf32>, vector<16xf32>, vector<16xf32>, vector<16xf32>, vector<16xf32>, vector<16xf32>, vector<16xf32>, vector<16xf32>, vector<16xf32>, vector<16xf32>, vector<16xf32>, vector<16xf32>, vector<16xf32>
        }
        scf.yield %while3A_233#1, %while3A_233#2, %while3A_233#3, %while3A_233#4, %while3A_233#5, %while3A_233#6, %while3A_233#7, %while3A_233#8, %while3A_233#9, %while3A_233#10, %while3A_233#11, %while3A_233#12, %while3A_233#13, %while3A_233#14, %while3A_233#15, %while3A_233#16, %while3A_233#17, %while3A_233#18, %while3A_233#19, %while3A_233#20, %while3A_233#21, %while3A_233#22, %while3A_233#23, %while3A_233#24, %while3A_233#25, %while3A_233#26, %while3A_233#27, %while3A_233#28, %while3A_233#29, %while3A_233#30, %while3A_233#31, %while3A_233#32, %while3A_233#33, %while3A_233#34, %while3A_233#35, %while3A_233#36 : i32, i32, i32, vector<16xf32>, vector<16xf32>, vector<16xf32>, vector<16xf32>, vector<16xf32>, vector<16xf32>, vector<16xf32>, vector<16xf32>, vector<16xf32>, vector<16xf32>, vector<16xf32>, vector<16xf32>, vector<16xf32>, vector<16xf32>, vector<16xf32>, vector<16xf32>, vector<16xf32>, vector<16xf32>, vector<16xf32>, vector<16xf32>, vector<16xf32>, vector<16xf32>, vector<16xf32>, vector<16xf32>, vector<16xf32>, vector<16xf32>, vector<16xf32>, vector<16xf32>, vector<16xf32>, vector<16xf32>, vector<16xf32>, vector<16xf32>, vector<16xf32>
      } else {
        scf.yield %while3A_196#1, %while3A_196#2, %while3A_196#3, %while3A_196#4, %while3A_196#5, %while3A_196#6, %while3A_196#7, %while3A_196#8, %while3A_196#9, %while3A_196#10, %while3A_196#11, %while3A_196#12, %while3A_196#13, %while3A_196#14, %while3A_196#15, %while3A_196#16, %while3A_196#17, %while3A_196#18, %while3A_196#19, %while3A_196#20, %while3A_196#21, %while3A_196#22, %while3A_196#23, %while3A_196#24, %while3A_196#25, %while3A_196#26, %while3A_196#27, %while3A_196#28, %while3A_196#29, %while3A_196#30, %while3A_196#31, %while3A_196#32, %while3A_196#33, %while3A_196#34, %while3A_196#35, %while3A_196#36 : i32, i32, i32, vector<16xf32>, vector<16xf32>, vector<16xf32>, vector<16xf32>, vector<16xf32>, vector<16xf32>, vector<16xf32>, vector<16xf32>, vector<16xf32>, vector<16xf32>, vector<16xf32>, vector<16xf32>, vector<16xf32>, vector<16xf32>, vector<16xf32>, vector<16xf32>, vector<16xf32>, vector<16xf32>, vector<16xf32>, vector<16xf32>, vector<16xf32>, vector<16xf32>, vector<16xf32>, vector<16xf32>, vector<16xf32>, vector<16xf32>, vector<16xf32>, vector<16xf32>, vector<16xf32>, vector<16xf32>, vector<16xf32>, vector<16xf32>, vector<16xf32>
      }
      scf.yield %cond3A_209#0, %cond3A_209#1, %cond3A_209#2, %cond3A_209#3, %cond3A_209#4, %cond3A_209#5, %cond3A_209#6, %cond3A_209#7, %cond3A_209#8, %cond3A_209#9, %cond3A_209#10, %cond3A_209#11, %cond3A_209#12, %cond3A_209#13, %cond3A_209#14, %cond3A_209#15, %cond3A_209#16, %cond3A_209#17, %cond3A_209#18, %cond3A_209#19, %cond3A_209#20, %cond3A_209#21, %cond3A_209#22, %cond3A_209#23, %cond3A_209#24, %cond3A_209#25, %cond3A_209#26, %cond3A_209#27, %cond3A_209#28, %cond3A_209#29, %cond3A_209#30, %cond3A_209#31, %cond3A_209#32, %cond3A_209#33, %cond3A_209#34, %cond3A_209#35 : i32, i32, i32, vector<16xf32>, vector<16xf32>, vector<16xf32>, vector<16xf32>, vector<16xf32>, vector<16xf32>, vector<16xf32>, vector<16xf32>, vector<16xf32>, vector<16xf32>, vector<16xf32>, vector<16xf32>, vector<16xf32>, vector<16xf32>, vector<16xf32>, vector<16xf32>, vector<16xf32>, vector<16xf32>, vector<16xf32>, vector<16xf32>, vector<16xf32>, vector<16xf32>, vector<16xf32>, vector<16xf32>, vector<16xf32>, vector<16xf32>, vector<16xf32>, vector<16xf32>, vector<16xf32>, vector<16xf32>, vector<16xf32>, vector<16xf32>, vector<16xf32>
    }
    %while3A_87 = arith.constant 1 : i32
    %while3A_88:36 = scf.for %while3A_133 = %while3A_84 to %while3A_80 step %while3A_87 iter_args(%while3A_134 = %while3A_86#0, %while3A_135 = %while3A_86#1, %while3A_136 = %while3A_86#2, %while3A_137 = %while3A_86#3, %while3A_138 = %while3A_86#4, %while3A_139 = %while3A_86#5, %while3A_140 = %while3A_86#6, %while3A_141 = %while3A_86#7, %while3A_142 = %while3A_86#8, %while3A_143 = %while3A_86#9, %while3A_144 = %while3A_86#10, %while3A_145 = %while3A_86#11, %while3A_146 = %while3A_86#12, %while3A_147 = %while3A_86#13, %while3A_148 = %while3A_86#14, %while3A_149 = %while3A_86#15, %while3A_150 = %while3A_86#16, %while3A_151 = %while3A_86#17, %while3A_152 = %while3A_86#18, %while3A_153 = %while3A_86#19, %while3A_154 = %while3A_86#20, %while3A_155 = %while3A_86#21, %while3A_156 = %while3A_86#22, %while3A_157 = %while3A_86#23, %while3A_158 = %while3A_86#24, %while3A_159 = %while3A_86#25, %while3A_160 = %while3A_86#26, %while3A_161 = %while3A_86#27, %while3A_162 = %while3A_86#28, %while3A_163 = %while3A_86#29, %while3A_164 = %while3A_86#30, %while3A_165 = %while3A_86#31, %while3A_166 = %while3A_86#32, %while3A_167 = %while3A_86#33, %while3A_168 = %while3A_86#34, %while3A_169 = %while3A_86#35) -> (i32, i32, i32, vector<16xf32>, vector<16xf32>, vector<16xf32>, vector<16xf32>, vector<16xf32>, vector<16xf32>, vector<16xf32>, vector<16xf32>, vector<16xf32>, vector<16xf32>, vector<16xf32>, vector<16xf32>, vector<16xf32>, vector<16xf32>, vector<16xf32>, vector<16xf32>, vector<16xf32>, vector<16xf32>, vector<16xf32>, vector<16xf32>, vector<16xf32>, vector<16xf32>, vector<16xf32>, vector<16xf32>, vector<16xf32>, vector<16xf32>, vector<16xf32>, vector<16xf32>, vector<16xf32>, vector<16xf32>, vector<16xf32>, vector<16xf32>, vector<16xf32>)  : i32 {
      %mul3A_170 = arith.constant 2 : i32
      %mul3A_171 = arith.muli %while3A_133, %mul3A_170 : i32
      %add3A_172 = arith.constant 1 : i32
      %add3A_173 = arith.addi %mul3A_171, %add3A_172 : i32
      %lt3A = arith.cmpi slt, %add3A_173, %select_n3A : i32
      %convert_element_type3A_174 = arith.extui %lt3A : i1 to i32
      %cond3A_175 = arith.constant 0 : i32
      %cond3A_176 = arith.cmpi ne, %convert_element_type3A_174, %cond3A_175 : i32
      scf.if %cond3A_176 {
        %add3A_210 = arith.constant 1 : i32
        %add3A_211 = arith.addi %mul3A_171, %add3A_210 : i32
        %mul3A_212 = arith.constant 128 : i32
        %mul3A_213 = arith.muli %add3A_211, %mul3A_212 : i32
        %add3A_214 = arith.addi %and3A_28, %mul3A_213 : i32
        %multiple_of3A_215 = tpu.assume_multiple %add3A_214, 8 : i32
        "tpu.region"() ({
          %run_scoped3A = tpu.sem_alloc : memref<!tpu.dma_semaphore, #tpu.memory_space<semaphore_mem>>
          %dma_start3A_231 = arith.constant 0 : i32
          %dma_start3A_232 = tpu.memref_slice %arg9[%dma_start3A_231] : memref<144xi32, #tpu.memory_space<vmem>> -> memref<128xi32, #tpu.memory_space<vmem>>
          %dma_start3A_233 = tpu.memref_slice %arg4[%multiple_of3A_215] : memref<160128xi32, #tpu.memory_space<hbm>> -> memref<128xi32, #tpu.memory_space<hbm>>
          %dma_start3A_234 = arith.constant 0 : i32
          %dma_start3A_235 = tpu.memref_slice %arg9[%dma_start3A_234] : memref<144xi32, #tpu.memory_space<vmem>> -> memref<128xi32, #tpu.memory_space<vmem>>
          %dma_start3A_236 = tpu.memref_slice %arg4[%multiple_of3A_215] : memref<160128xi32, #tpu.memory_space<hbm>> -> memref<128xi32, #tpu.memory_space<hbm>>
          tpu.enqueue_dma source(%dma_start3A_236 : memref<128xi32, #tpu.memory_space<hbm>>) target(%dma_start3A_235 : memref<128xi32, #tpu.memory_space<vmem>>) target_semaphore(%run_scoped3A : memref<!tpu.dma_semaphore, #tpu.memory_space<semaphore_mem>>)
          %dma_wait3A_237 = arith.constant 0 : i32
          %dma_wait3A_238 = tpu.memref_slice %arg9[%dma_wait3A_237] : memref<144xi32, #tpu.memory_space<vmem>> -> memref<128xi32, #tpu.memory_space<vmem>>
          %dma_wait3A_239 = tpu.memref_slice %arg4[%multiple_of3A_215] : memref<160128xi32, #tpu.memory_space<hbm>> -> memref<128xi32, #tpu.memory_space<hbm>>
          %dma_wait3A_240 = arith.constant 0 : i32
          %dma_wait3A_241 = tpu.memref_slice %arg9[%dma_wait3A_240] : memref<144xi32, #tpu.memory_space<vmem>> -> memref<128xi32, #tpu.memory_space<vmem>>
          %dma_wait3A_242 = tpu.memref_slice %arg4[%multiple_of3A_215] : memref<160128xi32, #tpu.memory_space<hbm>> -> memref<128xi32, #tpu.memory_space<hbm>>
          tpu.wait_dma2 semaphore(%run_scoped3A : memref<!tpu.dma_semaphore, #tpu.memory_space<semaphore_mem>>) src(%dma_wait3A_242 : memref<128xi32, #tpu.memory_space<hbm>>) dst(%dma_wait3A_241 : memref<128xi32, #tpu.memory_space<vmem>>)
          tpu.yield
        }) : () -> ()
        "tpu.region"() ({
          %run_scoped3A = tpu.sem_alloc : memref<!tpu.dma_semaphore, #tpu.memory_space<semaphore_mem>>
          %dma_start3A_231 = tpu.memref_slice %arg5[%multiple_of3A_215] : memref<160128xi32, #tpu.memory_space<hbm>> -> memref<128xi32, #tpu.memory_space<hbm>>
          %dma_start3A_232 = tpu.memref_slice %arg5[%multiple_of3A_215] : memref<160128xi32, #tpu.memory_space<hbm>> -> memref<128xi32, #tpu.memory_space<hbm>>
          tpu.enqueue_dma source(%dma_start3A_232 : memref<128xi32, #tpu.memory_space<hbm>>) target(%arg11 : memref<128xi32, #tpu.memory_space<vmem>>) target_semaphore(%run_scoped3A : memref<!tpu.dma_semaphore, #tpu.memory_space<semaphore_mem>>)
          %dma_wait3A_233 = tpu.memref_slice %arg5[%multiple_of3A_215] : memref<160128xi32, #tpu.memory_space<hbm>> -> memref<128xi32, #tpu.memory_space<hbm>>
          %dma_wait3A_234 = tpu.memref_slice %arg5[%multiple_of3A_215] : memref<160128xi32, #tpu.memory_space<hbm>> -> memref<128xi32, #tpu.memory_space<hbm>>
          tpu.wait_dma2 semaphore(%run_scoped3A : memref<!tpu.dma_semaphore, #tpu.memory_space<semaphore_mem>>) src(%dma_wait3A_234 : memref<128xi32, #tpu.memory_space<hbm>>) dst(%arg11 : memref<128xi32, #tpu.memory_space<vmem>>)
          tpu.yield
        }) : () -> ()
        %dma_start3A = arith.constant 0 : i32
        %dma_start3A_216 = arith.constant 0 : i32
        %dma_start3A_217 = tpu.memref_slice %arg13[%dma_start3A, %dma_start3A_216] : memref<128x256xf32, #tpu.memory_space<vmem>> -> memref<64x256xf32, #tpu.memory_space<vmem>>
        %dma_start3A_218 = arith.constant 0 : i32
        %dma_start3A_219 = tpu.memref_slice %arg11[%dma_start3A_218] : memref<128xi32, #tpu.memory_space<vmem>> -> memref<64xi32, #tpu.memory_space<vmem>>
        %dma_start3A_220 = arith.constant 0 : i32
        %dma_start3A_221 = arith.constant 0 : i32
        %dma_start3A_222 = tpu.memref_slice %arg3[%dma_start3A_220, %dma_start3A_221] : memref<10000x256xf32, #tpu.memory_space<hbm>> -> memref<10000x256xf32, #tpu.memory_space<hbm>>
        tpu.enqueue_indirect_dma source(%dma_start3A_222 : memref<10000x256xf32, #tpu.memory_space<hbm>>) target(%dma_start3A_217 : memref<64x256xf32, #tpu.memory_space<vmem>>) offsets(%dma_start3A_219 : memref<64xi32, #tpu.memory_space<vmem>>) semaphore(%arg18 : memref<!tpu.dma_semaphore, #tpu.memory_space<semaphore_mem>>)
        %dma_start3A_223 = arith.constant 64 : i32
        %dma_start3A_224 = arith.constant 0 : i32
        %dma_start3A_225 = tpu.memref_slice %arg13[%dma_start3A_223, %dma_start3A_224] : memref<128x256xf32, #tpu.memory_space<vmem>> -> memref<64x256xf32, #tpu.memory_space<vmem>>
        %dma_start3A_226 = arith.constant 64 : i32
        %dma_start3A_227 = tpu.memref_slice %arg11[%dma_start3A_226] : memref<128xi32, #tpu.memory_space<vmem>> -> memref<64xi32, #tpu.memory_space<vmem>>
        %dma_start3A_228 = arith.constant 0 : i32
        %dma_start3A_229 = arith.constant 0 : i32
        %dma_start3A_230 = tpu.memref_slice %arg3[%dma_start3A_228, %dma_start3A_229] : memref<10000x256xf32, #tpu.memory_space<hbm>> -> memref<10000x256xf32, #tpu.memory_space<hbm>>
        tpu.enqueue_indirect_dma source(%dma_start3A_230 : memref<10000x256xf32, #tpu.memory_space<hbm>>) target(%dma_start3A_225 : memref<64x256xf32, #tpu.memory_space<vmem>>) offsets(%dma_start3A_227 : memref<64xi32, #tpu.memory_space<vmem>>) semaphore(%arg18 : memref<!tpu.dma_semaphore, #tpu.memory_space<semaphore_mem>>)
      } else {
      }
      %dma_wait3A = arith.constant 0 : i32
      %dma_wait3A_177 = arith.constant 0 : i32
      %dma_wait3A_178 = tpu.memref_slice %arg12[%dma_wait3A, %dma_wait3A_177] : memref<128x256xf32, #tpu.memory_space<vmem>> -> memref<64x256xf32, #tpu.memory_space<vmem>>
      %dma_wait3A_179 = arith.constant 0 : i32
      %dma_wait3A_180 = tpu.memref_slice %arg10[%dma_wait3A_179] : memref<128xi32, #tpu.memory_space<vmem>> -> memref<64xi32, #tpu.memory_space<vmem>>
      %dma_wait3A_181 = arith.constant 0 : i32
      %dma_wait3A_182 = arith.constant 0 : i32
      %dma_wait3A_183 = tpu.memref_slice %arg3[%dma_wait3A_181, %dma_wait3A_182] : memref<10000x256xf32, #tpu.memory_space<hbm>> -> memref<10000x256xf32, #tpu.memory_space<hbm>>
      tpu.wait_indirect_dma semaphore(%arg17 : memref<!tpu.dma_semaphore, #tpu.memory_space<semaphore_mem>>) src(%dma_wait3A_183 : memref<10000x256xf32, #tpu.memory_space<hbm>>) dst(%dma_wait3A_178 : memref<64x256xf32, #tpu.memory_space<vmem>>)
      %dma_wait3A_184 = arith.constant 64 : i32
      %dma_wait3A_185 = arith.constant 0 : i32
      %dma_wait3A_186 = tpu.memref_slice %arg12[%dma_wait3A_184, %dma_wait3A_185] : memref<128x256xf32, #tpu.memory_space<vmem>> -> memref<64x256xf32, #tpu.memory_space<vmem>>
      %dma_wait3A_187 = arith.constant 64 : i32
      %dma_wait3A_188 = tpu.memref_slice %arg10[%dma_wait3A_187] : memref<128xi32, #tpu.memory_space<vmem>> -> memref<64xi32, #tpu.memory_space<vmem>>
      %dma_wait3A_189 = arith.constant 0 : i32
      %dma_wait3A_190 = arith.constant 0 : i32
      %dma_wait3A_191 = tpu.memref_slice %arg3[%dma_wait3A_189, %dma_wait3A_190] : memref<10000x256xf32, #tpu.memory_space<hbm>> -> memref<10000x256xf32, #tpu.memory_space<hbm>>
      tpu.wait_indirect_dma semaphore(%arg17 : memref<!tpu.dma_semaphore, #tpu.memory_space<semaphore_mem>>) src(%dma_wait3A_191 : memref<10000x256xf32, #tpu.memory_space<hbm>>) dst(%dma_wait3A_186 : memref<64x256xf32, #tpu.memory_space<vmem>>)
      %mul3A_192 = arith.constant 128 : i32
      %mul3A_193 = arith.muli %mul3A_171, %mul3A_192 : i32
      %add3A_194 = arith.addi %and3A_28, %mul3A_193 : i32
      %multiple_of3A = tpu.assume_multiple %add3A_194, 8 : i32
      %while3A_195 = arith.constant 0 : i32
      %while3A_196:37 = scf.while (%while3A_210 = %while3A_195, %while3A_211 = %while3A_134, %while3A_212 = %while3A_135, %while3A_213 = %while3A_136, %while3A_214 = %while3A_137, %while3A_215 = %while3A_138, %while3A_216 = %while3A_139, %while3A_217 = %while3A_140, %while3A_218 = %while3A_141, %while3A_219 = %while3A_142, %while3A_220 = %while3A_143, %while3A_221 = %while3A_144, %while3A_222 = %while3A_145, %while3A_223 = %while3A_146, %while3A_224 = %while3A_147, %while3A_225 = %while3A_148, %while3A_226 = %while3A_149, %while3A_227 = %while3A_150, %while3A_228 = %while3A_151, %while3A_229 = %while3A_152, %while3A_230 = %while3A_153, %while3A_231 = %while3A_154, %while3A_232 = %while3A_155, %while3A_233 = %while3A_156, %while3A_234 = %while3A_157, %while3A_235 = %while3A_158, %while3A_236 = %while3A_159, %while3A_237 = %while3A_160, %while3A_238 = %while3A_161, %while3A_239 = %while3A_162, %while3A_240 = %while3A_163, %while3A_241 = %while3A_164, %while3A_242 = %while3A_165, %while3A_243 = %while3A_166, %while3A_244 = %while3A_167, %while3A_245 = %while3A_168, %while3A_246 = %while3A_169) : (i32, i32, i32, i32, vector<16xf32>, vector<16xf32>, vector<16xf32>, vector<16xf32>, vector<16xf32>, vector<16xf32>, vector<16xf32>, vector<16xf32>, vector<16xf32>, vector<16xf32>, vector<16xf32>, vector<16xf32>, vector<16xf32>, vector<16xf32>, vector<16xf32>, vector<16xf32>, vector<16xf32>, vector<16xf32>, vector<16xf32>, vector<16xf32>, vector<16xf32>, vector<16xf32>, vector<16xf32>, vector<16xf32>, vector<16xf32>, vector<16xf32>, vector<16xf32>, vector<16xf32>, vector<16xf32>, vector<16xf32>, vector<16xf32>, vector<16xf32>, vector<16xf32>) -> (i32, i32, i32, i32, vector<16xf32>, vector<16xf32>, vector<16xf32>, vector<16xf32>, vector<16xf32>, vector<16xf32>, vector<16xf32>, vector<16xf32>, vector<16xf32>, vector<16xf32>, vector<16xf32>, vector<16xf32>, vector<16xf32>, vector<16xf32>, vector<16xf32>, vector<16xf32>, vector<16xf32>, vector<16xf32>, vector<16xf32>, vector<16xf32>, vector<16xf32>, vector<16xf32>, vector<16xf32>, vector<16xf32>, vector<16xf32>, vector<16xf32>, vector<16xf32>, vector<16xf32>, vector<16xf32>, vector<16xf32>, vector<16xf32>, vector<16xf32>, vector<16xf32>) {
        %lt3A_247 = arith.constant 128 : i32
        %lt3A_248 = arith.cmpi slt, %while3A_210, %lt3A_247 : i32
        scf.condition(%lt3A_248) %while3A_210, %while3A_211, %while3A_212, %while3A_213, %while3A_214, %while3A_215, %while3A_216, %while3A_217, %while3A_218, %while3A_219, %while3A_220, %while3A_221, %while3A_222, %while3A_223, %while3A_224, %while3A_225, %while3A_226, %while3A_227, %while3A_228, %while3A_229, %while3A_230, %while3A_231, %while3A_232, %while3A_233, %while3A_234, %while3A_235, %while3A_236, %while3A_237, %while3A_238, %while3A_239, %while3A_240, %while3A_241, %while3A_242, %while3A_243, %while3A_244, %while3A_245, %while3A_246 : i32, i32, i32, i32, vector<16xf32>, vector<16xf32>, vector<16xf32>, vector<16xf32>, vector<16xf32>, vector<16xf32>, vector<16xf32>, vector<16xf32>, vector<16xf32>, vector<16xf32>, vector<16xf32>, vector<16xf32>, vector<16xf32>, vector<16xf32>, vector<16xf32>, vector<16xf32>, vector<16xf32>, vector<16xf32>, vector<16xf32>, vector<16xf32>, vector<16xf32>, vector<16xf32>, vector<16xf32>, vector<16xf32>, vector<16xf32>, vector<16xf32>, vector<16xf32>, vector<16xf32>, vector<16xf32>, vector<16xf32>, vector<16xf32>, vector<16xf32>, vector<16xf32>
      } do {
      ^bb0(%while3A_210: i32, %while3A_211: i32, %while3A_212: i32, %while3A_213: i32, %while3A_214: vector<16xf32>, %while3A_215: vector<16xf32>, %while3A_216: vector<16xf32>, %while3A_217: vector<16xf32>, %while3A_218: vector<16xf32>, %while3A_219: vector<16xf32>, %while3A_220: vector<16xf32>, %while3A_221: vector<16xf32>, %while3A_222: vector<16xf32>, %while3A_223: vector<16xf32>, %while3A_224: vector<16xf32>, %while3A_225: vector<16xf32>, %while3A_226: vector<16xf32>, %while3A_227: vector<16xf32>, %while3A_228: vector<16xf32>, %while3A_229: vector<16xf32>, %while3A_230: vector<16xf32>, %while3A_231: vector<16xf32>, %while3A_232: vector<16xf32>, %while3A_233: vector<16xf32>, %while3A_234: vector<16xf32>, %while3A_235: vector<16xf32>, %while3A_236: vector<16xf32>, %while3A_237: vector<16xf32>, %while3A_238: vector<16xf32>, %while3A_239: vector<16xf32>, %while3A_240: vector<16xf32>, %while3A_241: vector<16xf32>, %while3A_242: vector<16xf32>, %while3A_243: vector<16xf32>, %while3A_244: vector<16xf32>, %while3A_245: vector<16xf32>, %while3A_246: vector<16xf32>):
        %get3A_247 = arith.index_cast %while3A_210 : i32 to index
        %get3A_248 = tpu.vector_load %arg8[%get3A_247] {strides = array<i32>} : memref<144xi32, #tpu.memory_space<vmem>>, vector<16xi32>,
        %slice3A_249 = vector.extract_strided_slice %get3A_248 {offsets = [0], sizes = [1], strides = [1]} : vector<16xi32> to vector<1xi32>
        %squeeze3A_250 = vector.extract %slice3A_249[0] : i32 from vector<1xi32>
        %ne3A_251 = arith.cmpi ne, %squeeze3A_250, %while3A_211 : i32
        %convert_element_type3A_252 = arith.extui %ne3A_251 : i1 to i32
        %cond3A_253 = arith.constant 0 : i32
        %cond3A_254 = arith.cmpi ne, %convert_element_type3A_252, %cond3A_253 : i32
        %cond3A_255:36 = scf.if %cond3A_254 -> (i32, i32, i32, vector<16xf32>, vector<16xf32>, vector<16xf32>, vector<16xf32>, vector<16xf32>, vector<16xf32>, vector<16xf32>, vector<16xf32>, vector<16xf32>, vector<16xf32>, vector<16xf32>, vector<16xf32>, vector<16xf32>, vector<16xf32>, vector<16xf32>, vector<16xf32>, vector<16xf32>, vector<16xf32>, vector<16xf32>, vector<16xf32>, vector<16xf32>, vector<16xf32>, vector<16xf32>, vector<16xf32>, vector<16xf32>, vector<16xf32>, vector<16xf32>, vector<16xf32>, vector<16xf32>, vector<16xf32>, vector<16xf32>, vector<16xf32>, vector<16xf32>) {
          %reduce_max3A_266 = arith.constant true
          %reduce_max3A_267 = vector.broadcast %reduce_max3A_266 : i1 to vector<16xi1>
          %reduce_max3A_268 = tpu.scan <max>, %while3A_214 masked %reduce_max3A_267 : vector<16xf32>, vector<16xi1> -> vector<16xf32>
          %reduce_max3A_269 = vector.extract %reduce_max3A_268[15] : f32 from vector<16xf32>
          %gt3A_270 = arith.constant 0.000000e+00 : f32
          %gt3A_271 = arith.cmpf ogt, %reduce_max3A_269, %gt3A_270 : f32
          %convert_element_type3A_272 = arith.extui %gt3A_271 : i1 to i32
          %cond3A_273 = arith.constant 0 : i32
          %cond3A_274 = arith.cmpi ne, %convert_element_type3A_272, %cond3A_273 : i32
          %cond3A_275 = scf.if %cond3A_274 -> (i32) {
            %while3A_332 = scf.while (%while3A_400 = %while3A_212) : (i32) -> i32 {
              %add3A_401 = arith.constant 64 : i32
              %add3A_402 = arith.addi %while3A_400, %add3A_401 : i32
              %ge3A_403 = arith.cmpi sge, %while3A_211, %add3A_402 : i32
              scf.condition(%ge3A_403) %while3A_400 : i32
            } do {
            ^bb0(%while3A_400: i32):
              %multiple_of3A_401 = tpu.assume_multiple %while3A_400, 8 : i32
              "tpu.region"() ({
                %run_scoped3A = tpu.sem_alloc : memref<!tpu.dma_semaphore, #tpu.memory_space<semaphore_mem>>
                %dma_start3A = arith.constant 0 : i32
                %dma_start3A_410 = tpu.memref_slice %arg7[%multiple_of3A_401, %dma_start3A] : memref<10000x256xf32, #tpu.memory_space<hbm>> -> memref<64x256xf32, #tpu.memory_space<hbm>>
                %dma_start3A_411 = arith.constant 0 : i32
                %dma_start3A_412 = tpu.memref_slice %arg7[%multiple_of3A_401, %dma_start3A_411] : memref<10000x256xf32, #tpu.memory_space<hbm>> -> memref<64x256xf32, #tpu.memory_space<hbm>>
                tpu.enqueue_dma source(%arg14 : memref<64x256xf32, #tpu.memory_space<vmem>>) target(%dma_start3A_412 : memref<64x256xf32, #tpu.memory_space<hbm>>) target_semaphore(%run_scoped3A : memref<!tpu.dma_semaphore, #tpu.memory_space<semaphore_mem>>)
                %dma_wait3A_413 = arith.constant 0 : i32
                %dma_wait3A_414 = tpu.memref_slice %arg7[%multiple_of3A_401, %dma_wait3A_413] : memref<10000x256xf32, #tpu.memory_space<hbm>> -> memref<64x256xf32, #tpu.memory_space<hbm>>
                %dma_wait3A_415 = arith.constant 0 : i32
                %dma_wait3A_416 = tpu.memref_slice %arg7[%multiple_of3A_401, %dma_wait3A_415] : memref<10000x256xf32, #tpu.memory_space<hbm>> -> memref<64x256xf32, #tpu.memory_space<hbm>>
                tpu.wait_dma2 semaphore(%run_scoped3A : memref<!tpu.dma_semaphore, #tpu.memory_space<semaphore_mem>>) src(%arg14 : memref<64x256xf32, #tpu.memory_space<vmem>>) dst(%dma_wait3A_416 : memref<64x256xf32, #tpu.memory_space<hbm>>)
                tpu.yield
              }) : () -> ()
              %scan3A_402 = arith.constant 0 : i32
              %scan3A_403 = arith.constant 0 : i32
              %scan3A_404 = arith.constant 64 : i32
              %scan3A_405 = arith.addi %scan3A_403, %scan3A_404 : i32
              %scan3A_406 = arith.constant 1 : i32
              scf.for %scan3A_410 = %scan3A_403 to %scan3A_405 step %scan3A_406  : i32 {
                %swap3A_411 = arith.index_cast %scan3A_410 : i32 to index
                %swap3A_412 = arith.constant 0 : index
                %swap3A_413 = tpu.vector_load %arg14[%swap3A_411, %swap3A_412] {strides = array<i32>} : memref<64x256xf32, #tpu.memory_space<vmem>>, vector<16xf32>,
                tpu.vector_store %arg14[%swap3A_411, %swap3A_412], %broadcast_in_dim3A_22 {strides = array<i32>} : memref<64x256xf32, #tpu.memory_space<vmem>>, vector<16xf32>,
                %swap3A_414 = arith.index_cast %scan3A_410 : i32 to index
                %swap3A_415 = arith.constant 16 : index
                %swap3A_416 = tpu.vector_load %arg14[%swap3A_414, %swap3A_415] {strides = array<i32>} : memref<64x256xf32, #tpu.memory_space<vmem>>, vector<16xf32>,
                tpu.vector_store %arg14[%swap3A_414, %swap3A_415], %broadcast_in_dim3A_22 {strides = array<i32>} : memref<64x256xf32, #tpu.memory_space<vmem>>, vector<16xf32>,
                %swap3A_417 = arith.index_cast %scan3A_410 : i32 to index
                %swap3A_418 = arith.constant 32 : index
                %swap3A_419 = tpu.vector_load %arg14[%swap3A_417, %swap3A_418] {strides = array<i32>} : memref<64x256xf32, #tpu.memory_space<vmem>>, vector<16xf32>,
                tpu.vector_store %arg14[%swap3A_417, %swap3A_418], %broadcast_in_dim3A_22 {strides = array<i32>} : memref<64x256xf32, #tpu.memory_space<vmem>>, vector<16xf32>,
                %swap3A_420 = arith.index_cast %scan3A_410 : i32 to index
                %swap3A_421 = arith.constant 48 : index
                %swap3A_422 = tpu.vector_load %arg14[%swap3A_420, %swap3A_421] {strides = array<i32>} : memref<64x256xf32, #tpu.memory_space<vmem>>, vector<16xf32>,
                tpu.vector_store %arg14[%swap3A_420, %swap3A_421], %broadcast_in_dim3A_22 {strides = array<i32>} : memref<64x256xf32, #tpu.memory_space<vmem>>, vector<16xf32>,
                %swap3A_423 = arith.index_cast %scan3A_410 : i32 to index
                %swap3A_424 = arith.constant 64 : index
                %swap3A_425 = tpu.vector_load %arg14[%swap3A_423, %swap3A_424] {strides = array<i32>} : memref<64x256xf32, #tpu.memory_space<vmem>>, vector<16xf32>,
                tpu.vector_store %arg14[%swap3A_423, %swap3A_424], %broadcast_in_dim3A_22 {strides = array<i32>} : memref<64x256xf32, #tpu.memory_space<vmem>>, vector<16xf32>,
                %swap3A_426 = arith.index_cast %scan3A_410 : i32 to index
                %swap3A_427 = arith.constant 80 : index
                %swap3A_428 = tpu.vector_load %arg14[%swap3A_426, %swap3A_427] {strides = array<i32>} : memref<64x256xf32, #tpu.memory_space<vmem>>, vector<16xf32>,
                tpu.vector_store %arg14[%swap3A_426, %swap3A_427], %broadcast_in_dim3A_22 {strides = array<i32>} : memref<64x256xf32, #tpu.memory_space<vmem>>, vector<16xf32>,
                %swap3A_429 = arith.index_cast %scan3A_410 : i32 to index
                %swap3A_430 = arith.constant 96 : index
                %swap3A_431 = tpu.vector_load %arg14[%swap3A_429, %swap3A_430] {strides = array<i32>} : memref<64x256xf32, #tpu.memory_space<vmem>>, vector<16xf32>,
                tpu.vector_store %arg14[%swap3A_429, %swap3A_430], %broadcast_in_dim3A_22 {strides = array<i32>} : memref<64x256xf32, #tpu.memory_space<vmem>>, vector<16xf32>,
                %swap3A_432 = arith.index_cast %scan3A_410 : i32 to index
                %swap3A_433 = arith.constant 112 : index
                %swap3A_434 = tpu.vector_load %arg14[%swap3A_432, %swap3A_433] {strides = array<i32>} : memref<64x256xf32, #tpu.memory_space<vmem>>, vector<16xf32>,
                tpu.vector_store %arg14[%swap3A_432, %swap3A_433], %broadcast_in_dim3A_22 {strides = array<i32>} : memref<64x256xf32, #tpu.memory_space<vmem>>, vector<16xf32>,
                %swap3A_435 = arith.index_cast %scan3A_410 : i32 to index
                %swap3A_436 = arith.constant 128 : index
                %swap3A_437 = tpu.vector_load %arg14[%swap3A_435, %swap3A_436] {strides = array<i32>} : memref<64x256xf32, #tpu.memory_space<vmem>>, vector<16xf32>,
                tpu.vector_store %arg14[%swap3A_435, %swap3A_436], %broadcast_in_dim3A_22 {strides = array<i32>} : memref<64x256xf32, #tpu.memory_space<vmem>>, vector<16xf32>,
                %swap3A_438 = arith.index_cast %scan3A_410 : i32 to index
                %swap3A_439 = arith.constant 144 : index
                %swap3A_440 = tpu.vector_load %arg14[%swap3A_438, %swap3A_439] {strides = array<i32>} : memref<64x256xf32, #tpu.memory_space<vmem>>, vector<16xf32>,
                tpu.vector_store %arg14[%swap3A_438, %swap3A_439], %broadcast_in_dim3A_22 {strides = array<i32>} : memref<64x256xf32, #tpu.memory_space<vmem>>, vector<16xf32>,
                %swap3A_441 = arith.index_cast %scan3A_410 : i32 to index
                %swap3A_442 = arith.constant 160 : index
                %swap3A_443 = tpu.vector_load %arg14[%swap3A_441, %swap3A_442] {strides = array<i32>} : memref<64x256xf32, #tpu.memory_space<vmem>>, vector<16xf32>,
                tpu.vector_store %arg14[%swap3A_441, %swap3A_442], %broadcast_in_dim3A_22 {strides = array<i32>} : memref<64x256xf32, #tpu.memory_space<vmem>>, vector<16xf32>,
                %swap3A_444 = arith.index_cast %scan3A_410 : i32 to index
                %swap3A_445 = arith.constant 176 : index
                %swap3A_446 = tpu.vector_load %arg14[%swap3A_444, %swap3A_445] {strides = array<i32>} : memref<64x256xf32, #tpu.memory_space<vmem>>, vector<16xf32>,
                tpu.vector_store %arg14[%swap3A_444, %swap3A_445], %broadcast_in_dim3A_22 {strides = array<i32>} : memref<64x256xf32, #tpu.memory_space<vmem>>, vector<16xf32>,
                %swap3A_447 = arith.index_cast %scan3A_410 : i32 to index
                %swap3A_448 = arith.constant 192 : index
                %swap3A_449 = tpu.vector_load %arg14[%swap3A_447, %swap3A_448] {strides = array<i32>} : memref<64x256xf32, #tpu.memory_space<vmem>>, vector<16xf32>,
                tpu.vector_store %arg14[%swap3A_447, %swap3A_448], %broadcast_in_dim3A_22 {strides = array<i32>} : memref<64x256xf32, #tpu.memory_space<vmem>>, vector<16xf32>,
                %swap3A_450 = arith.index_cast %scan3A_410 : i32 to index
                %swap3A_451 = arith.constant 208 : index
                %swap3A_452 = tpu.vector_load %arg14[%swap3A_450, %swap3A_451] {strides = array<i32>} : memref<64x256xf32, #tpu.memory_space<vmem>>, vector<16xf32>,
                tpu.vector_store %arg14[%swap3A_450, %swap3A_451], %broadcast_in_dim3A_22 {strides = array<i32>} : memref<64x256xf32, #tpu.memory_space<vmem>>, vector<16xf32>,
                %swap3A_453 = arith.index_cast %scan3A_410 : i32 to index
                %swap3A_454 = arith.constant 224 : index
                %swap3A_455 = tpu.vector_load %arg14[%swap3A_453, %swap3A_454] {strides = array<i32>} : memref<64x256xf32, #tpu.memory_space<vmem>>, vector<16xf32>,
                tpu.vector_store %arg14[%swap3A_453, %swap3A_454], %broadcast_in_dim3A_22 {strides = array<i32>} : memref<64x256xf32, #tpu.memory_space<vmem>>, vector<16xf32>,
                %swap3A_456 = arith.index_cast %scan3A_410 : i32 to index
                %swap3A_457 = arith.constant 240 : index
                %swap3A_458 = tpu.vector_load %arg14[%swap3A_456, %swap3A_457] {strides = array<i32>} : memref<64x256xf32, #tpu.memory_space<vmem>>, vector<16xf32>,
                tpu.vector_store %arg14[%swap3A_456, %swap3A_457], %broadcast_in_dim3A_22 {strides = array<i32>} : memref<64x256xf32, #tpu.memory_space<vmem>>, vector<16xf32>,
              }
              %scan3A_407 = arith.constant 64 : i32
              %add3A_408 = arith.constant 64 : i32
              %add3A_409 = arith.addi %while3A_400, %add3A_408 : i32
              scf.yield %add3A_409 : i32
            }
            %sub3A_333 = arith.subi %while3A_211, %while3A_332 : i32
            %div3A_334 = arith.constant 1.000000e+00 : f32
            %div3A_335 = vector.broadcast %div3A_334 : f32 to vector<16xf32>
            %div3A_336 = arith.divf %div3A_335, %while3A_214 : vector<16xf32>
            %mul3A_337 = arith.mulf %while3A_231, %div3A_336 : vector<16xf32>
            %swap3A = arith.index_cast %sub3A_333 : i32 to index
            %swap3A_338 = arith.constant 0 : index
            %swap3A_339 = tpu.vector_load %arg14[%swap3A, %swap3A_338] {strides = array<i32>} : memref<64x256xf32, #tpu.memory_space<vmem>>, vector<16xf32>,
            tpu.vector_store %arg14[%swap3A, %swap3A_338], %mul3A_337 {strides = array<i32>} : memref<64x256xf32, #tpu.memory_space<vmem>>, vector<16xf32>,
            %mul3A_340 = arith.mulf %while3A_232, %div3A_336 : vector<16xf32>
            %swap3A_341 = arith.index_cast %sub3A_333 : i32 to index
            %swap3A_342 = arith.constant 16 : index
            %swap3A_343 = tpu.vector_load %arg14[%swap3A_341, %swap3A_342] {strides = array<i32>} : memref<64x256xf32, #tpu.memory_space<vmem>>, vector<16xf32>,
            tpu.vector_store %arg14[%swap3A_341, %swap3A_342], %mul3A_340 {strides = array<i32>} : memref<64x256xf32, #tpu.memory_space<vmem>>, vector<16xf32>,
            %mul3A_344 = arith.mulf %while3A_233, %div3A_336 : vector<16xf32>
            %swap3A_345 = arith.index_cast %sub3A_333 : i32 to index
            %swap3A_346 = arith.constant 32 : index
            %swap3A_347 = tpu.vector_load %arg14[%swap3A_345, %swap3A_346] {strides = array<i32>} : memref<64x256xf32, #tpu.memory_space<vmem>>, vector<16xf32>,
            tpu.vector_store %arg14[%swap3A_345, %swap3A_346], %mul3A_344 {strides = array<i32>} : memref<64x256xf32, #tpu.memory_space<vmem>>, vector<16xf32>,
            %mul3A_348 = arith.mulf %while3A_234, %div3A_336 : vector<16xf32>
            %swap3A_349 = arith.index_cast %sub3A_333 : i32 to index
            %swap3A_350 = arith.constant 48 : index
            %swap3A_351 = tpu.vector_load %arg14[%swap3A_349, %swap3A_350] {strides = array<i32>} : memref<64x256xf32, #tpu.memory_space<vmem>>, vector<16xf32>,
            tpu.vector_store %arg14[%swap3A_349, %swap3A_350], %mul3A_348 {strides = array<i32>} : memref<64x256xf32, #tpu.memory_space<vmem>>, vector<16xf32>,
            %mul3A_352 = arith.mulf %while3A_235, %div3A_336 : vector<16xf32>
            %swap3A_353 = arith.index_cast %sub3A_333 : i32 to index
            %swap3A_354 = arith.constant 64 : index
            %swap3A_355 = tpu.vector_load %arg14[%swap3A_353, %swap3A_354] {strides = array<i32>} : memref<64x256xf32, #tpu.memory_space<vmem>>, vector<16xf32>,
            tpu.vector_store %arg14[%swap3A_353, %swap3A_354], %mul3A_352 {strides = array<i32>} : memref<64x256xf32, #tpu.memory_space<vmem>>, vector<16xf32>,
            %mul3A_356 = arith.mulf %while3A_236, %div3A_336 : vector<16xf32>
            %swap3A_357 = arith.index_cast %sub3A_333 : i32 to index
            %swap3A_358 = arith.constant 80 : index
            %swap3A_359 = tpu.vector_load %arg14[%swap3A_357, %swap3A_358] {strides = array<i32>} : memref<64x256xf32, #tpu.memory_space<vmem>>, vector<16xf32>,
            tpu.vector_store %arg14[%swap3A_357, %swap3A_358], %mul3A_356 {strides = array<i32>} : memref<64x256xf32, #tpu.memory_space<vmem>>, vector<16xf32>,
            %mul3A_360 = arith.mulf %while3A_237, %div3A_336 : vector<16xf32>
            %swap3A_361 = arith.index_cast %sub3A_333 : i32 to index
            %swap3A_362 = arith.constant 96 : index
            %swap3A_363 = tpu.vector_load %arg14[%swap3A_361, %swap3A_362] {strides = array<i32>} : memref<64x256xf32, #tpu.memory_space<vmem>>, vector<16xf32>,
            tpu.vector_store %arg14[%swap3A_361, %swap3A_362], %mul3A_360 {strides = array<i32>} : memref<64x256xf32, #tpu.memory_space<vmem>>, vector<16xf32>,
            %mul3A_364 = arith.mulf %while3A_238, %div3A_336 : vector<16xf32>
            %swap3A_365 = arith.index_cast %sub3A_333 : i32 to index
            %swap3A_366 = arith.constant 112 : index
            %swap3A_367 = tpu.vector_load %arg14[%swap3A_365, %swap3A_366] {strides = array<i32>} : memref<64x256xf32, #tpu.memory_space<vmem>>, vector<16xf32>,
            tpu.vector_store %arg14[%swap3A_365, %swap3A_366], %mul3A_364 {strides = array<i32>} : memref<64x256xf32, #tpu.memory_space<vmem>>, vector<16xf32>,
            %mul3A_368 = arith.mulf %while3A_239, %div3A_336 : vector<16xf32>
            %swap3A_369 = arith.index_cast %sub3A_333 : i32 to index
            %swap3A_370 = arith.constant 128 : index
            %swap3A_371 = tpu.vector_load %arg14[%swap3A_369, %swap3A_370] {strides = array<i32>} : memref<64x256xf32, #tpu.memory_space<vmem>>, vector<16xf32>,
            tpu.vector_store %arg14[%swap3A_369, %swap3A_370], %mul3A_368 {strides = array<i32>} : memref<64x256xf32, #tpu.memory_space<vmem>>, vector<16xf32>,
            %mul3A_372 = arith.mulf %while3A_240, %div3A_336 : vector<16xf32>
            %swap3A_373 = arith.index_cast %sub3A_333 : i32 to index
            %swap3A_374 = arith.constant 144 : index
            %swap3A_375 = tpu.vector_load %arg14[%swap3A_373, %swap3A_374] {strides = array<i32>} : memref<64x256xf32, #tpu.memory_space<vmem>>, vector<16xf32>,
            tpu.vector_store %arg14[%swap3A_373, %swap3A_374], %mul3A_372 {strides = array<i32>} : memref<64x256xf32, #tpu.memory_space<vmem>>, vector<16xf32>,
            %mul3A_376 = arith.mulf %while3A_241, %div3A_336 : vector<16xf32>
            %swap3A_377 = arith.index_cast %sub3A_333 : i32 to index
            %swap3A_378 = arith.constant 160 : index
            %swap3A_379 = tpu.vector_load %arg14[%swap3A_377, %swap3A_378] {strides = array<i32>} : memref<64x256xf32, #tpu.memory_space<vmem>>, vector<16xf32>,
            tpu.vector_store %arg14[%swap3A_377, %swap3A_378], %mul3A_376 {strides = array<i32>} : memref<64x256xf32, #tpu.memory_space<vmem>>, vector<16xf32>,
            %mul3A_380 = arith.mulf %while3A_242, %div3A_336 : vector<16xf32>
            %swap3A_381 = arith.index_cast %sub3A_333 : i32 to index
            %swap3A_382 = arith.constant 176 : index
            %swap3A_383 = tpu.vector_load %arg14[%swap3A_381, %swap3A_382] {strides = array<i32>} : memref<64x256xf32, #tpu.memory_space<vmem>>, vector<16xf32>,
            tpu.vector_store %arg14[%swap3A_381, %swap3A_382], %mul3A_380 {strides = array<i32>} : memref<64x256xf32, #tpu.memory_space<vmem>>, vector<16xf32>,
            %mul3A_384 = arith.mulf %while3A_243, %div3A_336 : vector<16xf32>
            %swap3A_385 = arith.index_cast %sub3A_333 : i32 to index
            %swap3A_386 = arith.constant 192 : index
            %swap3A_387 = tpu.vector_load %arg14[%swap3A_385, %swap3A_386] {strides = array<i32>} : memref<64x256xf32, #tpu.memory_space<vmem>>, vector<16xf32>,
            tpu.vector_store %arg14[%swap3A_385, %swap3A_386], %mul3A_384 {strides = array<i32>} : memref<64x256xf32, #tpu.memory_space<vmem>>, vector<16xf32>,
            %mul3A_388 = arith.mulf %while3A_244, %div3A_336 : vector<16xf32>
            %swap3A_389 = arith.index_cast %sub3A_333 : i32 to index
            %swap3A_390 = arith.constant 208 : index
            %swap3A_391 = tpu.vector_load %arg14[%swap3A_389, %swap3A_390] {strides = array<i32>} : memref<64x256xf32, #tpu.memory_space<vmem>>, vector<16xf32>,
            tpu.vector_store %arg14[%swap3A_389, %swap3A_390], %mul3A_388 {strides = array<i32>} : memref<64x256xf32, #tpu.memory_space<vmem>>, vector<16xf32>,
            %mul3A_392 = arith.mulf %while3A_245, %div3A_336 : vector<16xf32>
            %swap3A_393 = arith.index_cast %sub3A_333 : i32 to index
            %swap3A_394 = arith.constant 224 : index
            %swap3A_395 = tpu.vector_load %arg14[%swap3A_393, %swap3A_394] {strides = array<i32>} : memref<64x256xf32, #tpu.memory_space<vmem>>, vector<16xf32>,
            tpu.vector_store %arg14[%swap3A_393, %swap3A_394], %mul3A_392 {strides = array<i32>} : memref<64x256xf32, #tpu.memory_space<vmem>>, vector<16xf32>,
            %mul3A_396 = arith.mulf %while3A_246, %div3A_336 : vector<16xf32>
            %swap3A_397 = arith.index_cast %sub3A_333 : i32 to index
            %swap3A_398 = arith.constant 240 : index
            %swap3A_399 = tpu.vector_load %arg14[%swap3A_397, %swap3A_398] {strides = array<i32>} : memref<64x256xf32, #tpu.memory_space<vmem>>, vector<16xf32>,
            tpu.vector_store %arg14[%swap3A_397, %swap3A_398], %mul3A_396 {strides = array<i32>} : memref<64x256xf32, #tpu.memory_space<vmem>>, vector<16xf32>,
            scf.yield %while3A_332 : i32
          } else {
            scf.yield %while3A_212 : i32
          }
          %and3A_276 = arith.constant -128 : i32
          %and3A_277 = arith.andi %squeeze3A_250, %and3A_276 : i32
          %ne3A_278 = arith.cmpi ne, %and3A_277, %while3A_213 : i32
          %convert_element_type3A_279 = arith.extui %ne3A_278 : i1 to i32
          %cond3A_280 = arith.constant 0 : i32
          %cond3A_281 = arith.cmpi ne, %convert_element_type3A_279, %cond3A_280 : i32
          scf.if %cond3A_281 {
            %multiple_of3A_332 = tpu.assume_multiple %and3A_277, 8 : i32
            "tpu.region"() ({
              %run_scoped3A = tpu.sem_alloc : memref<!tpu.dma_semaphore, #tpu.memory_space<semaphore_mem>>
              %dma_start3A = arith.constant 0 : i32
              %dma_start3A_333 = tpu.memref_slice %arg2[%multiple_of3A_332, %dma_start3A] : memref<10112x256xf32, #tpu.memory_space<hbm>> -> memref<128x256xf32, #tpu.memory_space<hbm>>
              %dma_start3A_334 = arith.constant 0 : i32
              %dma_start3A_335 = tpu.memref_slice %arg2[%multiple_of3A_332, %dma_start3A_334] : memref<10112x256xf32, #tpu.memory_space<hbm>> -> memref<128x256xf32, #tpu.memory_space<hbm>>
              tpu.enqueue_dma source(%dma_start3A_335 : memref<128x256xf32, #tpu.memory_space<hbm>>) target(%arg15 : memref<128x256xf32, #tpu.memory_space<vmem>>) target_semaphore(%run_scoped3A : memref<!tpu.dma_semaphore, #tpu.memory_space<semaphore_mem>>)
              %dma_wait3A_336 = arith.constant 0 : i32
              %dma_wait3A_337 = tpu.memref_slice %arg2[%multiple_of3A_332, %dma_wait3A_336] : memref<10112x256xf32, #tpu.memory_space<hbm>> -> memref<128x256xf32, #tpu.memory_space<hbm>>
              %dma_wait3A_338 = arith.constant 0 : i32
              %dma_wait3A_339 = tpu.memref_slice %arg2[%multiple_of3A_332, %dma_wait3A_338] : memref<10112x256xf32, #tpu.memory_space<hbm>> -> memref<128x256xf32, #tpu.memory_space<hbm>>
              tpu.wait_dma2 semaphore(%run_scoped3A : memref<!tpu.dma_semaphore, #tpu.memory_space<semaphore_mem>>) src(%dma_wait3A_339 : memref<128x256xf32, #tpu.memory_space<hbm>>) dst(%arg15 : memref<128x256xf32, #tpu.memory_space<vmem>>)
              tpu.yield
            }) : () -> ()
          } else {
          }
          %and3A_282 = arith.constant 127 : i32
          %and3A_283 = arith.andi %squeeze3A_250, %and3A_282 : i32
          %get3A_284 = arith.index_cast %and3A_283 : i32 to index
          %get3A_285 = arith.constant 0 : index
          %get3A_286 = tpu.vector_load %arg15[%get3A_284, %get3A_285] {strides = array<i32>} : memref<128x256xf32, #tpu.memory_space<vmem>>, vector<16xf32>,
          %get3A_287 = arith.index_cast %and3A_283 : i32 to index
          %get3A_288 = arith.constant 16 : index
          %get3A_289 = tpu.vector_load %arg15[%get3A_287, %get3A_288] {strides = array<i32>} : memref<128x256xf32, #tpu.memory_space<vmem>>, vector<16xf32>,
          %get3A_290 = arith.index_cast %and3A_283 : i32 to index
          %get3A_291 = arith.constant 32 : index
          %get3A_292 = tpu.vector_load %arg15[%get3A_290, %get3A_291] {strides = array<i32>} : memref<128x256xf32, #tpu.memory_space<vmem>>, vector<16xf32>,
          %get3A_293 = arith.index_cast %and3A_283 : i32 to index
          %get3A_294 = arith.constant 48 : index
          %get3A_295 = tpu.vector_load %arg15[%get3A_293, %get3A_294] {strides = array<i32>} : memref<128x256xf32, #tpu.memory_space<vmem>>, vector<16xf32>,
          %get3A_296 = arith.index_cast %and3A_283 : i32 to index
          %get3A_297 = arith.constant 64 : index
          %get3A_298 = tpu.vector_load %arg15[%get3A_296, %get3A_297] {strides = array<i32>} : memref<128x256xf32, #tpu.memory_space<vmem>>, vector<16xf32>,
          %get3A_299 = arith.index_cast %and3A_283 : i32 to index
          %get3A_300 = arith.constant 80 : index
          %get3A_301 = tpu.vector_load %arg15[%get3A_299, %get3A_300] {strides = array<i32>} : memref<128x256xf32, #tpu.memory_space<vmem>>, vector<16xf32>,
          %get3A_302 = arith.index_cast %and3A_283 : i32 to index
          %get3A_303 = arith.constant 96 : index
          %get3A_304 = tpu.vector_load %arg15[%get3A_302, %get3A_303] {strides = array<i32>} : memref<128x256xf32, #tpu.memory_space<vmem>>, vector<16xf32>,
          %get3A_305 = arith.index_cast %and3A_283 : i32 to index
          %get3A_306 = arith.constant 112 : index
          %get3A_307 = tpu.vector_load %arg15[%get3A_305, %get3A_306] {strides = array<i32>} : memref<128x256xf32, #tpu.memory_space<vmem>>, vector<16xf32>,
          %get3A_308 = arith.index_cast %and3A_283 : i32 to index
          %get3A_309 = arith.constant 128 : index
          %get3A_310 = tpu.vector_load %arg15[%get3A_308, %get3A_309] {strides = array<i32>} : memref<128x256xf32, #tpu.memory_space<vmem>>, vector<16xf32>,
          %get3A_311 = arith.index_cast %and3A_283 : i32 to index
          %get3A_312 = arith.constant 144 : index
          %get3A_313 = tpu.vector_load %arg15[%get3A_311, %get3A_312] {strides = array<i32>} : memref<128x256xf32, #tpu.memory_space<vmem>>, vector<16xf32>,
          %get3A_314 = arith.index_cast %and3A_283 : i32 to index
          %get3A_315 = arith.constant 160 : index
          %get3A_316 = tpu.vector_load %arg15[%get3A_314, %get3A_315] {strides = array<i32>} : memref<128x256xf32, #tpu.memory_space<vmem>>, vector<16xf32>,
          %get3A_317 = arith.index_cast %and3A_283 : i32 to index
          %get3A_318 = arith.constant 176 : index
          %get3A_319 = tpu.vector_load %arg15[%get3A_317, %get3A_318] {strides = array<i32>} : memref<128x256xf32, #tpu.memory_space<vmem>>, vector<16xf32>,
          %get3A_320 = arith.index_cast %and3A_283 : i32 to index
          %get3A_321 = arith.constant 192 : index
          %get3A_322 = tpu.vector_load %arg15[%get3A_320, %get3A_321] {strides = array<i32>} : memref<128x256xf32, #tpu.memory_space<vmem>>, vector<16xf32>,
          %get3A_323 = arith.index_cast %and3A_283 : i32 to index
          %get3A_324 = arith.constant 208 : index
          %get3A_325 = tpu.vector_load %arg15[%get3A_323, %get3A_324] {strides = array<i32>} : memref<128x256xf32, #tpu.memory_space<vmem>>, vector<16xf32>,
          %get3A_326 = arith.index_cast %and3A_283 : i32 to index
          %get3A_327 = arith.constant 224 : index
          %get3A_328 = tpu.vector_load %arg15[%get3A_326, %get3A_327] {strides = array<i32>} : memref<128x256xf32, #tpu.memory_space<vmem>>, vector<16xf32>,
          %get3A_329 = arith.index_cast %and3A_283 : i32 to index
          %get3A_330 = arith.constant 240 : index
          %get3A_331 = tpu.vector_load %arg15[%get3A_329, %get3A_330] {strides = array<i32>} : memref<128x256xf32, #tpu.memory_space<vmem>>, vector<16xf32>,
          scf.yield %squeeze3A_250, %cond3A_275, %and3A_277, %broadcast_in_dim3A_22, %get3A_286, %get3A_289, %get3A_292, %get3A_295, %get3A_298, %get3A_301, %get3A_304, %get3A_307, %get3A_310, %get3A_313, %get3A_316, %get3A_319, %get3A_322, %get3A_325, %get3A_328, %get3A_331, %broadcast_in_dim3A_22, %broadcast_in_dim3A_22, %broadcast_in_dim3A_22, %broadcast_in_dim3A_22, %broadcast_in_dim3A_22, %broadcast_in_dim3A_22, %broadcast_in_dim3A_22, %broadcast_in_dim3A_22, %broadcast_in_dim3A_22, %broadcast_in_dim3A_22, %broadcast_in_dim3A_22, %broadcast_in_dim3A_22, %broadcast_in_dim3A_22, %broadcast_in_dim3A_22, %broadcast_in_dim3A_22, %broadcast_in_dim3A_22 : i32, i32, i32, vector<16xf32>, vector<16xf32>, vector<16xf32>, vector<16xf32>, vector<16xf32>, vector<16xf32>, vector<16xf32>, vector<16xf32>, vector<16xf32>, vector<16xf32>, vector<16xf32>, vector<16xf32>, vector<16xf32>, vector<16xf32>, vector<16xf32>, vector<16xf32>, vector<16xf32>, vector<16xf32>, vector<16xf32>, vector<16xf32>, vector<16xf32>, vector<16xf32>, vector<16xf32>, vector<16xf32>, vector<16xf32>, vector<16xf32>, vector<16xf32>, vector<16xf32>, vector<16xf32>, vector<16xf32>, vector<16xf32>, vector<16xf32>, vector<16xf32>
        } else {
          scf.yield %while3A_211, %while3A_212, %while3A_213, %while3A_214, %while3A_215, %while3A_216, %while3A_217, %while3A_218, %while3A_219, %while3A_220, %while3A_221, %while3A_222, %while3A_223, %while3A_224, %while3A_225, %while3A_226, %while3A_227, %while3A_228, %while3A_229, %while3A_230, %while3A_231, %while3A_232, %while3A_233, %while3A_234, %while3A_235, %while3A_236, %while3A_237, %while3A_238, %while3A_239, %while3A_240, %while3A_241, %while3A_242, %while3A_243, %while3A_244, %while3A_245, %while3A_246 : i32, i32, i32, vector<16xf32>, vector<16xf32>, vector<16xf32>, vector<16xf32>, vector<16xf32>, vector<16xf32>, vector<16xf32>, vector<16xf32>, vector<16xf32>, vector<16xf32>, vector<16xf32>, vector<16xf32>, vector<16xf32>, vector<16xf32>, vector<16xf32>, vector<16xf32>, vector<16xf32>, vector<16xf32>, vector<16xf32>, vector<16xf32>, vector<16xf32>, vector<16xf32>, vector<16xf32>, vector<16xf32>, vector<16xf32>, vector<16xf32>, vector<16xf32>, vector<16xf32>, vector<16xf32>, vector<16xf32>, vector<16xf32>, vector<16xf32>, vector<16xf32>
        }
        %while3A_256 = arith.constant 16 : i32
        %while3A_257:2 = scf.while (%while3A_266 = %while3A_210, %while3A_267 = %while3A_256) : (i32, i32) -> (i32, i32) {
          %ge3A_268 = arith.constant 16 : i32
          %ge3A_269 = arith.cmpi sge, %while3A_267, %ge3A_268 : i32
          scf.condition(%ge3A_269) %while3A_266, %while3A_267 : i32, i32
        } do {
        ^bb0(%while3A_266: i32, %while3A_267: i32):
          %get3A_268 = arith.index_cast %while3A_266 : i32 to index
          %get3A_269 = tpu.vector_load %arg8[%get3A_268] {strides = array<i32>} : memref<144xi32, #tpu.memory_space<vmem>>, vector<16xi32>,
          %ne3A_270 = vector.broadcast %squeeze3A_250 : i32 to vector<16xi32>
          %ne3A_271 = arith.cmpi ne, %get3A_269, %ne3A_270 : vector<16xi32>
          %sub3A_272 = arith.constant 128 : i32
          %sub3A_273 = arith.subi %sub3A_272, %while3A_266 : i32
          %ge3A_274 = vector.broadcast %sub3A_273 : i32 to vector<16xi32>
          %ge3A_275 = arith.cmpi sge, %iota3A, %ge3A_274 : vector<16xi32>
          %or3A = arith.ori %ne3A_271, %ge3A_275 : vector<16xi1>
          %all_reduce_ffs3A = tpu.all_reduce %or3A {dim = 0 : i64, kind = #tpu.reduction_kind<find_first_set>} : vector<16xi1> -> vector<16xi32>
          %slice3A_276 = vector.extract_strided_slice %all_reduce_ffs3A {offsets = [0], sizes = [1], strides = [1]} : vector<16xi32> to vector<1xi32>
          %squeeze3A_277 = vector.extract %slice3A_276[0] : i32 from vector<1xi32>
          %add3A_278 = arith.addi %while3A_266, %squeeze3A_277 : i32
          scf.yield %add3A_278, %squeeze3A_277 : i32, i32
        }
        %add3A_258 = arith.addi %multiple_of3A, %while3A_210 : i32
        %ge3A = arith.cmpi sge, %add3A_258, %squeeze3A : i32
        %add3A_259 = arith.addi %multiple_of3A, %while3A_210 : i32
        %lt3A_260 = arith.cmpi slt, %add3A_259, %squeeze3A_7 : i32
        %and3A_261 = arith.andi %ge3A, %lt3A_260 : i1
        %convert_element_type3A_262 = arith.extui %and3A_261 : i1 to i32
        %cond3A_263 = arith.constant 0 : i32
        %cond3A_264 = arith.cmpi ne, %convert_element_type3A_262, %cond3A_263 : i32
        %cond3A_265:17 = scf.if %cond3A_264 -> (vector<16xf32>, vector<16xf32>, vector<16xf32>, vector<16xf32>, vector<16xf32>, vector<16xf32>, vector<16xf32>, vector<16xf32>, vector<16xf32>, vector<16xf32>, vector<16xf32>, vector<16xf32>, vector<16xf32>, vector<16xf32>, vector<16xf32>, vector<16xf32>, vector<16xf32>) {
          %parallel_loop3A = arith.constant 1 : i32
          %parallel_loop3A_266:17 = scf.for %parallel_loop3A_267 = %while3A_210 to %while3A_257#0 step %parallel_loop3A iter_args(%parallel_loop3A_268 = %cond3A_255#3, %parallel_loop3A_269 = %cond3A_255#20, %parallel_loop3A_270 = %cond3A_255#21, %parallel_loop3A_271 = %cond3A_255#22, %parallel_loop3A_272 = %cond3A_255#23, %parallel_loop3A_273 = %cond3A_255#24, %parallel_loop3A_274 = %cond3A_255#25, %parallel_loop3A_275 = %cond3A_255#26, %parallel_loop3A_276 = %cond3A_255#27, %parallel_loop3A_277 = %cond3A_255#28, %parallel_loop3A_278 = %cond3A_255#29, %parallel_loop3A_279 = %cond3A_255#30, %parallel_loop3A_280 = %cond3A_255#31, %parallel_loop3A_281 = %cond3A_255#32, %parallel_loop3A_282 = %cond3A_255#33, %parallel_loop3A_283 = %cond3A_255#34, %parallel_loop3A_284 = %cond3A_255#35) -> (vector<16xf32>, vector<16xf32>, vector<16xf32>, vector<16xf32>, vector<16xf32>, vector<16xf32>, vector<16xf32>, vector<16xf32>, vector<16xf32>, vector<16xf32>, vector<16xf32>, vector<16xf32>, vector<16xf32>, vector<16xf32>, vector<16xf32>, vector<16xf32>, vector<16xf32>)  : i32 {
            %parallel_loop3A_285 = arith.index_cast %parallel_loop3A_267 : i32 to index
            %parallel_loop3A_286 = arith.constant 0 : index
            %parallel_loop3A_287 = tpu.vector_load %arg12[%parallel_loop3A_285, %parallel_loop3A_286] {strides = array<i32>} : memref<128x256xf32, #tpu.memory_space<vmem>>, vector<16xf32>,
            %parallel_loop3A_288 = arith.index_cast %parallel_loop3A_267 : i32 to index
            %parallel_loop3A_289 = arith.constant 16 : index
            %parallel_loop3A_290 = tpu.vector_load %arg12[%parallel_loop3A_288, %parallel_loop3A_289] {strides = array<i32>} : memref<128x256xf32, #tpu.memory_space<vmem>>, vector<16xf32>,
            %parallel_loop3A_291 = arith.index_cast %parallel_loop3A_267 : i32 to index
            %parallel_loop3A_292 = arith.constant 32 : index
            %parallel_loop3A_293 = tpu.vector_load %arg12[%parallel_loop3A_291, %parallel_loop3A_292] {strides = array<i32>} : memref<128x256xf32, #tpu.memory_space<vmem>>, vector<16xf32>,
            %parallel_loop3A_294 = arith.index_cast %parallel_loop3A_267 : i32 to index
            %parallel_loop3A_295 = arith.constant 48 : index
            %parallel_loop3A_296 = tpu.vector_load %arg12[%parallel_loop3A_294, %parallel_loop3A_295] {strides = array<i32>} : memref<128x256xf32, #tpu.memory_space<vmem>>, vector<16xf32>,
            %parallel_loop3A_297 = arith.index_cast %parallel_loop3A_267 : i32 to index
            %parallel_loop3A_298 = arith.constant 64 : index
            %parallel_loop3A_299 = tpu.vector_load %arg12[%parallel_loop3A_297, %parallel_loop3A_298] {strides = array<i32>} : memref<128x256xf32, #tpu.memory_space<vmem>>, vector<16xf32>,
            %parallel_loop3A_300 = arith.index_cast %parallel_loop3A_267 : i32 to index
            %parallel_loop3A_301 = arith.constant 80 : index
            %parallel_loop3A_302 = tpu.vector_load %arg12[%parallel_loop3A_300, %parallel_loop3A_301] {strides = array<i32>} : memref<128x256xf32, #tpu.memory_space<vmem>>, vector<16xf32>,
            %parallel_loop3A_303 = arith.index_cast %parallel_loop3A_267 : i32 to index
            %parallel_loop3A_304 = arith.constant 96 : index
            %parallel_loop3A_305 = tpu.vector_load %arg12[%parallel_loop3A_303, %parallel_loop3A_304] {strides = array<i32>} : memref<128x256xf32, #tpu.memory_space<vmem>>, vector<16xf32>,
            %parallel_loop3A_306 = arith.index_cast %parallel_loop3A_267 : i32 to index
            %parallel_loop3A_307 = arith.constant 112 : index
            %parallel_loop3A_308 = tpu.vector_load %arg12[%parallel_loop3A_306, %parallel_loop3A_307] {strides = array<i32>} : memref<128x256xf32, #tpu.memory_space<vmem>>, vector<16xf32>,
            %parallel_loop3A_309 = arith.index_cast %parallel_loop3A_267 : i32 to index
            %parallel_loop3A_310 = arith.constant 128 : index
            %parallel_loop3A_311 = tpu.vector_load %arg12[%parallel_loop3A_309, %parallel_loop3A_310] {strides = array<i32>} : memref<128x256xf32, #tpu.memory_space<vmem>>, vector<16xf32>,
            %parallel_loop3A_312 = arith.index_cast %parallel_loop3A_267 : i32 to index
            %parallel_loop3A_313 = arith.constant 144 : index
            %parallel_loop3A_314 = tpu.vector_load %arg12[%parallel_loop3A_312, %parallel_loop3A_313] {strides = array<i32>} : memref<128x256xf32, #tpu.memory_space<vmem>>, vector<16xf32>,
            %parallel_loop3A_315 = arith.index_cast %parallel_loop3A_267 : i32 to index
            %parallel_loop3A_316 = arith.constant 160 : index
            %parallel_loop3A_317 = tpu.vector_load %arg12[%parallel_loop3A_315, %parallel_loop3A_316] {strides = array<i32>} : memref<128x256xf32, #tpu.memory_space<vmem>>, vector<16xf32>,
            %parallel_loop3A_318 = arith.index_cast %parallel_loop3A_267 : i32 to index
            %parallel_loop3A_319 = arith.constant 176 : index
            %parallel_loop3A_320 = tpu.vector_load %arg12[%parallel_loop3A_318, %parallel_loop3A_319] {strides = array<i32>} : memref<128x256xf32, #tpu.memory_space<vmem>>, vector<16xf32>,
            %parallel_loop3A_321 = arith.index_cast %parallel_loop3A_267 : i32 to index
            %parallel_loop3A_322 = arith.constant 192 : index
            %parallel_loop3A_323 = tpu.vector_load %arg12[%parallel_loop3A_321, %parallel_loop3A_322] {strides = array<i32>} : memref<128x256xf32, #tpu.memory_space<vmem>>, vector<16xf32>,
            %parallel_loop3A_324 = arith.index_cast %parallel_loop3A_267 : i32 to index
            %parallel_loop3A_325 = arith.constant 208 : index
            %parallel_loop3A_326 = tpu.vector_load %arg12[%parallel_loop3A_324, %parallel_loop3A_325] {strides = array<i32>} : memref<128x256xf32, #tpu.memory_space<vmem>>, vector<16xf32>,
            %parallel_loop3A_327 = arith.index_cast %parallel_loop3A_267 : i32 to index
            %parallel_loop3A_328 = arith.constant 224 : index
            %parallel_loop3A_329 = tpu.vector_load %arg12[%parallel_loop3A_327, %parallel_loop3A_328] {strides = array<i32>} : memref<128x256xf32, #tpu.memory_space<vmem>>, vector<16xf32>,
            %parallel_loop3A_330 = arith.index_cast %parallel_loop3A_267 : i32 to index
            %parallel_loop3A_331 = arith.constant 240 : index
            %parallel_loop3A_332 = tpu.vector_load %arg12[%parallel_loop3A_330, %parallel_loop3A_331] {strides = array<i32>} : memref<128x256xf32, #tpu.memory_space<vmem>>, vector<16xf32>,
            %parallel_loop3A_333 = arith.mulf %cond3A_255#4, %parallel_loop3A_287 : vector<16xf32>
            %parallel_loop3A_334 = arith.mulf %cond3A_255#5, %parallel_loop3A_290 : vector<16xf32>
            %parallel_loop3A_335 = arith.mulf %cond3A_255#6, %parallel_loop3A_293 : vector<16xf32>
            %parallel_loop3A_336 = arith.mulf %cond3A_255#7, %parallel_loop3A_296 : vector<16xf32>
            %parallel_loop3A_337 = arith.mulf %cond3A_255#8, %parallel_loop3A_299 : vector<16xf32>
            %parallel_loop3A_338 = arith.mulf %cond3A_255#9, %parallel_loop3A_302 : vector<16xf32>
            %parallel_loop3A_339 = arith.mulf %cond3A_255#10, %parallel_loop3A_305 : vector<16xf32>
            %parallel_loop3A_340 = arith.mulf %cond3A_255#11, %parallel_loop3A_308 : vector<16xf32>
            %parallel_loop3A_341 = arith.mulf %cond3A_255#12, %parallel_loop3A_311 : vector<16xf32>
            %parallel_loop3A_342 = arith.mulf %cond3A_255#13, %parallel_loop3A_314 : vector<16xf32>
            %parallel_loop3A_343 = arith.mulf %cond3A_255#14, %parallel_loop3A_317 : vector<16xf32>
            %parallel_loop3A_344 = arith.mulf %cond3A_255#15, %parallel_loop3A_320 : vector<16xf32>
            %parallel_loop3A_345 = arith.mulf %cond3A_255#16, %parallel_loop3A_323 : vector<16xf32>
            %parallel_loop3A_346 = arith.mulf %cond3A_255#17, %parallel_loop3A_326 : vector<16xf32>
            %parallel_loop3A_347 = arith.mulf %cond3A_255#18, %parallel_loop3A_329 : vector<16xf32>
            %parallel_loop3A_348 = arith.mulf %cond3A_255#19, %parallel_loop3A_332 : vector<16xf32>
            %parallel_loop3A_349 = arith.addf %parallel_loop3A_333, %parallel_loop3A_334 : vector<16xf32>
            %parallel_loop3A_350 = arith.addf %parallel_loop3A_335, %parallel_loop3A_336 : vector<16xf32>
            %parallel_loop3A_351 = arith.addf %parallel_loop3A_337, %parallel_loop3A_338 : vector<16xf32>
            %parallel_loop3A_352 = arith.addf %parallel_loop3A_339, %parallel_loop3A_340 : vector<16xf32>
            %parallel_loop3A_353 = arith.addf %parallel_loop3A_341, %parallel_loop3A_342 : vector<16xf32>
            %parallel_loop3A_354 = arith.addf %parallel_loop3A_343, %parallel_loop3A_344 : vector<16xf32>
            %parallel_loop3A_355 = arith.addf %parallel_loop3A_345, %parallel_loop3A_346 : vector<16xf32>
            %parallel_loop3A_356 = arith.addf %parallel_loop3A_347, %parallel_loop3A_348 : vector<16xf32>
            %parallel_loop3A_357 = arith.addf %parallel_loop3A_349, %parallel_loop3A_350 : vector<16xf32>
            %parallel_loop3A_358 = arith.addf %parallel_loop3A_351, %parallel_loop3A_352 : vector<16xf32>
            %parallel_loop3A_359 = arith.addf %parallel_loop3A_353, %parallel_loop3A_354 : vector<16xf32>
            %parallel_loop3A_360 = arith.addf %parallel_loop3A_355, %parallel_loop3A_356 : vector<16xf32>
            %parallel_loop3A_361 = arith.addf %parallel_loop3A_357, %parallel_loop3A_358 : vector<16xf32>
            %parallel_loop3A_362 = arith.addf %parallel_loop3A_359, %parallel_loop3A_360 : vector<16xf32>
            %parallel_loop3A_363 = arith.addf %parallel_loop3A_361, %parallel_loop3A_362 : vector<16xf32>
            %parallel_loop3A_364 = arith.constant true
            %parallel_loop3A_365 = vector.broadcast %parallel_loop3A_364 : i1 to vector<16xi1>
            %parallel_loop3A_366 = tpu.scan <sum>, %parallel_loop3A_363 masked %parallel_loop3A_365 : vector<16xf32>, vector<16xi1> -> vector<16xf32>
            %parallel_loop3A_367 = vector.extract %parallel_loop3A_366[15] : f32 from vector<16xf32>
            %parallel_loop3A_368 = vector.broadcast %parallel_loop3A_367 : f32 to vector<16xf32>
            %parallel_loop3A_369 = math.exp %parallel_loop3A_368 : vector<16xf32>
            %parallel_loop3A_370 = arith.addf %parallel_loop3A_268, %parallel_loop3A_369 : vector<16xf32>
            %parallel_loop3A_371 = arith.mulf %parallel_loop3A_369, %parallel_loop3A_287 : vector<16xf32>
            %parallel_loop3A_372 = arith.addf %parallel_loop3A_269, %parallel_loop3A_371 : vector<16xf32>
            %parallel_loop3A_373 = arith.mulf %parallel_loop3A_369, %parallel_loop3A_290 : vector<16xf32>
            %parallel_loop3A_374 = arith.addf %parallel_loop3A_270, %parallel_loop3A_373 : vector<16xf32>
            %parallel_loop3A_375 = arith.mulf %parallel_loop3A_369, %parallel_loop3A_293 : vector<16xf32>
            %parallel_loop3A_376 = arith.addf %parallel_loop3A_271, %parallel_loop3A_375 : vector<16xf32>
            %parallel_loop3A_377 = arith.mulf %parallel_loop3A_369, %parallel_loop3A_296 : vector<16xf32>
            %parallel_loop3A_378 = arith.addf %parallel_loop3A_272, %parallel_loop3A_377 : vector<16xf32>
            %parallel_loop3A_379 = arith.mulf %parallel_loop3A_369, %parallel_loop3A_299 : vector<16xf32>
            %parallel_loop3A_380 = arith.addf %parallel_loop3A_273, %parallel_loop3A_379 : vector<16xf32>
            %parallel_loop3A_381 = arith.mulf %parallel_loop3A_369, %parallel_loop3A_302 : vector<16xf32>
            %parallel_loop3A_382 = arith.addf %parallel_loop3A_274, %parallel_loop3A_381 : vector<16xf32>
            %parallel_loop3A_383 = arith.mulf %parallel_loop3A_369, %parallel_loop3A_305 : vector<16xf32>
            %parallel_loop3A_384 = arith.addf %parallel_loop3A_275, %parallel_loop3A_383 : vector<16xf32>
            %parallel_loop3A_385 = arith.mulf %parallel_loop3A_369, %parallel_loop3A_308 : vector<16xf32>
            %parallel_loop3A_386 = arith.addf %parallel_loop3A_276, %parallel_loop3A_385 : vector<16xf32>
            %parallel_loop3A_387 = arith.mulf %parallel_loop3A_369, %parallel_loop3A_311 : vector<16xf32>
            %parallel_loop3A_388 = arith.addf %parallel_loop3A_277, %parallel_loop3A_387 : vector<16xf32>
            %parallel_loop3A_389 = arith.mulf %parallel_loop3A_369, %parallel_loop3A_314 : vector<16xf32>
            %parallel_loop3A_390 = arith.addf %parallel_loop3A_278, %parallel_loop3A_389 : vector<16xf32>
            %parallel_loop3A_391 = arith.mulf %parallel_loop3A_369, %parallel_loop3A_317 : vector<16xf32>
            %parallel_loop3A_392 = arith.addf %parallel_loop3A_279, %parallel_loop3A_391 : vector<16xf32>
            %parallel_loop3A_393 = arith.mulf %parallel_loop3A_369, %parallel_loop3A_320 : vector<16xf32>
            %parallel_loop3A_394 = arith.addf %parallel_loop3A_280, %parallel_loop3A_393 : vector<16xf32>
            %parallel_loop3A_395 = arith.mulf %parallel_loop3A_369, %parallel_loop3A_323 : vector<16xf32>
            %parallel_loop3A_396 = arith.addf %parallel_loop3A_281, %parallel_loop3A_395 : vector<16xf32>
            %parallel_loop3A_397 = arith.mulf %parallel_loop3A_369, %parallel_loop3A_326 : vector<16xf32>
            %parallel_loop3A_398 = arith.addf %parallel_loop3A_282, %parallel_loop3A_397 : vector<16xf32>
            %parallel_loop3A_399 = arith.mulf %parallel_loop3A_369, %parallel_loop3A_329 : vector<16xf32>
            %parallel_loop3A_400 = arith.addf %parallel_loop3A_283, %parallel_loop3A_399 : vector<16xf32>
            %parallel_loop3A_401 = arith.mulf %parallel_loop3A_369, %parallel_loop3A_332 : vector<16xf32>
            %parallel_loop3A_402 = arith.addf %parallel_loop3A_284, %parallel_loop3A_401 : vector<16xf32>
            scf.yield %parallel_loop3A_370, %parallel_loop3A_372, %parallel_loop3A_374, %parallel_loop3A_376, %parallel_loop3A_378, %parallel_loop3A_380, %parallel_loop3A_382, %parallel_loop3A_384, %parallel_loop3A_386, %parallel_loop3A_388, %parallel_loop3A_390, %parallel_loop3A_392, %parallel_loop3A_394, %parallel_loop3A_396, %parallel_loop3A_398, %parallel_loop3A_400, %parallel_loop3A_402 : vector<16xf32>, vector<16xf32>, vector<16xf32>, vector<16xf32>, vector<16xf32>, vector<16xf32>, vector<16xf32>, vector<16xf32>, vector<16xf32>, vector<16xf32>, vector<16xf32>, vector<16xf32>, vector<16xf32>, vector<16xf32>, vector<16xf32>, vector<16xf32>, vector<16xf32>
          } {sc.loop_unroll_factor = 2 : i64, sc.parallel_access}
          scf.yield %parallel_loop3A_266#0, %parallel_loop3A_266#1, %parallel_loop3A_266#2, %parallel_loop3A_266#3, %parallel_loop3A_266#4, %parallel_loop3A_266#5, %parallel_loop3A_266#6, %parallel_loop3A_266#7, %parallel_loop3A_266#8, %parallel_loop3A_266#9, %parallel_loop3A_266#10, %parallel_loop3A_266#11, %parallel_loop3A_266#12, %parallel_loop3A_266#13, %parallel_loop3A_266#14, %parallel_loop3A_266#15, %parallel_loop3A_266#16 : vector<16xf32>, vector<16xf32>, vector<16xf32>, vector<16xf32>, vector<16xf32>, vector<16xf32>, vector<16xf32>, vector<16xf32>, vector<16xf32>, vector<16xf32>, vector<16xf32>, vector<16xf32>, vector<16xf32>, vector<16xf32>, vector<16xf32>, vector<16xf32>, vector<16xf32>
        } else {
          scf.yield %cond3A_255#3, %cond3A_255#20, %cond3A_255#21, %cond3A_255#22, %cond3A_255#23, %cond3A_255#24, %cond3A_255#25, %cond3A_255#26, %cond3A_255#27, %cond3A_255#28, %cond3A_255#29, %cond3A_255#30, %cond3A_255#31, %cond3A_255#32, %cond3A_255#33, %cond3A_255#34, %cond3A_255#35 : vector<16xf32>, vector<16xf32>, vector<16xf32>, vector<16xf32>, vector<16xf32>, vector<16xf32>, vector<16xf32>, vector<16xf32>, vector<16xf32>, vector<16xf32>, vector<16xf32>, vector<16xf32>, vector<16xf32>, vector<16xf32>, vector<16xf32>, vector<16xf32>, vector<16xf32>
        }
        scf.yield %while3A_257#0, %cond3A_255#0, %cond3A_255#1, %cond3A_255#2, %cond3A_265#0, %cond3A_255#4, %cond3A_255#5, %cond3A_255#6, %cond3A_255#7, %cond3A_255#8, %cond3A_255#9, %cond3A_255#10, %cond3A_255#11, %cond3A_255#12, %cond3A_255#13, %cond3A_255#14, %cond3A_255#15, %cond3A_255#16, %cond3A_255#17, %cond3A_255#18, %cond3A_255#19, %cond3A_265#1, %cond3A_265#2, %cond3A_265#3, %cond3A_265#4, %cond3A_265#5, %cond3A_265#6, %cond3A_265#7, %cond3A_265#8, %cond3A_265#9, %cond3A_265#10, %cond3A_265#11, %cond3A_265#12, %cond3A_265#13, %cond3A_265#14, %cond3A_265#15, %cond3A_265#16 : i32, i32, i32, i32, vector<16xf32>, vector<16xf32>, vector<16xf32>, vector<16xf32>, vector<16xf32>, vector<16xf32>, vector<16xf32>, vector<16xf32>, vector<16xf32>, vector<16xf32>, vector<16xf32>, vector<16xf32>, vector<16xf32>, vector<16xf32>, vector<16xf32>, vector<16xf32>, vector<16xf32>, vector<16xf32>, vector<16xf32>, vector<16xf32>, vector<16xf32>, vector<16xf32>, vector<16xf32>, vector<16xf32>, vector<16xf32>, vector<16xf32>, vector<16xf32>, vector<16xf32>, vector<16xf32>, vector<16xf32>, vector<16xf32>, vector<16xf32>, vector<16xf32>
      }
      %add3A_197 = arith.constant 2 : i32
      %add3A_198 = arith.addi %mul3A_171, %add3A_197 : i32
      %lt3A_199 = arith.cmpi slt, %add3A_198, %select_n3A : i32
      %convert_element_type3A_200 = arith.extui %lt3A_199 : i1 to i32
      %cond3A_201 = arith.constant 0 : i32
      %cond3A_202 = arith.cmpi ne, %convert_element_type3A_200, %cond3A_201 : i32
      scf.if %cond3A_202 {
        %add3A_210 = arith.constant 2 : i32
        %add3A_211 = arith.addi %mul3A_171, %add3A_210 : i32
        %mul3A_212 = arith.constant 128 : i32
        %mul3A_213 = arith.muli %add3A_211, %mul3A_212 : i32
        %add3A_214 = arith.addi %and3A_28, %mul3A_213 : i32
        %multiple_of3A_215 = tpu.assume_multiple %add3A_214, 8 : i32
        "tpu.region"() ({
          %run_scoped3A = tpu.sem_alloc : memref<!tpu.dma_semaphore, #tpu.memory_space<semaphore_mem>>
          %dma_start3A_231 = arith.constant 0 : i32
          %dma_start3A_232 = tpu.memref_slice %arg8[%dma_start3A_231] : memref<144xi32, #tpu.memory_space<vmem>> -> memref<128xi32, #tpu.memory_space<vmem>>
          %dma_start3A_233 = tpu.memref_slice %arg4[%multiple_of3A_215] : memref<160128xi32, #tpu.memory_space<hbm>> -> memref<128xi32, #tpu.memory_space<hbm>>
          %dma_start3A_234 = arith.constant 0 : i32
          %dma_start3A_235 = tpu.memref_slice %arg8[%dma_start3A_234] : memref<144xi32, #tpu.memory_space<vmem>> -> memref<128xi32, #tpu.memory_space<vmem>>
          %dma_start3A_236 = tpu.memref_slice %arg4[%multiple_of3A_215] : memref<160128xi32, #tpu.memory_space<hbm>> -> memref<128xi32, #tpu.memory_space<hbm>>
          tpu.enqueue_dma source(%dma_start3A_236 : memref<128xi32, #tpu.memory_space<hbm>>) target(%dma_start3A_235 : memref<128xi32, #tpu.memory_space<vmem>>) target_semaphore(%run_scoped3A : memref<!tpu.dma_semaphore, #tpu.memory_space<semaphore_mem>>)
          %dma_wait3A_237 = arith.constant 0 : i32
          %dma_wait3A_238 = tpu.memref_slice %arg8[%dma_wait3A_237] : memref<144xi32, #tpu.memory_space<vmem>> -> memref<128xi32, #tpu.memory_space<vmem>>
          %dma_wait3A_239 = tpu.memref_slice %arg4[%multiple_of3A_215] : memref<160128xi32, #tpu.memory_space<hbm>> -> memref<128xi32, #tpu.memory_space<hbm>>
          %dma_wait3A_240 = arith.constant 0 : i32
          %dma_wait3A_241 = tpu.memref_slice %arg8[%dma_wait3A_240] : memref<144xi32, #tpu.memory_space<vmem>> -> memref<128xi32, #tpu.memory_space<vmem>>
          %dma_wait3A_242 = tpu.memref_slice %arg4[%multiple_of3A_215] : memref<160128xi32, #tpu.memory_space<hbm>> -> memref<128xi32, #tpu.memory_space<hbm>>
          tpu.wait_dma2 semaphore(%run_scoped3A : memref<!tpu.dma_semaphore, #tpu.memory_space<semaphore_mem>>) src(%dma_wait3A_242 : memref<128xi32, #tpu.memory_space<hbm>>) dst(%dma_wait3A_241 : memref<128xi32, #tpu.memory_space<vmem>>)
          tpu.yield
        }) : () -> ()
        "tpu.region"() ({
          %run_scoped3A = tpu.sem_alloc : memref<!tpu.dma_semaphore, #tpu.memory_space<semaphore_mem>>
          %dma_start3A_231 = tpu.memref_slice %arg5[%multiple_of3A_215] : memref<160128xi32, #tpu.memory_space<hbm>> -> memref<128xi32, #tpu.memory_space<hbm>>
          %dma_start3A_232 = tpu.memref_slice %arg5[%multiple_of3A_215] : memref<160128xi32, #tpu.memory_space<hbm>> -> memref<128xi32, #tpu.memory_space<hbm>>
          tpu.enqueue_dma source(%dma_start3A_232 : memref<128xi32, #tpu.memory_space<hbm>>) target(%arg10 : memref<128xi32, #tpu.memory_space<vmem>>) target_semaphore(%run_scoped3A : memref<!tpu.dma_semaphore, #tpu.memory_space<semaphore_mem>>)
          %dma_wait3A_233 = tpu.memref_slice %arg5[%multiple_of3A_215] : memref<160128xi32, #tpu.memory_space<hbm>> -> memref<128xi32, #tpu.memory_space<hbm>>
          %dma_wait3A_234 = tpu.memref_slice %arg5[%multiple_of3A_215] : memref<160128xi32, #tpu.memory_space<hbm>> -> memref<128xi32, #tpu.memory_space<hbm>>
          tpu.wait_dma2 semaphore(%run_scoped3A : memref<!tpu.dma_semaphore, #tpu.memory_space<semaphore_mem>>) src(%dma_wait3A_234 : memref<128xi32, #tpu.memory_space<hbm>>) dst(%arg10 : memref<128xi32, #tpu.memory_space<vmem>>)
          tpu.yield
        }) : () -> ()
        %dma_start3A = arith.constant 0 : i32
        %dma_start3A_216 = arith.constant 0 : i32
        %dma_start3A_217 = tpu.memref_slice %arg12[%dma_start3A, %dma_start3A_216] : memref<128x256xf32, #tpu.memory_space<vmem>> -> memref<64x256xf32, #tpu.memory_space<vmem>>
        %dma_start3A_218 = arith.constant 0 : i32
        %dma_start3A_219 = tpu.memref_slice %arg10[%dma_start3A_218] : memref<128xi32, #tpu.memory_space<vmem>> -> memref<64xi32, #tpu.memory_space<vmem>>
        %dma_start3A_220 = arith.constant 0 : i32
        %dma_start3A_221 = arith.constant 0 : i32
        %dma_start3A_222 = tpu.memref_slice %arg3[%dma_start3A_220, %dma_start3A_221] : memref<10000x256xf32, #tpu.memory_space<hbm>> -> memref<10000x256xf32, #tpu.memory_space<hbm>>
        tpu.enqueue_indirect_dma source(%dma_start3A_222 : memref<10000x256xf32, #tpu.memory_space<hbm>>) target(%dma_start3A_217 : memref<64x256xf32, #tpu.memory_space<vmem>>) offsets(%dma_start3A_219 : memref<64xi32, #tpu.memory_space<vmem>>) semaphore(%arg17 : memref<!tpu.dma_semaphore, #tpu.memory_space<semaphore_mem>>)
        %dma_start3A_223 = arith.constant 64 : i32
        %dma_start3A_224 = arith.constant 0 : i32
        %dma_start3A_225 = tpu.memref_slice %arg12[%dma_start3A_223, %dma_start3A_224] : memref<128x256xf32, #tpu.memory_space<vmem>> -> memref<64x256xf32, #tpu.memory_space<vmem>>
        %dma_start3A_226 = arith.constant 64 : i32
        %dma_start3A_227 = tpu.memref_slice %arg10[%dma_start3A_226] : memref<128xi32, #tpu.memory_space<vmem>> -> memref<64xi32, #tpu.memory_space<vmem>>
        %dma_start3A_228 = arith.constant 0 : i32
        %dma_start3A_229 = arith.constant 0 : i32
        %dma_start3A_230 = tpu.memref_slice %arg3[%dma_start3A_228, %dma_start3A_229] : memref<10000x256xf32, #tpu.memory_space<hbm>> -> memref<10000x256xf32, #tpu.memory_space<hbm>>
        tpu.enqueue_indirect_dma source(%dma_start3A_230 : memref<10000x256xf32, #tpu.memory_space<hbm>>) target(%dma_start3A_225 : memref<64x256xf32, #tpu.memory_space<vmem>>) offsets(%dma_start3A_227 : memref<64xi32, #tpu.memory_space<vmem>>) semaphore(%arg17 : memref<!tpu.dma_semaphore, #tpu.memory_space<semaphore_mem>>)
      } else {
      }
      %add3A_203 = arith.constant 1 : i32
      %add3A_204 = arith.addi %mul3A_171, %add3A_203 : i32
      %lt3A_205 = arith.cmpi slt, %add3A_204, %select_n3A : i32
      %convert_element_type3A_206 = arith.extui %lt3A_205 : i1 to i32
      %cond3A_207 = arith.constant 0 : i32
      %cond3A_208 = arith.cmpi ne, %convert_element_type3A_206, %cond3A_207 : i32
      %cond3A_209:36 = scf.if %cond3A_208 -> (i32, i32, i32, vector<16xf32>, vector<16xf32>, vector<16xf32>, vector<16xf32>, vector<16xf32>, vector<16xf32>, vector<16xf32>, vector<16xf32>, vector<16xf32>, vector<16xf32>, vector<16xf32>, vector<16xf32>, vector<16xf32>, vector<16xf32>, vector<16xf32>, vector<16xf32>, vector<16xf32>, vector<16xf32>, vector<16xf32>, vector<16xf32>, vector<16xf32>, vector<16xf32>, vector<16xf32>, vector<16xf32>, vector<16xf32>, vector<16xf32>, vector<16xf32>, vector<16xf32>, vector<16xf32>, vector<16xf32>, vector<16xf32>, vector<16xf32>, vector<16xf32>) {
        %add3A_210 = arith.constant 1 : i32
        %add3A_211 = arith.addi %mul3A_171, %add3A_210 : i32
        %dma_wait3A_212 = arith.constant 0 : i32
        %dma_wait3A_213 = arith.constant 0 : i32
        %dma_wait3A_214 = tpu.memref_slice %arg13[%dma_wait3A_212, %dma_wait3A_213] : memref<128x256xf32, #tpu.memory_space<vmem>> -> memref<64x256xf32, #tpu.memory_space<vmem>>
        %dma_wait3A_215 = arith.constant 0 : i32
        %dma_wait3A_216 = tpu.memref_slice %arg11[%dma_wait3A_215] : memref<128xi32, #tpu.memory_space<vmem>> -> memref<64xi32, #tpu.memory_space<vmem>>
        %dma_wait3A_217 = arith.constant 0 : i32
        %dma_wait3A_218 = arith.constant 0 : i32
        %dma_wait3A_219 = tpu.memref_slice %arg3[%dma_wait3A_217, %dma_wait3A_218] : memref<10000x256xf32, #tpu.memory_space<hbm>> -> memref<10000x256xf32, #tpu.memory_space<hbm>>
        tpu.wait_indirect_dma semaphore(%arg18 : memref<!tpu.dma_semaphore, #tpu.memory_space<semaphore_mem>>) src(%dma_wait3A_219 : memref<10000x256xf32, #tpu.memory_space<hbm>>) dst(%dma_wait3A_214 : memref<64x256xf32, #tpu.memory_space<vmem>>)
        %dma_wait3A_220 = arith.constant 64 : i32
        %dma_wait3A_221 = arith.constant 0 : i32
        %dma_wait3A_222 = tpu.memref_slice %arg13[%dma_wait3A_220, %dma_wait3A_221] : memref<128x256xf32, #tpu.memory_space<vmem>> -> memref<64x256xf32, #tpu.memory_space<vmem>>
        %dma_wait3A_223 = arith.constant 64 : i32
        %dma_wait3A_224 = tpu.memref_slice %arg11[%dma_wait3A_223] : memref<128xi32, #tpu.memory_space<vmem>> -> memref<64xi32, #tpu.memory_space<vmem>>
        %dma_wait3A_225 = arith.constant 0 : i32
        %dma_wait3A_226 = arith.constant 0 : i32
        %dma_wait3A_227 = tpu.memref_slice %arg3[%dma_wait3A_225, %dma_wait3A_226] : memref<10000x256xf32, #tpu.memory_space<hbm>> -> memref<10000x256xf32, #tpu.memory_space<hbm>>
        tpu.wait_indirect_dma semaphore(%arg18 : memref<!tpu.dma_semaphore, #tpu.memory_space<semaphore_mem>>) src(%dma_wait3A_227 : memref<10000x256xf32, #tpu.memory_space<hbm>>) dst(%dma_wait3A_222 : memref<64x256xf32, #tpu.memory_space<vmem>>)
        %mul3A_228 = arith.constant 128 : i32
        %mul3A_229 = arith.muli %add3A_211, %mul3A_228 : i32
        %add3A_230 = arith.addi %and3A_28, %mul3A_229 : i32
        %multiple_of3A_231 = tpu.assume_multiple %add3A_230, 8 : i32
        %while3A_232 = arith.constant 0 : i32
        %while3A_233:37 = scf.while (%while3A_234 = %while3A_232, %while3A_235 = %while3A_196#1, %while3A_236 = %while3A_196#2, %while3A_237 = %while3A_196#3, %while3A_238 = %while3A_196#4, %while3A_239 = %while3A_196#5, %while3A_240 = %while3A_196#6, %while3A_241 = %while3A_196#7, %while3A_242 = %while3A_196#8, %while3A_243 = %while3A_196#9, %while3A_244 = %while3A_196#10, %while3A_245 = %while3A_196#11, %while3A_246 = %while3A_196#12, %while3A_247 = %while3A_196#13, %while3A_248 = %while3A_196#14, %while3A_249 = %while3A_196#15, %while3A_250 = %while3A_196#16, %while3A_251 = %while3A_196#17, %while3A_252 = %while3A_196#18, %while3A_253 = %while3A_196#19, %while3A_254 = %while3A_196#20, %while3A_255 = %while3A_196#21, %while3A_256 = %while3A_196#22, %while3A_257 = %while3A_196#23, %while3A_258 = %while3A_196#24, %while3A_259 = %while3A_196#25, %while3A_260 = %while3A_196#26, %while3A_261 = %while3A_196#27, %while3A_262 = %while3A_196#28, %while3A_263 = %while3A_196#29, %while3A_264 = %while3A_196#30, %while3A_265 = %while3A_196#31, %while3A_266 = %while3A_196#32, %while3A_267 = %while3A_196#33, %while3A_268 = %while3A_196#34, %while3A_269 = %while3A_196#35, %while3A_270 = %while3A_196#36) : (i32, i32, i32, i32, vector<16xf32>, vector<16xf32>, vector<16xf32>, vector<16xf32>, vector<16xf32>, vector<16xf32>, vector<16xf32>, vector<16xf32>, vector<16xf32>, vector<16xf32>, vector<16xf32>, vector<16xf32>, vector<16xf32>, vector<16xf32>, vector<16xf32>, vector<16xf32>, vector<16xf32>, vector<16xf32>, vector<16xf32>, vector<16xf32>, vector<16xf32>, vector<16xf32>, vector<16xf32>, vector<16xf32>, vector<16xf32>, vector<16xf32>, vector<16xf32>, vector<16xf32>, vector<16xf32>, vector<16xf32>, vector<16xf32>, vector<16xf32>, vector<16xf32>) -> (i32, i32, i32, i32, vector<16xf32>, vector<16xf32>, vector<16xf32>, vector<16xf32>, vector<16xf32>, vector<16xf32>, vector<16xf32>, vector<16xf32>, vector<16xf32>, vector<16xf32>, vector<16xf32>, vector<16xf32>, vector<16xf32>, vector<16xf32>, vector<16xf32>, vector<16xf32>, vector<16xf32>, vector<16xf32>, vector<16xf32>, vector<16xf32>, vector<16xf32>, vector<16xf32>, vector<16xf32>, vector<16xf32>, vector<16xf32>, vector<16xf32>, vector<16xf32>, vector<16xf32>, vector<16xf32>, vector<16xf32>, vector<16xf32>, vector<16xf32>, vector<16xf32>) {
          %lt3A_271 = arith.constant 128 : i32
          %lt3A_272 = arith.cmpi slt, %while3A_234, %lt3A_271 : i32
          scf.condition(%lt3A_272) %while3A_234, %while3A_235, %while3A_236, %while3A_237, %while3A_238, %while3A_239, %while3A_240, %while3A_241, %while3A_242, %while3A_243, %while3A_244, %while3A_245, %while3A_246, %while3A_247, %while3A_248, %while3A_249, %while3A_250, %while3A_251, %while3A_252, %while3A_253, %while3A_254, %while3A_255, %while3A_256, %while3A_257, %while3A_258, %while3A_259, %while3A_260, %while3A_261, %while3A_262, %while3A_263, %while3A_264, %while3A_265, %while3A_266, %while3A_267, %while3A_268, %while3A_269, %while3A_270 : i32, i32, i32, i32, vector<16xf32>, vector<16xf32>, vector<16xf32>, vector<16xf32>, vector<16xf32>, vector<16xf32>, vector<16xf32>, vector<16xf32>, vector<16xf32>, vector<16xf32>, vector<16xf32>, vector<16xf32>, vector<16xf32>, vector<16xf32>, vector<16xf32>, vector<16xf32>, vector<16xf32>, vector<16xf32>, vector<16xf32>, vector<16xf32>, vector<16xf32>, vector<16xf32>, vector<16xf32>, vector<16xf32>, vector<16xf32>, vector<16xf32>, vector<16xf32>, vector<16xf32>, vector<16xf32>, vector<16xf32>, vector<16xf32>, vector<16xf32>, vector<16xf32>
        } do {
        ^bb0(%while3A_234: i32, %while3A_235: i32, %while3A_236: i32, %while3A_237: i32, %while3A_238: vector<16xf32>, %while3A_239: vector<16xf32>, %while3A_240: vector<16xf32>, %while3A_241: vector<16xf32>, %while3A_242: vector<16xf32>, %while3A_243: vector<16xf32>, %while3A_244: vector<16xf32>, %while3A_245: vector<16xf32>, %while3A_246: vector<16xf32>, %while3A_247: vector<16xf32>, %while3A_248: vector<16xf32>, %while3A_249: vector<16xf32>, %while3A_250: vector<16xf32>, %while3A_251: vector<16xf32>, %while3A_252: vector<16xf32>, %while3A_253: vector<16xf32>, %while3A_254: vector<16xf32>, %while3A_255: vector<16xf32>, %while3A_256: vector<16xf32>, %while3A_257: vector<16xf32>, %while3A_258: vector<16xf32>, %while3A_259: vector<16xf32>, %while3A_260: vector<16xf32>, %while3A_261: vector<16xf32>, %while3A_262: vector<16xf32>, %while3A_263: vector<16xf32>, %while3A_264: vector<16xf32>, %while3A_265: vector<16xf32>, %while3A_266: vector<16xf32>, %while3A_267: vector<16xf32>, %while3A_268: vector<16xf32>, %while3A_269: vector<16xf32>, %while3A_270: vector<16xf32>):
          %get3A_271 = arith.index_cast %while3A_234 : i32 to index
          %get3A_272 = tpu.vector_load %arg9[%get3A_271] {strides = array<i32>} : memref<144xi32, #tpu.memory_space<vmem>>, vector<16xi32>,
          %slice3A_273 = vector.extract_strided_slice %get3A_272 {offsets = [0], sizes = [1], strides = [1]} : vector<16xi32> to vector<1xi32>
          %squeeze3A_274 = vector.extract %slice3A_273[0] : i32 from vector<1xi32>
          %ne3A_275 = arith.cmpi ne, %squeeze3A_274, %while3A_235 : i32
          %convert_element_type3A_276 = arith.extui %ne3A_275 : i1 to i32
          %cond3A_277 = arith.constant 0 : i32
          %cond3A_278 = arith.cmpi ne, %convert_element_type3A_276, %cond3A_277 : i32
          %cond3A_279:36 = scf.if %cond3A_278 -> (i32, i32, i32, vector<16xf32>, vector<16xf32>, vector<16xf32>, vector<16xf32>, vector<16xf32>, vector<16xf32>, vector<16xf32>, vector<16xf32>, vector<16xf32>, vector<16xf32>, vector<16xf32>, vector<16xf32>, vector<16xf32>, vector<16xf32>, vector<16xf32>, vector<16xf32>, vector<16xf32>, vector<16xf32>, vector<16xf32>, vector<16xf32>, vector<16xf32>, vector<16xf32>, vector<16xf32>, vector<16xf32>, vector<16xf32>, vector<16xf32>, vector<16xf32>, vector<16xf32>, vector<16xf32>, vector<16xf32>, vector<16xf32>, vector<16xf32>, vector<16xf32>) {
            %reduce_max3A_290 = arith.constant true
            %reduce_max3A_291 = vector.broadcast %reduce_max3A_290 : i1 to vector<16xi1>
            %reduce_max3A_292 = tpu.scan <max>, %while3A_238 masked %reduce_max3A_291 : vector<16xf32>, vector<16xi1> -> vector<16xf32>
            %reduce_max3A_293 = vector.extract %reduce_max3A_292[15] : f32 from vector<16xf32>
            %gt3A_294 = arith.constant 0.000000e+00 : f32
            %gt3A_295 = arith.cmpf ogt, %reduce_max3A_293, %gt3A_294 : f32
            %convert_element_type3A_296 = arith.extui %gt3A_295 : i1 to i32
            %cond3A_297 = arith.constant 0 : i32
            %cond3A_298 = arith.cmpi ne, %convert_element_type3A_296, %cond3A_297 : i32
            %cond3A_299 = scf.if %cond3A_298 -> (i32) {
              %while3A_356 = scf.while (%while3A_424 = %while3A_236) : (i32) -> i32 {
                %add3A_425 = arith.constant 64 : i32
                %add3A_426 = arith.addi %while3A_424, %add3A_425 : i32
                %ge3A_427 = arith.cmpi sge, %while3A_235, %add3A_426 : i32
                scf.condition(%ge3A_427) %while3A_424 : i32
              } do {
              ^bb0(%while3A_424: i32):
                %multiple_of3A_425 = tpu.assume_multiple %while3A_424, 8 : i32
                "tpu.region"() ({
                  %run_scoped3A = tpu.sem_alloc : memref<!tpu.dma_semaphore, #tpu.memory_space<semaphore_mem>>
                  %dma_start3A = arith.constant 0 : i32
                  %dma_start3A_434 = tpu.memref_slice %arg7[%multiple_of3A_425, %dma_start3A] : memref<10000x256xf32, #tpu.memory_space<hbm>> -> memref<64x256xf32, #tpu.memory_space<hbm>>
                  %dma_start3A_435 = arith.constant 0 : i32
                  %dma_start3A_436 = tpu.memref_slice %arg7[%multiple_of3A_425, %dma_start3A_435] : memref<10000x256xf32, #tpu.memory_space<hbm>> -> memref<64x256xf32, #tpu.memory_space<hbm>>
                  tpu.enqueue_dma source(%arg14 : memref<64x256xf32, #tpu.memory_space<vmem>>) target(%dma_start3A_436 : memref<64x256xf32, #tpu.memory_space<hbm>>) target_semaphore(%run_scoped3A : memref<!tpu.dma_semaphore, #tpu.memory_space<semaphore_mem>>)
                  %dma_wait3A_437 = arith.constant 0 : i32
                  %dma_wait3A_438 = tpu.memref_slice %arg7[%multiple_of3A_425, %dma_wait3A_437] : memref<10000x256xf32, #tpu.memory_space<hbm>> -> memref<64x256xf32, #tpu.memory_space<hbm>>
                  %dma_wait3A_439 = arith.constant 0 : i32
                  %dma_wait3A_440 = tpu.memref_slice %arg7[%multiple_of3A_425, %dma_wait3A_439] : memref<10000x256xf32, #tpu.memory_space<hbm>> -> memref<64x256xf32, #tpu.memory_space<hbm>>
                  tpu.wait_dma2 semaphore(%run_scoped3A : memref<!tpu.dma_semaphore, #tpu.memory_space<semaphore_mem>>) src(%arg14 : memref<64x256xf32, #tpu.memory_space<vmem>>) dst(%dma_wait3A_440 : memref<64x256xf32, #tpu.memory_space<hbm>>)
                  tpu.yield
                }) : () -> ()
                %scan3A_426 = arith.constant 0 : i32
                %scan3A_427 = arith.constant 0 : i32
                %scan3A_428 = arith.constant 64 : i32
                %scan3A_429 = arith.addi %scan3A_427, %scan3A_428 : i32
                %scan3A_430 = arith.constant 1 : i32
                scf.for %scan3A_434 = %scan3A_427 to %scan3A_429 step %scan3A_430  : i32 {
                  %swap3A_435 = arith.index_cast %scan3A_434 : i32 to index
                  %swap3A_436 = arith.constant 0 : index
                  %swap3A_437 = tpu.vector_load %arg14[%swap3A_435, %swap3A_436] {strides = array<i32>} : memref<64x256xf32, #tpu.memory_space<vmem>>, vector<16xf32>,
                  tpu.vector_store %arg14[%swap3A_435, %swap3A_436], %broadcast_in_dim3A_22 {strides = array<i32>} : memref<64x256xf32, #tpu.memory_space<vmem>>, vector<16xf32>,
                  %swap3A_438 = arith.index_cast %scan3A_434 : i32 to index
                  %swap3A_439 = arith.constant 16 : index
                  %swap3A_440 = tpu.vector_load %arg14[%swap3A_438, %swap3A_439] {strides = array<i32>} : memref<64x256xf32, #tpu.memory_space<vmem>>, vector<16xf32>,
                  tpu.vector_store %arg14[%swap3A_438, %swap3A_439], %broadcast_in_dim3A_22 {strides = array<i32>} : memref<64x256xf32, #tpu.memory_space<vmem>>, vector<16xf32>,
                  %swap3A_441 = arith.index_cast %scan3A_434 : i32 to index
                  %swap3A_442 = arith.constant 32 : index
                  %swap3A_443 = tpu.vector_load %arg14[%swap3A_441, %swap3A_442] {strides = array<i32>} : memref<64x256xf32, #tpu.memory_space<vmem>>, vector<16xf32>,
                  tpu.vector_store %arg14[%swap3A_441, %swap3A_442], %broadcast_in_dim3A_22 {strides = array<i32>} : memref<64x256xf32, #tpu.memory_space<vmem>>, vector<16xf32>,
                  %swap3A_444 = arith.index_cast %scan3A_434 : i32 to index
                  %swap3A_445 = arith.constant 48 : index
                  %swap3A_446 = tpu.vector_load %arg14[%swap3A_444, %swap3A_445] {strides = array<i32>} : memref<64x256xf32, #tpu.memory_space<vmem>>, vector<16xf32>,
                  tpu.vector_store %arg14[%swap3A_444, %swap3A_445], %broadcast_in_dim3A_22 {strides = array<i32>} : memref<64x256xf32, #tpu.memory_space<vmem>>, vector<16xf32>,
                  %swap3A_447 = arith.index_cast %scan3A_434 : i32 to index
                  %swap3A_448 = arith.constant 64 : index
                  %swap3A_449 = tpu.vector_load %arg14[%swap3A_447, %swap3A_448] {strides = array<i32>} : memref<64x256xf32, #tpu.memory_space<vmem>>, vector<16xf32>,
                  tpu.vector_store %arg14[%swap3A_447, %swap3A_448], %broadcast_in_dim3A_22 {strides = array<i32>} : memref<64x256xf32, #tpu.memory_space<vmem>>, vector<16xf32>,
                  %swap3A_450 = arith.index_cast %scan3A_434 : i32 to index
                  %swap3A_451 = arith.constant 80 : index
                  %swap3A_452 = tpu.vector_load %arg14[%swap3A_450, %swap3A_451] {strides = array<i32>} : memref<64x256xf32, #tpu.memory_space<vmem>>, vector<16xf32>,
                  tpu.vector_store %arg14[%swap3A_450, %swap3A_451], %broadcast_in_dim3A_22 {strides = array<i32>} : memref<64x256xf32, #tpu.memory_space<vmem>>, vector<16xf32>,
                  %swap3A_453 = arith.index_cast %scan3A_434 : i32 to index
                  %swap3A_454 = arith.constant 96 : index
                  %swap3A_455 = tpu.vector_load %arg14[%swap3A_453, %swap3A_454] {strides = array<i32>} : memref<64x256xf32, #tpu.memory_space<vmem>>, vector<16xf32>,
                  tpu.vector_store %arg14[%swap3A_453, %swap3A_454], %broadcast_in_dim3A_22 {strides = array<i32>} : memref<64x256xf32, #tpu.memory_space<vmem>>, vector<16xf32>,
                  %swap3A_456 = arith.index_cast %scan3A_434 : i32 to index
                  %swap3A_457 = arith.constant 112 : index
                  %swap3A_458 = tpu.vector_load %arg14[%swap3A_456, %swap3A_457] {strides = array<i32>} : memref<64x256xf32, #tpu.memory_space<vmem>>, vector<16xf32>,
                  tpu.vector_store %arg14[%swap3A_456, %swap3A_457], %broadcast_in_dim3A_22 {strides = array<i32>} : memref<64x256xf32, #tpu.memory_space<vmem>>, vector<16xf32>,
                  %swap3A_459 = arith.index_cast %scan3A_434 : i32 to index
                  %swap3A_460 = arith.constant 128 : index
                  %swap3A_461 = tpu.vector_load %arg14[%swap3A_459, %swap3A_460] {strides = array<i32>} : memref<64x256xf32, #tpu.memory_space<vmem>>, vector<16xf32>,
                  tpu.vector_store %arg14[%swap3A_459, %swap3A_460], %broadcast_in_dim3A_22 {strides = array<i32>} : memref<64x256xf32, #tpu.memory_space<vmem>>, vector<16xf32>,
                  %swap3A_462 = arith.index_cast %scan3A_434 : i32 to index
                  %swap3A_463 = arith.constant 144 : index
                  %swap3A_464 = tpu.vector_load %arg14[%swap3A_462, %swap3A_463] {strides = array<i32>} : memref<64x256xf32, #tpu.memory_space<vmem>>, vector<16xf32>,
                  tpu.vector_store %arg14[%swap3A_462, %swap3A_463], %broadcast_in_dim3A_22 {strides = array<i32>} : memref<64x256xf32, #tpu.memory_space<vmem>>, vector<16xf32>,
                  %swap3A_465 = arith.index_cast %scan3A_434 : i32 to index
                  %swap3A_466 = arith.constant 160 : index
                  %swap3A_467 = tpu.vector_load %arg14[%swap3A_465, %swap3A_466] {strides = array<i32>} : memref<64x256xf32, #tpu.memory_space<vmem>>, vector<16xf32>,
                  tpu.vector_store %arg14[%swap3A_465, %swap3A_466], %broadcast_in_dim3A_22 {strides = array<i32>} : memref<64x256xf32, #tpu.memory_space<vmem>>, vector<16xf32>,
                  %swap3A_468 = arith.index_cast %scan3A_434 : i32 to index
                  %swap3A_469 = arith.constant 176 : index
                  %swap3A_470 = tpu.vector_load %arg14[%swap3A_468, %swap3A_469] {strides = array<i32>} : memref<64x256xf32, #tpu.memory_space<vmem>>, vector<16xf32>,
                  tpu.vector_store %arg14[%swap3A_468, %swap3A_469], %broadcast_in_dim3A_22 {strides = array<i32>} : memref<64x256xf32, #tpu.memory_space<vmem>>, vector<16xf32>,
                  %swap3A_471 = arith.index_cast %scan3A_434 : i32 to index
                  %swap3A_472 = arith.constant 192 : index
                  %swap3A_473 = tpu.vector_load %arg14[%swap3A_471, %swap3A_472] {strides = array<i32>} : memref<64x256xf32, #tpu.memory_space<vmem>>, vector<16xf32>,
                  tpu.vector_store %arg14[%swap3A_471, %swap3A_472], %broadcast_in_dim3A_22 {strides = array<i32>} : memref<64x256xf32, #tpu.memory_space<vmem>>, vector<16xf32>,
                  %swap3A_474 = arith.index_cast %scan3A_434 : i32 to index
                  %swap3A_475 = arith.constant 208 : index
                  %swap3A_476 = tpu.vector_load %arg14[%swap3A_474, %swap3A_475] {strides = array<i32>} : memref<64x256xf32, #tpu.memory_space<vmem>>, vector<16xf32>,
                  tpu.vector_store %arg14[%swap3A_474, %swap3A_475], %broadcast_in_dim3A_22 {strides = array<i32>} : memref<64x256xf32, #tpu.memory_space<vmem>>, vector<16xf32>,
                  %swap3A_477 = arith.index_cast %scan3A_434 : i32 to index
                  %swap3A_478 = arith.constant 224 : index
                  %swap3A_479 = tpu.vector_load %arg14[%swap3A_477, %swap3A_478] {strides = array<i32>} : memref<64x256xf32, #tpu.memory_space<vmem>>, vector<16xf32>,
                  tpu.vector_store %arg14[%swap3A_477, %swap3A_478], %broadcast_in_dim3A_22 {strides = array<i32>} : memref<64x256xf32, #tpu.memory_space<vmem>>, vector<16xf32>,
                  %swap3A_480 = arith.index_cast %scan3A_434 : i32 to index
                  %swap3A_481 = arith.constant 240 : index
                  %swap3A_482 = tpu.vector_load %arg14[%swap3A_480, %swap3A_481] {strides = array<i32>} : memref<64x256xf32, #tpu.memory_space<vmem>>, vector<16xf32>,
                  tpu.vector_store %arg14[%swap3A_480, %swap3A_481], %broadcast_in_dim3A_22 {strides = array<i32>} : memref<64x256xf32, #tpu.memory_space<vmem>>, vector<16xf32>,
                }
                %scan3A_431 = arith.constant 64 : i32
                %add3A_432 = arith.constant 64 : i32
                %add3A_433 = arith.addi %while3A_424, %add3A_432 : i32
                scf.yield %add3A_433 : i32
              }
              %sub3A_357 = arith.subi %while3A_235, %while3A_356 : i32
              %div3A_358 = arith.constant 1.000000e+00 : f32
              %div3A_359 = vector.broadcast %div3A_358 : f32 to vector<16xf32>
              %div3A_360 = arith.divf %div3A_359, %while3A_238 : vector<16xf32>
              %mul3A_361 = arith.mulf %while3A_255, %div3A_360 : vector<16xf32>
              %swap3A = arith.index_cast %sub3A_357 : i32 to index
              %swap3A_362 = arith.constant 0 : index
              %swap3A_363 = tpu.vector_load %arg14[%swap3A, %swap3A_362] {strides = array<i32>} : memref<64x256xf32, #tpu.memory_space<vmem>>, vector<16xf32>,
              tpu.vector_store %arg14[%swap3A, %swap3A_362], %mul3A_361 {strides = array<i32>} : memref<64x256xf32, #tpu.memory_space<vmem>>, vector<16xf32>,
              %mul3A_364 = arith.mulf %while3A_256, %div3A_360 : vector<16xf32>
              %swap3A_365 = arith.index_cast %sub3A_357 : i32 to index
              %swap3A_366 = arith.constant 16 : index
              %swap3A_367 = tpu.vector_load %arg14[%swap3A_365, %swap3A_366] {strides = array<i32>} : memref<64x256xf32, #tpu.memory_space<vmem>>, vector<16xf32>,
              tpu.vector_store %arg14[%swap3A_365, %swap3A_366], %mul3A_364 {strides = array<i32>} : memref<64x256xf32, #tpu.memory_space<vmem>>, vector<16xf32>,
              %mul3A_368 = arith.mulf %while3A_257, %div3A_360 : vector<16xf32>
              %swap3A_369 = arith.index_cast %sub3A_357 : i32 to index
              %swap3A_370 = arith.constant 32 : index
              %swap3A_371 = tpu.vector_load %arg14[%swap3A_369, %swap3A_370] {strides = array<i32>} : memref<64x256xf32, #tpu.memory_space<vmem>>, vector<16xf32>,
              tpu.vector_store %arg14[%swap3A_369, %swap3A_370], %mul3A_368 {strides = array<i32>} : memref<64x256xf32, #tpu.memory_space<vmem>>, vector<16xf32>,
              %mul3A_372 = arith.mulf %while3A_258, %div3A_360 : vector<16xf32>
              %swap3A_373 = arith.index_cast %sub3A_357 : i32 to index
              %swap3A_374 = arith.constant 48 : index
              %swap3A_375 = tpu.vector_load %arg14[%swap3A_373, %swap3A_374] {strides = array<i32>} : memref<64x256xf32, #tpu.memory_space<vmem>>, vector<16xf32>,
              tpu.vector_store %arg14[%swap3A_373, %swap3A_374], %mul3A_372 {strides = array<i32>} : memref<64x256xf32, #tpu.memory_space<vmem>>, vector<16xf32>,
              %mul3A_376 = arith.mulf %while3A_259, %div3A_360 : vector<16xf32>
              %swap3A_377 = arith.index_cast %sub3A_357 : i32 to index
              %swap3A_378 = arith.constant 64 : index
              %swap3A_379 = tpu.vector_load %arg14[%swap3A_377, %swap3A_378] {strides = array<i32>} : memref<64x256xf32, #tpu.memory_space<vmem>>, vector<16xf32>,
              tpu.vector_store %arg14[%swap3A_377, %swap3A_378], %mul3A_376 {strides = array<i32>} : memref<64x256xf32, #tpu.memory_space<vmem>>, vector<16xf32>,
              %mul3A_380 = arith.mulf %while3A_260, %div3A_360 : vector<16xf32>
              %swap3A_381 = arith.index_cast %sub3A_357 : i32 to index
              %swap3A_382 = arith.constant 80 : index
              %swap3A_383 = tpu.vector_load %arg14[%swap3A_381, %swap3A_382] {strides = array<i32>} : memref<64x256xf32, #tpu.memory_space<vmem>>, vector<16xf32>,
              tpu.vector_store %arg14[%swap3A_381, %swap3A_382], %mul3A_380 {strides = array<i32>} : memref<64x256xf32, #tpu.memory_space<vmem>>, vector<16xf32>,
              %mul3A_384 = arith.mulf %while3A_261, %div3A_360 : vector<16xf32>
              %swap3A_385 = arith.index_cast %sub3A_357 : i32 to index
              %swap3A_386 = arith.constant 96 : index
              %swap3A_387 = tpu.vector_load %arg14[%swap3A_385, %swap3A_386] {strides = array<i32>} : memref<64x256xf32, #tpu.memory_space<vmem>>, vector<16xf32>,
              tpu.vector_store %arg14[%swap3A_385, %swap3A_386], %mul3A_384 {strides = array<i32>} : memref<64x256xf32, #tpu.memory_space<vmem>>, vector<16xf32>,
              %mul3A_388 = arith.mulf %while3A_262, %div3A_360 : vector<16xf32>
              %swap3A_389 = arith.index_cast %sub3A_357 : i32 to index
              %swap3A_390 = arith.constant 112 : index
              %swap3A_391 = tpu.vector_load %arg14[%swap3A_389, %swap3A_390] {strides = array<i32>} : memref<64x256xf32, #tpu.memory_space<vmem>>, vector<16xf32>,
              tpu.vector_store %arg14[%swap3A_389, %swap3A_390], %mul3A_388 {strides = array<i32>} : memref<64x256xf32, #tpu.memory_space<vmem>>, vector<16xf32>,
              %mul3A_392 = arith.mulf %while3A_263, %div3A_360 : vector<16xf32>
              %swap3A_393 = arith.index_cast %sub3A_357 : i32 to index
              %swap3A_394 = arith.constant 128 : index
              %swap3A_395 = tpu.vector_load %arg14[%swap3A_393, %swap3A_394] {strides = array<i32>} : memref<64x256xf32, #tpu.memory_space<vmem>>, vector<16xf32>,
              tpu.vector_store %arg14[%swap3A_393, %swap3A_394], %mul3A_392 {strides = array<i32>} : memref<64x256xf32, #tpu.memory_space<vmem>>, vector<16xf32>,
              %mul3A_396 = arith.mulf %while3A_264, %div3A_360 : vector<16xf32>
              %swap3A_397 = arith.index_cast %sub3A_357 : i32 to index
              %swap3A_398 = arith.constant 144 : index
              %swap3A_399 = tpu.vector_load %arg14[%swap3A_397, %swap3A_398] {strides = array<i32>} : memref<64x256xf32, #tpu.memory_space<vmem>>, vector<16xf32>,
              tpu.vector_store %arg14[%swap3A_397, %swap3A_398], %mul3A_396 {strides = array<i32>} : memref<64x256xf32, #tpu.memory_space<vmem>>, vector<16xf32>,
              %mul3A_400 = arith.mulf %while3A_265, %div3A_360 : vector<16xf32>
              %swap3A_401 = arith.index_cast %sub3A_357 : i32 to index
              %swap3A_402 = arith.constant 160 : index
              %swap3A_403 = tpu.vector_load %arg14[%swap3A_401, %swap3A_402] {strides = array<i32>} : memref<64x256xf32, #tpu.memory_space<vmem>>, vector<16xf32>,
              tpu.vector_store %arg14[%swap3A_401, %swap3A_402], %mul3A_400 {strides = array<i32>} : memref<64x256xf32, #tpu.memory_space<vmem>>, vector<16xf32>,
              %mul3A_404 = arith.mulf %while3A_266, %div3A_360 : vector<16xf32>
              %swap3A_405 = arith.index_cast %sub3A_357 : i32 to index
              %swap3A_406 = arith.constant 176 : index
              %swap3A_407 = tpu.vector_load %arg14[%swap3A_405, %swap3A_406] {strides = array<i32>} : memref<64x256xf32, #tpu.memory_space<vmem>>, vector<16xf32>,
              tpu.vector_store %arg14[%swap3A_405, %swap3A_406], %mul3A_404 {strides = array<i32>} : memref<64x256xf32, #tpu.memory_space<vmem>>, vector<16xf32>,
              %mul3A_408 = arith.mulf %while3A_267, %div3A_360 : vector<16xf32>
              %swap3A_409 = arith.index_cast %sub3A_357 : i32 to index
              %swap3A_410 = arith.constant 192 : index
              %swap3A_411 = tpu.vector_load %arg14[%swap3A_409, %swap3A_410] {strides = array<i32>} : memref<64x256xf32, #tpu.memory_space<vmem>>, vector<16xf32>,
              tpu.vector_store %arg14[%swap3A_409, %swap3A_410], %mul3A_408 {strides = array<i32>} : memref<64x256xf32, #tpu.memory_space<vmem>>, vector<16xf32>,
              %mul3A_412 = arith.mulf %while3A_268, %div3A_360 : vector<16xf32>
              %swap3A_413 = arith.index_cast %sub3A_357 : i32 to index
              %swap3A_414 = arith.constant 208 : index
              %swap3A_415 = tpu.vector_load %arg14[%swap3A_413, %swap3A_414] {strides = array<i32>} : memref<64x256xf32, #tpu.memory_space<vmem>>, vector<16xf32>,
              tpu.vector_store %arg14[%swap3A_413, %swap3A_414], %mul3A_412 {strides = array<i32>} : memref<64x256xf32, #tpu.memory_space<vmem>>, vector<16xf32>,
              %mul3A_416 = arith.mulf %while3A_269, %div3A_360 : vector<16xf32>
              %swap3A_417 = arith.index_cast %sub3A_357 : i32 to index
              %swap3A_418 = arith.constant 224 : index
              %swap3A_419 = tpu.vector_load %arg14[%swap3A_417, %swap3A_418] {strides = array<i32>} : memref<64x256xf32, #tpu.memory_space<vmem>>, vector<16xf32>,
              tpu.vector_store %arg14[%swap3A_417, %swap3A_418], %mul3A_416 {strides = array<i32>} : memref<64x256xf32, #tpu.memory_space<vmem>>, vector<16xf32>,
              %mul3A_420 = arith.mulf %while3A_270, %div3A_360 : vector<16xf32>
              %swap3A_421 = arith.index_cast %sub3A_357 : i32 to index
              %swap3A_422 = arith.constant 240 : index
              %swap3A_423 = tpu.vector_load %arg14[%swap3A_421, %swap3A_422] {strides = array<i32>} : memref<64x256xf32, #tpu.memory_space<vmem>>, vector<16xf32>,
              tpu.vector_store %arg14[%swap3A_421, %swap3A_422], %mul3A_420 {strides = array<i32>} : memref<64x256xf32, #tpu.memory_space<vmem>>, vector<16xf32>,
              scf.yield %while3A_356 : i32
            } else {
              scf.yield %while3A_236 : i32
            }
            %and3A_300 = arith.constant -128 : i32
            %and3A_301 = arith.andi %squeeze3A_274, %and3A_300 : i32
            %ne3A_302 = arith.cmpi ne, %and3A_301, %while3A_237 : i32
            %convert_element_type3A_303 = arith.extui %ne3A_302 : i1 to i32
            %cond3A_304 = arith.constant 0 : i32
            %cond3A_305 = arith.cmpi ne, %convert_element_type3A_303, %cond3A_304 : i32
            scf.if %cond3A_305 {
              %multiple_of3A_356 = tpu.assume_multiple %and3A_301, 8 : i32
              "tpu.region"() ({
                %run_scoped3A = tpu.sem_alloc : memref<!tpu.dma_semaphore, #tpu.memory_space<semaphore_mem>>
                %dma_start3A = arith.constant 0 : i32
                %dma_start3A_357 = tpu.memref_slice %arg2[%multiple_of3A_356, %dma_start3A] : memref<10112x256xf32, #tpu.memory_space<hbm>> -> memref<128x256xf32, #tpu.memory_space<hbm>>
                %dma_start3A_358 = arith.constant 0 : i32
                %dma_start3A_359 = tpu.memref_slice %arg2[%multiple_of3A_356, %dma_start3A_358] : memref<10112x256xf32, #tpu.memory_space<hbm>> -> memref<128x256xf32, #tpu.memory_space<hbm>>
                tpu.enqueue_dma source(%dma_start3A_359 : memref<128x256xf32, #tpu.memory_space<hbm>>) target(%arg15 : memref<128x256xf32, #tpu.memory_space<vmem>>) target_semaphore(%run_scoped3A : memref<!tpu.dma_semaphore, #tpu.memory_space<semaphore_mem>>)
                %dma_wait3A_360 = arith.constant 0 : i32
                %dma_wait3A_361 = tpu.memref_slice %arg2[%multiple_of3A_356, %dma_wait3A_360] : memref<10112x256xf32, #tpu.memory_space<hbm>> -> memref<128x256xf32, #tpu.memory_space<hbm>>
                %dma_wait3A_362 = arith.constant 0 : i32
                %dma_wait3A_363 = tpu.memref_slice %arg2[%multiple_of3A_356, %dma_wait3A_362] : memref<10112x256xf32, #tpu.memory_space<hbm>> -> memref<128x256xf32, #tpu.memory_space<hbm>>
                tpu.wait_dma2 semaphore(%run_scoped3A : memref<!tpu.dma_semaphore, #tpu.memory_space<semaphore_mem>>) src(%dma_wait3A_363 : memref<128x256xf32, #tpu.memory_space<hbm>>) dst(%arg15 : memref<128x256xf32, #tpu.memory_space<vmem>>)
                tpu.yield
              }) : () -> ()
            } else {
            }
            %and3A_306 = arith.constant 127 : i32
            %and3A_307 = arith.andi %squeeze3A_274, %and3A_306 : i32
            %get3A_308 = arith.index_cast %and3A_307 : i32 to index
            %get3A_309 = arith.constant 0 : index
            %get3A_310 = tpu.vector_load %arg15[%get3A_308, %get3A_309] {strides = array<i32>} : memref<128x256xf32, #tpu.memory_space<vmem>>, vector<16xf32>,
            %get3A_311 = arith.index_cast %and3A_307 : i32 to index
            %get3A_312 = arith.constant 16 : index
            %get3A_313 = tpu.vector_load %arg15[%get3A_311, %get3A_312] {strides = array<i32>} : memref<128x256xf32, #tpu.memory_space<vmem>>, vector<16xf32>,
            %get3A_314 = arith.index_cast %and3A_307 : i32 to index
            %get3A_315 = arith.constant 32 : index
            %get3A_316 = tpu.vector_load %arg15[%get3A_314, %get3A_315] {strides = array<i32>} : memref<128x256xf32, #tpu.memory_space<vmem>>, vector<16xf32>,
            %get3A_317 = arith.index_cast %and3A_307 : i32 to index
            %get3A_318 = arith.constant 48 : index
            %get3A_319 = tpu.vector_load %arg15[%get3A_317, %get3A_318] {strides = array<i32>} : memref<128x256xf32, #tpu.memory_space<vmem>>, vector<16xf32>,
            %get3A_320 = arith.index_cast %and3A_307 : i32 to index
            %get3A_321 = arith.constant 64 : index
            %get3A_322 = tpu.vector_load %arg15[%get3A_320, %get3A_321] {strides = array<i32>} : memref<128x256xf32, #tpu.memory_space<vmem>>, vector<16xf32>,
            %get3A_323 = arith.index_cast %and3A_307 : i32 to index
            %get3A_324 = arith.constant 80 : index
            %get3A_325 = tpu.vector_load %arg15[%get3A_323, %get3A_324] {strides = array<i32>} : memref<128x256xf32, #tpu.memory_space<vmem>>, vector<16xf32>,
            %get3A_326 = arith.index_cast %and3A_307 : i32 to index
            %get3A_327 = arith.constant 96 : index
            %get3A_328 = tpu.vector_load %arg15[%get3A_326, %get3A_327] {strides = array<i32>} : memref<128x256xf32, #tpu.memory_space<vmem>>, vector<16xf32>,
            %get3A_329 = arith.index_cast %and3A_307 : i32 to index
            %get3A_330 = arith.constant 112 : index
            %get3A_331 = tpu.vector_load %arg15[%get3A_329, %get3A_330] {strides = array<i32>} : memref<128x256xf32, #tpu.memory_space<vmem>>, vector<16xf32>,
            %get3A_332 = arith.index_cast %and3A_307 : i32 to index
            %get3A_333 = arith.constant 128 : index
            %get3A_334 = tpu.vector_load %arg15[%get3A_332, %get3A_333] {strides = array<i32>} : memref<128x256xf32, #tpu.memory_space<vmem>>, vector<16xf32>,
            %get3A_335 = arith.index_cast %and3A_307 : i32 to index
            %get3A_336 = arith.constant 144 : index
            %get3A_337 = tpu.vector_load %arg15[%get3A_335, %get3A_336] {strides = array<i32>} : memref<128x256xf32, #tpu.memory_space<vmem>>, vector<16xf32>,
            %get3A_338 = arith.index_cast %and3A_307 : i32 to index
            %get3A_339 = arith.constant 160 : index
            %get3A_340 = tpu.vector_load %arg15[%get3A_338, %get3A_339] {strides = array<i32>} : memref<128x256xf32, #tpu.memory_space<vmem>>, vector<16xf32>,
            %get3A_341 = arith.index_cast %and3A_307 : i32 to index
            %get3A_342 = arith.constant 176 : index
            %get3A_343 = tpu.vector_load %arg15[%get3A_341, %get3A_342] {strides = array<i32>} : memref<128x256xf32, #tpu.memory_space<vmem>>, vector<16xf32>,
            %get3A_344 = arith.index_cast %and3A_307 : i32 to index
            %get3A_345 = arith.constant 192 : index
            %get3A_346 = tpu.vector_load %arg15[%get3A_344, %get3A_345] {strides = array<i32>} : memref<128x256xf32, #tpu.memory_space<vmem>>, vector<16xf32>,
            %get3A_347 = arith.index_cast %and3A_307 : i32 to index
            %get3A_348 = arith.constant 208 : index
            %get3A_349 = tpu.vector_load %arg15[%get3A_347, %get3A_348] {strides = array<i32>} : memref<128x256xf32, #tpu.memory_space<vmem>>, vector<16xf32>,
            %get3A_350 = arith.index_cast %and3A_307 : i32 to index
            %get3A_351 = arith.constant 224 : index
            %get3A_352 = tpu.vector_load %arg15[%get3A_350, %get3A_351] {strides = array<i32>} : memref<128x256xf32, #tpu.memory_space<vmem>>, vector<16xf32>,
            %get3A_353 = arith.index_cast %and3A_307 : i32 to index
            %get3A_354 = arith.constant 240 : index
            %get3A_355 = tpu.vector_load %arg15[%get3A_353, %get3A_354] {strides = array<i32>} : memref<128x256xf32, #tpu.memory_space<vmem>>, vector<16xf32>,
            scf.yield %squeeze3A_274, %cond3A_299, %and3A_301, %broadcast_in_dim3A_22, %get3A_310, %get3A_313, %get3A_316, %get3A_319, %get3A_322, %get3A_325, %get3A_328, %get3A_331, %get3A_334, %get3A_337, %get3A_340, %get3A_343, %get3A_346, %get3A_349, %get3A_352, %get3A_355, %broadcast_in_dim3A_22, %broadcast_in_dim3A_22, %broadcast_in_dim3A_22, %broadcast_in_dim3A_22, %broadcast_in_dim3A_22, %broadcast_in_dim3A_22, %broadcast_in_dim3A_22, %broadcast_in_dim3A_22, %broadcast_in_dim3A_22, %broadcast_in_dim3A_22, %broadcast_in_dim3A_22, %broadcast_in_dim3A_22, %broadcast_in_dim3A_22, %broadcast_in_dim3A_22, %broadcast_in_dim3A_22, %broadcast_in_dim3A_22 : i32, i32, i32, vector<16xf32>, vector<16xf32>, vector<16xf32>, vector<16xf32>, vector<16xf32>, vector<16xf32>, vector<16xf32>, vector<16xf32>, vector<16xf32>, vector<16xf32>, vector<16xf32>, vector<16xf32>, vector<16xf32>, vector<16xf32>, vector<16xf32>, vector<16xf32>, vector<16xf32>, vector<16xf32>, vector<16xf32>, vector<16xf32>, vector<16xf32>, vector<16xf32>, vector<16xf32>, vector<16xf32>, vector<16xf32>, vector<16xf32>, vector<16xf32>, vector<16xf32>, vector<16xf32>, vector<16xf32>, vector<16xf32>, vector<16xf32>, vector<16xf32>
          } else {
            scf.yield %while3A_235, %while3A_236, %while3A_237, %while3A_238, %while3A_239, %while3A_240, %while3A_241, %while3A_242, %while3A_243, %while3A_244, %while3A_245, %while3A_246, %while3A_247, %while3A_248, %while3A_249, %while3A_250, %while3A_251, %while3A_252, %while3A_253, %while3A_254, %while3A_255, %while3A_256, %while3A_257, %while3A_258, %while3A_259, %while3A_260, %while3A_261, %while3A_262, %while3A_263, %while3A_264, %while3A_265, %while3A_266, %while3A_267, %while3A_268, %while3A_269, %while3A_270 : i32, i32, i32, vector<16xf32>, vector<16xf32>, vector<16xf32>, vector<16xf32>, vector<16xf32>, vector<16xf32>, vector<16xf32>, vector<16xf32>, vector<16xf32>, vector<16xf32>, vector<16xf32>, vector<16xf32>, vector<16xf32>, vector<16xf32>, vector<16xf32>, vector<16xf32>, vector<16xf32>, vector<16xf32>, vector<16xf32>, vector<16xf32>, vector<16xf32>, vector<16xf32>, vector<16xf32>, vector<16xf32>, vector<16xf32>, vector<16xf32>, vector<16xf32>, vector<16xf32>, vector<16xf32>, vector<16xf32>, vector<16xf32>, vector<16xf32>, vector<16xf32>
          }
          %while3A_280 = arith.constant 16 : i32
          %while3A_281:2 = scf.while (%while3A_290 = %while3A_234, %while3A_291 = %while3A_280) : (i32, i32) -> (i32, i32) {
            %ge3A_292 = arith.constant 16 : i32
            %ge3A_293 = arith.cmpi sge, %while3A_291, %ge3A_292 : i32
            scf.condition(%ge3A_293) %while3A_290, %while3A_291 : i32, i32
          } do {
          ^bb0(%while3A_290: i32, %while3A_291: i32):
            %get3A_292 = arith.index_cast %while3A_290 : i32 to index
            %get3A_293 = tpu.vector_load %arg9[%get3A_292] {strides = array<i32>} : memref<144xi32, #tpu.memory_space<vmem>>, vector<16xi32>,
            %ne3A_294 = vector.broadcast %squeeze3A_274 : i32 to vector<16xi32>
            %ne3A_295 = arith.cmpi ne, %get3A_293, %ne3A_294 : vector<16xi32>
            %sub3A_296 = arith.constant 128 : i32
            %sub3A_297 = arith.subi %sub3A_296, %while3A_290 : i32
            %ge3A_298 = vector.broadcast %sub3A_297 : i32 to vector<16xi32>
            %ge3A_299 = arith.cmpi sge, %iota3A, %ge3A_298 : vector<16xi32>
            %or3A = arith.ori %ne3A_295, %ge3A_299 : vector<16xi1>
            %all_reduce_ffs3A = tpu.all_reduce %or3A {dim = 0 : i64, kind = #tpu.reduction_kind<find_first_set>} : vector<16xi1> -> vector<16xi32>
            %slice3A_300 = vector.extract_strided_slice %all_reduce_ffs3A {offsets = [0], sizes = [1], strides = [1]} : vector<16xi32> to vector<1xi32>
            %squeeze3A_301 = vector.extract %slice3A_300[0] : i32 from vector<1xi32>
            %add3A_302 = arith.addi %while3A_290, %squeeze3A_301 : i32
            scf.yield %add3A_302, %squeeze3A_301 : i32, i32
          }
          %add3A_282 = arith.addi %multiple_of3A_231, %while3A_234 : i32
          %ge3A = arith.cmpi sge, %add3A_282, %squeeze3A : i32
          %add3A_283 = arith.addi %multiple_of3A_231, %while3A_234 : i32
          %lt3A_284 = arith.cmpi slt, %add3A_283, %squeeze3A_7 : i32
          %and3A_285 = arith.andi %ge3A, %lt3A_284 : i1
          %convert_element_type3A_286 = arith.extui %and3A_285 : i1 to i32
          %cond3A_287 = arith.constant 0 : i32
          %cond3A_288 = arith.cmpi ne, %convert_element_type3A_286, %cond3A_287 : i32
          %cond3A_289:17 = scf.if %cond3A_288 -> (vector<16xf32>, vector<16xf32>, vector<16xf32>, vector<16xf32>, vector<16xf32>, vector<16xf32>, vector<16xf32>, vector<16xf32>, vector<16xf32>, vector<16xf32>, vector<16xf32>, vector<16xf32>, vector<16xf32>, vector<16xf32>, vector<16xf32>, vector<16xf32>, vector<16xf32>) {
            %parallel_loop3A = arith.constant 1 : i32
            %parallel_loop3A_290:17 = scf.for %parallel_loop3A_291 = %while3A_234 to %while3A_281#0 step %parallel_loop3A iter_args(%parallel_loop3A_292 = %cond3A_279#3, %parallel_loop3A_293 = %cond3A_279#20, %parallel_loop3A_294 = %cond3A_279#21, %parallel_loop3A_295 = %cond3A_279#22, %parallel_loop3A_296 = %cond3A_279#23, %parallel_loop3A_297 = %cond3A_279#24, %parallel_loop3A_298 = %cond3A_279#25, %parallel_loop3A_299 = %cond3A_279#26, %parallel_loop3A_300 = %cond3A_279#27, %parallel_loop3A_301 = %cond3A_279#28, %parallel_loop3A_302 = %cond3A_279#29, %parallel_loop3A_303 = %cond3A_279#30, %parallel_loop3A_304 = %cond3A_279#31, %parallel_loop3A_305 = %cond3A_279#32, %parallel_loop3A_306 = %cond3A_279#33, %parallel_loop3A_307 = %cond3A_279#34, %parallel_loop3A_308 = %cond3A_279#35) -> (vector<16xf32>, vector<16xf32>, vector<16xf32>, vector<16xf32>, vector<16xf32>, vector<16xf32>, vector<16xf32>, vector<16xf32>, vector<16xf32>, vector<16xf32>, vector<16xf32>, vector<16xf32>, vector<16xf32>, vector<16xf32>, vector<16xf32>, vector<16xf32>, vector<16xf32>)  : i32 {
              %parallel_loop3A_309 = arith.index_cast %parallel_loop3A_291 : i32 to index
              %parallel_loop3A_310 = arith.constant 0 : index
              %parallel_loop3A_311 = tpu.vector_load %arg13[%parallel_loop3A_309, %parallel_loop3A_310] {strides = array<i32>} : memref<128x256xf32, #tpu.memory_space<vmem>>, vector<16xf32>,
              %parallel_loop3A_312 = arith.index_cast %parallel_loop3A_291 : i32 to index
              %parallel_loop3A_313 = arith.constant 16 : index
              %parallel_loop3A_314 = tpu.vector_load %arg13[%parallel_loop3A_312, %parallel_loop3A_313] {strides = array<i32>} : memref<128x256xf32, #tpu.memory_space<vmem>>, vector<16xf32>,
              %parallel_loop3A_315 = arith.index_cast %parallel_loop3A_291 : i32 to index
              %parallel_loop3A_316 = arith.constant 32 : index
              %parallel_loop3A_317 = tpu.vector_load %arg13[%parallel_loop3A_315, %parallel_loop3A_316] {strides = array<i32>} : memref<128x256xf32, #tpu.memory_space<vmem>>, vector<16xf32>,
              %parallel_loop3A_318 = arith.index_cast %parallel_loop3A_291 : i32 to index
              %parallel_loop3A_319 = arith.constant 48 : index
              %parallel_loop3A_320 = tpu.vector_load %arg13[%parallel_loop3A_318, %parallel_loop3A_319] {strides = array<i32>} : memref<128x256xf32, #tpu.memory_space<vmem>>, vector<16xf32>,
              %parallel_loop3A_321 = arith.index_cast %parallel_loop3A_291 : i32 to index
              %parallel_loop3A_322 = arith.constant 64 : index
              %parallel_loop3A_323 = tpu.vector_load %arg13[%parallel_loop3A_321, %parallel_loop3A_322] {strides = array<i32>} : memref<128x256xf32, #tpu.memory_space<vmem>>, vector<16xf32>,
              %parallel_loop3A_324 = arith.index_cast %parallel_loop3A_291 : i32 to index
              %parallel_loop3A_325 = arith.constant 80 : index
              %parallel_loop3A_326 = tpu.vector_load %arg13[%parallel_loop3A_324, %parallel_loop3A_325] {strides = array<i32>} : memref<128x256xf32, #tpu.memory_space<vmem>>, vector<16xf32>,
              %parallel_loop3A_327 = arith.index_cast %parallel_loop3A_291 : i32 to index
              %parallel_loop3A_328 = arith.constant 96 : index
              %parallel_loop3A_329 = tpu.vector_load %arg13[%parallel_loop3A_327, %parallel_loop3A_328] {strides = array<i32>} : memref<128x256xf32, #tpu.memory_space<vmem>>, vector<16xf32>,
              %parallel_loop3A_330 = arith.index_cast %parallel_loop3A_291 : i32 to index
              %parallel_loop3A_331 = arith.constant 112 : index
              %parallel_loop3A_332 = tpu.vector_load %arg13[%parallel_loop3A_330, %parallel_loop3A_331] {strides = array<i32>} : memref<128x256xf32, #tpu.memory_space<vmem>>, vector<16xf32>,
              %parallel_loop3A_333 = arith.index_cast %parallel_loop3A_291 : i32 to index
              %parallel_loop3A_334 = arith.constant 128 : index
              %parallel_loop3A_335 = tpu.vector_load %arg13[%parallel_loop3A_333, %parallel_loop3A_334] {strides = array<i32>} : memref<128x256xf32, #tpu.memory_space<vmem>>, vector<16xf32>,
              %parallel_loop3A_336 = arith.index_cast %parallel_loop3A_291 : i32 to index
              %parallel_loop3A_337 = arith.constant 144 : index
              %parallel_loop3A_338 = tpu.vector_load %arg13[%parallel_loop3A_336, %parallel_loop3A_337] {strides = array<i32>} : memref<128x256xf32, #tpu.memory_space<vmem>>, vector<16xf32>,
              %parallel_loop3A_339 = arith.index_cast %parallel_loop3A_291 : i32 to index
              %parallel_loop3A_340 = arith.constant 160 : index
              %parallel_loop3A_341 = tpu.vector_load %arg13[%parallel_loop3A_339, %parallel_loop3A_340] {strides = array<i32>} : memref<128x256xf32, #tpu.memory_space<vmem>>, vector<16xf32>,
              %parallel_loop3A_342 = arith.index_cast %parallel_loop3A_291 : i32 to index
              %parallel_loop3A_343 = arith.constant 176 : index
              %parallel_loop3A_344 = tpu.vector_load %arg13[%parallel_loop3A_342, %parallel_loop3A_343] {strides = array<i32>} : memref<128x256xf32, #tpu.memory_space<vmem>>, vector<16xf32>,
              %parallel_loop3A_345 = arith.index_cast %parallel_loop3A_291 : i32 to index
              %parallel_loop3A_346 = arith.constant 192 : index
              %parallel_loop3A_347 = tpu.vector_load %arg13[%parallel_loop3A_345, %parallel_loop3A_346] {strides = array<i32>} : memref<128x256xf32, #tpu.memory_space<vmem>>, vector<16xf32>,
              %parallel_loop3A_348 = arith.index_cast %parallel_loop3A_291 : i32 to index
              %parallel_loop3A_349 = arith.constant 208 : index
              %parallel_loop3A_350 = tpu.vector_load %arg13[%parallel_loop3A_348, %parallel_loop3A_349] {strides = array<i32>} : memref<128x256xf32, #tpu.memory_space<vmem>>, vector<16xf32>,
              %parallel_loop3A_351 = arith.index_cast %parallel_loop3A_291 : i32 to index
              %parallel_loop3A_352 = arith.constant 224 : index
              %parallel_loop3A_353 = tpu.vector_load %arg13[%parallel_loop3A_351, %parallel_loop3A_352] {strides = array<i32>} : memref<128x256xf32, #tpu.memory_space<vmem>>, vector<16xf32>,
              %parallel_loop3A_354 = arith.index_cast %parallel_loop3A_291 : i32 to index
              %parallel_loop3A_355 = arith.constant 240 : index
              %parallel_loop3A_356 = tpu.vector_load %arg13[%parallel_loop3A_354, %parallel_loop3A_355] {strides = array<i32>} : memref<128x256xf32, #tpu.memory_space<vmem>>, vector<16xf32>,
              %parallel_loop3A_357 = arith.mulf %cond3A_279#4, %parallel_loop3A_311 : vector<16xf32>
              %parallel_loop3A_358 = arith.mulf %cond3A_279#5, %parallel_loop3A_314 : vector<16xf32>
              %parallel_loop3A_359 = arith.mulf %cond3A_279#6, %parallel_loop3A_317 : vector<16xf32>
              %parallel_loop3A_360 = arith.mulf %cond3A_279#7, %parallel_loop3A_320 : vector<16xf32>
              %parallel_loop3A_361 = arith.mulf %cond3A_279#8, %parallel_loop3A_323 : vector<16xf32>
              %parallel_loop3A_362 = arith.mulf %cond3A_279#9, %parallel_loop3A_326 : vector<16xf32>
              %parallel_loop3A_363 = arith.mulf %cond3A_279#10, %parallel_loop3A_329 : vector<16xf32>
              %parallel_loop3A_364 = arith.mulf %cond3A_279#11, %parallel_loop3A_332 : vector<16xf32>
              %parallel_loop3A_365 = arith.mulf %cond3A_279#12, %parallel_loop3A_335 : vector<16xf32>
              %parallel_loop3A_366 = arith.mulf %cond3A_279#13, %parallel_loop3A_338 : vector<16xf32>
              %parallel_loop3A_367 = arith.mulf %cond3A_279#14, %parallel_loop3A_341 : vector<16xf32>
              %parallel_loop3A_368 = arith.mulf %cond3A_279#15, %parallel_loop3A_344 : vector<16xf32>
              %parallel_loop3A_369 = arith.mulf %cond3A_279#16, %parallel_loop3A_347 : vector<16xf32>
              %parallel_loop3A_370 = arith.mulf %cond3A_279#17, %parallel_loop3A_350 : vector<16xf32>
              %parallel_loop3A_371 = arith.mulf %cond3A_279#18, %parallel_loop3A_353 : vector<16xf32>
              %parallel_loop3A_372 = arith.mulf %cond3A_279#19, %parallel_loop3A_356 : vector<16xf32>
              %parallel_loop3A_373 = arith.addf %parallel_loop3A_357, %parallel_loop3A_358 : vector<16xf32>
              %parallel_loop3A_374 = arith.addf %parallel_loop3A_359, %parallel_loop3A_360 : vector<16xf32>
              %parallel_loop3A_375 = arith.addf %parallel_loop3A_361, %parallel_loop3A_362 : vector<16xf32>
              %parallel_loop3A_376 = arith.addf %parallel_loop3A_363, %parallel_loop3A_364 : vector<16xf32>
              %parallel_loop3A_377 = arith.addf %parallel_loop3A_365, %parallel_loop3A_366 : vector<16xf32>
              %parallel_loop3A_378 = arith.addf %parallel_loop3A_367, %parallel_loop3A_368 : vector<16xf32>
              %parallel_loop3A_379 = arith.addf %parallel_loop3A_369, %parallel_loop3A_370 : vector<16xf32>
              %parallel_loop3A_380 = arith.addf %parallel_loop3A_371, %parallel_loop3A_372 : vector<16xf32>
              %parallel_loop3A_381 = arith.addf %parallel_loop3A_373, %parallel_loop3A_374 : vector<16xf32>
              %parallel_loop3A_382 = arith.addf %parallel_loop3A_375, %parallel_loop3A_376 : vector<16xf32>
              %parallel_loop3A_383 = arith.addf %parallel_loop3A_377, %parallel_loop3A_378 : vector<16xf32>
              %parallel_loop3A_384 = arith.addf %parallel_loop3A_379, %parallel_loop3A_380 : vector<16xf32>
              %parallel_loop3A_385 = arith.addf %parallel_loop3A_381, %parallel_loop3A_382 : vector<16xf32>
              %parallel_loop3A_386 = arith.addf %parallel_loop3A_383, %parallel_loop3A_384 : vector<16xf32>
              %parallel_loop3A_387 = arith.addf %parallel_loop3A_385, %parallel_loop3A_386 : vector<16xf32>
              %parallel_loop3A_388 = arith.constant true
              %parallel_loop3A_389 = vector.broadcast %parallel_loop3A_388 : i1 to vector<16xi1>
              %parallel_loop3A_390 = tpu.scan <sum>, %parallel_loop3A_387 masked %parallel_loop3A_389 : vector<16xf32>, vector<16xi1> -> vector<16xf32>
              %parallel_loop3A_391 = vector.extract %parallel_loop3A_390[15] : f32 from vector<16xf32>
              %parallel_loop3A_392 = vector.broadcast %parallel_loop3A_391 : f32 to vector<16xf32>
              %parallel_loop3A_393 = math.exp %parallel_loop3A_392 : vector<16xf32>
              %parallel_loop3A_394 = arith.addf %parallel_loop3A_292, %parallel_loop3A_393 : vector<16xf32>
              %parallel_loop3A_395 = arith.mulf %parallel_loop3A_393, %parallel_loop3A_311 : vector<16xf32>
              %parallel_loop3A_396 = arith.addf %parallel_loop3A_293, %parallel_loop3A_395 : vector<16xf32>
              %parallel_loop3A_397 = arith.mulf %parallel_loop3A_393, %parallel_loop3A_314 : vector<16xf32>
              %parallel_loop3A_398 = arith.addf %parallel_loop3A_294, %parallel_loop3A_397 : vector<16xf32>
              %parallel_loop3A_399 = arith.mulf %parallel_loop3A_393, %parallel_loop3A_317 : vector<16xf32>
              %parallel_loop3A_400 = arith.addf %parallel_loop3A_295, %parallel_loop3A_399 : vector<16xf32>
              %parallel_loop3A_401 = arith.mulf %parallel_loop3A_393, %parallel_loop3A_320 : vector<16xf32>
              %parallel_loop3A_402 = arith.addf %parallel_loop3A_296, %parallel_loop3A_401 : vector<16xf32>
              %parallel_loop3A_403 = arith.mulf %parallel_loop3A_393, %parallel_loop3A_323 : vector<16xf32>
              %parallel_loop3A_404 = arith.addf %parallel_loop3A_297, %parallel_loop3A_403 : vector<16xf32>
              %parallel_loop3A_405 = arith.mulf %parallel_loop3A_393, %parallel_loop3A_326 : vector<16xf32>
              %parallel_loop3A_406 = arith.addf %parallel_loop3A_298, %parallel_loop3A_405 : vector<16xf32>
              %parallel_loop3A_407 = arith.mulf %parallel_loop3A_393, %parallel_loop3A_329 : vector<16xf32>
              %parallel_loop3A_408 = arith.addf %parallel_loop3A_299, %parallel_loop3A_407 : vector<16xf32>
              %parallel_loop3A_409 = arith.mulf %parallel_loop3A_393, %parallel_loop3A_332 : vector<16xf32>
              %parallel_loop3A_410 = arith.addf %parallel_loop3A_300, %parallel_loop3A_409 : vector<16xf32>
              %parallel_loop3A_411 = arith.mulf %parallel_loop3A_393, %parallel_loop3A_335 : vector<16xf32>
              %parallel_loop3A_412 = arith.addf %parallel_loop3A_301, %parallel_loop3A_411 : vector<16xf32>
              %parallel_loop3A_413 = arith.mulf %parallel_loop3A_393, %parallel_loop3A_338 : vector<16xf32>
              %parallel_loop3A_414 = arith.addf %parallel_loop3A_302, %parallel_loop3A_413 : vector<16xf32>
              %parallel_loop3A_415 = arith.mulf %parallel_loop3A_393, %parallel_loop3A_341 : vector<16xf32>
              %parallel_loop3A_416 = arith.addf %parallel_loop3A_303, %parallel_loop3A_415 : vector<16xf32>
              %parallel_loop3A_417 = arith.mulf %parallel_loop3A_393, %parallel_loop3A_344 : vector<16xf32>
              %parallel_loop3A_418 = arith.addf %parallel_loop3A_304, %parallel_loop3A_417 : vector<16xf32>
              %parallel_loop3A_419 = arith.mulf %parallel_loop3A_393, %parallel_loop3A_347 : vector<16xf32>
              %parallel_loop3A_420 = arith.addf %parallel_loop3A_305, %parallel_loop3A_419 : vector<16xf32>
              %parallel_loop3A_421 = arith.mulf %parallel_loop3A_393, %parallel_loop3A_350 : vector<16xf32>
              %parallel_loop3A_422 = arith.addf %parallel_loop3A_306, %parallel_loop3A_421 : vector<16xf32>
              %parallel_loop3A_423 = arith.mulf %parallel_loop3A_393, %parallel_loop3A_353 : vector<16xf32>
              %parallel_loop3A_424 = arith.addf %parallel_loop3A_307, %parallel_loop3A_423 : vector<16xf32>
              %parallel_loop3A_425 = arith.mulf %parallel_loop3A_393, %parallel_loop3A_356 : vector<16xf32>
              %parallel_loop3A_426 = arith.addf %parallel_loop3A_308, %parallel_loop3A_425 : vector<16xf32>
              scf.yield %parallel_loop3A_394, %parallel_loop3A_396, %parallel_loop3A_398, %parallel_loop3A_400, %parallel_loop3A_402, %parallel_loop3A_404, %parallel_loop3A_406, %parallel_loop3A_408, %parallel_loop3A_410, %parallel_loop3A_412, %parallel_loop3A_414, %parallel_loop3A_416, %parallel_loop3A_418, %parallel_loop3A_420, %parallel_loop3A_422, %parallel_loop3A_424, %parallel_loop3A_426 : vector<16xf32>, vector<16xf32>, vector<16xf32>, vector<16xf32>, vector<16xf32>, vector<16xf32>, vector<16xf32>, vector<16xf32>, vector<16xf32>, vector<16xf32>, vector<16xf32>, vector<16xf32>, vector<16xf32>, vector<16xf32>, vector<16xf32>, vector<16xf32>, vector<16xf32>
            } {sc.loop_unroll_factor = 2 : i64, sc.parallel_access}
            scf.yield %parallel_loop3A_290#0, %parallel_loop3A_290#1, %parallel_loop3A_290#2, %parallel_loop3A_290#3, %parallel_loop3A_290#4, %parallel_loop3A_290#5, %parallel_loop3A_290#6, %parallel_loop3A_290#7, %parallel_loop3A_290#8, %parallel_loop3A_290#9, %parallel_loop3A_290#10, %parallel_loop3A_290#11, %parallel_loop3A_290#12, %parallel_loop3A_290#13, %parallel_loop3A_290#14, %parallel_loop3A_290#15, %parallel_loop3A_290#16 : vector<16xf32>, vector<16xf32>, vector<16xf32>, vector<16xf32>, vector<16xf32>, vector<16xf32>, vector<16xf32>, vector<16xf32>, vector<16xf32>, vector<16xf32>, vector<16xf32>, vector<16xf32>, vector<16xf32>, vector<16xf32>, vector<16xf32>, vector<16xf32>, vector<16xf32>
          } else {
            scf.yield %cond3A_279#3, %cond3A_279#20, %cond3A_279#21, %cond3A_279#22, %cond3A_279#23, %cond3A_279#24, %cond3A_279#25, %cond3A_279#26, %cond3A_279#27, %cond3A_279#28, %cond3A_279#29, %cond3A_279#30, %cond3A_279#31, %cond3A_279#32, %cond3A_279#33, %cond3A_279#34, %cond3A_279#35 : vector<16xf32>, vector<16xf32>, vector<16xf32>, vector<16xf32>, vector<16xf32>, vector<16xf32>, vector<16xf32>, vector<16xf32>, vector<16xf32>, vector<16xf32>, vector<16xf32>, vector<16xf32>, vector<16xf32>, vector<16xf32>, vector<16xf32>, vector<16xf32>, vector<16xf32>
          }
          scf.yield %while3A_281#0, %cond3A_279#0, %cond3A_279#1, %cond3A_279#2, %cond3A_289#0, %cond3A_279#4, %cond3A_279#5, %cond3A_279#6, %cond3A_279#7, %cond3A_279#8, %cond3A_279#9, %cond3A_279#10, %cond3A_279#11, %cond3A_279#12, %cond3A_279#13, %cond3A_279#14, %cond3A_279#15, %cond3A_279#16, %cond3A_279#17, %cond3A_279#18, %cond3A_279#19, %cond3A_289#1, %cond3A_289#2, %cond3A_289#3, %cond3A_289#4, %cond3A_289#5, %cond3A_289#6, %cond3A_289#7, %cond3A_289#8, %cond3A_289#9, %cond3A_289#10, %cond3A_289#11, %cond3A_289#12, %cond3A_289#13, %cond3A_289#14, %cond3A_289#15, %cond3A_289#16 : i32, i32, i32, i32, vector<16xf32>, vector<16xf32>, vector<16xf32>, vector<16xf32>, vector<16xf32>, vector<16xf32>, vector<16xf32>, vector<16xf32>, vector<16xf32>, vector<16xf32>, vector<16xf32>, vector<16xf32>, vector<16xf32>, vector<16xf32>, vector<16xf32>, vector<16xf32>, vector<16xf32>, vector<16xf32>, vector<16xf32>, vector<16xf32>, vector<16xf32>, vector<16xf32>, vector<16xf32>, vector<16xf32>, vector<16xf32>, vector<16xf32>, vector<16xf32>, vector<16xf32>, vector<16xf32>, vector<16xf32>, vector<16xf32>, vector<16xf32>, vector<16xf32>
        }
        scf.yield %while3A_233#1, %while3A_233#2, %while3A_233#3, %while3A_233#4, %while3A_233#5, %while3A_233#6, %while3A_233#7, %while3A_233#8, %while3A_233#9, %while3A_233#10, %while3A_233#11, %while3A_233#12, %while3A_233#13, %while3A_233#14, %while3A_233#15, %while3A_233#16, %while3A_233#17, %while3A_233#18, %while3A_233#19, %while3A_233#20, %while3A_233#21, %while3A_233#22, %while3A_233#23, %while3A_233#24, %while3A_233#25, %while3A_233#26, %while3A_233#27, %while3A_233#28, %while3A_233#29, %while3A_233#30, %while3A_233#31, %while3A_233#32, %while3A_233#33, %while3A_233#34, %while3A_233#35, %while3A_233#36 : i32, i32, i32, vector<16xf32>, vector<16xf32>, vector<16xf32>, vector<16xf32>, vector<16xf32>, vector<16xf32>, vector<16xf32>, vector<16xf32>, vector<16xf32>, vector<16xf32>, vector<16xf32>, vector<16xf32>, vector<16xf32>, vector<16xf32>, vector<16xf32>, vector<16xf32>, vector<16xf32>, vector<16xf32>, vector<16xf32>, vector<16xf32>, vector<16xf32>, vector<16xf32>, vector<16xf32>, vector<16xf32>, vector<16xf32>, vector<16xf32>, vector<16xf32>, vector<16xf32>, vector<16xf32>, vector<16xf32>, vector<16xf32>, vector<16xf32>, vector<16xf32>
      } else {
        scf.yield %while3A_196#1, %while3A_196#2, %while3A_196#3, %while3A_196#4, %while3A_196#5, %while3A_196#6, %while3A_196#7, %while3A_196#8, %while3A_196#9, %while3A_196#10, %while3A_196#11, %while3A_196#12, %while3A_196#13, %while3A_196#14, %while3A_196#15, %while3A_196#16, %while3A_196#17, %while3A_196#18, %while3A_196#19, %while3A_196#20, %while3A_196#21, %while3A_196#22, %while3A_196#23, %while3A_196#24, %while3A_196#25, %while3A_196#26, %while3A_196#27, %while3A_196#28, %while3A_196#29, %while3A_196#30, %while3A_196#31, %while3A_196#32, %while3A_196#33, %while3A_196#34, %while3A_196#35, %while3A_196#36 : i32, i32, i32, vector<16xf32>, vector<16xf32>, vector<16xf32>, vector<16xf32>, vector<16xf32>, vector<16xf32>, vector<16xf32>, vector<16xf32>, vector<16xf32>, vector<16xf32>, vector<16xf32>, vector<16xf32>, vector<16xf32>, vector<16xf32>, vector<16xf32>, vector<16xf32>, vector<16xf32>, vector<16xf32>, vector<16xf32>, vector<16xf32>, vector<16xf32>, vector<16xf32>, vector<16xf32>, vector<16xf32>, vector<16xf32>, vector<16xf32>, vector<16xf32>, vector<16xf32>, vector<16xf32>, vector<16xf32>, vector<16xf32>, vector<16xf32>, vector<16xf32>
      }
      scf.yield %cond3A_209#0, %cond3A_209#1, %cond3A_209#2, %cond3A_209#3, %cond3A_209#4, %cond3A_209#5, %cond3A_209#6, %cond3A_209#7, %cond3A_209#8, %cond3A_209#9, %cond3A_209#10, %cond3A_209#11, %cond3A_209#12, %cond3A_209#13, %cond3A_209#14, %cond3A_209#15, %cond3A_209#16, %cond3A_209#17, %cond3A_209#18, %cond3A_209#19, %cond3A_209#20, %cond3A_209#21, %cond3A_209#22, %cond3A_209#23, %cond3A_209#24, %cond3A_209#25, %cond3A_209#26, %cond3A_209#27, %cond3A_209#28, %cond3A_209#29, %cond3A_209#30, %cond3A_209#31, %cond3A_209#32, %cond3A_209#33, %cond3A_209#34, %cond3A_209#35 : i32, i32, i32, vector<16xf32>, vector<16xf32>, vector<16xf32>, vector<16xf32>, vector<16xf32>, vector<16xf32>, vector<16xf32>, vector<16xf32>, vector<16xf32>, vector<16xf32>, vector<16xf32>, vector<16xf32>, vector<16xf32>, vector<16xf32>, vector<16xf32>, vector<16xf32>, vector<16xf32>, vector<16xf32>, vector<16xf32>, vector<16xf32>, vector<16xf32>, vector<16xf32>, vector<16xf32>, vector<16xf32>, vector<16xf32>, vector<16xf32>, vector<16xf32>, vector<16xf32>, vector<16xf32>, vector<16xf32>, vector<16xf32>, vector<16xf32>, vector<16xf32>
    }
    %reduce_max3A = arith.constant true
    %reduce_max3A_89 = vector.broadcast %reduce_max3A : i1 to vector<16xi1>
    %reduce_max3A_90 = tpu.scan <max>, %while3A_88#3 masked %reduce_max3A_89 : vector<16xf32>, vector<16xi1> -> vector<16xf32>
    %reduce_max3A_91 = vector.extract %reduce_max3A_90[15] : f32 from vector<16xf32>
    %gt3A_92 = arith.constant 0.000000e+00 : f32
    %gt3A_93 = arith.cmpf ogt, %reduce_max3A_91, %gt3A_92 : f32
    %convert_element_type3A_94 = arith.extui %gt3A_93 : i1 to i32
    %cond3A_95 = arith.constant 0 : i32
    %cond3A_96 = arith.cmpi ne, %convert_element_type3A_94, %cond3A_95 : i32
    %cond3A_97 = scf.if %cond3A_96 -> (i32) {
      %while3A_133 = scf.while (%while3A_201 = %while3A_88#1) : (i32) -> i32 {
        %add3A_202 = arith.constant 64 : i32
        %add3A_203 = arith.addi %while3A_201, %add3A_202 : i32
        %ge3A = arith.cmpi sge, %while3A_88#0, %add3A_203 : i32
        scf.condition(%ge3A) %while3A_201 : i32
      } do {
      ^bb0(%while3A_201: i32):
        %multiple_of3A = tpu.assume_multiple %while3A_201, 8 : i32
        "tpu.region"() ({
          %run_scoped3A = tpu.sem_alloc : memref<!tpu.dma_semaphore, #tpu.memory_space<semaphore_mem>>
          %dma_start3A = arith.constant 0 : i32
          %dma_start3A_210 = tpu.memref_slice %arg7[%multiple_of3A, %dma_start3A] : memref<10000x256xf32, #tpu.memory_space<hbm>> -> memref<64x256xf32, #tpu.memory_space<hbm>>
          %dma_start3A_211 = arith.constant 0 : i32
          %dma_start3A_212 = tpu.memref_slice %arg7[%multiple_of3A, %dma_start3A_211] : memref<10000x256xf32, #tpu.memory_space<hbm>> -> memref<64x256xf32, #tpu.memory_space<hbm>>
          tpu.enqueue_dma source(%arg14 : memref<64x256xf32, #tpu.memory_space<vmem>>) target(%dma_start3A_212 : memref<64x256xf32, #tpu.memory_space<hbm>>) target_semaphore(%run_scoped3A : memref<!tpu.dma_semaphore, #tpu.memory_space<semaphore_mem>>)
          %dma_wait3A = arith.constant 0 : i32
          %dma_wait3A_213 = tpu.memref_slice %arg7[%multiple_of3A, %dma_wait3A] : memref<10000x256xf32, #tpu.memory_space<hbm>> -> memref<64x256xf32, #tpu.memory_space<hbm>>
          %dma_wait3A_214 = arith.constant 0 : i32
          %dma_wait3A_215 = tpu.memref_slice %arg7[%multiple_of3A, %dma_wait3A_214] : memref<10000x256xf32, #tpu.memory_space<hbm>> -> memref<64x256xf32, #tpu.memory_space<hbm>>
          tpu.wait_dma2 semaphore(%run_scoped3A : memref<!tpu.dma_semaphore, #tpu.memory_space<semaphore_mem>>) src(%arg14 : memref<64x256xf32, #tpu.memory_space<vmem>>) dst(%dma_wait3A_215 : memref<64x256xf32, #tpu.memory_space<hbm>>)
          tpu.yield
        }) : () -> ()
        %scan3A_202 = arith.constant 0 : i32
        %scan3A_203 = arith.constant 0 : i32
        %scan3A_204 = arith.constant 64 : i32
        %scan3A_205 = arith.addi %scan3A_203, %scan3A_204 : i32
        %scan3A_206 = arith.constant 1 : i32
        scf.for %scan3A_210 = %scan3A_203 to %scan3A_205 step %scan3A_206  : i32 {
          %swap3A_211 = arith.index_cast %scan3A_210 : i32 to index
          %swap3A_212 = arith.constant 0 : index
          %swap3A_213 = tpu.vector_load %arg14[%swap3A_211, %swap3A_212] {strides = array<i32>} : memref<64x256xf32, #tpu.memory_space<vmem>>, vector<16xf32>,
          tpu.vector_store %arg14[%swap3A_211, %swap3A_212], %broadcast_in_dim3A_22 {strides = array<i32>} : memref<64x256xf32, #tpu.memory_space<vmem>>, vector<16xf32>,
          %swap3A_214 = arith.index_cast %scan3A_210 : i32 to index
          %swap3A_215 = arith.constant 16 : index
          %swap3A_216 = tpu.vector_load %arg14[%swap3A_214, %swap3A_215] {strides = array<i32>} : memref<64x256xf32, #tpu.memory_space<vmem>>, vector<16xf32>,
          tpu.vector_store %arg14[%swap3A_214, %swap3A_215], %broadcast_in_dim3A_22 {strides = array<i32>} : memref<64x256xf32, #tpu.memory_space<vmem>>, vector<16xf32>,
          %swap3A_217 = arith.index_cast %scan3A_210 : i32 to index
          %swap3A_218 = arith.constant 32 : index
          %swap3A_219 = tpu.vector_load %arg14[%swap3A_217, %swap3A_218] {strides = array<i32>} : memref<64x256xf32, #tpu.memory_space<vmem>>, vector<16xf32>,
          tpu.vector_store %arg14[%swap3A_217, %swap3A_218], %broadcast_in_dim3A_22 {strides = array<i32>} : memref<64x256xf32, #tpu.memory_space<vmem>>, vector<16xf32>,
          %swap3A_220 = arith.index_cast %scan3A_210 : i32 to index
          %swap3A_221 = arith.constant 48 : index
          %swap3A_222 = tpu.vector_load %arg14[%swap3A_220, %swap3A_221] {strides = array<i32>} : memref<64x256xf32, #tpu.memory_space<vmem>>, vector<16xf32>,
          tpu.vector_store %arg14[%swap3A_220, %swap3A_221], %broadcast_in_dim3A_22 {strides = array<i32>} : memref<64x256xf32, #tpu.memory_space<vmem>>, vector<16xf32>,
          %swap3A_223 = arith.index_cast %scan3A_210 : i32 to index
          %swap3A_224 = arith.constant 64 : index
          %swap3A_225 = tpu.vector_load %arg14[%swap3A_223, %swap3A_224] {strides = array<i32>} : memref<64x256xf32, #tpu.memory_space<vmem>>, vector<16xf32>,
          tpu.vector_store %arg14[%swap3A_223, %swap3A_224], %broadcast_in_dim3A_22 {strides = array<i32>} : memref<64x256xf32, #tpu.memory_space<vmem>>, vector<16xf32>,
          %swap3A_226 = arith.index_cast %scan3A_210 : i32 to index
          %swap3A_227 = arith.constant 80 : index
          %swap3A_228 = tpu.vector_load %arg14[%swap3A_226, %swap3A_227] {strides = array<i32>} : memref<64x256xf32, #tpu.memory_space<vmem>>, vector<16xf32>,
          tpu.vector_store %arg14[%swap3A_226, %swap3A_227], %broadcast_in_dim3A_22 {strides = array<i32>} : memref<64x256xf32, #tpu.memory_space<vmem>>, vector<16xf32>,
          %swap3A_229 = arith.index_cast %scan3A_210 : i32 to index
          %swap3A_230 = arith.constant 96 : index
          %swap3A_231 = tpu.vector_load %arg14[%swap3A_229, %swap3A_230] {strides = array<i32>} : memref<64x256xf32, #tpu.memory_space<vmem>>, vector<16xf32>,
          tpu.vector_store %arg14[%swap3A_229, %swap3A_230], %broadcast_in_dim3A_22 {strides = array<i32>} : memref<64x256xf32, #tpu.memory_space<vmem>>, vector<16xf32>,
          %swap3A_232 = arith.index_cast %scan3A_210 : i32 to index
          %swap3A_233 = arith.constant 112 : index
          %swap3A_234 = tpu.vector_load %arg14[%swap3A_232, %swap3A_233] {strides = array<i32>} : memref<64x256xf32, #tpu.memory_space<vmem>>, vector<16xf32>,
          tpu.vector_store %arg14[%swap3A_232, %swap3A_233], %broadcast_in_dim3A_22 {strides = array<i32>} : memref<64x256xf32, #tpu.memory_space<vmem>>, vector<16xf32>,
          %swap3A_235 = arith.index_cast %scan3A_210 : i32 to index
          %swap3A_236 = arith.constant 128 : index
          %swap3A_237 = tpu.vector_load %arg14[%swap3A_235, %swap3A_236] {strides = array<i32>} : memref<64x256xf32, #tpu.memory_space<vmem>>, vector<16xf32>,
          tpu.vector_store %arg14[%swap3A_235, %swap3A_236], %broadcast_in_dim3A_22 {strides = array<i32>} : memref<64x256xf32, #tpu.memory_space<vmem>>, vector<16xf32>,
          %swap3A_238 = arith.index_cast %scan3A_210 : i32 to index
          %swap3A_239 = arith.constant 144 : index
          %swap3A_240 = tpu.vector_load %arg14[%swap3A_238, %swap3A_239] {strides = array<i32>} : memref<64x256xf32, #tpu.memory_space<vmem>>, vector<16xf32>,
          tpu.vector_store %arg14[%swap3A_238, %swap3A_239], %broadcast_in_dim3A_22 {strides = array<i32>} : memref<64x256xf32, #tpu.memory_space<vmem>>, vector<16xf32>,
          %swap3A_241 = arith.index_cast %scan3A_210 : i32 to index
          %swap3A_242 = arith.constant 160 : index
          %swap3A_243 = tpu.vector_load %arg14[%swap3A_241, %swap3A_242] {strides = array<i32>} : memref<64x256xf32, #tpu.memory_space<vmem>>, vector<16xf32>,
          tpu.vector_store %arg14[%swap3A_241, %swap3A_242], %broadcast_in_dim3A_22 {strides = array<i32>} : memref<64x256xf32, #tpu.memory_space<vmem>>, vector<16xf32>,
          %swap3A_244 = arith.index_cast %scan3A_210 : i32 to index
          %swap3A_245 = arith.constant 176 : index
          %swap3A_246 = tpu.vector_load %arg14[%swap3A_244, %swap3A_245] {strides = array<i32>} : memref<64x256xf32, #tpu.memory_space<vmem>>, vector<16xf32>,
          tpu.vector_store %arg14[%swap3A_244, %swap3A_245], %broadcast_in_dim3A_22 {strides = array<i32>} : memref<64x256xf32, #tpu.memory_space<vmem>>, vector<16xf32>,
          %swap3A_247 = arith.index_cast %scan3A_210 : i32 to index
          %swap3A_248 = arith.constant 192 : index
          %swap3A_249 = tpu.vector_load %arg14[%swap3A_247, %swap3A_248] {strides = array<i32>} : memref<64x256xf32, #tpu.memory_space<vmem>>, vector<16xf32>,
          tpu.vector_store %arg14[%swap3A_247, %swap3A_248], %broadcast_in_dim3A_22 {strides = array<i32>} : memref<64x256xf32, #tpu.memory_space<vmem>>, vector<16xf32>,
          %swap3A_250 = arith.index_cast %scan3A_210 : i32 to index
          %swap3A_251 = arith.constant 208 : index
          %swap3A_252 = tpu.vector_load %arg14[%swap3A_250, %swap3A_251] {strides = array<i32>} : memref<64x256xf32, #tpu.memory_space<vmem>>, vector<16xf32>,
          tpu.vector_store %arg14[%swap3A_250, %swap3A_251], %broadcast_in_dim3A_22 {strides = array<i32>} : memref<64x256xf32, #tpu.memory_space<vmem>>, vector<16xf32>,
          %swap3A_253 = arith.index_cast %scan3A_210 : i32 to index
          %swap3A_254 = arith.constant 224 : index
          %swap3A_255 = tpu.vector_load %arg14[%swap3A_253, %swap3A_254] {strides = array<i32>} : memref<64x256xf32, #tpu.memory_space<vmem>>, vector<16xf32>,
          tpu.vector_store %arg14[%swap3A_253, %swap3A_254], %broadcast_in_dim3A_22 {strides = array<i32>} : memref<64x256xf32, #tpu.memory_space<vmem>>, vector<16xf32>,
          %swap3A_256 = arith.index_cast %scan3A_210 : i32 to index
          %swap3A_257 = arith.constant 240 : index
          %swap3A_258 = tpu.vector_load %arg14[%swap3A_256, %swap3A_257] {strides = array<i32>} : memref<64x256xf32, #tpu.memory_space<vmem>>, vector<16xf32>,
          tpu.vector_store %arg14[%swap3A_256, %swap3A_257], %broadcast_in_dim3A_22 {strides = array<i32>} : memref<64x256xf32, #tpu.memory_space<vmem>>, vector<16xf32>,
        }
        %scan3A_207 = arith.constant 64 : i32
        %add3A_208 = arith.constant 64 : i32
        %add3A_209 = arith.addi %while3A_201, %add3A_208 : i32
        scf.yield %add3A_209 : i32
      }
      %sub3A_134 = arith.subi %while3A_88#0, %while3A_133 : i32
      %div3A_135 = arith.constant 1.000000e+00 : f32
      %div3A_136 = vector.broadcast %div3A_135 : f32 to vector<16xf32>
      %div3A_137 = arith.divf %div3A_136, %while3A_88#3 : vector<16xf32>
      %mul3A_138 = arith.mulf %while3A_88#20, %div3A_137 : vector<16xf32>
      %swap3A = arith.index_cast %sub3A_134 : i32 to index
      %swap3A_139 = arith.constant 0 : index
      %swap3A_140 = tpu.vector_load %arg14[%swap3A, %swap3A_139] {strides = array<i32>} : memref<64x256xf32, #tpu.memory_space<vmem>>, vector<16xf32>,
      tpu.vector_store %arg14[%swap3A, %swap3A_139], %mul3A_138 {strides = array<i32>} : memref<64x256xf32, #tpu.memory_space<vmem>>, vector<16xf32>,
      %mul3A_141 = arith.mulf %while3A_88#21, %div3A_137 : vector<16xf32>
      %swap3A_142 = arith.index_cast %sub3A_134 : i32 to index
      %swap3A_143 = arith.constant 16 : index
      %swap3A_144 = tpu.vector_load %arg14[%swap3A_142, %swap3A_143] {strides = array<i32>} : memref<64x256xf32, #tpu.memory_space<vmem>>, vector<16xf32>,
      tpu.vector_store %arg14[%swap3A_142, %swap3A_143], %mul3A_141 {strides = array<i32>} : memref<64x256xf32, #tpu.memory_space<vmem>>, vector<16xf32>,
      %mul3A_145 = arith.mulf %while3A_88#22, %div3A_137 : vector<16xf32>
      %swap3A_146 = arith.index_cast %sub3A_134 : i32 to index
      %swap3A_147 = arith.constant 32 : index
      %swap3A_148 = tpu.vector_load %arg14[%swap3A_146, %swap3A_147] {strides = array<i32>} : memref<64x256xf32, #tpu.memory_space<vmem>>, vector<16xf32>,
      tpu.vector_store %arg14[%swap3A_146, %swap3A_147], %mul3A_145 {strides = array<i32>} : memref<64x256xf32, #tpu.memory_space<vmem>>, vector<16xf32>,
      %mul3A_149 = arith.mulf %while3A_88#23, %div3A_137 : vector<16xf32>
      %swap3A_150 = arith.index_cast %sub3A_134 : i32 to index
      %swap3A_151 = arith.constant 48 : index
      %swap3A_152 = tpu.vector_load %arg14[%swap3A_150, %swap3A_151] {strides = array<i32>} : memref<64x256xf32, #tpu.memory_space<vmem>>, vector<16xf32>,
      tpu.vector_store %arg14[%swap3A_150, %swap3A_151], %mul3A_149 {strides = array<i32>} : memref<64x256xf32, #tpu.memory_space<vmem>>, vector<16xf32>,
      %mul3A_153 = arith.mulf %while3A_88#24, %div3A_137 : vector<16xf32>
      %swap3A_154 = arith.index_cast %sub3A_134 : i32 to index
      %swap3A_155 = arith.constant 64 : index
      %swap3A_156 = tpu.vector_load %arg14[%swap3A_154, %swap3A_155] {strides = array<i32>} : memref<64x256xf32, #tpu.memory_space<vmem>>, vector<16xf32>,
      tpu.vector_store %arg14[%swap3A_154, %swap3A_155], %mul3A_153 {strides = array<i32>} : memref<64x256xf32, #tpu.memory_space<vmem>>, vector<16xf32>,
      %mul3A_157 = arith.mulf %while3A_88#25, %div3A_137 : vector<16xf32>
      %swap3A_158 = arith.index_cast %sub3A_134 : i32 to index
      %swap3A_159 = arith.constant 80 : index
      %swap3A_160 = tpu.vector_load %arg14[%swap3A_158, %swap3A_159] {strides = array<i32>} : memref<64x256xf32, #tpu.memory_space<vmem>>, vector<16xf32>,
      tpu.vector_store %arg14[%swap3A_158, %swap3A_159], %mul3A_157 {strides = array<i32>} : memref<64x256xf32, #tpu.memory_space<vmem>>, vector<16xf32>,
      %mul3A_161 = arith.mulf %while3A_88#26, %div3A_137 : vector<16xf32>
      %swap3A_162 = arith.index_cast %sub3A_134 : i32 to index
      %swap3A_163 = arith.constant 96 : index
      %swap3A_164 = tpu.vector_load %arg14[%swap3A_162, %swap3A_163] {strides = array<i32>} : memref<64x256xf32, #tpu.memory_space<vmem>>, vector<16xf32>,
      tpu.vector_store %arg14[%swap3A_162, %swap3A_163], %mul3A_161 {strides = array<i32>} : memref<64x256xf32, #tpu.memory_space<vmem>>, vector<16xf32>,
      %mul3A_165 = arith.mulf %while3A_88#27, %div3A_137 : vector<16xf32>
      %swap3A_166 = arith.index_cast %sub3A_134 : i32 to index
      %swap3A_167 = arith.constant 112 : index
      %swap3A_168 = tpu.vector_load %arg14[%swap3A_166, %swap3A_167] {strides = array<i32>} : memref<64x256xf32, #tpu.memory_space<vmem>>, vector<16xf32>,
      tpu.vector_store %arg14[%swap3A_166, %swap3A_167], %mul3A_165 {strides = array<i32>} : memref<64x256xf32, #tpu.memory_space<vmem>>, vector<16xf32>,
      %mul3A_169 = arith.mulf %while3A_88#28, %div3A_137 : vector<16xf32>
      %swap3A_170 = arith.index_cast %sub3A_134 : i32 to index
      %swap3A_171 = arith.constant 128 : index
      %swap3A_172 = tpu.vector_load %arg14[%swap3A_170, %swap3A_171] {strides = array<i32>} : memref<64x256xf32, #tpu.memory_space<vmem>>, vector<16xf32>,
      tpu.vector_store %arg14[%swap3A_170, %swap3A_171], %mul3A_169 {strides = array<i32>} : memref<64x256xf32, #tpu.memory_space<vmem>>, vector<16xf32>,
      %mul3A_173 = arith.mulf %while3A_88#29, %div3A_137 : vector<16xf32>
      %swap3A_174 = arith.index_cast %sub3A_134 : i32 to index
      %swap3A_175 = arith.constant 144 : index
      %swap3A_176 = tpu.vector_load %arg14[%swap3A_174, %swap3A_175] {strides = array<i32>} : memref<64x256xf32, #tpu.memory_space<vmem>>, vector<16xf32>,
      tpu.vector_store %arg14[%swap3A_174, %swap3A_175], %mul3A_173 {strides = array<i32>} : memref<64x256xf32, #tpu.memory_space<vmem>>, vector<16xf32>,
      %mul3A_177 = arith.mulf %while3A_88#30, %div3A_137 : vector<16xf32>
      %swap3A_178 = arith.index_cast %sub3A_134 : i32 to index
      %swap3A_179 = arith.constant 160 : index
      %swap3A_180 = tpu.vector_load %arg14[%swap3A_178, %swap3A_179] {strides = array<i32>} : memref<64x256xf32, #tpu.memory_space<vmem>>, vector<16xf32>,
      tpu.vector_store %arg14[%swap3A_178, %swap3A_179], %mul3A_177 {strides = array<i32>} : memref<64x256xf32, #tpu.memory_space<vmem>>, vector<16xf32>,
      %mul3A_181 = arith.mulf %while3A_88#31, %div3A_137 : vector<16xf32>
      %swap3A_182 = arith.index_cast %sub3A_134 : i32 to index
      %swap3A_183 = arith.constant 176 : index
      %swap3A_184 = tpu.vector_load %arg14[%swap3A_182, %swap3A_183] {strides = array<i32>} : memref<64x256xf32, #tpu.memory_space<vmem>>, vector<16xf32>,
      tpu.vector_store %arg14[%swap3A_182, %swap3A_183], %mul3A_181 {strides = array<i32>} : memref<64x256xf32, #tpu.memory_space<vmem>>, vector<16xf32>,
      %mul3A_185 = arith.mulf %while3A_88#32, %div3A_137 : vector<16xf32>
      %swap3A_186 = arith.index_cast %sub3A_134 : i32 to index
      %swap3A_187 = arith.constant 192 : index
      %swap3A_188 = tpu.vector_load %arg14[%swap3A_186, %swap3A_187] {strides = array<i32>} : memref<64x256xf32, #tpu.memory_space<vmem>>, vector<16xf32>,
      tpu.vector_store %arg14[%swap3A_186, %swap3A_187], %mul3A_185 {strides = array<i32>} : memref<64x256xf32, #tpu.memory_space<vmem>>, vector<16xf32>,
      %mul3A_189 = arith.mulf %while3A_88#33, %div3A_137 : vector<16xf32>
      %swap3A_190 = arith.index_cast %sub3A_134 : i32 to index
      %swap3A_191 = arith.constant 208 : index
      %swap3A_192 = tpu.vector_load %arg14[%swap3A_190, %swap3A_191] {strides = array<i32>} : memref<64x256xf32, #tpu.memory_space<vmem>>, vector<16xf32>,
      tpu.vector_store %arg14[%swap3A_190, %swap3A_191], %mul3A_189 {strides = array<i32>} : memref<64x256xf32, #tpu.memory_space<vmem>>, vector<16xf32>,
      %mul3A_193 = arith.mulf %while3A_88#34, %div3A_137 : vector<16xf32>
      %swap3A_194 = arith.index_cast %sub3A_134 : i32 to index
      %swap3A_195 = arith.constant 224 : index
      %swap3A_196 = tpu.vector_load %arg14[%swap3A_194, %swap3A_195] {strides = array<i32>} : memref<64x256xf32, #tpu.memory_space<vmem>>, vector<16xf32>,
      tpu.vector_store %arg14[%swap3A_194, %swap3A_195], %mul3A_193 {strides = array<i32>} : memref<64x256xf32, #tpu.memory_space<vmem>>, vector<16xf32>,
      %mul3A_197 = arith.mulf %while3A_88#35, %div3A_137 : vector<16xf32>
      %swap3A_198 = arith.index_cast %sub3A_134 : i32 to index
      %swap3A_199 = arith.constant 240 : index
      %swap3A_200 = tpu.vector_load %arg14[%swap3A_198, %swap3A_199] {strides = array<i32>} : memref<64x256xf32, #tpu.memory_space<vmem>>, vector<16xf32>,
      tpu.vector_store %arg14[%swap3A_198, %swap3A_199], %mul3A_197 {strides = array<i32>} : memref<64x256xf32, #tpu.memory_space<vmem>>, vector<16xf32>,
      scf.yield %while3A_133 : i32
    } else {
      scf.yield %while3A_88#1 : i32
    }
    %while3A_98 = scf.while (%while3A_133 = %cond3A_97) : (i32) -> i32 {
      %add3A_134 = arith.constant 64 : i32
      %add3A_135 = arith.addi %while3A_133, %add3A_134 : i32
      %le3A = arith.cmpi sle, %add3A_135, %squeeze3A_21 : i32
      scf.condition(%le3A) %while3A_133 : i32
    } do {
    ^bb0(%while3A_133: i32):
      %multiple_of3A = tpu.assume_multiple %while3A_133, 8 : i32
      "tpu.region"() ({
        %run_scoped3A = tpu.sem_alloc : memref<!tpu.dma_semaphore, #tpu.memory_space<semaphore_mem>>
        %dma_start3A = arith.constant 0 : i32
        %dma_start3A_142 = tpu.memref_slice %arg7[%multiple_of3A, %dma_start3A] : memref<10000x256xf32, #tpu.memory_space<hbm>> -> memref<64x256xf32, #tpu.memory_space<hbm>>
        %dma_start3A_143 = arith.constant 0 : i32
        %dma_start3A_144 = tpu.memref_slice %arg7[%multiple_of3A, %dma_start3A_143] : memref<10000x256xf32, #tpu.memory_space<hbm>> -> memref<64x256xf32, #tpu.memory_space<hbm>>
        tpu.enqueue_dma source(%arg14 : memref<64x256xf32, #tpu.memory_space<vmem>>) target(%dma_start3A_144 : memref<64x256xf32, #tpu.memory_space<hbm>>) target_semaphore(%run_scoped3A : memref<!tpu.dma_semaphore, #tpu.memory_space<semaphore_mem>>)
        %dma_wait3A = arith.constant 0 : i32
        %dma_wait3A_145 = tpu.memref_slice %arg7[%multiple_of3A, %dma_wait3A] : memref<10000x256xf32, #tpu.memory_space<hbm>> -> memref<64x256xf32, #tpu.memory_space<hbm>>
        %dma_wait3A_146 = arith.constant 0 : i32
        %dma_wait3A_147 = tpu.memref_slice %arg7[%multiple_of3A, %dma_wait3A_146] : memref<10000x256xf32, #tpu.memory_space<hbm>> -> memref<64x256xf32, #tpu.memory_space<hbm>>
        tpu.wait_dma2 semaphore(%run_scoped3A : memref<!tpu.dma_semaphore, #tpu.memory_space<semaphore_mem>>) src(%arg14 : memref<64x256xf32, #tpu.memory_space<vmem>>) dst(%dma_wait3A_147 : memref<64x256xf32, #tpu.memory_space<hbm>>)
        tpu.yield
      }) : () -> ()
      %scan3A_134 = arith.constant 0 : i32
      %scan3A_135 = arith.constant 0 : i32
      %scan3A_136 = arith.constant 64 : i32
      %scan3A_137 = arith.addi %scan3A_135, %scan3A_136 : i32
      %scan3A_138 = arith.constant 1 : i32
      scf.for %scan3A_142 = %scan3A_135 to %scan3A_137 step %scan3A_138  : i32 {
        %swap3A = arith.index_cast %scan3A_142 : i32 to index
        %swap3A_143 = arith.constant 0 : index
        %swap3A_144 = tpu.vector_load %arg14[%swap3A, %swap3A_143] {strides = array<i32>} : memref<64x256xf32, #tpu.memory_space<vmem>>, vector<16xf32>,
        tpu.vector_store %arg14[%swap3A, %swap3A_143], %broadcast_in_dim3A_22 {strides = array<i32>} : memref<64x256xf32, #tpu.memory_space<vmem>>, vector<16xf32>,
        %swap3A_145 = arith.index_cast %scan3A_142 : i32 to index
        %swap3A_146 = arith.constant 16 : index
        %swap3A_147 = tpu.vector_load %arg14[%swap3A_145, %swap3A_146] {strides = array<i32>} : memref<64x256xf32, #tpu.memory_space<vmem>>, vector<16xf32>,
        tpu.vector_store %arg14[%swap3A_145, %swap3A_146], %broadcast_in_dim3A_22 {strides = array<i32>} : memref<64x256xf32, #tpu.memory_space<vmem>>, vector<16xf32>,
        %swap3A_148 = arith.index_cast %scan3A_142 : i32 to index
        %swap3A_149 = arith.constant 32 : index
        %swap3A_150 = tpu.vector_load %arg14[%swap3A_148, %swap3A_149] {strides = array<i32>} : memref<64x256xf32, #tpu.memory_space<vmem>>, vector<16xf32>,
        tpu.vector_store %arg14[%swap3A_148, %swap3A_149], %broadcast_in_dim3A_22 {strides = array<i32>} : memref<64x256xf32, #tpu.memory_space<vmem>>, vector<16xf32>,
        %swap3A_151 = arith.index_cast %scan3A_142 : i32 to index
        %swap3A_152 = arith.constant 48 : index
        %swap3A_153 = tpu.vector_load %arg14[%swap3A_151, %swap3A_152] {strides = array<i32>} : memref<64x256xf32, #tpu.memory_space<vmem>>, vector<16xf32>,
        tpu.vector_store %arg14[%swap3A_151, %swap3A_152], %broadcast_in_dim3A_22 {strides = array<i32>} : memref<64x256xf32, #tpu.memory_space<vmem>>, vector<16xf32>,
        %swap3A_154 = arith.index_cast %scan3A_142 : i32 to index
        %swap3A_155 = arith.constant 64 : index
        %swap3A_156 = tpu.vector_load %arg14[%swap3A_154, %swap3A_155] {strides = array<i32>} : memref<64x256xf32, #tpu.memory_space<vmem>>, vector<16xf32>,
        tpu.vector_store %arg14[%swap3A_154, %swap3A_155], %broadcast_in_dim3A_22 {strides = array<i32>} : memref<64x256xf32, #tpu.memory_space<vmem>>, vector<16xf32>,
        %swap3A_157 = arith.index_cast %scan3A_142 : i32 to index
        %swap3A_158 = arith.constant 80 : index
        %swap3A_159 = tpu.vector_load %arg14[%swap3A_157, %swap3A_158] {strides = array<i32>} : memref<64x256xf32, #tpu.memory_space<vmem>>, vector<16xf32>,
        tpu.vector_store %arg14[%swap3A_157, %swap3A_158], %broadcast_in_dim3A_22 {strides = array<i32>} : memref<64x256xf32, #tpu.memory_space<vmem>>, vector<16xf32>,
        %swap3A_160 = arith.index_cast %scan3A_142 : i32 to index
        %swap3A_161 = arith.constant 96 : index
        %swap3A_162 = tpu.vector_load %arg14[%swap3A_160, %swap3A_161] {strides = array<i32>} : memref<64x256xf32, #tpu.memory_space<vmem>>, vector<16xf32>,
        tpu.vector_store %arg14[%swap3A_160, %swap3A_161], %broadcast_in_dim3A_22 {strides = array<i32>} : memref<64x256xf32, #tpu.memory_space<vmem>>, vector<16xf32>,
        %swap3A_163 = arith.index_cast %scan3A_142 : i32 to index
        %swap3A_164 = arith.constant 112 : index
        %swap3A_165 = tpu.vector_load %arg14[%swap3A_163, %swap3A_164] {strides = array<i32>} : memref<64x256xf32, #tpu.memory_space<vmem>>, vector<16xf32>,
        tpu.vector_store %arg14[%swap3A_163, %swap3A_164], %broadcast_in_dim3A_22 {strides = array<i32>} : memref<64x256xf32, #tpu.memory_space<vmem>>, vector<16xf32>,
        %swap3A_166 = arith.index_cast %scan3A_142 : i32 to index
        %swap3A_167 = arith.constant 128 : index
        %swap3A_168 = tpu.vector_load %arg14[%swap3A_166, %swap3A_167] {strides = array<i32>} : memref<64x256xf32, #tpu.memory_space<vmem>>, vector<16xf32>,
        tpu.vector_store %arg14[%swap3A_166, %swap3A_167], %broadcast_in_dim3A_22 {strides = array<i32>} : memref<64x256xf32, #tpu.memory_space<vmem>>, vector<16xf32>,
        %swap3A_169 = arith.index_cast %scan3A_142 : i32 to index
        %swap3A_170 = arith.constant 144 : index
        %swap3A_171 = tpu.vector_load %arg14[%swap3A_169, %swap3A_170] {strides = array<i32>} : memref<64x256xf32, #tpu.memory_space<vmem>>, vector<16xf32>,
        tpu.vector_store %arg14[%swap3A_169, %swap3A_170], %broadcast_in_dim3A_22 {strides = array<i32>} : memref<64x256xf32, #tpu.memory_space<vmem>>, vector<16xf32>,
        %swap3A_172 = arith.index_cast %scan3A_142 : i32 to index
        %swap3A_173 = arith.constant 160 : index
        %swap3A_174 = tpu.vector_load %arg14[%swap3A_172, %swap3A_173] {strides = array<i32>} : memref<64x256xf32, #tpu.memory_space<vmem>>, vector<16xf32>,
        tpu.vector_store %arg14[%swap3A_172, %swap3A_173], %broadcast_in_dim3A_22 {strides = array<i32>} : memref<64x256xf32, #tpu.memory_space<vmem>>, vector<16xf32>,
        %swap3A_175 = arith.index_cast %scan3A_142 : i32 to index
        %swap3A_176 = arith.constant 176 : index
        %swap3A_177 = tpu.vector_load %arg14[%swap3A_175, %swap3A_176] {strides = array<i32>} : memref<64x256xf32, #tpu.memory_space<vmem>>, vector<16xf32>,
        tpu.vector_store %arg14[%swap3A_175, %swap3A_176], %broadcast_in_dim3A_22 {strides = array<i32>} : memref<64x256xf32, #tpu.memory_space<vmem>>, vector<16xf32>,
        %swap3A_178 = arith.index_cast %scan3A_142 : i32 to index
        %swap3A_179 = arith.constant 192 : index
        %swap3A_180 = tpu.vector_load %arg14[%swap3A_178, %swap3A_179] {strides = array<i32>} : memref<64x256xf32, #tpu.memory_space<vmem>>, vector<16xf32>,
        tpu.vector_store %arg14[%swap3A_178, %swap3A_179], %broadcast_in_dim3A_22 {strides = array<i32>} : memref<64x256xf32, #tpu.memory_space<vmem>>, vector<16xf32>,
        %swap3A_181 = arith.index_cast %scan3A_142 : i32 to index
        %swap3A_182 = arith.constant 208 : index
        %swap3A_183 = tpu.vector_load %arg14[%swap3A_181, %swap3A_182] {strides = array<i32>} : memref<64x256xf32, #tpu.memory_space<vmem>>, vector<16xf32>,
        tpu.vector_store %arg14[%swap3A_181, %swap3A_182], %broadcast_in_dim3A_22 {strides = array<i32>} : memref<64x256xf32, #tpu.memory_space<vmem>>, vector<16xf32>,
        %swap3A_184 = arith.index_cast %scan3A_142 : i32 to index
        %swap3A_185 = arith.constant 224 : index
        %swap3A_186 = tpu.vector_load %arg14[%swap3A_184, %swap3A_185] {strides = array<i32>} : memref<64x256xf32, #tpu.memory_space<vmem>>, vector<16xf32>,
        tpu.vector_store %arg14[%swap3A_184, %swap3A_185], %broadcast_in_dim3A_22 {strides = array<i32>} : memref<64x256xf32, #tpu.memory_space<vmem>>, vector<16xf32>,
        %swap3A_187 = arith.index_cast %scan3A_142 : i32 to index
        %swap3A_188 = arith.constant 240 : index
        %swap3A_189 = tpu.vector_load %arg14[%swap3A_187, %swap3A_188] {strides = array<i32>} : memref<64x256xf32, #tpu.memory_space<vmem>>, vector<16xf32>,
        tpu.vector_store %arg14[%swap3A_187, %swap3A_188], %broadcast_in_dim3A_22 {strides = array<i32>} : memref<64x256xf32, #tpu.memory_space<vmem>>, vector<16xf32>,
      }
      %scan3A_139 = arith.constant 64 : i32
      %add3A_140 = arith.constant 64 : i32
      %add3A_141 = arith.addi %while3A_133, %add3A_140 : i32
      scf.yield %add3A_141 : i32
    }
    %sub3A_99 = arith.subi %squeeze3A_21, %while3A_98 : i32
    %and3A_100 = arith.constant 32 : i32
    %and3A_101 = arith.andi %sub3A_99, %and3A_100 : i32
    %ne3A_102 = arith.constant 0 : i32
    %ne3A_103 = arith.cmpi ne, %and3A_101, %ne3A_102 : i32
    %convert_element_type3A_104 = arith.extui %ne3A_103 : i1 to i32
    %cond3A_105 = arith.constant 0 : i32
    %cond3A_106 = arith.constant 0 : i32
    %cond3A_107 = arith.cmpi ne, %convert_element_type3A_104, %cond3A_106 : i32
    scf.if %cond3A_107 {
      %multiple_of3A = tpu.assume_multiple %cond3A_105, 8 : i32
      %add3A_133 = arith.addi %while3A_98, %cond3A_105 : i32
      %multiple_of3A_134 = tpu.assume_multiple %add3A_133, 8 : i32
      "tpu.region"() ({
        %run_scoped3A = tpu.sem_alloc : memref<!tpu.dma_semaphore, #tpu.memory_space<semaphore_mem>>
        %dma_start3A = arith.constant 0 : i32
        %dma_start3A_135 = tpu.memref_slice %arg14[%multiple_of3A, %dma_start3A] : memref<64x256xf32, #tpu.memory_space<vmem>> -> memref<32x256xf32, #tpu.memory_space<vmem>>
        %dma_start3A_136 = arith.constant 0 : i32
        %dma_start3A_137 = tpu.memref_slice %arg7[%multiple_of3A_134, %dma_start3A_136] : memref<10000x256xf32, #tpu.memory_space<hbm>> -> memref<32x256xf32, #tpu.memory_space<hbm>>
        %dma_start3A_138 = arith.constant 0 : i32
        %dma_start3A_139 = tpu.memref_slice %arg7[%multiple_of3A_134, %dma_start3A_138] : memref<10000x256xf32, #tpu.memory_space<hbm>> -> memref<32x256xf32, #tpu.memory_space<hbm>>
        %dma_start3A_140 = arith.constant 0 : i32
        %dma_start3A_141 = tpu.memref_slice %arg14[%multiple_of3A, %dma_start3A_140] : memref<64x256xf32, #tpu.memory_space<vmem>> -> memref<32x256xf32, #tpu.memory_space<vmem>>
        tpu.enqueue_dma source(%dma_start3A_141 : memref<32x256xf32, #tpu.memory_space<vmem>>) target(%dma_start3A_139 : memref<32x256xf32, #tpu.memory_space<hbm>>) target_semaphore(%run_scoped3A : memref<!tpu.dma_semaphore, #tpu.memory_space<semaphore_mem>>)
        %dma_wait3A = arith.constant 0 : i32
        %dma_wait3A_142 = tpu.memref_slice %arg14[%multiple_of3A, %dma_wait3A] : memref<64x256xf32, #tpu.memory_space<vmem>> -> memref<32x256xf32, #tpu.memory_space<vmem>>
        %dma_wait3A_143 = arith.constant 0 : i32
        %dma_wait3A_144 = tpu.memref_slice %arg7[%multiple_of3A_134, %dma_wait3A_143] : memref<10000x256xf32, #tpu.memory_space<hbm>> -> memref<32x256xf32, #tpu.memory_space<hbm>>
        %dma_wait3A_145 = arith.constant 0 : i32
        %dma_wait3A_146 = tpu.memref_slice %arg7[%multiple_of3A_134, %dma_wait3A_145] : memref<10000x256xf32, #tpu.memory_space<hbm>> -> memref<32x256xf32, #tpu.memory_space<hbm>>
        %dma_wait3A_147 = arith.constant 0 : i32
        %dma_wait3A_148 = tpu.memref_slice %arg14[%multiple_of3A, %dma_wait3A_147] : memref<64x256xf32, #tpu.memory_space<vmem>> -> memref<32x256xf32, #tpu.memory_space<vmem>>
        tpu.wait_dma2 semaphore(%run_scoped3A : memref<!tpu.dma_semaphore, #tpu.memory_space<semaphore_mem>>) src(%dma_wait3A_148 : memref<32x256xf32, #tpu.memory_space<vmem>>) dst(%dma_wait3A_146 : memref<32x256xf32, #tpu.memory_space<hbm>>)
        tpu.yield
      }) : () -> ()
    } else {
    }
    %add3A_108 = arith.constant 0 : i32
    %add3A_109 = arith.constant 32 : i32
    %add3A_110 = arith.addi %add3A_108, %add3A_109 : i32
    %jit3A_111 = arith.constant 0 : i32
    %select_n3A_112 = arith.select %ne3A_103, %add3A_110, %jit3A_111 : i32
    %and3A_113 = arith.constant 16 : i32
    %and3A_114 = arith.andi %sub3A_99, %and3A_113 : i32
    %ne3A_115 = arith.constant 0 : i32
    %ne3A_116 = arith.cmpi ne, %and3A_114, %ne3A_115 : i32
    %convert_element_type3A_117 = arith.extui %ne3A_116 : i1 to i32
    %cond3A_118 = arith.constant 0 : i32
    %cond3A_119 = arith.cmpi ne, %convert_element_type3A_117, %cond3A_118 : i32
    scf.if %cond3A_119 {
      %multiple_of3A = tpu.assume_multiple %select_n3A_112, 8 : i32
      %add3A_133 = arith.addi %while3A_98, %select_n3A_112 : i32
      %multiple_of3A_134 = tpu.assume_multiple %add3A_133, 8 : i32
      "tpu.region"() ({
        %run_scoped3A = tpu.sem_alloc : memref<!tpu.dma_semaphore, #tpu.memory_space<semaphore_mem>>
        %dma_start3A = arith.constant 0 : i32
        %dma_start3A_135 = tpu.memref_slice %arg14[%multiple_of3A, %dma_start3A] : memref<64x256xf32, #tpu.memory_space<vmem>> -> memref<16x256xf32, #tpu.memory_space<vmem>>
        %dma_start3A_136 = arith.constant 0 : i32
        %dma_start3A_137 = tpu.memref_slice %arg7[%multiple_of3A_134, %dma_start3A_136] : memref<10000x256xf32, #tpu.memory_space<hbm>> -> memref<16x256xf32, #tpu.memory_space<hbm>>
        %dma_start3A_138 = arith.constant 0 : i32
        %dma_start3A_139 = tpu.memref_slice %arg7[%multiple_of3A_134, %dma_start3A_138] : memref<10000x256xf32, #tpu.memory_space<hbm>> -> memref<16x256xf32, #tpu.memory_space<hbm>>
        %dma_start3A_140 = arith.constant 0 : i32
        %dma_start3A_141 = tpu.memref_slice %arg14[%multiple_of3A, %dma_start3A_140] : memref<64x256xf32, #tpu.memory_space<vmem>> -> memref<16x256xf32, #tpu.memory_space<vmem>>
        tpu.enqueue_dma source(%dma_start3A_141 : memref<16x256xf32, #tpu.memory_space<vmem>>) target(%dma_start3A_139 : memref<16x256xf32, #tpu.memory_space<hbm>>) target_semaphore(%run_scoped3A : memref<!tpu.dma_semaphore, #tpu.memory_space<semaphore_mem>>)
        %dma_wait3A = arith.constant 0 : i32
        %dma_wait3A_142 = tpu.memref_slice %arg14[%multiple_of3A, %dma_wait3A] : memref<64x256xf32, #tpu.memory_space<vmem>> -> memref<16x256xf32, #tpu.memory_space<vmem>>
        %dma_wait3A_143 = arith.constant 0 : i32
        %dma_wait3A_144 = tpu.memref_slice %arg7[%multiple_of3A_134, %dma_wait3A_143] : memref<10000x256xf32, #tpu.memory_space<hbm>> -> memref<16x256xf32, #tpu.memory_space<hbm>>
        %dma_wait3A_145 = arith.constant 0 : i32
        %dma_wait3A_146 = tpu.memref_slice %arg7[%multiple_of3A_134, %dma_wait3A_145] : memref<10000x256xf32, #tpu.memory_space<hbm>> -> memref<16x256xf32, #tpu.memory_space<hbm>>
        %dma_wait3A_147 = arith.constant 0 : i32
        %dma_wait3A_148 = tpu.memref_slice %arg14[%multiple_of3A, %dma_wait3A_147] : memref<64x256xf32, #tpu.memory_space<vmem>> -> memref<16x256xf32, #tpu.memory_space<vmem>>
        tpu.wait_dma2 semaphore(%run_scoped3A : memref<!tpu.dma_semaphore, #tpu.memory_space<semaphore_mem>>) src(%dma_wait3A_148 : memref<16x256xf32, #tpu.memory_space<vmem>>) dst(%dma_wait3A_146 : memref<16x256xf32, #tpu.memory_space<hbm>>)
        tpu.yield
      }) : () -> ()
    } else {
    }
    %add3A_120 = arith.constant 16 : i32
    %add3A_121 = arith.addi %select_n3A_112, %add3A_120 : i32
    %select_n3A_122 = arith.select %ne3A_116, %add3A_121, %select_n3A_112 : i32
    %and3A_123 = arith.constant 8 : i32
    %and3A_124 = arith.andi %sub3A_99, %and3A_123 : i32
    %ne3A_125 = arith.constant 0 : i32
    %ne3A_126 = arith.cmpi ne, %and3A_124, %ne3A_125 : i32
    %convert_element_type3A_127 = arith.extui %ne3A_126 : i1 to i32
    %cond3A_128 = arith.constant 0 : i32
    %cond3A_129 = arith.cmpi ne, %convert_element_type3A_127, %cond3A_128 : i32
    scf.if %cond3A_129 {
      %multiple_of3A = tpu.assume_multiple %select_n3A_122, 8 : i32
      %add3A_133 = arith.addi %while3A_98, %select_n3A_122 : i32
      %multiple_of3A_134 = tpu.assume_multiple %add3A_133, 8 : i32
      "tpu.region"() ({
        %run_scoped3A = tpu.sem_alloc : memref<!tpu.dma_semaphore, #tpu.memory_space<semaphore_mem>>
        %dma_start3A = arith.constant 0 : i32
        %dma_start3A_135 = tpu.memref_slice %arg14[%multiple_of3A, %dma_start3A] : memref<64x256xf32, #tpu.memory_space<vmem>> -> memref<8x256xf32, #tpu.memory_space<vmem>>
        %dma_start3A_136 = arith.constant 0 : i32
        %dma_start3A_137 = tpu.memref_slice %arg7[%multiple_of3A_134, %dma_start3A_136] : memref<10000x256xf32, #tpu.memory_space<hbm>> -> memref<8x256xf32, #tpu.memory_space<hbm>>
        %dma_start3A_138 = arith.constant 0 : i32
        %dma_start3A_139 = tpu.memref_slice %arg7[%multiple_of3A_134, %dma_start3A_138] : memref<10000x256xf32, #tpu.memory_space<hbm>> -> memref<8x256xf32, #tpu.memory_space<hbm>>
        %dma_start3A_140 = arith.constant 0 : i32
        %dma_start3A_141 = tpu.memref_slice %arg14[%multiple_of3A, %dma_start3A_140] : memref<64x256xf32, #tpu.memory_space<vmem>> -> memref<8x256xf32, #tpu.memory_space<vmem>>
        tpu.enqueue_dma source(%dma_start3A_141 : memref<8x256xf32, #tpu.memory_space<vmem>>) target(%dma_start3A_139 : memref<8x256xf32, #tpu.memory_space<hbm>>) target_semaphore(%run_scoped3A : memref<!tpu.dma_semaphore, #tpu.memory_space<semaphore_mem>>)
        %dma_wait3A = arith.constant 0 : i32
        %dma_wait3A_142 = tpu.memref_slice %arg14[%multiple_of3A, %dma_wait3A] : memref<64x256xf32, #tpu.memory_space<vmem>> -> memref<8x256xf32, #tpu.memory_space<vmem>>
        %dma_wait3A_143 = arith.constant 0 : i32
        %dma_wait3A_144 = tpu.memref_slice %arg7[%multiple_of3A_134, %dma_wait3A_143] : memref<10000x256xf32, #tpu.memory_space<hbm>> -> memref<8x256xf32, #tpu.memory_space<hbm>>
        %dma_wait3A_145 = arith.constant 0 : i32
        %dma_wait3A_146 = tpu.memref_slice %arg7[%multiple_of3A_134, %dma_wait3A_145] : memref<10000x256xf32, #tpu.memory_space<hbm>> -> memref<8x256xf32, #tpu.memory_space<hbm>>
        %dma_wait3A_147 = arith.constant 0 : i32
        %dma_wait3A_148 = tpu.memref_slice %arg14[%multiple_of3A, %dma_wait3A_147] : memref<64x256xf32, #tpu.memory_space<vmem>> -> memref<8x256xf32, #tpu.memory_space<vmem>>
        tpu.wait_dma2 semaphore(%run_scoped3A : memref<!tpu.dma_semaphore, #tpu.memory_space<semaphore_mem>>) src(%dma_wait3A_148 : memref<8x256xf32, #tpu.memory_space<vmem>>) dst(%dma_wait3A_146 : memref<8x256xf32, #tpu.memory_space<hbm>>)
        tpu.yield
      }) : () -> ()
    } else {
    }
    %add3A_130 = arith.constant 8 : i32
    %add3A_131 = arith.addi %select_n3A_122, %add3A_130 : i32
    %select_n3A_132 = arith.select %ne3A_126, %add3A_131, %select_n3A_122 : i32
    return
  }
}

</mosaic_0001>

<sc_bundles>
// kernel: kernel.3.cloned.1.call-start
scs
__scs_entry_jumppad:
0x0: {  	(pc) =	sbr.rel $0x88, $3  }
0x1: {  	(tag) =	ssettag $0x0;
	lr =	simm.s32 $0x1  }
0x2: {  	[smem:$0x3F9E] =	sst lr;
	_ =	strace $0xD0000000  }
0x3: {  	_ = 	snop  }
0x4: {  	_ = 	snop  }
0x5: {  	_ = 	snop  }
0x6: {  	_ = 	snop  }
0x7: {  	_ = 	snop  }
__scs_overlays_trampoline_lowered:
0x8: {  	[smem:$0x3FAD] =	sst s0  }
0x9: {  	[smem:$0x3FAE] =	sst s1  }
0xa: {  	[smem:$0x3FAF] =	sst s2  }
0xb: {  	[smem:$0x3FB0] =	sst s3  }
0xc: {  	[smem:$0x3FB1] =	sst s4  }
0xd: {  	[smem:$0x3FB2] =	sst s5  }
0xe: {  	[smem:$0x3FB3] =	sst s6  }
0xf: {  	[smem:$0x3FB4] =	sst s7  }
0x10: {  	[smem:$0x3FB5] =	sst s8  }
0x11: {  	[smem:$0x3FB6] =	sst s9;
	s0 =	simm.s32 @!p0 $0x0  }
0x12: {  	s1 =	sld [smem:$0x3F9C];
	s0 =	simm.s32 @p0 $0x1  }
0x13: {  	[smem:$0x3FB7] =	sst s0;
	s0 =	simm.s32 @!p1 $0x0  }
0x14: {  	s2 =	sld [smem:$0x3F9B];
	s0 =	simm.s32 @p1 $0x1  }
0x15: {  	[smem:$0x3FB8] =	sst s0;
	s0 =	simm.s32 @!p2 $0x0  }
0x16: {  	s3 =	sld [smem:$0x3FDB];
	s0 =	simm.s32 @p2 $0x1  }
0x17: {  	s4 =	simm.s32 $0x1BF5;
	[smem:$0x3FBA] =	sst s0  }
0x18: {  	s0 =	sld [smem:$0x3F9D];
	_ =	swait.ge [sflag:s4], $0x0  }
0x19: {  	s7 =	sld [smem:$0x3F9E]  }
0x1a: {  	s8 =	sadd.s32 $0xFFFFE003, lr  }
0x1b: {  	s9 =	sadd.s32 $0xFFFFFEF7, lr;
	s5 =	simm.s32 $0xFFFFFFFF;
	p2 =	slt.u32 s8, $0xFFFFF086  }
0x1c: {  	p1 =	slt.u32 s9, $0xF7A;
	s5 =	simm.s32 @!p2 $0x0  }
0x1d: {  	s5 =	simm.s32 @p1 $0x1;
	p0 =	seq.s32 s7, s2  }
0x1e: {  	s7 =	smul.u32 @!p0 $0xF7A, s2;
	p2 =	seq.s32 @!p0 s5, $0x0  }
0x1f: {  	s9 =	smul.u32 $0xF7A, s1;
	s8 =	simm.s32 @!p0 $0x1BF5;
	p2 =	por !p2, p0  }
0x20: {  	[sflag:s8] =	ssyncset.s32 @!p0 $0xFFFFF086;
	s6 =	sadd.s32 @!p0 s3, s7;
	s7 =	simm.s32 @!p0 $0x108  }
0x21: {  	s3 =	sadd.s32 s3, s9;
	s6 =	sadd.s32 @!p0 $0x88, s6;
	s7 =	simm.s32 @p2 $0x1082  }
0x22: {  	[simem:s7], [sflag:s8] =	dma.local @!p0 [hbm:s6], $0xF7A  }
0x23: {  	s9 =	sor.u32 $0xD0000000, s2;
	s6 =	simm.s32 $0x108;
	_ =	swait.ge @!p0 [sflag:s8], $0x0  }
0x24: {  	s3 =	sadd.s32 $0x88, s3;
	s6 =	simm.s32 @!p1 $0x1082;
	[sflag:s4] =	ssyncset.s32 $0xFFFFF086  }
0x25: {  	[simem:s6], [sflag:s4] =	dma.local [hbm:s3], $0xF7A  }
0x26: {  	[smem:$0x3F9E] =	sst s1;
	(tag) =	ssettag s2;
	_ =	strace s9  }
0x27: {  	s1 =	sld [smem:$0x3FAE]  }
0x28: {  	s2 =	sld [smem:$0x3FAF]  }
0x29: {  	s4 =	sld [smem:$0x3FB1]  }
0x2a: {  	p0 =	seq.s32 s5, $0x0;
	s5 =	sld [smem:$0x3FB2]  }
0x2b: {  	s6 =	sld [smem:$0x3FB3]  }
0x2c: {  	s7 =	sld [smem:$0x3FB4]  }
0x2d: {  	s3 =	simm.s32 $0x108;
	s8 =	sld [smem:$0x3FB5]  }
0x2e: {  	s3 =	simm.s32 @!p0 $0x1082;
	s9 =	sld [smem:$0x3FB6]  }
0x2f: {  	lr =	sadd.s32 s0, s3;
	s0 =	sld [smem:$0x3FAD]  }
0x30: {  	s3 =	sld [smem:$0x3FB0]  }
0x31: {  	[smem:$0x3FB9] =	sst s10  }
0x32: {  	s10 =	sld [smem:$0x3FB7];
	_ =	sdelay $0x3  }
0x33: {  	p0 =	seq.s32 s10, $0x1;
	s10 =	sld [smem:$0x3FB9];
	_ =	sdelay $0x3  }
0x34: {  	[smem:$0x3FB9] =	sst s10  }
0x35: {  	s10 =	sld [smem:$0x3FB8];
	_ =	sdelay $0x3  }
0x36: {  	p1 =	seq.s32 s10, $0x1;
	s10 =	sld [smem:$0x3FB9];
	_ =	sdelay $0x3  }
0x37: {  	[smem:$0x3FB9] =	sst s10  }
0x38: {  	s10 =	sld [smem:$0x3FBA]  }
0x39: {  	_ = 	snop;
	(pc) =	sbr.ind lr, $3  }
0x3a: {  	_ = 	snop  }
0x3b: {  	_ = 	snop  }
0x3c: {  	p2 =	seq.s32 s10, $0x1;
	s10 =	sld [smem:$0x3FB9]  }
0x3d: {  	_ =	shalt  }
0x3e: {  	_ =	shalt  }
0x3f: {  	_ =	shalt  }
0x40: {  	_ =	shalt  }
0x41: {  	_ =	shalt  }
0x42: {  	_ =	shalt  }
0x43: {  	_ =	shalt  }
0x44: {  	_ =	shalt  }
0x45: {  	_ =	shalt  }
0x46: {  	_ =	shalt  }
0x47: {  	_ =	shalt  }
0x48: {  	_ =	shalt  }
0x49: {  	_ =	shalt  }
0x4a: {  	_ =	shalt  }
0x4b: {  	_ =	shalt  }
0x4c: {  	_ =	shalt  }
0x4d: {  	_ =	shalt  }
0x4e: {  	_ =	shalt  }
0x4f: {  	_ =	shalt  }
0x50: {  	_ =	shalt  }
0x51: {  	_ =	shalt  }
0x52: {  	_ =	shalt  }
0x53: {  	_ =	shalt  }
0x54: {  	_ =	shalt  }
0x55: {  	_ =	shalt  }
0x56: {  	_ =	shalt  }
0x57: {  	_ =	shalt  }
0x58: {  	_ =	shalt  }
0x59: {  	_ =	shalt  }
0x5a: {  	_ =	shalt  }
0x5b: {  	_ =	shalt  }
0x5c: {  	_ =	shalt  }
0x5d: {  	_ =	shalt  }
0x5e: {  	_ =	shalt  }
0x5f: {  	_ =	shalt  }
0x60: {  	_ =	shalt  }
0x61: {  	_ =	shalt  }
0x62: {  	_ =	shalt  }
0x63: {  	_ =	shalt  }
0x64: {  	_ =	shalt  }
0x65: {  	_ =	shalt  }
0x66: {  	_ =	shalt  }
0x67: {  	_ =	shalt  }
0x68: {  	_ =	shalt  }
0x69: {  	_ =	shalt  }
0x6a: {  	_ =	shalt  }
0x6b: {  	_ =	shalt  }
0x6c: {  	_ =	shalt  }
0x6d: {  	_ =	shalt  }
0x6e: {  	_ =	shalt  }
0x6f: {  	_ =	shalt  }
0x70: {  	_ =	shalt  }
0x71: {  	_ =	shalt  }
0x72: {  	_ =	shalt  }
0x73: {  	_ =	shalt  }
0x74: {  	_ =	shalt  }
0x75: {  	_ =	shalt  }
0x76: {  	_ =	shalt  }
0x77: {  	_ =	shalt  }
0x78: {  	_ =	shalt  }
0x79: {  	_ =	shalt  }
0x7a: {  	_ =	shalt  }
0x7b: {  	_ =	shalt  }
0x7c: {  	_ =	shalt  }
0x7d: {  	_ =	shalt  }
0x7e: {  	_ =	shalt  }
0x7f: {  	_ =	shalt  }
0x80: {  	_ =	shalt  }
0x81: {  	_ =	shalt  }
0x82: {  	_ =	shalt  }
0x83: {  	_ =	shalt  }
0x84: {  	_ =	shalt  }
0x85: {  	_ =	shalt  }
0x86: {  	_ =	shalt  }
0x87: {  	_ =	shalt  }
.Lfunc_end0:
.L_simem_size_0:
called_computation_lowered:
.L_overlay_start_0:
0x88: {  	s2 =	sld [smem:$0x3FD9]  }
0x89: {  	s3 =	sld [smem:$0x3FFE];
	_ =	sdelay $0x1  }
0x8a: {  	s1 =	srdreg.scid  }
0x8b: {  	s0 =	sand.u32 $0x1, s1  }
0x8c: {  	s17 =	sshll.u32 s0, $0xA;
	s2 =	sadd.s32 s3, s2  }
0x8d: {  	s2 =	sadd.s32 s2, s17  }
0x8e: {  	[smem:$0x3FC5] =	sst s2  }
0x8f: {  	_ = 	snop  }
0x90: {  	s2 =	sld [smem:$0x3FC9]  }
0x91: {  	s18 =	sld [smem:$0x3FD0];
	(tm) =	ssettm $0x1  }
0x92: {  	s4 =	sld [smem:$0x3FFB];
	_ =	sdelay $0x3  }
0x93: {  	_ =	strace s4  }
0x94: {  	s4 =	sld [smem:$0x3FFC];
	_ =	sdelay $0x3  }
0x95: {  	_ =	strace s4  }
0x96: {  	s4 =	sld [smem:$0x3FFD];
	_ =	sdelay $0x3  }
0x97: {  	_ =	strace s4  }
0x98: {  	_ =	strace $0x8FFFFFFF  }
0x99: {  	s19 =	sld [smem:$0x3FDB];
	_ =	sdelay $0x1  }
0x9a: {  	s5 =	simm.s32 $_scs_section_size  }
0x9b: {  	s6 =	simm.s32 $_size__tile_overlayer_lowered;
	s7 =	simm.s32 $_tile_overlayer_lowered  }
0x9c: {  	s22 =	simm.s32 $0x1BFF;
	s21 =	sshll.u32 s7, $0x1;
	s4 =	sadd.s32 s5, s19  }
0x9d: {  	s8 =	simm.s32 $0x0;
	s20 =	sshll.u32 s6, $0x1;
	s6 =	sadd.s32 s21, s4  }
0x9e: {  	[timem:s8], [sflag:s22] =	dma.local [hbm:s6], s20  }
0x9f: {  	_ =	swait.ge [sflag:s22], s20  }
0xa0: {  	s5 =	ssub.s32 $0x0, s20;
	[sflag:s22] =	ssyncset.done $0x0  }
0xa1: {  	[sflag:s22] =	ssyncadd.s32 s5;
	_ =	sdelay $0x1  }
0xa2: {  	s23 =	simm.s32 $0x1B8B  }
0xa3: {  	_ =	swait.ge [sflag:s23], $0x1  }
0xa4: {  	[sflag:s23] =	ssyncset.done $0x0  }
0xa5: {  	s25 =	simm.s32 $0x1B8E;
	s24 =	sld [smem:$0x3FFE];
	[sflag:s23] =	ssyncadd.s32 $0xFFFFFFFF  }
0xa6: {  	s26 =	simm.s32 $execute0_lowered;
	[smem:$0x3FD2] =	sst s25  }
0xa7: {  	s6 =	sshll.u32 s26, $0x1;
	_ =	strace $0x80000046;
	[dreg:$0x1] =	wrdreg $0xFFFFFFFF  }
0xa8: {  	s28 =	simm.s32 $_size_execute0_lowered;
	s4 =	sadd.s32 s4, s6;
	[dreg:$0x0] =	wrdreg $0x0  }
0xa9: {  	s6 =	sshll.u32 s28, $0x1;
	[dreg:$0x2] =	wrdreg s4  }
0xaa: {  	[dreg:$0x3] =	wrdreg s6  }
0xab: {  	[dreg:$0x4] =	wrdreg $0xC0  }
0xac: {  	_ =	task [dreg:s8], $0x5FFFF  }
0xad: {  	[dreg:$0x1] =	wrdreg $0xFFFFFFFF  }
0xae: {  	[dreg:$0x0] =	wrdreg $0x60  }
0xaf: {  	[dreg:$0x2] =	wrdreg s24  }
0xb0: {  	[dreg:$0x3] =	wrdreg s2  }
0xb1: {  	[dreg:$0x4] =	wrdreg s18  }
0xb2: {  	[dreg:$0x5] =	wrdreg $0x9  }
0xb3: {  	_ =	task.clear_ibuf [dreg:s8], $0x6FFFF;
	_ =	strace $0x90000046  }
0xb4: {  	s29 =	simm.s32 $0x9;
	_ =	strace $0x80000048  }
0xb5: {  	_ =	swait.ge [sflag:s29], $0x1  }
0xb6: {  	[sflag:s29] =	ssyncadd.s32 $0xFFFFFFFF  }
0xb7: {  	_ =	strace $0x90000048  }
0xb8: {  	_ =	sfence  }
0xb9: {  	s30 =	sld [smem:$0x0];
	_ =	sdelay $0x2  }
0xba: {  	s31 =	sshll.u32 s1, $0xD;
	s1 =	sshrl.u32 s1, $0x2  }
0xbb: {  	s3 =	sand.u32 $0x4000, s31;
	s1 =	sadd.s32 s1, s30  }
0xbc: {  	s0 =	sor.u32 s3, s0;
	s1 =	sshll.u32 s1, $0x11  }
0xbd: {  	s0 =	sor.u32 s1, s0  }
0xbe: {  	s0 =	sadd.s32 $0x8F2B, s0  }
0xbf: {  	[sflag:s0] =	ssyncadd.remote.s32 $0x1  }
0xc0: {  	_ =	sfence.sel $0xFFFF  }
0xc1: {  	[dreg:$0x0] =	wrdreg $0xFFFFFFFF;
	(pc) =	sbr.abs _section_cstart, $3  }
0xc2: {  	[dreg:$0x1] =	wrdreg $0xFFFFFFFF  }
0xc3: {  	_ =	task.clear_ibuf [dreg:s8], $0x2FFFF;
	_ =	strace $0x9FFFFFFF  }
0xc4: {  	(tm) =	ssettm $0x7FFFFFFF  }
0xc5: {  	_ =	shalt  }
tec
execute0_lowered:
.L_overlay_start_1:
0x0: {  	(tag) =	ssettag $0x1  }
0x1: {  	s7 =	rddreg [dreg:$0x0]  }
0x2: {  	s2 =	rddreg [dreg:$0x1]  }
0x3: {  	s3 =	rddreg [dreg:$0x2];
	s5 =	simm.s32 $0x0;
	s0 =	srdreg.scid  }
0x4: {  	s4 =	stileid.u32;
	s12 =	simm.s32 $0x3;
	s13 =	simm.s32 $0x1  }
0x5: {  	v42 =	vlaneseq.u32;
	s17 =	simm.s32 $0x0;
	[smem:$0x7FF] =	sst s5;
	s0 =	sand.u32 $0x1, s0  }
0x6: {  	s4 =	sshll.u32 s4, $0x1;
	s8 =	sadd.s32 $0x5000, s7;
	s30 =	sadd.s32 $0x59000, s7;
	v0 =	vand.u32 $0x7, v42  }
.Ltmp0:
0x7: {  	_ =	strace $0x80000047;
	s1 =	ssub.s32 $0x2, s0;
	[tilespmem:$0x1FFD0] =	vst v0;
	v0 =	vshrl.u32 v42, $0x3;
	(pc) =	sbr.rel .LBB2_1-.Ltmp0, $4  }
0x8: {  	[dreg:$0x4] =	wrdreg s8;
	s0 =	sor.u32 s4, s0;
	s29 =	sshrl.u32 s1, $0x1;
	v0 =	vmul.u32 $0x8, v0  }
0x9: {  	[dreg:$0x5] =	wrdreg s30;
	s0 =	sor.u32 $0x1C300, s0;
	s1 =	ssub.s32 s1, s29  }
0xa: {  	s6 =	sadd.s32 $0xA000, s7;
	[dreg:$0x6] =	wrdreg s0;
	s31 =	smax.u32 s1, $0x1;
	[tilespmem:$0x1FFE0] =	vst v0;
	v0 =	vor.u32 $0x8, v42  }
0xb: {  	v1 =	vimm.f32 $0.0e+00;
	vm0 =	vmmov $0xffff;
	s4 =	simm.s32 $0x10300;
	s0 =	simm.s32 $0x2;
	[dreg:$0x7] =	wrdreg s31;
	[tilespmem:$0x1FFF0] =	vst v0  }
.LBB2_67:
0xc: {  	s1 =	ssub.s32 s8, s10  }
0xd: {  	s7 =	sand.u32 $0x20, s1  }
0xe: {  	p1 =	seq.s32 s7, $0x0  }
0xf: {  	s8 =	sshll.u32 @!p1 s10, $0x5  }
0x10: {  	s29 =	sand.u32 $0x10, s1;
	s8 =	sand.u32 @!p1 $0xFFFFF00, s8  }
0x11: {  	s9 =	simm.s32 @!p1 $0x0;
	s11 =	simm.s32 @!p1 $0x10300;
	s8 =	sadd.s32 @!p1 s3, s8  }
0x12: {  	[hbm4b:s8+s9] =	stream.linear.scatter @!p1 [tilespmem:s11], [sflag:$0x3], $0x2000, $0x38;
	[tilespmem:$0x1C380] =	vst v63  }
0x13: {  	p0 =	seq.s32 s29, $0x0;
	s9 =	simm.s32 @!p1 $0x3  }
0x14: {  	s30 =	sand.u32 $0x8, s1;
	s8 =	sadd.s32 @!p0 s10, s7;
	_ =	swait.ge @!p1 [sflag:s9], $0x2000  }
0x15: {  	s7 =	sshll.u32 @!p0 s7, $0x8;
	s8 =	sshll.u32 @!p0 s8, $0x5;
	[sflag:s9] =	ssyncset.done @!p1 $0x0  }
0x16: {  	s7 =	sadd.s32 @!p0 $0x10300, s7;
	s8 =	sand.u32 @!p0 $0xFFFFF00, s8;
	[sflag:s9] =	ssyncadd.s32 @!p1 $0xFFFFE000  }
0x17: {  	s8 =	sadd.s32 @!p0 s3, s8;
	s9 =	simm.s32 @!p0 $0x0;
	p1 =	seq.s32 s30, $0x0  }
0x18: {  	[hbm4b:s8+s9] =	stream.linear.scatter @!p0 [tilespmem:s7], [sflag:$0x3], $0x1000, $0x38;
	[tilespmem:$0x1C380] =	vst v63  }
0x19: {  	s7 =	simm.s32 @!p0 $0x3;
	s1 =	sand.u32 @!p1 $0x30, s1  }
0x1a: {  	_ =	swait.ge @!p0 [sflag:s7], $0x1000;
	s8 =	sadd.s32 @!p1 s10, s1  }
0x1b: {  	[sflag:s7] =	ssyncset.done @!p0 $0x0;
	s8 =	sshll.u32 @!p1 s8, $0x5  }
0x1c: {  	s1 =	sshll.u32 @!p1 s1, $0x8;
	[sflag:s7] =	ssyncadd.s32 @!p0 $0xFFFFF000;
	s7 =	sand.u32 @!p1 $0xFFFFF00, s8  }
0x1d: {  	s1 =	sor.u32 @!p1 $0x10300, s1;
	s8 =	simm.s32 @!p1 $0x0;
	s7 =	sadd.s32 @!p1 s3, s7  }
0x1e: {  	[hbm4b:s7+s8] =	stream.linear.scatter @!p1 [tilespmem:s1], [sflag:$0x3], $0x800, $0x38;
	[tilespmem:$0x1C380] =	vst v63  }
0x1f: {  	s1 =	simm.s32 @!p1 $0x3  }
0x20: {  	_ =	swait.ge @!p1 [sflag:s1], $0x800  }
0x21: {  	s17 =	sadd.s32 $0x1, s17;
	s31 =	rddreg [dreg:$0x7]  }
0x22: {  	p0 =	sne.s32 s17, s31  }
.Ltmp1:
0x23: {  	_ = 	snop;
	(pc) =	sbr.rel @!p0 .LBB2_68-.Ltmp1, $3  }
0x24: {  	_ =	sdelay $0x1  }
0x25: {  	[sflag:s1] =	ssyncset.done @!p1 $0x0  }
0x26: {  	[sflag:s1] =	ssyncadd.s32 @!p1 $0xFFFFF800  }
.LBB2_1:
0x27: {  	[dreg:$0x8] =	wrdreg s17  }
0x28: {  	s1 =	rddreg [dreg:$0x5];
	s7 =	simm.s32 $0x1C300  }
0x29: {  	[tilespmem:s7], [sflag:$0x3] =	stream.linear.gather [hbm4b:s1+s5], $0x80, $0x38;
	[tilespmem:$0x1C380] =	vst v63  }
0x2a: {  	_ =	swait.ge [sflag:s12], $0x80  }
0x2b: {  	[sflag:s12] =	ssyncset.done $0x0  }
0x2c: {  	s30 =	rddreg [dreg:$0x6];
	[sflag:s12] =	ssyncadd.s32 $0xFFFFFF80  }
0x2d: {  	v3 =	vld [tilespmem:s30+$0x0]  }
0x2e: {  	s31 =	sand.u32 $0x3800, s5;
	s8 =	sand.u32 $0x380, s5;
	v4 =	vld [tilespmem:s30+$0x1]  }
0x2f: {  	s8 =	sor.u32 s8, s31;
	v0 =	vld [tilespmem:s30+$0x21]  }
0x30: {  	s1 =	sadd.s32 $0x10300, s8;
	v2 =	vld [tilespmem:s30+$0x22];
	[tilespmem:s8+$0x10300] =	vst v1  }
0x31: {  	[tilespmem:s1+$0x40] =	vst v1  }
0x32: {  	[tilespmem:s1+$0x50] =	vst v1  }
0x33: {  	[tilespmem:s1+$0x60] =	vst v1  }
0x34: {  	[tilespmem:s1+$0x70] =	vst v1  }
0x35: {  	[tilespmem:s1+$0x400] =	vst v1  }
0x36: {  	[tilespmem:s1+$0x410] =	vst v1  }
0x37: {  	[tilespmem:s1+$0x420] =	vst v1  }
0x38: {  	[tilespmem:s1+$0x430] =	vst v1  }
0x39: {  	[tilespmem:s1+$0x440] =	vst v1  }
0x3a: {  	[tilespmem:s1+$0x450] =	vst v1  }
0x3b: {  	[tilespmem:s1+$0x460] =	vst v1  }
0x3c: {  	[tilespmem:s1+$0x10] =	vst v1  }
0x3d: {  	s9 =	simm.s32 $0x100;
	s8 =	simm.s32 $0x80;
	[tilespmem:s1+$0x20] =	vst v1  }
0x3e: {  	s10 =	sand.u32 $0x3800, s9;
	s9 =	simm.s32 $0x200;
	[tilespmem:s1+$0x30] =	vst v1;
	s11 =	sand.u32 $0x380, s8  }
.LBB2_2:
0x3f: {  	p0 =	sne.s32 s9, $0x3F00;
	s10 =	sor.u32 s11, s10;
	[tilespmem:s1+$0x470] =	vst v1  }
0x40: {  	s1 =	sadd.s32 $0x10300, s10;
	[tilespmem:s10+$0x10300] =	vst v1  }
0x41: {  	[tilespmem:s1+$0x10] =	vst v1  }
0x42: {  	[tilespmem:s1+$0x20] =	vst v1  }
0x43: {  	[tilespmem:s1+$0x30] =	vst v1  }
0x44: {  	[tilespmem:s1+$0x40] =	vst v1  }
0x45: {  	[tilespmem:s1+$0x50] =	vst v1  }
0x46: {  	[tilespmem:s1+$0x60] =	vst v1  }
0x47: {  	[tilespmem:s1+$0x70] =	vst v1  }
0x48: {  	[tilespmem:s1+$0x400] =	vst v1  }
0x49: {  	[tilespmem:s1+$0x410] =	vst v1  }
.Ltmp2:
0x4a: {  	[tilespmem:s1+$0x420] =	vst v1;
	(pc) =	sbr.rel @p0 .LBB2_2-.Ltmp2, $4  }
0x4b: {  	[tilespmem:s1+$0x430] =	vst v1  }
0x4c: {  	[tilespmem:s1+$0x440] =	vst v1  }
0x4d: {  	s8 =	sadd.s32 $0x80, s8;
	[tilespmem:s1+$0x450] =	vst v1  }
0x4e: {  	s10 =	sand.u32 $0x3800, s9;
	s11 =	sand.u32 $0x380, s8;
	s9 =	sadd.s32 $0x100, s9;
	[tilespmem:s1+$0x460] =	vst v1  }
0x4f: {  	(v2sf) =	vpush v3, $0x0  }
0x50: {  	(v2sf) =	vpush v4, $0x0;
	_ =	sdelay $0xc  }
0x51: {  	s8 =	sor.u32 s11, s10;
	[tilespmem:s1+$0x470] =	vst v1;
	(v2sf) =	vpush v0, $0x0  }
0x52: {  	s26 =	sadd.s32 $0x10300, s8;
	[tilespmem:s8+$0x10300] =	vst v1;
	(v2sf) =	vpush v2, $0x0;
	s9 =	spop (v2sf)  }
0x53: {  	[tilespmem:s26+$0x10] =	vst v1;
	s14 =	spop (v2sf);
	s15 =	sand.u32 $0xFFFFFFF8, s9  }
0x54: {  	[tilespmem:s26+$0x20] =	vst v1;
	s28 =	ssub.s32 s14, s15  }
0x55: {  	[tilespmem:s26+$0x30] =	vst v1;
	s8 =	sadd.s32 $0x7F, s28  }
0x56: {  	[tilespmem:s26+$0x40] =	vst v1;
	s29 =	sand.u32 $0x7F, s8  }
0x57: {  	[tilespmem:s26+$0x50] =	vst v1;
	s30 =	sshra.s32 s8, $0x1F;
	p0 =	slt.s32 s8, $0x1;
	p1 =	sne.s32 s29, $0x0  }
0x58: {  	[tilespmem:s26+$0x60] =	vst v1;
	s31 =	sshrl.u32 s30, $0x19;
	p0 =	por !p0, !p1  }
0x59: {  	s10 =	simm.s32 $0x1;
	[tilespmem:s26+$0x70] =	vst v1;
	s8 =	sadd.s32 s31, s8;
	p0 =	por !p0, !p0  }
0x5a: {  	[tilespmem:s26+$0x400] =	vst v1;
	s8 =	sshra.s32 s8, $0x7;
	s10 =	simm.s32 @!p0 $0x0  }
0x5b: {  	[tilespmem:s26+$0x410] =	vst v1;
	s17 =	ssub.s32 s8, s10  }
0x5c: {  	[tilespmem:s26+$0x420] =	vst v1;
	p0 =	slt.s32 s17, $0x1  }
.Ltmp3:
0x5d: {  	[tilespmem:s26+$0x430] =	vst v1;
	(pc) =	sbr.rel @p0 .LBB2_5-.Ltmp3, $4  }
0x5e: {  	[tilespmem:s26+$0x440] =	vst v1  }
0x5f: {  	[tilespmem:s26+$0x450] =	vst v1  }
0x60: {  	[tilespmem:s26+$0x460] =	vst v1;
	s10 =	spop (v2sf)  }
0x61: {  	[tilespmem:s26+$0x470] =	vst v1;
	s8 =	spop (v2sf)  }
0x62: {  	s1 =	sshrl.u32 s9, $0x3;
	s7 =	rddreg [dreg:$0x4]  }
0x63: {  	s11 =	sadd.s32 s7, s1  }
0x64: {  	[tilespmem:s5], [sflag:$0x3] =	stream.linear.gather [hbm4b:s11+s5], $0x80, $0x38;
	[tilespmem:$0x1C380] =	vst v63  }
0x65: {  	_ =	swait.ge [sflag:s12], $0x80  }
0x66: {  	[sflag:s12] =	ssyncset.done $0x0  }
0x67: {  	[sflag:s12] =	ssyncadd.s32 $0xFFFFFF80  }
0x68: {  	s30 =	rddreg [dreg:$0x0]  }
0x69: {  	s31 =	simm.s32 $0x200;
	s1 =	sadd.s32 s30, s1  }
0x6a: {  	[tilespmem:s31], [sflag:$0x3] =	stream.linear.gather [hbm4b:s1+s5], $0x80, $0x38;
	[tilespmem:$0x1C380] =	vst v63  }
0x6b: {  	_ =	swait.ge [sflag:s12], $0x80  }
0x6c: {  	[sflag:s12] =	ssyncset.done $0x0  }
0x6d: {  	[sflag:s12] =	ssyncadd.s32 $0xFFFFFF80  }
0x6e: {  	v0 =	vld [tilespmem:$0x200];
	_ =	sdelay $0x2  }
0x6f: {  	v3 =	vld [tilespmem:$0x1FFD0]  }
0x70: {  	v4 =	vld [tilespmem:$0x1FFE0]  }
0x71: {  	v5 =	vld [tilespmem:$0x1FFF0];
	v2 =	vshll.u32 v0, $0x1  }
0x72: {  	v0 =	vand.u32 $0x7, v0;
	v2 =	vand.u32 $0xFFFFFFF0, v2  }
0x73: {  	v0 =	vor.u32 v0, v2  }
0x74: {  	v2 =	vperm.xlane v0, v3;
	_ =	sdelay $0x1  }
0x75: {  	v0 =	vperm.xlane v0, v5;
	v2 =	vadd.s32 v4, v2;
	_ =	sdelay $0x1  }
0x76: {  	v0 =	vadd.s32 v4, v0;
	_ =	sdelay $0x1  }
0x77: {  	s7 =	simm.s32 $0x300  }
0x78: {  	[tilespmem:s7], [sflag:$0x1] =	stream.indirect_vreg.gather [hbm4b:s2+s5], $0x80, v2, vm0, $0xb8;
	[tilespmem:$0x1C380] =	vst v63  }
0x79: {  	s11 =	simm.s32 $0xB00  }
0x7a: {  	[tilespmem:s11], [sflag:$0x1] =	stream.indirect_vreg.gather [hbm4b:s2+s5], $0x80, v0, vm0, $0xb8;
	[tilespmem:$0x1C380] =	vst v63  }
0x7b: {  	v0 =	vld [tilespmem:$0x210];
	_ =	sdelay $0x4  }
0x7c: {  	v2 =	vshll.u32 v0, $0x1  }
0x7d: {  	v0 =	vand.u32 $0x7, v0;
	v2 =	vand.u32 $0xFFFFFFF0, v2  }
0x7e: {  	v0 =	vor.u32 v0, v2  }
0x7f: {  	v2 =	vperm.xlane v0, v3;
	_ =	sdelay $0x1  }
0x80: {  	v0 =	vperm.xlane v0, v5;
	v2 =	vadd.s32 v4, v2;
	_ =	sdelay $0x1  }
0x81: {  	v0 =	vadd.s32 v4, v0;
	_ =	sdelay $0x1  }
0x82: {  	s16 =	simm.s32 $0x1300  }
0x83: {  	[tilespmem:s16], [sflag:$0x1] =	stream.indirect_vreg.gather [hbm4b:s2+s5], $0x80, v2, vm0, $0xb8;
	[tilespmem:$0x1C380] =	vst v63  }
0x84: {  	s18 =	simm.s32 $0x1B00  }
0x85: {  	[tilespmem:s18], [sflag:$0x1] =	stream.indirect_vreg.gather [hbm4b:s2+s5], $0x80, v0, vm0, $0xb8;
	[tilespmem:$0x1C380] =	vst v63  }
0x86: {  	v0 =	vld [tilespmem:$0x220];
	_ =	sdelay $0x4  }
0x87: {  	v2 =	vshll.u32 v0, $0x1  }
0x88: {  	v0 =	vand.u32 $0x7, v0;
	v2 =	vand.u32 $0xFFFFFFF0, v2  }
0x89: {  	v0 =	vor.u32 v0, v2  }
0x8a: {  	v2 =	vperm.xlane v0, v3;
	_ =	sdelay $0x1  }
0x8b: {  	v0 =	vperm.xlane v0, v5;
	v2 =	vadd.s32 v4, v2;
	_ =	sdelay $0x1  }
0x8c: {  	v0 =	vadd.s32 v4, v0;
	_ =	sdelay $0x1  }
0x8d: {  	s19 =	simm.s32 $0x2300  }
0x8e: {  	[tilespmem:s19], [sflag:$0x1] =	stream.indirect_vreg.gather [hbm4b:s2+s5], $0x80, v2, vm0, $0xb8;
	[tilespmem:$0x1C380] =	vst v63  }
0x8f: {  	s20 =	simm.s32 $0x2B00  }
0x90: {  	[tilespmem:s20], [sflag:$0x1] =	stream.indirect_vreg.gather [hbm4b:s2+s5], $0x80, v0, vm0, $0xb8;
	[tilespmem:$0x1C380] =	vst v63  }
0x91: {  	v0 =	vld [tilespmem:$0x230];
	_ =	sdelay $0x4  }
0x92: {  	v2 =	vshll.u32 v0, $0x1  }
0x93: {  	v0 =	vand.u32 $0x7, v0;
	v2 =	vand.u32 $0xFFFFFFF0, v2  }
0x94: {  	v0 =	vor.u32 v0, v2  }
0x95: {  	v2 =	vperm.xlane v0, v3;
	_ =	sdelay $0x1  }
0x96: {  	v0 =	vperm.xlane v0, v5;
	v2 =	vadd.s32 v4, v2;
	_ =	sdelay $0x1  }
0x97: {  	v0 =	vadd.s32 v4, v0;
	_ =	sdelay $0x1  }
0x98: {  	s21 =	simm.s32 $0x3300  }
0x99: {  	[tilespmem:s21], [sflag:$0x1] =	stream.indirect_vreg.gather [hbm4b:s2+s5], $0x80, v2, vm0, $0xb8;
	[tilespmem:$0x1C380] =	vst v63  }
0x9a: {  	s22 =	simm.s32 $0x3B00  }
0x9b: {  	[tilespmem:s22], [sflag:$0x1] =	stream.indirect_vreg.gather [hbm4b:s2+s5], $0x80, v0, vm0, $0xb8;
	[tilespmem:$0x1C380] =	vst v63  }
0x9c: {  	v0 =	vld [tilespmem:$0x240];
	_ =	sdelay $0x4  }
0x9d: {  	v2 =	vshll.u32 v0, $0x1  }
0x9e: {  	v0 =	vand.u32 $0x7, v0;
	v2 =	vand.u32 $0xFFFFFFF0, v2  }
0x9f: {  	v0 =	vor.u32 v0, v2  }
0xa0: {  	v2 =	vperm.xlane v0, v3;
	_ =	sdelay $0x1  }
0xa1: {  	v0 =	vperm.xlane v0, v5;
	v2 =	vadd.s32 v4, v2;
	_ =	sdelay $0x1  }
0xa2: {  	v0 =	vadd.s32 v4, v0;
	_ =	sdelay $0x1  }
0xa3: {  	s23 =	simm.s32 $0x4300  }
0xa4: {  	[tilespmem:s23], [sflag:$0x1] =	stream.indirect_vreg.gather [hbm4b:s2+s5], $0x80, v2, vm0, $0xb8;
	[tilespmem:$0x1C380] =	vst v63  }
0xa5: {  	s24 =	simm.s32 $0x4B00  }
0xa6: {  	[tilespmem:s24], [sflag:$0x1] =	stream.indirect_vreg.gather [hbm4b:s2+s5], $0x80, v0, vm0, $0xb8;
	[tilespmem:$0x1C380] =	vst v63  }
0xa7: {  	v0 =	vld [tilespmem:$0x250];
	_ =	sdelay $0x4  }
0xa8: {  	v2 =	vshll.u32 v0, $0x1  }
0xa9: {  	v0 =	vand.u32 $0x7, v0;
	v2 =	vand.u32 $0xFFFFFFF0, v2  }
0xaa: {  	v0 =	vor.u32 v0, v2  }
0xab: {  	v2 =	vperm.xlane v0, v3;
	_ =	sdelay $0x1  }
0xac: {  	v0 =	vperm.xlane v0, v5;
	v2 =	vadd.s32 v4, v2;
	_ =	sdelay $0x1  }
0xad: {  	v0 =	vadd.s32 v4, v0;
	_ =	sdelay $0x1  }
0xae: {  	s25 =	simm.s32 $0x5300  }
0xaf: {  	[tilespmem:s25], [sflag:$0x1] =	stream.indirect_vreg.gather [hbm4b:s2+s5], $0x80, v2, vm0, $0xb8;
	[tilespmem:$0x1C380] =	vst v63  }
0xb0: {  	s26 =	simm.s32 $0x5B00  }
0xb1: {  	[tilespmem:s26], [sflag:$0x1] =	stream.indirect_vreg.gather [hbm4b:s2+s5], $0x80, v0, vm0, $0xb8;
	[tilespmem:$0x1C380] =	vst v63  }
0xb2: {  	v0 =	vld [tilespmem:$0x260];
	_ =	sdelay $0x4  }
0xb3: {  	v2 =	vshll.u32 v0, $0x1  }
0xb4: {  	v0 =	vand.u32 $0x7, v0;
	v2 =	vand.u32 $0xFFFFFFF0, v2  }
0xb5: {  	v0 =	vor.u32 v0, v2  }
0xb6: {  	v2 =	vperm.xlane v0, v3;
	_ =	sdelay $0x1  }
0xb7: {  	v0 =	vperm.xlane v0, v5;
	v2 =	vadd.s32 v4, v2;
	_ =	sdelay $0x1  }
0xb8: {  	v0 =	vadd.s32 v4, v0;
	_ =	sdelay $0x1  }
0xb9: {  	s28 =	simm.s32 $0x6300  }
0xba: {  	[tilespmem:s28], [sflag:$0x1] =	stream.indirect_vreg.gather [hbm4b:s2+s5], $0x80, v2, vm0, $0xb8;
	[tilespmem:$0x1C380] =	vst v63  }
0xbb: {  	s29 =	simm.s32 $0x6B00  }
0xbc: {  	[tilespmem:s29], [sflag:$0x1] =	stream.indirect_vreg.gather [hbm4b:s2+s5], $0x80, v0, vm0, $0xb8;
	[tilespmem:$0x1C380] =	vst v63  }
0xbd: {  	v0 =	vld [tilespmem:$0x270];
	_ =	sdelay $0x4  }
0xbe: {  	v2 =	vshll.u32 v0, $0x1  }
0xbf: {  	v0 =	vand.u32 $0x7, v0;
	v2 =	vand.u32 $0xFFFFFFF0, v2  }
0xc0: {  	v0 =	vor.u32 v0, v2  }
0xc1: {  	v2 =	vperm.xlane v0, v3;
	_ =	sdelay $0x1  }
0xc2: {  	v0 =	vperm.xlane v0, v5;
	v2 =	vadd.s32 v4, v2;
	_ =	sdelay $0x1  }
0xc3: {  	v0 =	vadd.s32 v4, v0;
	_ =	sdelay $0x1  }
0xc4: {  	s30 =	simm.s32 $0x7300  }
0xc5: {  	[tilespmem:s30], [sflag:$0x1] =	stream.indirect_vreg.gather [hbm4b:s2+s5], $0x80, v2, vm0, $0xb8;
	[tilespmem:$0x1C380] =	vst v63  }
0xc6: {  	s31 =	simm.s32 $0x7B00  }
0xc7: {  	[tilespmem:s31], [sflag:$0x1] =	stream.indirect_vreg.gather [hbm4b:s2+s5], $0x80, v0, vm0, $0xb8;
	[tilespmem:$0x1C380] =	vst v63  }
.LBB2_5:
0xc8: {  	s1 =	sadd.s32 $0x1, s17  }
0xc9: {  	s11 =	sand.u32 $0x1, s1  }
0xca: {  	p0 =	slt.s32 s17, $0x0;
	p1 =	seq.s32 s11, $0x1  }
0xcb: {  	s31 =	sshrl.u32 s1, $0x1F;
	p0 =	por !p0, !p1  }
0xcc: {  	s1 =	sadd.s32 s31, s1;
	s11 =	simm.s32 $0x1;
	p0 =	por !p0, !p0  }
0xcd: {  	s1 =	sshra.s32 s1, $0x1;
	s11 =	simm.s32 @!p0 $0x0  }
0xce: {  	s18 =	ssub.s32 s1, s11  }
0xcf: {  	p0 =	slt.s32 s18, $0x1  }
.Ltmp4:
0xd0: {  	_ = 	snop;
	(pc) =	sbr.rel @p0 .LBB2_6-.Ltmp4, $3  }
0xd1: {  	_ =	sdelay $0x1  }
0xd2: {  	v0 =	vimm.f32 $0.0e+00  }
0xd3: {  	s16 =	simm.s32 $0xFFFFFFFF;
	[tilespmem:$0x1FFC0] =	vst v0  }
0xd4: {  	v0 =	vimm.f32 $0.0e+00;
	v30 =	vimm.f32 $0.0e+00  }
0xd5: {  	v31 =	vimm.f32 $0.0e+00;
	v32 =	vimm.f32 $0.0e+00;
	v37 =	vimm.f32 $0.0e+00  }
0xd6: {  	v52 =	vimm.f32 $0.0e+00;
	v53 =	vimm.f32 $0.0e+00;
	v46 =	vimm.f32 $0.0e+00  }
0xd7: {  	v51 =	vimm.f32 $0.0e+00;
	v62 =	vimm.f32 $0.0e+00;
	v58 =	vimm.f32 $0.0e+00  }
0xd8: {  	v34 =	vimm.f32 $0.0e+00;
	v50 =	vimm.f32 $0.0e+00;
	v60 =	vimm.f32 $0.0e+00  }
0xd9: {  	v56 =	vimm.f32 $0.0e+00;
	v55 =	vimm.f32 $0.0e+00;
	v40 =	vimm.f32 $0.0e+00  }
.Ltmp5:
0xda: {  	v36 =	vimm.f32 $0.0e+00;
	v44 =	vimm.f32 $0.0e+00;
	v49 =	vimm.f32 $0.0e+00;
	(pc) =	sbr.rel .LBB2_8-.Ltmp5, $4  }
0xdb: {  	v48 =	vimm.f32 $0.0e+00;
	v47 =	vimm.f32 $0.0e+00;
	v45 =	vimm.f32 $0.0e+00  }
0xdc: {  	v29 =	vimm.f32 $0.0e+00;
	v61 =	vimm.f32 $0.0e+00;
	[tilespmem:$0x1FFB0] =	vst v0;
	v0 =	vimm.f32 $0.0e+00  }
0xdd: {  	v35 =	vimm.f32 $0.0e+00;
	v59 =	vimm.f32 $0.0e+00;
	[tilespmem:$0x1FFA0] =	vst v0;
	v0 =	vimm.f32 $0.0e+00  }
0xde: {  	s19 =	simm.s32 $0x0;
	s20 =	simm.s32 $0xC0000000;
	v57 =	vimm.f32 $0.0e+00;
	v63 =	vimm.f32 $0.0e+00;
	v54 =	vimm.f32 $0.0e+00;
	[tilespmem:$0x1FF90] =	vst v0  }
.LBB2_57:
0xdf: {  	s19 =	sadd.s32 $0x1, s19  }
0xe0: {  	p0 =	sne.s32 s19, s18  }
.Ltmp6:
0xe1: {  	_ = 	snop;
	(pc) =	sbr.rel @!p0 .LBB2_58-.Ltmp6, $1  }
0xe2: {  	_ =	sdelay $0x3  }
.LBB2_8:
0xe3: {  	s1 =	sshllo.u32 s19, $0x1  }
0xe4: {  	p0 =	sge.s32 s1, s17  }
.Ltmp7:
0xe5: {  	_ = 	snop;
	(pc) =	sbr.rel @p0 .LBB2_10-.Ltmp7, $2  }
0xe6: {  	_ =	sdelay $0x2  }
0xe7: {  	s21 =	sshll.u32 s1, $0x7  }
0xe8: {  	s1 =	sadd.s32 s9, s21  }
0xe9: {  	s7 =	rddreg [dreg:$0x4];
	s1 =	sshrl.u32 s1, $0x3  }
0xea: {  	s23 =	simm.s32 $0x100;
	s11 =	sadd.s32 s7, s1  }
0xeb: {  	[tilespmem:s23], [sflag:$0x3] =	stream.linear.gather [hbm4b:s11+s5], $0x80, $0x38;
	[tilespmem:$0x1C380] =	vst v63  }
0xec: {  	_ =	swait.ge [sflag:s12], $0x80  }
0xed: {  	[sflag:s12] =	ssyncset.done $0x0  }
0xee: {  	[sflag:s12] =	ssyncadd.s32 $0xFFFFFF80  }
0xef: {  	s24 =	rddreg [dreg:$0x0]  }
0xf0: {  	s25 =	simm.s32 $0x280;
	s1 =	sadd.s32 s24, s1  }
0xf1: {  	[tilespmem:s25], [sflag:$0x3] =	stream.linear.gather [hbm4b:s1+s5], $0x80, $0x38;
	[tilespmem:$0x1C380] =	vst v63  }
0xf2: {  	_ =	swait.ge [sflag:s12], $0x80  }
0xf3: {  	[sflag:s12] =	ssyncset.done $0x0  }
0xf4: {  	[sflag:s12] =	ssyncadd.s32 $0xFFFFFF80  }
0xf5: {  	v0 =	vld [tilespmem:$0x280];
	_ =	sdelay $0x2  }
0xf6: {  	v3 =	vld [tilespmem:$0x1FFD0]  }
0xf7: {  	v4 =	vld [tilespmem:$0x1FFE0]  }
0xf8: {  	v5 =	vld [tilespmem:$0x1FFF0];
	v2 =	vshll.u32 v0, $0x1  }
0xf9: {  	v0 =	vand.u32 $0x7, v0;
	v2 =	vand.u32 $0xFFFFFFF0, v2  }
0xfa: {  	v0 =	vor.u32 v0, v2  }
0xfb: {  	v2 =	vperm.xlane v0, v3;
	_ =	sdelay $0x1  }
0xfc: {  	v0 =	vperm.xlane v0, v5;
	v2 =	vadd.s32 v4, v2;
	_ =	sdelay $0x1  }
0xfd: {  	v0 =	vadd.s32 v4, v0;
	_ =	sdelay $0x1  }
0xfe: {  	s26 =	simm.s32 $0x8300  }
0xff: {  	[tilespmem:s26], [sflag:$0x2] =	stream.indirect_vreg.gather [hbm4b:s2+s5], $0x80, v2, vm0, $0xb8;
	[tilespmem:$0x1C380] =	vst v63  }
0x100: {  	s28 =	simm.s32 $0x8B00  }
0x101: {  	[tilespmem:s28], [sflag:$0x2] =	stream.indirect_vreg.gather [hbm4b:s2+s5], $0x80, v0, vm0, $0xb8;
	[tilespmem:$0x1C380] =	vst v63  }
0x102: {  	v0 =	vld [tilespmem:$0x290];
	_ =	sdelay $0x4  }
0x103: {  	v2 =	vshll.u32 v0, $0x1  }
0x104: {  	v0 =	vand.u32 $0x7, v0;
	v2 =	vand.u32 $0xFFFFFFF0, v2  }
0x105: {  	v0 =	vor.u32 v0, v2  }
0x106: {  	v2 =	vperm.xlane v0, v3;
	_ =	sdelay $0x1  }
0x107: {  	v0 =	vperm.xlane v0, v5;
	v2 =	vadd.s32 v4, v2;
	_ =	sdelay $0x1  }
0x108: {  	v0 =	vadd.s32 v4, v0;
	_ =	sdelay $0x1  }
0x109: {  	s29 =	simm.s32 $0x9300  }
0x10a: {  	[tilespmem:s29], [sflag:$0x2] =	stream.indirect_vreg.gather [hbm4b:s2+s5], $0x80, v2, vm0, $0xb8;
	[tilespmem:$0x1C380] =	vst v63  }
0x10b: {  	s30 =	simm.s32 $0x9B00  }
0x10c: {  	[tilespmem:s30], [sflag:$0x2] =	stream.indirect_vreg.gather [hbm4b:s2+s5], $0x80, v0, vm0, $0xb8;
	[tilespmem:$0x1C380] =	vst v63  }
0x10d: {  	v0 =	vld [tilespmem:$0x2A0];
	_ =	sdelay $0x4  }
0x10e: {  	v2 =	vshll.u32 v0, $0x1  }
0x10f: {  	v0 =	vand.u32 $0x7, v0;
	v2 =	vand.u32 $0xFFFFFFF0, v2  }
0x110: {  	v0 =	vor.u32 v0, v2  }
0x111: {  	v2 =	vperm.xlane v0, v3;
	_ =	sdelay $0x1  }
0x112: {  	v0 =	vperm.xlane v0, v5;
	v2 =	vadd.s32 v4, v2;
	_ =	sdelay $0x1  }
0x113: {  	v0 =	vadd.s32 v4, v0;
	_ =	sdelay $0x1  }
0x114: {  	s31 =	simm.s32 $0xA300  }
0x115: {  	[tilespmem:s31], [sflag:$0x2] =	stream.indirect_vreg.gather [hbm4b:s2+s5], $0x80, v2, vm0, $0xb8;
	[tilespmem:$0x1C380] =	vst v63  }
0x116: {  	s7 =	simm.s32 $0xAB00  }
0x117: {  	[tilespmem:s7], [sflag:$0x2] =	stream.indirect_vreg.gather [hbm4b:s2+s5], $0x80, v0, vm0, $0xb8;
	[tilespmem:$0x1C380] =	vst v63  }
0x118: {  	v0 =	vld [tilespmem:$0x2B0];
	_ =	sdelay $0x4  }
0x119: {  	v2 =	vshll.u32 v0, $0x1  }
0x11a: {  	v0 =	vand.u32 $0x7, v0;
	v2 =	vand.u32 $0xFFFFFFF0, v2  }
0x11b: {  	v0 =	vor.u32 v0, v2  }
0x11c: {  	v2 =	vperm.xlane v0, v3;
	_ =	sdelay $0x1  }
0x11d: {  	v0 =	vperm.xlane v0, v5;
	v2 =	vadd.s32 v4, v2;
	_ =	sdelay $0x1  }
0x11e: {  	v0 =	vadd.s32 v4, v0;
	_ =	sdelay $0x1  }
0x11f: {  	s11 =	simm.s32 $0xB300  }
0x120: {  	[tilespmem:s11], [sflag:$0x2] =	stream.indirect_vreg.gather [hbm4b:s2+s5], $0x80, v2, vm0, $0xb8;
	[tilespmem:$0x1C380] =	vst v63  }
0x121: {  	s22 =	simm.s32 $0xBB00  }
0x122: {  	[tilespmem:s22], [sflag:$0x2] =	stream.indirect_vreg.gather [hbm4b:s2+s5], $0x80, v0, vm0, $0xb8;
	[tilespmem:$0x1C380] =	vst v63  }
0x123: {  	v0 =	vld [tilespmem:$0x2C0];
	_ =	sdelay $0x4  }
0x124: {  	v2 =	vshll.u32 v0, $0x1  }
0x125: {  	v0 =	vand.u32 $0x7, v0;
	v2 =	vand.u32 $0xFFFFFFF0, v2  }
0x126: {  	v0 =	vor.u32 v0, v2  }
0x127: {  	v2 =	vperm.xlane v0, v3;
	_ =	sdelay $0x1  }
0x128: {  	v0 =	vperm.xlane v0, v5;
	v2 =	vadd.s32 v4, v2;
	_ =	sdelay $0x1  }
0x129: {  	v0 =	vadd.s32 v4, v0;
	_ =	sdelay $0x1  }
0x12a: {  	s23 =	simm.s32 $0xC300  }
0x12b: {  	[tilespmem:s23], [sflag:$0x2] =	stream.indirect_vreg.gather [hbm4b:s2+s5], $0x80, v2, vm0, $0xb8;
	[tilespmem:$0x1C380] =	vst v63  }
0x12c: {  	s24 =	simm.s32 $0xCB00  }
0x12d: {  	[tilespmem:s24], [sflag:$0x2] =	stream.indirect_vreg.gather [hbm4b:s2+s5], $0x80, v0, vm0, $0xb8;
	[tilespmem:$0x1C380] =	vst v63  }
0x12e: {  	v0 =	vld [tilespmem:$0x2D0];
	_ =	sdelay $0x4  }
0x12f: {  	v2 =	vshll.u32 v0, $0x1  }
0x130: {  	v0 =	vand.u32 $0x7, v0;
	v2 =	vand.u32 $0xFFFFFFF0, v2  }
0x131: {  	v0 =	vor.u32 v0, v2  }
0x132: {  	v2 =	vperm.xlane v0, v3;
	_ =	sdelay $0x1  }
0x133: {  	v0 =	vperm.xlane v0, v5;
	v2 =	vadd.s32 v4, v2;
	_ =	sdelay $0x1  }
0x134: {  	v0 =	vadd.s32 v4, v0;
	_ =	sdelay $0x1  }
0x135: {  	s25 =	simm.s32 $0xD300  }
0x136: {  	[tilespmem:s25], [sflag:$0x2] =	stream.indirect_vreg.gather [hbm4b:s2+s5], $0x80, v2, vm0, $0xb8;
	[tilespmem:$0x1C380] =	vst v63  }
0x137: {  	s26 =	simm.s32 $0xDB00  }
0x138: {  	[tilespmem:s26], [sflag:$0x2] =	stream.indirect_vreg.gather [hbm4b:s2+s5], $0x80, v0, vm0, $0xb8;
	[tilespmem:$0x1C380] =	vst v63  }
0x139: {  	v0 =	vld [tilespmem:$0x2E0];
	_ =	sdelay $0x4  }
0x13a: {  	v2 =	vshll.u32 v0, $0x1  }
0x13b: {  	v0 =	vand.u32 $0x7, v0;
	v2 =	vand.u32 $0xFFFFFFF0, v2  }
0x13c: {  	v0 =	vor.u32 v0, v2  }
0x13d: {  	v2 =	vperm.xlane v0, v3;
	_ =	sdelay $0x1  }
0x13e: {  	v0 =	vperm.xlane v0, v5;
	v2 =	vadd.s32 v4, v2;
	_ =	sdelay $0x1  }
0x13f: {  	v0 =	vadd.s32 v4, v0;
	_ =	sdelay $0x1  }
0x140: {  	s28 =	simm.s32 $0xE300  }
0x141: {  	[tilespmem:s28], [sflag:$0x2] =	stream.indirect_vreg.gather [hbm4b:s2+s5], $0x80, v2, vm0, $0xb8;
	[tilespmem:$0x1C380] =	vst v63  }
0x142: {  	s29 =	simm.s32 $0xEB00  }
0x143: {  	[tilespmem:s29], [sflag:$0x2] =	stream.indirect_vreg.gather [hbm4b:s2+s5], $0x80, v0, vm0, $0xb8;
	[tilespmem:$0x1C380] =	vst v63  }
0x144: {  	v0 =	vld [tilespmem:$0x2F0];
	_ =	sdelay $0x4  }
0x145: {  	v2 =	vshll.u32 v0, $0x1  }
0x146: {  	v0 =	vand.u32 $0x7, v0;
	v2 =	vand.u32 $0xFFFFFFF0, v2  }
0x147: {  	v0 =	vor.u32 v0, v2  }
0x148: {  	v2 =	vperm.xlane v0, v3;
	_ =	sdelay $0x1  }
0x149: {  	v0 =	vperm.xlane v0, v5;
	v2 =	vadd.s32 v4, v2;
	_ =	sdelay $0x1  }
0x14a: {  	v0 =	vadd.s32 v4, v0;
	_ =	sdelay $0x1  }
0x14b: {  	s30 =	simm.s32 $0xF300  }
0x14c: {  	[tilespmem:s30], [sflag:$0x2] =	stream.indirect_vreg.gather [hbm4b:s2+s5], $0x80, v2, vm0, $0xb8;
	[tilespmem:$0x1C380] =	vst v63  }
0x14d: {  	s31 =	simm.s32 $0xFB00  }
0x14e: {  	[tilespmem:s31], [sflag:$0x2] =	stream.indirect_vreg.gather [hbm4b:s2+s5], $0x80, v0, vm0, $0xb8;
	[tilespmem:$0x1C380] =	vst v63  }
.LBB2_10:
0x14f: {  	_ =	swait.ge [sflag:s13], $0x4000  }
.Ltmp8:
0x150: {  	[sflag:s13] =	ssyncset.done $0x0;
	(pc) =	sbr.rel .LBB2_11-.Ltmp8, $4  }
0x151: {  	[sflag:s13] =	ssyncadd.s32 $0xFFFFC000  }
0x152: {  	_ =	swait.ge [sflag:s13], $0x4000  }
0x153: {  	s22 =	sshll.u32 s19, $0x1;
	s1 =	sshll.u32 s19, $0x8;
	[sflag:s13] =	ssyncset.done $0x0  }
0x154: {  	s24 =	simm.s32 $0x0;
	s23 =	sadd.s32 s15, s1;
	[sflag:s13] =	ssyncadd.s32 $0xFFFFC000  }
.LBB2_19:
0x155: {  	v0 =	vld [tilespmem:$0x1FF90];
	_ =	sdelay $0x4  }
0x156: {  	v0 =	vpsel p1, v0, v0  }
0x157: {  	[tilespmem:$0x1FF90] =	vst v0;
	v0 =	vld [tilespmem:$0x1FFA0];
	_ =	sdelay $0x4  }
0x158: {  	v0 =	vpsel p1, v0, v0  }
0x159: {  	[tilespmem:$0x1FFA0] =	vst v0;
	v0 =	vld [tilespmem:$0x1FFB0];
	_ =	sdelay $0x4  }
0x15a: {  	v0 =	vpsel p1, v0, v0  }
0x15b: {  	[tilespmem:$0x1FFB0] =	vst v0;
	v0 =	vld [tilespmem:$0x1FFC0];
	_ =	sdelay $0x1  }
0x15c: {  	v54 =	vpsel p1, v54, v54;
	v50 =	vpsel p1, v50, v50  }
0x15d: {  	v34 =	vpsel p1, v34, v34;
	v58 =	vpsel p1, v58, v58;
	v62 =	vpsel p1, v62, v62  }
0x15e: {  	v51 =	vpsel p1, v51, v51;
	v46 =	vpsel p1, v46, v46;
	v53 =	vpsel p1, v53, v53  }
0x15f: {  	v52 =	vpsel p1, v52, v52;
	v37 =	vpsel p1, v37, v37;
	v0 =	vpsel p1, v0, v0  }
0x160: {  	v32 =	vpsel p1, v32, v32;
	v31 =	vpsel p1, v31, v31;
	v30 =	vpsel p1, v30, v30;
	[tilespmem:$0x1FFC0] =	vst v0  }
.LBB2_31:
0x161: {  	p1 =	slt.s32 s24, $0x80  }
.Ltmp9:
0x162: {  	_ = 	snop;
	(pc) =	sbr.rel @!p1 .LBB2_32-.Ltmp9, $1  }
0x163: {  	_ =	sdelay $0x3  }
.LBB2_11:
0x164: {  	v0 =	vld [tilespmem:s24+$0x0];
	_ =	sdelay $0x4  }
0x165: {  	(v2sf) =	vpush v0, $0x0;
	_ =	sdelay $0xe  }
0x166: {  	s11 =	smov.u32 s16;
	s16 =	spop (v2sf)  }
0x167: {  	p1 =	seq.s32 s16, s11  }
.Ltmp10:
0x168: {  	_ = 	snop;
	(pc) =	sbr.rel @p1 .LBB2_16-.Ltmp10, $2  }
0x169: {  	_ =	sdelay $0x2  }
0x16a: {  	s29 =	smov.u32 s24  }
0x16b: {  	(xrf0) =	vmax.scan.msk.f32 $0xffff, v54;
	_ =	sdelay $0x5  }
0x16c: {  	v2, _, _ =	vpop (xrf0)  }
0x16d: {  	(v2sf) =	vpush v2, $0xF;
	_ =	sdelay $0xe  }
0x16e: {  	s1 =	spop (v2sf)  }
0x16f: {  	p2 =	sgt.f32 s1, $0.0e+00  }
.Ltmp11:
0x170: {  	_ = 	snop;
	(pc) =	sbr.rel @!p2 .LBB2_15-.Ltmp11, $1  }
0x171: {  	_ =	sdelay $0x3  }
0x172: {  	s25 =	sadd.s32 $0x40, s10  }
0x173: {  	p2 =	slt.s32 s11, s25  }
.Ltmp12:
0x174: {  	_ = 	snop;
	(pc) =	sbr.rel @p2 .LBB2_14-.Ltmp12, $1  }
0x175: {  	_ =	sdelay $0x3  }
.LBB2_21:
0x176: {  	s1 =	sshll.u32 s10, $0x5  }
0x177: {  	s1 =	sand.u32 $0xFFFFF00, s1  }
0x178: {  	s30 =	simm.s32 $0x0;
	s1 =	sadd.s32 s3, s1  }
0x179: {  	[hbm4b:s1+s30] =	stream.linear.scatter [tilespmem:s4], [sflag:$0x3], $0x4000, $0x38;
	[tilespmem:$0x1C380] =	vst v63  }
0x17a: {  	_ =	swait.ge [sflag:s12], $0x4000  }
0x17b: {  	s31 =	sand.u32 $0x3800, s30;
	s10 =	sand.u32 $0x380, s30;
	[sflag:s12] =	ssyncset.done $0x0  }
0x17c: {  	s10 =	sor.u32 s10, s31;
	[sflag:s12] =	ssyncadd.s32 $0xFFFFC000  }
0x17d: {  	s1 =	sadd.s32 $0x10300, s10;
	[tilespmem:s10+$0x10300] =	vst v1  }
0x17e: {  	[tilespmem:s1+$0x40] =	vst v1  }
0x17f: {  	[tilespmem:s1+$0x50] =	vst v1  }
0x180: {  	[tilespmem:s1+$0x60] =	vst v1  }
0x181: {  	[tilespmem:s1+$0x70] =	vst v1  }
0x182: {  	[tilespmem:s1+$0x400] =	vst v1  }
0x183: {  	[tilespmem:s1+$0x410] =	vst v1  }
0x184: {  	[tilespmem:s1+$0x420] =	vst v1  }
0x185: {  	[tilespmem:s1+$0x430] =	vst v1  }
0x186: {  	[tilespmem:s1+$0x440] =	vst v1  }
0x187: {  	[tilespmem:s1+$0x450] =	vst v1  }
0x188: {  	[tilespmem:s1+$0x460] =	vst v1  }
0x189: {  	s26 =	simm.s32 $0x100;
	[tilespmem:s1+$0x10] =	vst v1  }
0x18a: {  	s24 =	simm.s32 $0x80;
	s26 =	sand.u32 $0x3800, s26;
	[tilespmem:s1+$0x20] =	vst v1  }
0x18b: {  	s28 =	sand.u32 $0x380, s24;
	s10 =	smov.u32 s25;
	s25 =	simm.s32 $0x200;
	[tilespmem:s1+$0x30] =	vst v1  }
.LBB2_22:
0x18c: {  	p2 =	seq.s32 s25, $0x3F00;
	s26 =	sor.u32 s28, s26;
	[tilespmem:s1+$0x470] =	vst v1  }
0x18d: {  	s1 =	sadd.s32 $0x10300, s26;
	[tilespmem:s26+$0x10300] =	vst v1  }
0x18e: {  	[tilespmem:s1+$0x10] =	vst v1  }
0x18f: {  	[tilespmem:s1+$0x20] =	vst v1  }
0x190: {  	[tilespmem:s1+$0x30] =	vst v1  }
0x191: {  	[tilespmem:s1+$0x40] =	vst v1  }
0x192: {  	[tilespmem:s1+$0x50] =	vst v1  }
0x193: {  	[tilespmem:s1+$0x60] =	vst v1  }
0x194: {  	[tilespmem:s1+$0x70] =	vst v1  }
0x195: {  	[tilespmem:s1+$0x400] =	vst v1  }
0x196: {  	[tilespmem:s1+$0x410] =	vst v1  }
.Ltmp13:
0x197: {  	[tilespmem:s1+$0x420] =	vst v1;
	(pc) =	sbr.rel @!p2 .LBB2_22-.Ltmp13, $4  }
0x198: {  	[tilespmem:s1+$0x430] =	vst v1  }
0x199: {  	[tilespmem:s1+$0x440] =	vst v1  }
0x19a: {  	s24 =	sadd.s32 $0x80, s24;
	[tilespmem:s1+$0x450] =	vst v1  }
0x19b: {  	s26 =	sand.u32 $0x3800, s25;
	s28 =	sand.u32 $0x380, s24;
	s25 =	sadd.s32 $0x100, s25;
	[tilespmem:s1+$0x460] =	vst v1  }
0x19c: {  	s24 =	sor.u32 s28, s26;
	[tilespmem:s1+$0x470] =	vst v1  }
0x19d: {  	s31 =	sadd.s32 $0x10300, s24;
	[tilespmem:s24+$0x10300] =	vst v1  }
0x19e: {  	[tilespmem:s31+$0x10] =	vst v1  }
0x19f: {  	[tilespmem:s31+$0x20] =	vst v1  }
0x1a0: {  	[tilespmem:s31+$0x30] =	vst v1  }
0x1a1: {  	[tilespmem:s31+$0x40] =	vst v1  }
0x1a2: {  	[tilespmem:s31+$0x50] =	vst v1  }
0x1a3: {  	[tilespmem:s31+$0x60] =	vst v1  }
0x1a4: {  	[tilespmem:s31+$0x70] =	vst v1  }
0x1a5: {  	[tilespmem:s31+$0x400] =	vst v1  }
0x1a6: {  	[tilespmem:s31+$0x410] =	vst v1  }
0x1a7: {  	[tilespmem:s31+$0x420] =	vst v1  }
0x1a8: {  	[tilespmem:s31+$0x430] =	vst v1  }
0x1a9: {  	[tilespmem:s31+$0x440] =	vst v1  }
0x1aa: {  	[tilespmem:s31+$0x450] =	vst v1  }
0x1ab: {  	[tilespmem:s31+$0x460] =	vst v1  }
0x1ac: {  	[tilespmem:s31+$0x470] =	vst v1  }
0x1ad: {  	s25 =	sadd.s32 $0x40, s10  }
0x1ae: {  	p2 =	slt.s32 s11, s25  }
.Ltmp14:
0x1af: {  	_ = 	snop;
	(pc) =	sbr.rel @!p2 .LBB2_21-.Ltmp14, $1  }
0x1b0: {  	_ =	sdelay $0x3  }
.LBB2_14:
0x1b1: {  	(erf) = vrcp.f32 v54;
	_ =	sdelay $0x7  }
0x1b2: {  	s1 =	ssub.s32 s11, s10  }
0x1b3: {  	s11 =	sshll.u32 s1, $0x8;
	s1 =	sshll.u32 s1, $0x7;
	v2 =	vpop (erf)  }
0x1b4: {  	s11 =	sand.u32 $0xFFFFF800, s11;
	s1 =	sand.u32 $0x380, s1;
	v3 =	vmul.f32 v50, v2  }
0x1b5: {  	s1 =	sor.u32 s1, s11  }
0x1b6: {  	[tilespmem:s1+$0x10300] =	vst v3;
	v3 =	vmul.f32 v58, v2  }
0x1b7: {  	s11 =	sadd.s32 $0x10300, s1  }
0x1b8: {  	[tilespmem:s11+$0x20] =	vst v3;
	v3 =	vmul.f32 v51, v2;
	_ =	sdelay $0x1  }
0x1b9: {  	[tilespmem:s11+$0x40] =	vst v3;
	v3 =	vmul.f32 v53, v2;
	_ =	sdelay $0x1  }
0x1ba: {  	[tilespmem:s11+$0x60] =	vst v3;
	v3 =	vmul.f32 v37, v2;
	_ =	sdelay $0x1  }
0x1bb: {  	[tilespmem:s11+$0x400] =	vst v3;
	v3 =	vmul.f32 v31, v2;
	_ =	sdelay $0x1  }
0x1bc: {  	[tilespmem:s11+$0x420] =	vst v3;
	v3 =	vld [tilespmem:$0x1FF90];
	_ =	sdelay $0x3  }
0x1bd: {  	v56 =	vmul.f32 v46, v2  }
0x1be: {  	v3 =	vmul.f32 v3, v2  }
0x1bf: {  	v61 =	vld [tilespmem:$0x1FFA0];
	v57 =	vmul.f32 v52, v2;
	[tilespmem:s11+$0x50] =	vst v56  }
0x1c0: {  	v59 =	vmul.f32 v32, v2;
	[tilespmem:s11+$0x440] =	vst v3;
	v3 =	vld [tilespmem:$0x1FFB0]  }
0x1c1: {  	v63 =	vld [tilespmem:$0x1FFC0];
	v60 =	vmul.f32 v30, v2;
	[tilespmem:s11+$0x70] =	vst v57  }
0x1c2: {  	v4 =	vmul.f32 v34, v2;
	[tilespmem:s11+$0x410] =	vst v59  }
0x1c3: {  	v55 =	vmul.f32 v62, v2;
	[tilespmem:s11+$0x430] =	vst v60  }
0x1c4: {  	[tilespmem:s11+$0x10] =	vst v4;
	v4 =	vmul.f32 v61, v2  }
0x1c5: {  	[tilespmem:s11+$0x30] =	vst v55;
	v3 =	vmul.f32 v3, v2  }
0x1c6: {  	[tilespmem:s11+$0x450] =	vst v4;
	v2 =	vmul.f32 v63, v2  }
0x1c7: {  	[tilespmem:s11+$0x460] =	vst v3  }
0x1c8: {  	[tilespmem:s11+$0x470] =	vst v2  }
.LBB2_15:
0x1c9: {  	s1 =	sand.u32 $0xFFFFFF80, s16  }
0x1ca: {  	p2 =	seq.s32 s1, s20  }
0x1cb: {  	s11 =	sshll.u32 @!p2 s1, $0x5  }
0x1cc: {  	s20 =	simm.s32 @!p2 $0x0;
	s24 =	simm.s32 @!p2 $0x14300;
	s11 =	sadd.s32 @!p2 s6, s11  }
0x1cd: {  	[tilespmem:s24], [sflag:$0x3] =	stream.linear.gather @!p2 [hbm4b:s11+s20], $0x8000, $0x38;
	[tilespmem:$0x1C380] =	vst v63  }
0x1ce: {  	s11 =	simm.s32 @!p2 $0x3  }
0x1cf: {  	s28 =	sshll.u32 s16, $0x8;
	s30 =	sshll.u32 s16, $0x7;
	_ =	swait.ge @!p2 [sflag:s11], $0x8000  }
0x1d0: {  	s20 =	sand.u32 $0x7800, s28;
	s24 =	sand.u32 $0x380, s30;
	[sflag:s11] =	ssyncset.done @!p2 $0x0  }
0x1d1: {  	s31 =	sor.u32 s24, s20;
	[sflag:s11] =	ssyncadd.s32 @!p2 $0xFFFF8000  }
0x1d2: {  	s20 =	sadd.s32 $0x14300, s31;
	v63 =	vld [tilespmem:s31+$0x14300]  }
0x1d3: {  	v57 =	vld [tilespmem:s20+$0x10]  }
0x1d4: {  	v59 =	vld [tilespmem:s20+$0x20]  }
0x1d5: {  	v35 =	vld [tilespmem:s20+$0x30]  }
0x1d6: {  	v61 =	vld [tilespmem:s20+$0x40]  }
0x1d7: {  	v29 =	vld [tilespmem:s20+$0x50]  }
0x1d8: {  	v45 =	vld [tilespmem:s20+$0x60]  }
0x1d9: {  	v47 =	vld [tilespmem:s20+$0x70]  }
0x1da: {  	v48 =	vld [tilespmem:s20+$0x400]  }
0x1db: {  	v49 =	vld [tilespmem:s20+$0x410]  }
0x1dc: {  	v44 =	vld [tilespmem:s20+$0x420]  }
0x1dd: {  	v36 =	vld [tilespmem:s20+$0x430]  }
0x1de: {  	v40 =	vld [tilespmem:s20+$0x440]  }
0x1df: {  	v55 =	vld [tilespmem:s20+$0x450]  }
0x1e0: {  	v56 =	vld [tilespmem:s20+$0x460]  }
0x1e1: {  	v60 =	vld [tilespmem:s20+$0x470];
	s20 =	smov.u32 s1  }
.LBB2_16:
0x1e2: {  	v2 =	vld [tilespmem:$0x1FF90];
	_ =	sdelay $0x4  }
0x1e3: {  	v2 =	vpsel !p1, $0x0, v2  }
0x1e4: {  	[tilespmem:$0x1FF90] =	vst v2;
	v2 =	vld [tilespmem:$0x1FFA0];
	_ =	sdelay $0x4  }
0x1e5: {  	v2 =	vpsel !p1, $0x0, v2  }
0x1e6: {  	[tilespmem:$0x1FFA0] =	vst v2;
	v2 =	vld [tilespmem:$0x1FFB0];
	_ =	sdelay $0x4  }
0x1e7: {  	v2 =	vpsel !p1, $0x0, v2  }
0x1e8: {  	[tilespmem:$0x1FFB0] =	vst v2;
	v2 =	vld [tilespmem:$0x1FFC0];
	_ =	sdelay $0x1  }
0x1e9: {  	v54 =	vpsel !p1, $0x0, v54;
	v50 =	vpsel !p1, $0x0, v50;
	v34 =	vpsel !p1, $0x0, v34  }
0x1ea: {  	v58 =	vpsel !p1, $0x0, v58;
	v62 =	vpsel !p1, $0x0, v62;
	v51 =	vpsel !p1, $0x0, v51  }
0x1eb: {  	v46 =	vpsel !p1, $0x0, v46;
	v53 =	vpsel !p1, $0x0, v53;
	v52 =	vpsel !p1, $0x0, v52  }
0x1ec: {  	v37 =	vpsel !p1, $0x0, v37;
	v32 =	vpsel !p1, $0x0, v32;
	v2 =	vpsel !p1, $0x0, v2  }
0x1ed: {  	v31 =	vpsel !p1, $0x0, v31;
	v30 =	vpsel !p1, $0x0, v30;
	v0 =	vbroadcast v0, $0x0;
	s24 =	smov.u32 s29;
	[tilespmem:$0x1FFC0] =	vst v2  }
.LBB2_17:
0x1ee: {  	v2 =	vld [tilespmem:s24+$0x0];
	_ =	sdelay $0x2  }
0x1ef: {  	s1 =	ssub.s32 $0x80, s24  }
0x1f0: {  	v39 =	vadd.s32 $0x1, v42;
	v3 =	vmov s1  }
0x1f1: {  	vm2 =	vlt.s32 v3, v39;
	vm1 =	vne.s32 v2, v0  }
0x1f2: {  	vm1 =	vmor vm2, vm1  }
0x1f3: {  	v2 =	vmctz.xlane vm1;
	_ =	sdelay $0x1  }
0x1f4: {  	(v2sf) =	vpush v2, $0x0;
	_ =	sdelay $0xe  }
0x1f5: {  	s31 =	spop (v2sf)  }
0x1f6: {  	p1 =	sgt.s32 s31, $0xF  }
.Ltmp15:
0x1f7: {  	_ = 	snop;
	(pc) =	sbr.rel @p1 .LBB2_17-.Ltmp15, $2  }
0x1f8: {  	_ =	sdelay $0x2  }
0x1f9: {  	s24 =	sadd.s32 s24, s31  }
0x1fa: {  	s1 =	sadd.s32 s29, s23  }
0x1fb: {  	p1 =	slt.s32 s1, s9  }
0x1fc: {  	p2 =	sge.s32 @!p1 s1, s14  }
0x1fd: {  	p2 =	por p1, p2  }
.Ltmp16:
0x1fe: {  	_ = 	snop;
	(pc) =	sbr.rel @p2 .LBB2_19-.Ltmp16, $1  }
0x1ff: {  	_ =	sdelay $0x3  }
0x200: {  	s25 =	ssub.s32 s24, s29  }
0x201: {  	s1 =	sshrl.u32 s25, $0x1F  }
0x202: {  	s1 =	sadd.s32 s1, s25  }
0x203: {  	s28 =	sand.u32 $0xFFFFFFFE, s1  }
0x204: {  	s26 =	sadd.s32 s29, s28  }
0x205: {  	p1 =	sge.s32 s29, s26  }
.Ltmp17:
0x206: {  	_ = 	snop;
	(pc) =	sbr.rel @p1 .LBB2_28-.Ltmp17, $1  }
0x207: {  	_ =	sdelay $0x3  }
0x208: {  	s1 =	sshll.u32 s29, $0x7;
	s30 =	sshll.u32 s29, $0x8  }
0x209: {  	s11 =	sadd.s32 $0x80, s1;
	s31 =	sadd.s32 $0x100, s30  }
0x20a: {  	s7 =	sand.u32 $0xFFFFF800, s31;
	s30 =	sand.u32 $0x380, s11  }
0x20b: {  	[tilespmem:$0x1FF80] =	vst v39;
	s1 =	sor.u32 s30, s7  }
0x20c: {  	v41 =	vld [tilespmem:s1+$0x300]  }
0x20d: {  	v43 =	vld [tilespmem:s1+$0x310]  }
0x20e: {  	v15 =	vld [tilespmem:s1+$0x320]  }
0x20f: {  	v16 =	vld [tilespmem:s1+$0x330]  }
0x210: {  	v18 =	vld [tilespmem:s1+$0x340]  }
0x211: {  	v19 =	vld [tilespmem:s1+$0x350]  }
0x212: {  	v20 =	vld [tilespmem:s1+$0x360]  }
0x213: {  	v21 =	vld [tilespmem:s1+$0x370]  }
0x214: {  	v22 =	vld [tilespmem:s1+$0x700]  }
0x215: {  	v23 =	vld [tilespmem:s1+$0x710]  }
0x216: {  	v3 =	vmov v47;
	v47 =	vmov v31;
	v31 =	vld [tilespmem:s1+$0x720]  }
0x217: {  	v33 =	vld [tilespmem:s1+$0x730]  }
0x218: {  	v10 =	vld [tilespmem:s1+$0x740]  }
0x219: {  	v7 =	vmov v54;
	s30 =	sadd.s32 $0xFFFFFF00, s31;
	s7 =	sadd.s32 $0xFFFFFF80, s11;
	v54 =	vld [tilespmem:s1+$0x750]  }
0x21a: {  	v0 =	vmov v45;
	v45 =	vmov v30;
	s30 =	sand.u32 $0xFFFFF800, s30;
	s7 =	sand.u32 $0x380, s7;
	v30 =	vld [tilespmem:s1+$0x760]  }
0x21b: {  	v27 =	vld [tilespmem:s1+$0x770];
	s7 =	sor.u32 s7, s30  }
0x21c: {  	v12 =	vmov v55;
	v55 =	vld [tilespmem:s7+$0x300]  }
0x21d: {  	v13 =	vmov v56;
	v56 =	vld [tilespmem:s7+$0x310];
	[tilespmem:$0x1FD70] =	vst v15  }
0x21e: {  	v24 =	vmul.f32 v43, v57;
	v39 =	vmul.f32 v15, v59;
	v15 =	vmov v57;
	v57 =	vld [tilespmem:s7+$0x320];
	[tilespmem:$0x1FD80] =	vst v16  }
0x21f: {  	[tilespmem:$0x1FD90] =	vst v18  }
0x220: {  	v14 =	vmov v60;
	v60 =	vld [tilespmem:s7+$0x330];
	[tilespmem:$0x1FDA0] =	vst v19  }
0x221: {  	[tilespmem:$0x1FDB0] =	vst v20  }
0x222: {  	v6 =	vmov v51;
	v51 =	vmov v58;
	v58 =	vld [tilespmem:s7+$0x340];
	[tilespmem:$0x1FDC0] =	vst v21  }
0x223: {  	[tilespmem:$0x1FDD0] =	vst v22  }
0x224: {  	v2 =	vmovc v35;
	v11 =	vmov v40;
	v5 =	vmov v50;
	v50 =	vmov v62;
	v62 =	vld [tilespmem:s7+$0x350];
	[tilespmem:$0x1FDE0] =	vst v23  }
0x225: {  	v9 =	vmovc v44;
	v4 =	vmov v48;
	v38 =	vmul.f32 v41, v63;
	v2 =	vmul.f32 v16, v2;
	[tilespmem:$0x1FDF0] =	vst v31  }
0x226: {  	v8 =	vmovc v49;
	v49 =	vmov v37;
	v40 =	vmul.f32 v18, v61;
	v44 =	vmul.f32 v22, v4;
	v22 =	vld [tilespmem:s7+$0x360];
	[tilespmem:$0x1FE00] =	vst v33  }
0x227: {  	v48 =	vmovc v32;
	v28 =	vmov v59;
	v25 =	vmul.f32 v19, v29;
	v42 =	vmul.f32 v20, v0;
	[tilespmem:$0x1FE10] =	vst v10  }
0x228: {  	v26 =	vmovc v29;
	v17 =	vmov v9;
	v59 =	vmul.f32 v21, v3;
	v32 =	vmul.f32 v23, v8;
	v23 =	vld [tilespmem:s7+$0x370];
	[tilespmem:$0x1FE20] =	vst v30  }
0x229: {  	v37 =	vmul.f32 v30, v13;
	v18 =	vmovc v61;
	v61 =	vmul.f32 v31, v9;
	v19 =	vmov v3;
	v3 =	vld [tilespmem:s7+$0x700];
	[tilespmem:$0x1FE30] =	vst v27  }
0x22a: {  	v29 =	vmovc v35;
	v35 =	vmov v36;
	v31 =	vmul.f32 v27, v14;
	v33 =	vmul.f32 v33, v36;
	[tilespmem:$0x1FE40] =	vst v63  }
0x22b: {  	v16 =	vmovc v0;
	v36 =	vmov v11;
	v10 =	vmul.f32 v10, v11;
	v11 =	vmul.f32 v55, v63;
	v63 =	vld [tilespmem:s7+$0x710];
	[tilespmem:$0x1FE50] =	vst v15  }
0x22c: {  	v9 =	vmul.f32 v54, v12;
	v0 =	vmul.f32 v56, v15;
	v38 =	vadd.f32 v24, v38;
	[tilespmem:$0x1FE60] =	vst v28  }
0x22d: {  	v20 =	vmovc v4;
	v32 =	vadd.f32 v32, v44;
	v21 =	vmov v8;
	v31 =	vadd.f32 v31, v37;
	v4 =	vld [tilespmem:s7+$0x720];
	[tilespmem:$0x1FE70] =	vst v29  }
0x22e: {  	v24 =	vmul.f32 v60, v29;
	v33 =	vadd.f32 v33, v61;
	v29 =	vadd.f32 v2, v39;
	v2 =	vld [tilespmem:s7+$0x730];
	[tilespmem:$0x1FE80] =	vst v18  }
0x22f: {  	v8 =	vmul.f32 v57, v28;
	v9 =	vadd.f32 v9, v10;
	v28 =	vadd.f32 v59, v42;
	v59 =	vld [tilespmem:s7+$0x740];
	[tilespmem:$0x1FE90] =	vst v26  }
0x230: {  	v30 =	vadd.f32 v25, v40;
	v27 =	vmul.f32 v58, v18;
	v15 =	vadd.f32 v0, v11;
	v61 =	vld [tilespmem:s7+$0x750];
	[tilespmem:$0x1FEA0] =	vst v16  }
0x231: {  	v25 =	vmul.f32 v62, v26;
	v32 =	vadd.f32 v33, v32;
	v31 =	vadd.f32 v31, v9;
	v0 =	vld [tilespmem:s7+$0x760];
	[tilespmem:$0x1FEB0] =	vst v19  }
0x232: {  	v28 =	vadd.f32 v28, v30;
	v26 =	vmul.f32 v23, v19;
	v19 =	vadd.f32 v24, v8;
	v24 =	vld [tilespmem:s7+$0x770]  }
0x233: {  	v18 =	vmul.f32 v22, v16;
	v37 =	vadd.f32 v25, v27;
	v29 =	vadd.f32 v29, v38  }
0x234: {  	v31 =	vadd.f32 v31, v32;
	v27 =	vmul.f32 v3, v20;
	v25 =	vmul.f32 v63, v21;
	[tilespmem:$0x1FEC0] =	vst v20  }
0x235: {  	v26 =	vadd.f32 v26, v18;
	[tilespmem:$0x1FED0] =	vst v21;
	v30 =	vmul.f32 v4, v17;
	v39 =	vmul.f32 v2, v35  }
0x236: {  	v28 =	vadd.f32 v28, v29;
	[tilespmem:$0x1FEE0] =	vst v17;
	v40 =	vmul.f32 v59, v36;
	v42 =	vmul.f32 v61, v12  }
0x237: {  	[tilespmem:$0x1FEF0] =	vst v35;
	v25 =	vadd.f32 v25, v27;
	v27 =	vmul.f32 v0, v13;
	v29 =	vmul.f32 v24, v14  }
0x238: {  	[tilespmem:$0x1FF00] =	vst v36;
	v26 =	vadd.f32 v26, v37;
	v30 =	vadd.f32 v39, v30  }
0x239: {  	s29 =	sadd.s32 $0x2, s29;
	[tilespmem:$0x1FF10] =	vst v12;
	v44 =	vadd.f32 v42, v40;
	v27 =	vadd.f32 v29, v27  }
0x23a: {  	p1 =	slt.s32 s29, s26;
	[tilespmem:$0x1FF20] =	vst v13;
	v28 =	vadd.f32 v31, v28;
	v25 =	vadd.f32 v30, v25  }
.Ltmp18:
0x23b: {  	[tilespmem:$0x1FF30] =	vst v14;
	v29 =	vadd.f32 v19, v15;
	v27 =	vadd.f32 v27, v44;
	(pc) =	sbr.rel @!p1 .LBB2_27-.Ltmp18, $4  }
0x23c: {  	[tilespmem:$0x1FF40] =	vst v45  }
0x23d: {  	[tilespmem:$0x1FF50] =	vst v47;
	(xrf2) =	vadd.scan.msk.f32 $0xffff, v28;
	v26 =	vadd.f32 v26, v29;
	v25 =	vadd.f32 v27, v25  }
0x23e: {  	[tilespmem:$0x1FF60] =	vst v48  }
0x23f: {  	s31 =	sadd.s32 $0x200, s31;
	s30 =	sadd.s32 $0x100, s11;
	v33 =	vmovc v7;
	[tilespmem:$0x1FF70] =	vst v49;
	v49 =	vmovc v6;
	v28 =	vmov v34;
	v30 =	vmov v5;
	v25 =	vadd.f32 v25, v26  }
.LBB2_26:
0x240: {  	_ = 	snop  }
0x241: {  	v27 =	vld [tilespmem:$0x1FE40]  }
0x242: {  	v40 =	vld [tilespmem:$0x1FE60]  }
0x243: {  	v48 =	vld [tilespmem:$0x1FE70]  }
0x244: {  	s1 =	sand.u32 $0xFFFFF800, s31;
	s7 =	sand.u32 $0x380, s30;
	v35 =	vld [tilespmem:$0x1FE80]  }
0x245: {  	v34 =	vld [tilespmem:$0x1FEA0];
	s11 =	sor.u32 s7, s1  }
0x246: {  	v8 =	vld [tilespmem:s11+$0x340]  }
0x247: {  	(xrf2) =	vadd.scan.msk.f32 $0xffff, v25;
	v10 =	vld [tilespmem:s11+$0x360];
	v25, _, _ =	vpop (xrf2)  }
0x248: {  	v31 =	vld [tilespmem:$0x1FEE0];
	v25 =	vmul.f32 $1.442695020e+00, v25  }
0x249: {  	v38 =	vld [tilespmem:s11+$0x300]  }
0x24a: {  	v5 =	vld [tilespmem:s11+$0x310];
	v25 =	vbroadcast v25, $0xF  }
0x24b: {  	v6 =	vld [tilespmem:s11+$0x320];
	v37 =	vmul.f32 v8, v35  }
0x24c: {  	v7 =	vld [tilespmem:s11+$0x330];
	v20 =	vmul.f32 v10, v34;
	(erf) = vpow2.f32 v25  }
0x24d: {  	v12 =	vld [tilespmem:s11+$0x700]  }
0x24e: {  	[tilespmem:$0x1FD00] =	vst v37;
	v37 =	vld [tilespmem:$0x1FEC0]  }
0x24f: {  	v9 =	vld [tilespmem:s11+$0x350]  }
0x250: {  	v14 =	vld [tilespmem:s11+$0x720];
	[tilespmem:$0x1FD20] =	vst v20;
	v20 =	vmov v5  }
0x251: {  	v17 =	vmul.f32 v7, v48;
	[tilespmem:$0x1FD50] =	vst v20;
	v20 =	vld [tilespmem:$0x1FD80];
	_ =	sdelay $0x1  }
0x252: {  	v19 =	vmul.f32 v12, v37  }
0x253: {  	v39 =	vld [tilespmem:$0x1FE50];
	v15 =	vmul.f32 v38, v27;
	[tilespmem:$0x1FCF0] =	vst v17  }
0x254: {  	v44 =	vld [tilespmem:$0x1FE90];
	v36 =	vmul.f32 v6, v40;
	v18 =	vmul.f32 v14, v31;
	v21 =	vmov v38;
	[tilespmem:$0x1FD30] =	vst v19;
	v17 =	vpop (erf)  }
0x255: {  	v19 =	vmul.f32 v17, v43;
	v38 =	vmul.f32 v17, v20;
	v20 =	vmovc v6;
	v6 =	vmovc v7;
	v7 =	vld [tilespmem:$0x1FDA0];
	v43 =	vmov v9  }
0x256: {  	[tilespmem:$0x1FDA0] =	vst v43;
	v43 =	vld [tilespmem:$0x1FDC0]  }
0x257: {  	[tilespmem:$0x1FD40] =	vst v18;
	v26, _, _ =	vpop (xrf2);
	v18 =	vmul.f32 v17, v41;
	v41 =	vld [tilespmem:$0x1FDB0]  }
0x258: {  	v45 =	vld [tilespmem:$0x1FEF0];
	v29 =	vmul.f32 $1.442695020e+00, v26  }
0x259: {  	v11 =	vld [tilespmem:s11+$0x370]  }
0x25a: {  	v13 =	vld [tilespmem:s11+$0x710];
	v16 =	vmul.f32 v5, v39;
	v32 =	vbroadcast v29, $0xF  }
0x25b: {  	v42 =	vmul.f32 v9, v44;
	[tilespmem:$0x1FCC0] =	vst v15;
	v9 =	vmul.f32 v17, v43;
	v43 =	vld [tilespmem:$0x1FDD0]  }
0x25c: {  	v5 =	vld [tilespmem:$0x1FD70];
	(erf) = vpow2.f32 v32;
	[tilespmem:$0x1FD70] =	vst v20;
	v20 =	vmovc v8;
	v8 =	vmul.f32 v17, v41;
	v41 =	vmov v10  }
0x25d: {  	v15 =	vld [tilespmem:s11+$0x730];
	[tilespmem:$0x1FCE0] =	vst v36  }
0x25e: {  	[tilespmem:$0x1FD10] =	vst v42;
	v36 =	vld [tilespmem:$0x1FEB0]  }
0x25f: {  	v42 =	vld [tilespmem:$0x1FED0];
	[tilespmem:$0x1FDB0] =	vst v41;
	v41 =	vmov v11  }
0x260: {  	[tilespmem:$0x1FDC0] =	vst v41;
	v41 =	vld [tilespmem:$0x1FDE0];
	v10 =	vmul.f32 v17, v43;
	v43 =	vmov v13  }
0x261: {  	[tilespmem:$0x1FDE0] =	vst v43;
	v43 =	vld [tilespmem:$0x1FE00]  }
0x262: {  	[tilespmem:$0x1FD60] =	vst v21  }
0x263: {  	[tilespmem:$0x1FCD0] =	vst v16  }
0x264: {  	v25 =	vmul.f32 v13, v42;
	v26 =	vmul.f32 v15, v45;
	[tilespmem:$0x1FD80] =	vst v6  }
0x265: {  	v21 =	vmov v14;
	v32 =	vmul.f32 v11, v36;
	v6 =	vld [tilespmem:$0x1FD90];
	[tilespmem:$0x1FD90] =	vst v20;
	v20 =	vpop (erf);
	v11 =	vmul.f32 v17, v41  }
0x266: {  	v47 =	vld [tilespmem:$0x1FF00];
	v14 =	vadd.f32 v20, v33;
	v13 =	vmul.f32 v17, v43;
	v43 =	vmul.f32 v17, v54;
	v54 =	vmovc v15  }
0x267: {  	v16 =	vld [tilespmem:s11+$0x740];
	v41 =	vmov v12;
	v15 =	vmul.f32 v20, v55;
	[tilespmem:$0x1FE00] =	vst v54;
	v54 =	vmul.f32 v20, v56  }
0x268: {  	v33 =	vadd.f32 v17, v14;
	[tilespmem:$0x1FDD0] =	vst v41;
	v41 =	vld [tilespmem:$0x1FDF0]  }
0x269: {  	v14 =	vadd.f32 v15, v30;
	v15 =	vadd.f32 v54, v28;
	_ =	sdelay $0x1  }
0x26a: {  	v28 =	vadd.f32 v19, v15;
	v15 =	vld [tilespmem:$0x1FF40]  }
0x26b: {  	v29 =	vmul.f32 v16, v47  }
0x26c: {  	v12 =	vmul.f32 v17, v41;
	v41 =	vmul.f32 v20, v57  }
0x26d: {  	v5 =	vmul.f32 v17, v5;
	v2 =	vmul.f32 v20, v2  }
0x26e: {  	v56 =	vmovc v16;
	v57 =	vmul.f32 v20, v60;
	v60 =	vmul.f32 v20, v58;
	v16 =	vadd.f32 v41, v51  }
0x26f: {  	v2 =	vadd.f32 v2, v15  }
0x270: {  	v6 =	vmul.f32 v17, v6;
	v51 =	vadd.f32 v5, v16;
	v5 =	vadd.f32 v60, v49  }
0x271: {  	v2 =	vadd.f32 v13, v2  }
0x272: {  	v41 =	vmul.f32 v20, v62;
	v49 =	vadd.f32 v6, v5;
	v6 =	vld [tilespmem:$0x1FF70]  }
0x273: {  	[tilespmem:$0x1FF40] =	vst v2;
	v2 =	vld [tilespmem:$0x1FF90]  }
0x274: {  	v7 =	vmul.f32 v17, v7;
	v60 =	vadd.f32 v41, v46  }
0x275: {  	v3 =	vmul.f32 v20, v3  }
0x276: {  	v46 =	vadd.f32 v7, v60;
	v7 =	vmul.f32 v20, v59  }
0x277: {  	v3 =	vadd.f32 v3, v6;
	v6 =	vld [tilespmem:$0x1FF60]  }
0x278: {  	v55 =	vadd.f32 v57, v50;
	v2 =	vadd.f32 v7, v2;
	v7 =	vld [tilespmem:$0x1FFB0];
	_ =	sdelay $0x1  }
0x279: {  	v50 =	vadd.f32 v38, v55;
	v38 =	vmul.f32 v20, v63  }
0x27a: {  	v0 =	vmul.f32 v20, v0  }
0x27b: {  	v3 =	vadd.f32 v10, v3;
	v6 =	vadd.f32 v38, v6  }
0x27c: {  	v0 =	vadd.f32 v0, v7;
	v7 =	vld [tilespmem:$0x1FFC0]  }
0x27d: {  	[tilespmem:$0x1FF70] =	vst v3;
	v3 =	vadd.f32 v11, v6;
	_ =	sdelay $0x1  }
0x27e: {  	v58 =	vmul.f32 v20, v23;
	v6 =	vld [tilespmem:$0x1FE20];
	[tilespmem:$0x1FF60] =	vst v3;
	v3 =	vmul.f32 v20, v24  }
0x27f: {  	v30 =	vadd.f32 v18, v14  }
0x280: {  	s1 =	sadd.s32 $0xFFFFFF00, s31;
	s7 =	sadd.s32 $0xFFFFFF80, s30;
	v14 =	vadd.f32 v58, v52;
	v3 =	vadd.f32 v3, v7;
	v7 =	vld [tilespmem:$0x1FE30]  }
0x281: {  	s1 =	sand.u32 $0xFFFFF800, s1;
	s7 =	sand.u32 $0x380, s7;
	v22 =	vmul.f32 v20, v22;
	[tilespmem:$0x1FDF0] =	vst v21;
	v21 =	vld [tilespmem:$0x1FE10]  }
0x282: {  	s1 =	sor.u32 s7, s1;
	v52 =	vadd.f32 v9, v14;
	v14 =	vld [tilespmem:$0x1FF50]  }
0x283: {  	v62 =	vadd.f32 v22, v53;
	v22 =	vld [tilespmem:s1+$0x360];
	v6 =	vmul.f32 v17, v6  }
0x284: {  	[tilespmem:$0x1FE10] =	vst v56;
	v56 =	vld [tilespmem:s1+$0x310]  }
0x285: {  	v4 =	vmul.f32 v20, v4;
	v54 =	vld [tilespmem:s11+$0x750];
	v0 =	vadd.f32 v6, v0;
	v7 =	vmul.f32 v17, v7  }
0x286: {  	v57 =	vld [tilespmem:s1+$0x320]  }
0x287: {  	v58 =	vld [tilespmem:s1+$0x340];
	v4 =	vadd.f32 v4, v14;
	[tilespmem:$0x1FFB0] =	vst v0;
	v0 =	vadd.f32 v7, v3  }
0x288: {  	v14 =	vmul.f32 v22, v34;
	v34 =	vld [tilespmem:$0x1FCD0]  }
0x289: {  	v4 =	vadd.f32 v12, v4;
	[tilespmem:$0x1FFC0] =	vst v0;
	v0 =	vld [tilespmem:$0x1FCC0]  }
0x28a: {  	v23 =	vld [tilespmem:s1+$0x370]  }
0x28b: {  	[tilespmem:$0x1FF50] =	vst v4;
	v4 =	vld [tilespmem:$0x1FFA0]  }
0x28c: {  	v41 =	vld [tilespmem:s11+$0x760]  }
0x28d: {  	v10 =	vmul.f32 v57, v40;
	v40 =	vmul.f32 v58, v35;
	v35 =	vld [tilespmem:$0x1FCF0]  }
0x28e: {  	v21 =	vmul.f32 v17, v21;
	v16 =	vmul.f32 v20, v61;
	v15 =	vadd.f32 v34, v0;
	v0 =	vld [tilespmem:$0x1FCE0]  }
0x28f: {  	v55 =	vld [tilespmem:s1+$0x300]  }
0x290: {  	v61 =	vld [tilespmem:s1+$0x750];
	v4 =	vadd.f32 v16, v4;
	v2 =	vadd.f32 v21, v2  }
0x291: {  	v16 =	vmul.f32 v23, v36;
	v36 =	vld [tilespmem:$0x1FD10]  }
0x292: {  	[tilespmem:$0x1FF90] =	vst v2;
	v2 =	vadd.f32 v43, v4;
	v43 =	vld [tilespmem:$0x1FF20]  }
0x293: {  	v17 =	vadd.f32 v35, v0;
	v0 =	vld [tilespmem:$0x1FD00]  }
0x294: {  	v5 =	vld [tilespmem:s11+$0x770]  }
0x295: {  	v60 =	vld [tilespmem:s1+$0x330]  }
0x296: {  	v18 =	vmov v41;
	v41 =	vld [tilespmem:$0x1FF30]  }
0x297: {  	v38 =	vld [tilespmem:$0x1FF10]  }
0x298: {  	v53 =	vadd.f32 v8, v62;
	[tilespmem:$0x1FE20] =	vst v18;
	v8 =	vmul.f32 v18, v43;
	v18 =	vadd.f32 v36, v0;
	v0 =	vld [tilespmem:$0x1FD20]  }
0x299: {  	v4 =	vld [tilespmem:s1+$0x720]  }
0x29a: {  	v24 =	vld [tilespmem:$0x1FD40]  }
0x29b: {  	[tilespmem:$0x1FFA0] =	vst v2;
	v2 =	vld [tilespmem:s1+$0x730]  }
0x29c: {  	v3 =	vld [tilespmem:s1+$0x700]  }
0x29d: {  	v48 =	vmul.f32 v60, v48;
	v20 =	vadd.f32 v32, v0;
	v0 =	vld [tilespmem:$0x1FD30]  }
0x29e: {  	v9 =	vmul.f32 v56, v39;
	v59 =	vld [tilespmem:s1+$0x740];
	v19 =	vmov v5;
	v5 =	vmul.f32 v54, v38  }
0x29f: {  	v62 =	vld [tilespmem:s1+$0x350];
	v48 =	vadd.f32 v48, v10;
	v6 =	vmul.f32 v55, v27;
	v7 =	vmul.f32 v19, v41  }
0x2a0: {  	v5 =	vadd.f32 v5, v29;
	v26 =	vadd.f32 v26, v24;
	v24 =	vld [tilespmem:s1+$0x770]  }
0x2a1: {  	v63 =	vld [tilespmem:s1+$0x710];
	v27 =	vmul.f32 v4, v31;
	v6 =	vadd.f32 v9, v6;
	v7 =	vadd.f32 v7, v8  }
0x2a2: {  	v8 =	vmul.f32 v2, v45;
	v39 =	vmul.f32 v3, v37;
	v21 =	vadd.f32 v25, v0;
	v0 =	vld [tilespmem:s1+$0x760]  }
0x2a3: {  	v14 =	vadd.f32 v16, v14;
	v37 =	vmul.f32 v61, v38;
	v34 =	vmul.f32 v59, v47  }
0x2a4: {  	v44 =	vmul.f32 v62, v44;
	v6 =	vadd.f32 v48, v6;
	v5 =	vadd.f32 v7, v5  }
0x2a5: {  	v8 =	vadd.f32 v8, v27;
	v47 =	vmul.f32 v24, v41;
	v11 =	vadd.f32 v37, v34  }
0x2a6: {  	v35 =	vadd.f32 v17, v15;
	v36 =	vadd.f32 v20, v18;
	v25 =	vmul.f32 v63, v42  }
0x2a7: {  	v32 =	vadd.f32 v44, v40;
	v38 =	vadd.f32 v26, v21;
	v7 =	vmul.f32 v0, v43  }
0x2a8: {  	v12 =	vadd.f32 v36, v35;
	v45 =	vadd.f32 v25, v39  }
0x2a9: {  	s29 =	sadd.s32 $0x2, s29;
	v5 =	vadd.f32 v5, v38;
	v7 =	vadd.f32 v47, v7  }
0x2aa: {  	p1 =	slt.s32 s29, s26;
	v48 =	vadd.f32 v14, v32;
	v8 =	vadd.f32 v8, v45  }
.Ltmp19:
0x2ab: {  	v5 =	vadd.f32 v5, v12;
	v7 =	vadd.f32 v7, v11;
	(pc) =	sbr.rel @p1 .LBB2_26-.Ltmp19, $4  }
0x2ac: {  	_ = 	snop  }
0x2ad: {  	(xrf2) =	vadd.scan.msk.f32 $0xffff, v5;
	v5 =	vadd.f32 v48, v6;
	v6 =	vadd.f32 v7, v8  }
0x2ae: {  	v41 =	vld [tilespmem:$0x1FD60]  }
0x2af: {  	s30 =	sadd.s32 $0x100, s30;
	s31 =	sadd.s32 $0x200, s31;
	[tilespmem:$0x1FE30] =	vst v19;
	v43 =	vld [tilespmem:$0x1FD50];
	v25 =	vadd.f32 v6, v5  }
.LBB2_27:
0x2b0: {  	_ = 	snop  }
0x2b1: {  	(xrf2) =	vadd.scan.msk.f32 $0xffff, v25;
	_ =	sdelay $0x5  }
0x2b2: {  	v5, _, _ =	vpop (xrf2)  }
0x2b3: {  	v5 =	vmul.f32 $1.442695020e+00, v5;
	_ =	sdelay $0x1  }
0x2b4: {  	v5 =	vbroadcast v5, $0xF  }
0x2b5: {  	v34, _, _ =	vpop (xrf2)  }
0x2b6: {  	v8 =	vld [tilespmem:$0x1FD70];
	(erf) = vpow2.f32 v5;
	v5 =	vmul.f32 $1.442695020e+00, v34  }
0x2b7: {  	v9 =	vld [tilespmem:$0x1FD80]  }
0x2b8: {  	v10 =	vld [tilespmem:$0x1FD90];
	v5 =	vbroadcast v5, $0xF  }
0x2b9: {  	v11 =	vld [tilespmem:$0x1FDA0]  }
0x2ba: {  	v12 =	vld [tilespmem:$0x1FDB0];
	(erf) = vpow2.f32 v5  }
0x2bb: {  	v13 =	vld [tilespmem:$0x1FDC0]  }
0x2bc: {  	v14 =	vld [tilespmem:$0x1FDD0]  }
0x2bd: {  	v15 =	vld [tilespmem:$0x1FDE0]  }
0x2be: {  	v16 =	vld [tilespmem:$0x1FDF0]  }
0x2bf: {  	v17 =	vld [tilespmem:$0x1FE00]  }
0x2c0: {  	v20 =	vld [tilespmem:$0x1FE10];
	v5 =	vpop (erf)  }
0x2c1: {  	v45 =	vld [tilespmem:$0x1FF70];
	v6 =	vmul.f32 v5, v41  }
0x2c2: {  	v47 =	vld [tilespmem:$0x1FF60];
	v7 =	vmul.f32 v5, v43;
	v8 =	vmul.f32 v5, v8  }
0x2c3: {  	v44 =	vld [tilespmem:$0x1FEE0];
	v9 =	vmul.f32 v5, v9;
	v10 =	vmul.f32 v5, v10;
	v18 =	vpop (erf)  }
0x2c4: {  	v11 =	vmul.f32 v5, v11;
	v35 =	vmul.f32 v18, v55;
	v55 =	vld [tilespmem:$0x1FF40]  }
0x2c5: {  	v12 =	vmul.f32 v5, v12;
	v27 =	vmul.f32 v18, v57;
	v57 =	vld [tilespmem:$0x1FFA0]  }
0x2c6: {  	v13 =	vmul.f32 v5, v13;
	v48 =	vmul.f32 v18, v59;
	v59 =	vld [tilespmem:$0x1FE20]  }
0x2c7: {  	v26 =	vmul.f32 v18, v56;
	v29 =	vmul.f32 v18, v60;
	v60 =	vld [tilespmem:$0x1FFB0]  }
0x2c8: {  	v38 =	vmul.f32 v18, v58;
	v56 =	vmul.f32 v18, v61;
	v61 =	vld [tilespmem:$0x1FFC0]  }
0x2c9: {  	v14 =	vmul.f32 v5, v14;
	v43 =	vmul.f32 v18, v63;
	v63 =	vld [tilespmem:$0x1FE30]  }
0x2ca: {  	v39 =	vmul.f32 v18, v23;
	v3 =	vmul.f32 v18, v3;
	v40 =	vadd.f32 v38, v49;
	v49 =	vld [tilespmem:$0x1FF50]  }
0x2cb: {  	v2 =	vmul.f32 v18, v2;
	v36 =	vadd.f32 v35, v30;
	v37 =	vadd.f32 v26, v28;
	v35 =	vld [tilespmem:$0x1FE70]  }
0x2cc: {  	v28 =	vadd.f32 v29, v50;
	v29 =	vmul.f32 v18, v62;
	v3 =	vadd.f32 v3, v45;
	v45 =	vld [tilespmem:$0x1FEA0]  }
0x2cd: {  	v15 =	vmul.f32 v5, v15;
	v50 =	vadd.f32 v6, v36;
	v6 =	vadd.f32 v39, v52;
	v39 =	vld [tilespmem:$0x1FF80]  }
0x2ce: {  	v17 =	vmul.f32 v5, v17;
	v41 =	vadd.f32 v29, v46;
	v29 =	vld [tilespmem:$0x1FE90];
	v2 =	vadd.f32 v2, v55  }
0x2cf: {  	v16 =	vmul.f32 v5, v16;
	v19 =	vadd.f32 v18, v33;
	v27 =	vadd.f32 v27, v51;
	v36 =	vld [tilespmem:$0x1FEF0]  }
0x2d0: {  	v0 =	vmul.f32 v18, v0;
	v34 =	vadd.f32 v7, v37;
	v30 =	vadd.f32 v17, v2;
	v2 =	vld [tilespmem:$0x1FF90]  }
0x2d1: {  	v51 =	vadd.f32 v10, v40;
	v37 =	vadd.f32 v14, v3;
	v3 =	vmul.f32 v18, v24;
	v40 =	vld [tilespmem:$0x1FF00]  }
0x2d2: {  	v4 =	vmul.f32 v18, v4;
	v55 =	vld [tilespmem:$0x1FF10];
	v52 =	vadd.f32 v13, v6;
	v6 =	vadd.f32 v43, v47  }
0x2d3: {  	v20 =	vmul.f32 v5, v20;
	v0 =	vadd.f32 v0, v60;
	v60 =	vld [tilespmem:$0x1FF30];
	v3 =	vadd.f32 v3, v61  }
0x2d4: {  	v61 =	vld [tilespmem:$0x1FE80];
	v4 =	vadd.f32 v4, v49;
	v32 =	vadd.f32 v15, v6;
	v6 =	vmul.f32 v5, v59  }
0x2d5: {  	v21 =	vmul.f32 v5, v54;
	v54 =	vadd.f32 v5, v19;
	v47 =	vld [tilespmem:$0x1FEB0];
	v2 =	vadd.f32 v48, v2  }
0x2d6: {  	v49 =	vld [tilespmem:$0x1FED0];
	v5 =	vmul.f32 v5, v63;
	v31 =	vadd.f32 v16, v4;
	v0 =	vadd.f32 v6, v0  }
0x2d7: {  	v22 =	vmul.f32 v18, v22;
	v59 =	vld [tilespmem:$0x1FE60];
	v4 =	vadd.f32 v56, v57;
	v2 =	vadd.f32 v20, v2  }
0x2d8: {  	v63 =	vld [tilespmem:$0x1FE40];
	[tilespmem:$0x1FFB0] =	vst v0;
	v0 =	vadd.f32 v5, v3  }
0x2d9: {  	v42 =	vadd.f32 v22, v53;
	v57 =	vld [tilespmem:$0x1FE50];
	[tilespmem:$0x1FF90] =	vst v2;
	v2 =	vadd.f32 v21, v4  }
0x2da: {  	v58 =	vadd.f32 v8, v27;
	v62 =	vadd.f32 v9, v28;
	v56 =	vld [tilespmem:$0x1FF20];
	[tilespmem:$0x1FFC0] =	vst v0  }
0x2db: {  	v53 =	vadd.f32 v12, v42;
	v42 =	vlaneseq.u32;
	v46 =	vadd.f32 v11, v41;
	v48 =	vld [tilespmem:$0x1FEC0];
	[tilespmem:$0x1FFA0] =	vst v2  }
.LBB2_28:
0x2dc: {  	p1 =	sge.s32 s26, s24  }
.Ltmp20:
0x2dd: {  	_ = 	snop;
	(pc) =	sbr.rel @p1 .LBB2_31-.Ltmp20, $1  }
0x2de: {  	_ =	sdelay $0x3  }
0x2df: {  	s11 =	ssub.s32 s25, s28;
	s25 =	sshll.u32 s26, $0x7;
	s26 =	sshll.u32 s26, $0x8  }
.LBB2_30:
0x2e0: {  	s1 =	sand.u32 $0xFFFFF800, s26;
	s7 =	sand.u32 $0x380, s25  }
0x2e1: {  	s1 =	sor.u32 s7, s1  }
0x2e2: {  	v0 =	vld [tilespmem:s1+$0x300]  }
0x2e3: {  	v2 =	vld [tilespmem:s1+$0x310]  }
0x2e4: {  	v3 =	vld [tilespmem:s1+$0x320]  }
0x2e5: {  	v4 =	vld [tilespmem:s1+$0x330]  }
0x2e6: {  	v5 =	vld [tilespmem:s1+$0x340]  }
0x2e7: {  	v6 =	vld [tilespmem:s1+$0x350]  }
0x2e8: {  	v7 =	vld [tilespmem:s1+$0x360]  }
0x2e9: {  	v8 =	vld [tilespmem:s1+$0x370]  }
0x2ea: {  	v9 =	vld [tilespmem:s1+$0x700]  }
0x2eb: {  	v10 =	vld [tilespmem:s1+$0x710]  }
0x2ec: {  	v11 =	vld [tilespmem:s1+$0x720]  }
0x2ed: {  	v12 =	vld [tilespmem:s1+$0x730]  }
0x2ee: {  	v15 =	vld [tilespmem:s1+$0x750];
	v14 =	vmul.f32 v0, v63;
	v16 =	vmul.f32 v2, v57  }
0x2ef: {  	v18 =	vld [tilespmem:s1+$0x760];
	v17 =	vmul.f32 v3, v59;
	v19 =	vmul.f32 v4, v35  }
0x2f0: {  	v21 =	vld [tilespmem:s1+$0x770];
	v20 =	vmul.f32 v5, v61;
	v22 =	vmul.f32 v6, v29  }
0x2f1: {  	v13 =	vld [tilespmem:s1+$0x740];
	v23 =	vmul.f32 v7, v45;
	v24 =	vmul.f32 v8, v47  }
0x2f2: {  	v25 =	vmul.f32 v9, v48;
	v26 =	vmul.f32 v10, v49  }
0x2f3: {  	v27 =	vmul.f32 v11, v44;
	v28 =	vmul.f32 v12, v36  }
0x2f4: {  	v41 =	vmul.f32 v15, v55;
	v43 =	vmul.f32 v18, v56  }
0x2f5: {  	v33 =	vmul.f32 v21, v60;
	v14 =	vadd.f32 v16, v14;
	v17 =	vadd.f32 v19, v17  }
0x2f6: {  	v16 =	vmul.f32 v13, v40;
	v20 =	vadd.f32 v22, v20;
	v23 =	vadd.f32 v24, v23  }
0x2f7: {  	v25 =	vadd.f32 v26, v25;
	v38 =	vadd.f32 v28, v27  }
0x2f8: {  	v16 =	vadd.f32 v41, v16;
	v41 =	vadd.f32 v33, v43  }
0x2f9: {  	v14 =	vadd.f32 v17, v14;
	v43 =	vadd.f32 v23, v20  }
0x2fa: {  	v24 =	vadd.f32 v38, v25;
	v16 =	vadd.f32 v41, v16;
	_ =	sdelay $0x1  }
0x2fb: {  	v14 =	vadd.f32 v43, v14;
	v16 =	vadd.f32 v16, v24;
	_ =	sdelay $0x1  }
0x2fc: {  	v14 =	vadd.f32 v16, v14;
	_ =	sdelay $0x1  }
0x2fd: {  	(xrf2) =	vadd.scan.msk.f32 $0xffff, v14;
	_ =	sdelay $0x9  }
0x2fe: {  	v14, _, _ =	vpop (xrf2)  }
0x2ff: {  	v14 =	vmul.f32 $1.442695020e+00, v14;
	_ =	sdelay $0x1  }
0x300: {  	v14 =	vbroadcast v14, $0xF;
	_ =	sdelay $0x1  }
0x301: {  	(erf) = vpow2.f32 v14;
	_ =	sdelay $0x8  }
0x302: {  	v14 =	vpop (erf)  }
0x303: {  	v0 =	vmul.f32 v14, v0;
	_ =	sdelay $0x1  }
0x304: {  	v50 =	vadd.f32 v0, v50;
	v0 =	vmul.f32 v14, v4;
	_ =	sdelay $0x1  }
0x305: {  	v62 =	vadd.f32 v0, v62;
	v0 =	vmul.f32 v14, v7  }
0x306: {  	v43 =	vld [tilespmem:$0x1FF90];
	v2 =	vmul.f32 v14, v2  }
0x307: {  	v53 =	vadd.f32 v0, v53;
	v0 =	vmul.f32 v14, v10  }
0x308: {  	v34 =	vadd.f32 v2, v34;
	v2 =	vmul.f32 v14, v6  }
0x309: {  	v32 =	vadd.f32 v0, v32;
	v0 =	vmul.f32 v14, v13  }
0x30a: {  	v46 =	vadd.f32 v2, v46;
	v2 =	vmul.f32 v14, v8  }
0x30b: {  	v25 =	vmul.f32 v14, v5;
	v5 =	vadd.f32 v0, v43;
	v0 =	vld [tilespmem:$0x1FFA0]  }
0x30c: {  	v52 =	vadd.f32 v2, v52;
	v2 =	vmul.f32 v14, v12;
	_ =	sdelay $0x1  }
0x30d: {  	v30 =	vadd.f32 v2, v30;
	v2 =	vmul.f32 v14, v15;
	_ =	sdelay $0x1  }
0x30e: {  	v0 =	vadd.f32 v2, v0  }
0x30f: {  	v3 =	vmul.f32 v14, v3  }
0x310: {  	[tilespmem:$0x1FFA0] =	vst v0;
	v0 =	vld [tilespmem:$0x1FFB0]  }
0x311: {  	v58 =	vadd.f32 v3, v58;
	v3 =	vmul.f32 v14, v9;
	_ =	sdelay $0x1  }
0x312: {  	v37 =	vadd.f32 v3, v37;
	v3 =	vmul.f32 v14, v18;
	_ =	sdelay $0x1  }
0x313: {  	v0 =	vadd.f32 v3, v0;
	_ =	sdelay $0x1  }
0x314: {  	[tilespmem:$0x1FFB0] =	vst v0;
	v0 =	vld [tilespmem:$0x1FFC0];
	_ =	sdelay $0x1  }
0x315: {  	p1 =	sne.s32 s11, $0x1  }
.Ltmp21:
0x316: {  	v41 =	vmul.f32 v14, v21;
	(pc) =	sbr.rel @p1 .LBB2_30-.Ltmp21, $4  }
0x317: {  	_ = 	snop  }
0x318: {  	v26 =	vmul.f32 v14, v11;
	v0 =	vadd.f32 v41, v0  }
0x319: {  	v54 =	vadd.f32 v14, v54;
	[tilespmem:$0x1FF90] =	vst v5  }
0x31a: {  	s25 =	sadd.s32 $0x80, s25;
	s26 =	sadd.s32 $0x100, s26;
	s11 =	sadd.s32 $0xFFFFFFFF, s11;
	v51 =	vadd.f32 v25, v51;
	v31 =	vadd.f32 v26, v31;
	[tilespmem:$0x1FFC0] =	vst v0  }
.Ltmp22:
0x31b: {  	_ = 	snop;
	(pc) =	sbr.rel .LBB2_31-.Ltmp22, $1  }
0x31c: {  	_ =	sdelay $0x3  }
.LBB2_32:
0x31d: {  	s1 =	sadd.s32 $0x2, s22  }
0x31e: {  	p1 =	sge.s32 s1, s17  }
.Ltmp23:
0x31f: {  	_ = 	snop;
	(pc) =	sbr.rel @p1 .LBB2_34-.Ltmp23, $1  }
0x320: {  	_ =	sdelay $0x3  }
0x321: {  	s1 =	sshll.u32 s1, $0x7  }
0x322: {  	s1 =	sadd.s32 s9, s1  }
0x323: {  	s7 =	rddreg [dreg:$0x4];
	s1 =	sshrl.u32 s1, $0x3  }
0x324: {  	s7 =	sadd.s32 s7, s1  }
0x325: {  	[tilespmem:s5], [sflag:$0x3] =	stream.linear.gather [hbm4b:s7+s5], $0x80, $0x38;
	[tilespmem:$0x1C380] =	vst v63  }
0x326: {  	_ =	swait.ge [sflag:s12], $0x80  }
0x327: {  	[sflag:s12] =	ssyncset.done $0x0  }
0x328: {  	[sflag:s12] =	ssyncadd.s32 $0xFFFFFF80  }
0x329: {  	s24 =	rddreg [dreg:$0x0]  }
0x32a: {  	s25 =	simm.s32 $0x200;
	s1 =	sadd.s32 s24, s1  }
0x32b: {  	[tilespmem:s25], [sflag:$0x3] =	stream.linear.gather [hbm4b:s1+s5], $0x80, $0x38;
	[tilespmem:$0x1C380] =	vst v63  }
0x32c: {  	_ =	swait.ge [sflag:s12], $0x80  }
0x32d: {  	[sflag:s12] =	ssyncset.done $0x0  }
0x32e: {  	[sflag:s12] =	ssyncadd.s32 $0xFFFFFF80  }
0x32f: {  	v0 =	vld [tilespmem:$0x200];
	_ =	sdelay $0x2  }
0x330: {  	v3 =	vld [tilespmem:$0x1FFD0]  }
0x331: {  	v4 =	vld [tilespmem:$0x1FFE0]  }
0x332: {  	v5 =	vld [tilespmem:$0x1FFF0];
	v2 =	vshll.u32 v0, $0x1  }
0x333: {  	v0 =	vand.u32 $0x7, v0;
	v2 =	vand.u32 $0xFFFFFFF0, v2  }
0x334: {  	v0 =	vor.u32 v0, v2  }
0x335: {  	v2 =	vperm.xlane v0, v3;
	_ =	sdelay $0x1  }
0x336: {  	v0 =	vperm.xlane v0, v5;
	v2 =	vadd.s32 v4, v2;
	_ =	sdelay $0x1  }
0x337: {  	v0 =	vadd.s32 v4, v0;
	_ =	sdelay $0x1  }
0x338: {  	s26 =	simm.s32 $0x300  }
0x339: {  	[tilespmem:s26], [sflag:$0x1] =	stream.indirect_vreg.gather [hbm4b:s2+s5], $0x80, v2, vm0, $0xb8;
	[tilespmem:$0x1C380] =	vst v63  }
0x33a: {  	s28 =	simm.s32 $0xB00  }
0x33b: {  	[tilespmem:s28], [sflag:$0x1] =	stream.indirect_vreg.gather [hbm4b:s2+s5], $0x80, v0, vm0, $0xb8;
	[tilespmem:$0x1C380] =	vst v63  }
0x33c: {  	v0 =	vld [tilespmem:$0x210];
	_ =	sdelay $0x4  }
0x33d: {  	v2 =	vshll.u32 v0, $0x1  }
0x33e: {  	v0 =	vand.u32 $0x7, v0;
	v2 =	vand.u32 $0xFFFFFFF0, v2  }
0x33f: {  	v0 =	vor.u32 v0, v2  }
0x340: {  	v2 =	vperm.xlane v0, v3;
	_ =	sdelay $0x1  }
0x341: {  	v0 =	vperm.xlane v0, v5;
	v2 =	vadd.s32 v4, v2;
	_ =	sdelay $0x1  }
0x342: {  	v0 =	vadd.s32 v4, v0;
	_ =	sdelay $0x1  }
0x343: {  	s29 =	simm.s32 $0x1300  }
0x344: {  	[tilespmem:s29], [sflag:$0x1] =	stream.indirect_vreg.gather [hbm4b:s2+s5], $0x80, v2, vm0, $0xb8;
	[tilespmem:$0x1C380] =	vst v63  }
0x345: {  	s30 =	simm.s32 $0x1B00  }
0x346: {  	[tilespmem:s30], [sflag:$0x1] =	stream.indirect_vreg.gather [hbm4b:s2+s5], $0x80, v0, vm0, $0xb8;
	[tilespmem:$0x1C380] =	vst v63  }
0x347: {  	v0 =	vld [tilespmem:$0x220];
	_ =	sdelay $0x4  }
0x348: {  	v2 =	vshll.u32 v0, $0x1  }
0x349: {  	v0 =	vand.u32 $0x7, v0;
	v2 =	vand.u32 $0xFFFFFFF0, v2  }
0x34a: {  	v0 =	vor.u32 v0, v2  }
0x34b: {  	v2 =	vperm.xlane v0, v3;
	_ =	sdelay $0x1  }
0x34c: {  	v0 =	vperm.xlane v0, v5;
	v2 =	vadd.s32 v4, v2;
	_ =	sdelay $0x1  }
0x34d: {  	v0 =	vadd.s32 v4, v0;
	_ =	sdelay $0x1  }
0x34e: {  	s31 =	simm.s32 $0x2300  }
0x34f: {  	[tilespmem:s31], [sflag:$0x1] =	stream.indirect_vreg.gather [hbm4b:s2+s5], $0x80, v2, vm0, $0xb8;
	[tilespmem:$0x1C380] =	vst v63  }
0x350: {  	s7 =	simm.s32 $0x2B00  }
0x351: {  	[tilespmem:s7], [sflag:$0x1] =	stream.indirect_vreg.gather [hbm4b:s2+s5], $0x80, v0, vm0, $0xb8;
	[tilespmem:$0x1C380] =	vst v63  }
0x352: {  	v0 =	vld [tilespmem:$0x230];
	_ =	sdelay $0x4  }
0x353: {  	v2 =	vshll.u32 v0, $0x1  }
0x354: {  	v0 =	vand.u32 $0x7, v0;
	v2 =	vand.u32 $0xFFFFFFF0, v2  }
0x355: {  	v0 =	vor.u32 v0, v2  }
0x356: {  	v2 =	vperm.xlane v0, v3;
	_ =	sdelay $0x1  }
0x357: {  	v0 =	vperm.xlane v0, v5;
	v2 =	vadd.s32 v4, v2;
	_ =	sdelay $0x1  }
0x358: {  	v0 =	vadd.s32 v4, v0;
	_ =	sdelay $0x1  }
0x359: {  	s11 =	simm.s32 $0x3300  }
0x35a: {  	[tilespmem:s11], [sflag:$0x1] =	stream.indirect_vreg.gather [hbm4b:s2+s5], $0x80, v2, vm0, $0xb8;
	[tilespmem:$0x1C380] =	vst v63  }
0x35b: {  	s22 =	simm.s32 $0x3B00  }
0x35c: {  	[tilespmem:s22], [sflag:$0x1] =	stream.indirect_vreg.gather [hbm4b:s2+s5], $0x80, v0, vm0, $0xb8;
	[tilespmem:$0x1C380] =	vst v63  }
0x35d: {  	v0 =	vld [tilespmem:$0x240];
	_ =	sdelay $0x4  }
0x35e: {  	v2 =	vshll.u32 v0, $0x1  }
0x35f: {  	v0 =	vand.u32 $0x7, v0;
	v2 =	vand.u32 $0xFFFFFFF0, v2  }
0x360: {  	v0 =	vor.u32 v0, v2  }
0x361: {  	v2 =	vperm.xlane v0, v3;
	_ =	sdelay $0x1  }
0x362: {  	v0 =	vperm.xlane v0, v5;
	v2 =	vadd.s32 v4, v2;
	_ =	sdelay $0x1  }
0x363: {  	v0 =	vadd.s32 v4, v0;
	_ =	sdelay $0x1  }
0x364: {  	s23 =	simm.s32 $0x4300  }
0x365: {  	[tilespmem:s23], [sflag:$0x1] =	stream.indirect_vreg.gather [hbm4b:s2+s5], $0x80, v2, vm0, $0xb8;
	[tilespmem:$0x1C380] =	vst v63  }
0x366: {  	s24 =	simm.s32 $0x4B00  }
0x367: {  	[tilespmem:s24], [sflag:$0x1] =	stream.indirect_vreg.gather [hbm4b:s2+s5], $0x80, v0, vm0, $0xb8;
	[tilespmem:$0x1C380] =	vst v63  }
0x368: {  	v0 =	vld [tilespmem:$0x250];
	_ =	sdelay $0x4  }
0x369: {  	v2 =	vshll.u32 v0, $0x1  }
0x36a: {  	v0 =	vand.u32 $0x7, v0;
	v2 =	vand.u32 $0xFFFFFFF0, v2  }
0x36b: {  	v0 =	vor.u32 v0, v2  }
0x36c: {  	v2 =	vperm.xlane v0, v3;
	_ =	sdelay $0x1  }
0x36d: {  	v0 =	vperm.xlane v0, v5;
	v2 =	vadd.s32 v4, v2;
	_ =	sdelay $0x1  }
0x36e: {  	v0 =	vadd.s32 v4, v0;
	_ =	sdelay $0x1  }
0x36f: {  	s25 =	simm.s32 $0x5300  }
0x370: {  	[tilespmem:s25], [sflag:$0x1] =	stream.indirect_vreg.gather [hbm4b:s2+s5], $0x80, v2, vm0, $0xb8;
	[tilespmem:$0x1C380] =	vst v63  }
0x371: {  	s26 =	simm.s32 $0x5B00  }
0x372: {  	[tilespmem:s26], [sflag:$0x1] =	stream.indirect_vreg.gather [hbm4b:s2+s5], $0x80, v0, vm0, $0xb8;
	[tilespmem:$0x1C380] =	vst v63  }
0x373: {  	v0 =	vld [tilespmem:$0x260];
	_ =	sdelay $0x4  }
0x374: {  	v2 =	vshll.u32 v0, $0x1  }
0x375: {  	v0 =	vand.u32 $0x7, v0;
	v2 =	vand.u32 $0xFFFFFFF0, v2  }
0x376: {  	v0 =	vor.u32 v0, v2  }
0x377: {  	v2 =	vperm.xlane v0, v3;
	_ =	sdelay $0x1  }
0x378: {  	v0 =	vperm.xlane v0, v5;
	v2 =	vadd.s32 v4, v2;
	_ =	sdelay $0x1  }
0x379: {  	v0 =	vadd.s32 v4, v0;
	_ =	sdelay $0x1  }
0x37a: {  	s28 =	simm.s32 $0x6300  }
0x37b: {  	[tilespmem:s28], [sflag:$0x1] =	stream.indirect_vreg.gather [hbm4b:s2+s5], $0x80, v2, vm0, $0xb8;
	[tilespmem:$0x1C380] =	vst v63  }
0x37c: {  	s29 =	simm.s32 $0x6B00  }
0x37d: {  	[tilespmem:s29], [sflag:$0x1] =	stream.indirect_vreg.gather [hbm4b:s2+s5], $0x80, v0, vm0, $0xb8;
	[tilespmem:$0x1C380] =	vst v63  }
0x37e: {  	v0 =	vld [tilespmem:$0x270];
	_ =	sdelay $0x4  }
0x37f: {  	v2 =	vshll.u32 v0, $0x1  }
0x380: {  	v0 =	vand.u32 $0x7, v0;
	v2 =	vand.u32 $0xFFFFFFF0, v2  }
0x381: {  	v0 =	vor.u32 v0, v2  }
0x382: {  	v2 =	vperm.xlane v0, v3;
	_ =	sdelay $0x1  }
0x383: {  	v0 =	vperm.xlane v0, v5;
	v2 =	vadd.s32 v4, v2;
	_ =	sdelay $0x1  }
0x384: {  	v0 =	vadd.s32 v4, v0;
	_ =	sdelay $0x1  }
0x385: {  	s30 =	simm.s32 $0x7300  }
0x386: {  	[tilespmem:s30], [sflag:$0x1] =	stream.indirect_vreg.gather [hbm4b:s2+s5], $0x80, v2, vm0, $0xb8;
	[tilespmem:$0x1C380] =	vst v63  }
0x387: {  	s31 =	simm.s32 $0x7B00  }
0x388: {  	[tilespmem:s31], [sflag:$0x1] =	stream.indirect_vreg.gather [hbm4b:s2+s5], $0x80, v0, vm0, $0xb8;
	[tilespmem:$0x1C380] =	vst v63  }
.LBB2_34:
.Ltmp24:
0x389: {  	(pc) =	sbr.rel @p0 .LBB2_57-.Ltmp24, $1  }
0x38a: {  	_ =	sdelay $0x3  }
0x38b: {  	_ =	swait.ge [sflag:s0], $0x4000  }
.Ltmp25:
0x38c: {  	[sflag:s0] =	ssyncset.done $0x0;
	(pc) =	sbr.rel .LBB2_36-.Ltmp25, $4  }
0x38d: {  	[sflag:s0] =	ssyncadd.s32 $0xFFFFC000  }
0x38e: {  	_ =	swait.ge [sflag:s0], $0x4000  }
0x38f: {  	[sflag:s0] =	ssyncset.done $0x0  }
0x390: {  	s21 =	sadd.s32 s15, s21;
	s22 =	simm.s32 $0x0;
	[tilespmem:$0x1FF80] =	vst v39;
	[sflag:s0] =	ssyncadd.s32 $0xFFFFC000  }
.LBB2_44:
0x391: {  	v0 =	vld [tilespmem:$0x1FF90];
	_ =	sdelay $0x4  }
0x392: {  	v0 =	vpsel p0, v0, v0  }
0x393: {  	[tilespmem:$0x1FF90] =	vst v0;
	v0 =	vld [tilespmem:$0x1FFA0];
	_ =	sdelay $0x4  }
0x394: {  	v0 =	vpsel p0, v0, v0  }
0x395: {  	[tilespmem:$0x1FFA0] =	vst v0;
	v0 =	vld [tilespmem:$0x1FFB0];
	_ =	sdelay $0x4  }
0x396: {  	v0 =	vpsel p0, v0, v0  }
0x397: {  	[tilespmem:$0x1FFB0] =	vst v0;
	v0 =	vld [tilespmem:$0x1FFC0];
	_ =	sdelay $0x1  }
0x398: {  	v54 =	vpsel p0, v54, v54;
	v50 =	vpsel p0, v50, v50  }
0x399: {  	v34 =	vpsel p0, v34, v34;
	v58 =	vpsel p0, v58, v58;
	v62 =	vpsel p0, v62, v62  }
0x39a: {  	v51 =	vpsel p0, v51, v51;
	v46 =	vpsel p0, v46, v46;
	v53 =	vpsel p0, v53, v53  }
0x39b: {  	v52 =	vpsel p0, v52, v52;
	v37 =	vpsel p0, v37, v37;
	v0 =	vpsel p0, v0, v0  }
0x39c: {  	v32 =	vpsel p0, v32, v32;
	v31 =	vpsel p0, v31, v31;
	v30 =	vpsel p0, v30, v30;
	[tilespmem:$0x1FFC0] =	vst v0  }
.LBB2_56:
0x39d: {  	p0 =	slt.s32 s22, $0x80  }
.Ltmp26:
0x39e: {  	_ = 	snop;
	(pc) =	sbr.rel @!p0 .LBB2_57-.Ltmp26, $1  }
0x39f: {  	_ =	sdelay $0x3  }
.LBB2_36:
0x3a0: {  	v0 =	vld [tilespmem:s22+$0x100];
	_ =	sdelay $0x4  }
0x3a1: {  	(v2sf) =	vpush v0, $0x0;
	_ =	sdelay $0xe  }
0x3a2: {  	s11 =	smov.u32 s16;
	s16 =	spop (v2sf)  }
0x3a3: {  	p0 =	seq.s32 s16, s11  }
.Ltmp27:
0x3a4: {  	_ = 	snop;
	(pc) =	sbr.rel @p0 .LBB2_41-.Ltmp27, $2  }
0x3a5: {  	_ =	sdelay $0x2  }
0x3a6: {  	s26 =	smov.u32 s22  }
0x3a7: {  	(xrf0) =	vmax.scan.msk.f32 $0xffff, v54;
	_ =	sdelay $0x5  }
0x3a8: {  	v2, _, _ =	vpop (xrf0)  }
0x3a9: {  	(v2sf) =	vpush v2, $0xF;
	_ =	sdelay $0xe  }
0x3aa: {  	s1 =	spop (v2sf)  }
0x3ab: {  	p1 =	sgt.f32 s1, $0.0e+00  }
.Ltmp28:
0x3ac: {  	_ = 	snop;
	(pc) =	sbr.rel @!p1 .LBB2_40-.Ltmp28, $1  }
0x3ad: {  	_ =	sdelay $0x3  }
0x3ae: {  	s23 =	sadd.s32 $0x40, s10  }
0x3af: {  	p1 =	slt.s32 s11, s23  }
.Ltmp29:
0x3b0: {  	_ = 	snop;
	(pc) =	sbr.rel @p1 .LBB2_39-.Ltmp29, $1  }
0x3b1: {  	_ =	sdelay $0x3  }
.LBB2_46:
0x3b2: {  	s1 =	sshll.u32 s10, $0x5  }
0x3b3: {  	s1 =	sand.u32 $0xFFFFF00, s1  }
0x3b4: {  	s7 =	simm.s32 $0x0;
	s1 =	sadd.s32 s3, s1  }
0x3b5: {  	[hbm4b:s1+s7] =	stream.linear.scatter [tilespmem:s4], [sflag:$0x3], $0x4000, $0x38;
	[tilespmem:$0x1C380] =	vst v63  }
0x3b6: {  	_ =	swait.ge [sflag:s12], $0x4000  }
0x3b7: {  	s30 =	sand.u32 $0x3800, s7;
	s7 =	sand.u32 $0x380, s7;
	[sflag:s12] =	ssyncset.done $0x0  }
0x3b8: {  	s7 =	sor.u32 s7, s30;
	[sflag:s12] =	ssyncadd.s32 $0xFFFFC000  }
0x3b9: {  	s1 =	sadd.s32 $0x10300, s7;
	[tilespmem:s7+$0x10300] =	vst v1  }
0x3ba: {  	[tilespmem:s1+$0x40] =	vst v1  }
0x3bb: {  	[tilespmem:s1+$0x50] =	vst v1  }
0x3bc: {  	[tilespmem:s1+$0x60] =	vst v1  }
0x3bd: {  	[tilespmem:s1+$0x70] =	vst v1  }
0x3be: {  	[tilespmem:s1+$0x400] =	vst v1  }
0x3bf: {  	[tilespmem:s1+$0x410] =	vst v1  }
0x3c0: {  	[tilespmem:s1+$0x420] =	vst v1  }
0x3c1: {  	[tilespmem:s1+$0x430] =	vst v1  }
0x3c2: {  	[tilespmem:s1+$0x440] =	vst v1  }
0x3c3: {  	[tilespmem:s1+$0x450] =	vst v1  }
0x3c4: {  	[tilespmem:s1+$0x460] =	vst v1  }
0x3c5: {  	[tilespmem:s1+$0x10] =	vst v1  }
0x3c6: {  	s31 =	simm.s32 $0x100;
	s22 =	simm.s32 $0x80;
	s10 =	smov.u32 s23;
	[tilespmem:s1+$0x20] =	vst v1  }
0x3c7: {  	s23 =	simm.s32 $0x200;
	s24 =	sand.u32 $0x3800, s31;
	s25 =	sand.u32 $0x380, s22;
	[tilespmem:s1+$0x30] =	vst v1  }
.LBB2_47:
0x3c8: {  	p1 =	seq.s32 s23, $0x3F00;
	s7 =	sor.u32 s25, s24;
	[tilespmem:s1+$0x470] =	vst v1  }
0x3c9: {  	s1 =	sadd.s32 $0x10300, s7;
	[tilespmem:s7+$0x10300] =	vst v1  }
0x3ca: {  	[tilespmem:s1+$0x10] =	vst v1  }
0x3cb: {  	[tilespmem:s1+$0x20] =	vst v1  }
0x3cc: {  	[tilespmem:s1+$0x30] =	vst v1  }
0x3cd: {  	[tilespmem:s1+$0x40] =	vst v1  }
0x3ce: {  	[tilespmem:s1+$0x50] =	vst v1  }
0x3cf: {  	[tilespmem:s1+$0x60] =	vst v1  }
0x3d0: {  	[tilespmem:s1+$0x70] =	vst v1  }
0x3d1: {  	[tilespmem:s1+$0x400] =	vst v1  }
0x3d2: {  	[tilespmem:s1+$0x410] =	vst v1  }
.Ltmp30:
0x3d3: {  	[tilespmem:s1+$0x420] =	vst v1;
	(pc) =	sbr.rel @!p1 .LBB2_47-.Ltmp30, $4  }
0x3d4: {  	[tilespmem:s1+$0x430] =	vst v1  }
0x3d5: {  	[tilespmem:s1+$0x440] =	vst v1  }
0x3d6: {  	s22 =	sadd.s32 $0x80, s22;
	[tilespmem:s1+$0x450] =	vst v1  }
0x3d7: {  	s24 =	sand.u32 $0x3800, s23;
	s23 =	sadd.s32 $0x100, s23;
	s25 =	sand.u32 $0x380, s22;
	[tilespmem:s1+$0x460] =	vst v1  }
0x3d8: {  	s7 =	sor.u32 s25, s24;
	[tilespmem:s1+$0x470] =	vst v1  }
0x3d9: {  	s31 =	sadd.s32 $0x10300, s7;
	[tilespmem:s7+$0x10300] =	vst v1  }
0x3da: {  	[tilespmem:s31+$0x10] =	vst v1  }
0x3db: {  	[tilespmem:s31+$0x20] =	vst v1  }
0x3dc: {  	[tilespmem:s31+$0x30] =	vst v1  }
0x3dd: {  	[tilespmem:s31+$0x40] =	vst v1  }
0x3de: {  	[tilespmem:s31+$0x50] =	vst v1  }
0x3df: {  	[tilespmem:s31+$0x60] =	vst v1  }
0x3e0: {  	[tilespmem:s31+$0x70] =	vst v1  }
0x3e1: {  	[tilespmem:s31+$0x400] =	vst v1  }
0x3e2: {  	[tilespmem:s31+$0x410] =	vst v1  }
0x3e3: {  	[tilespmem:s31+$0x420] =	vst v1  }
0x3e4: {  	[tilespmem:s31+$0x430] =	vst v1  }
0x3e5: {  	[tilespmem:s31+$0x440] =	vst v1  }
0x3e6: {  	[tilespmem:s31+$0x450] =	vst v1  }
0x3e7: {  	[tilespmem:s31+$0x460] =	vst v1  }
0x3e8: {  	[tilespmem:s31+$0x470] =	vst v1  }
0x3e9: {  	s23 =	sadd.s32 $0x40, s10  }
0x3ea: {  	p1 =	slt.s32 s11, s23  }
.Ltmp31:
0x3eb: {  	_ = 	snop;
	(pc) =	sbr.rel @!p1 .LBB2_46-.Ltmp31, $1  }
0x3ec: {  	_ =	sdelay $0x3  }
.LBB2_39:
0x3ed: {  	(erf) = vrcp.f32 v54;
	_ =	sdelay $0x7  }
0x3ee: {  	s1 =	ssub.s32 s11, s10  }
0x3ef: {  	s7 =	sshll.u32 s1, $0x8;
	s1 =	sshll.u32 s1, $0x7;
	v2 =	vpop (erf)  }
0x3f0: {  	s7 =	sand.u32 $0xFFFFF800, s7;
	s1 =	sand.u32 $0x380, s1;
	v3 =	vmul.f32 v50, v2  }
0x3f1: {  	s1 =	sor.u32 s1, s7  }
0x3f2: {  	[tilespmem:s1+$0x10300] =	vst v3;
	v3 =	vmul.f32 v58, v2  }
0x3f3: {  	s7 =	sadd.s32 $0x10300, s1  }
0x3f4: {  	[tilespmem:s7+$0x20] =	vst v3;
	v3 =	vmul.f32 v51, v2;
	_ =	sdelay $0x1  }
0x3f5: {  	[tilespmem:s7+$0x40] =	vst v3;
	v3 =	vmul.f32 v53, v2;
	_ =	sdelay $0x1  }
0x3f6: {  	[tilespmem:s7+$0x60] =	vst v3;
	v3 =	vmul.f32 v37, v2;
	_ =	sdelay $0x1  }
0x3f7: {  	[tilespmem:s7+$0x400] =	vst v3;
	v3 =	vmul.f32 v31, v2;
	_ =	sdelay $0x1  }
0x3f8: {  	[tilespmem:s7+$0x420] =	vst v3;
	v3 =	vld [tilespmem:$0x1FF90];
	_ =	sdelay $0x3  }
0x3f9: {  	v56 =	vmul.f32 v46, v2  }
0x3fa: {  	v3 =	vmul.f32 v3, v2  }
0x3fb: {  	v61 =	vld [tilespmem:$0x1FFA0];
	v57 =	vmul.f32 v52, v2;
	[tilespmem:s7+$0x50] =	vst v56  }
0x3fc: {  	v59 =	vmul.f32 v32, v2;
	[tilespmem:s7+$0x440] =	vst v3;
	v3 =	vld [tilespmem:$0x1FFB0]  }
0x3fd: {  	v63 =	vld [tilespmem:$0x1FFC0];
	v60 =	vmul.f32 v30, v2;
	[tilespmem:s7+$0x70] =	vst v57  }
0x3fe: {  	v4 =	vmul.f32 v34, v2;
	[tilespmem:s7+$0x410] =	vst v59  }
0x3ff: {  	v55 =	vmul.f32 v62, v2;
	[tilespmem:s7+$0x430] =	vst v60  }
0x400: {  	[tilespmem:s7+$0x10] =	vst v4;
	v4 =	vmul.f32 v61, v2  }
0x401: {  	[tilespmem:s7+$0x30] =	vst v55;
	v3 =	vmul.f32 v3, v2  }
0x402: {  	[tilespmem:s7+$0x450] =	vst v4;
	v2 =	vmul.f32 v63, v2  }
0x403: {  	[tilespmem:s7+$0x460] =	vst v3  }
0x404: {  	[tilespmem:s7+$0x470] =	vst v2  }
.LBB2_40:
0x405: {  	s1 =	sand.u32 $0xFFFFFF80, s16  }
0x406: {  	p1 =	seq.s32 s1, s20  }
0x407: {  	s7 =	sshll.u32 @!p1 s1, $0x5  }
0x408: {  	s11 =	simm.s32 @!p1 $0x0;
	s20 =	simm.s32 @!p1 $0x14300;
	s7 =	sadd.s32 @!p1 s6, s7  }
0x409: {  	[tilespmem:s20], [sflag:$0x3] =	stream.linear.gather @!p1 [hbm4b:s7+s11], $0x8000, $0x38;
	[tilespmem:$0x1C380] =	vst v63  }
0x40a: {  	s7 =	simm.s32 @!p1 $0x3  }
0x40b: {  	s29 =	sshll.u32 s16, $0x8;
	s30 =	sshll.u32 s16, $0x7;
	_ =	swait.ge @!p1 [sflag:s7], $0x8000  }
0x40c: {  	s11 =	sand.u32 $0x7800, s29;
	s20 =	sand.u32 $0x380, s30;
	[sflag:s7] =	ssyncset.done @!p1 $0x0  }
0x40d: {  	s31 =	sor.u32 s20, s11;
	[sflag:s7] =	ssyncadd.s32 @!p1 $0xFFFF8000  }
0x40e: {  	s11 =	sadd.s32 $0x14300, s31;
	v63 =	vld [tilespmem:s31+$0x14300]  }
0x40f: {  	v57 =	vld [tilespmem:s11+$0x10]  }
0x410: {  	v59 =	vld [tilespmem:s11+$0x20]  }
0x411: {  	v35 =	vld [tilespmem:s11+$0x30]  }
0x412: {  	v61 =	vld [tilespmem:s11+$0x40]  }
0x413: {  	v29 =	vld [tilespmem:s11+$0x50]  }
0x414: {  	v45 =	vld [tilespmem:s11+$0x60]  }
0x415: {  	v47 =	vld [tilespmem:s11+$0x70]  }
0x416: {  	v48 =	vld [tilespmem:s11+$0x400]  }
0x417: {  	v49 =	vld [tilespmem:s11+$0x410]  }
0x418: {  	v44 =	vld [tilespmem:s11+$0x420]  }
0x419: {  	v36 =	vld [tilespmem:s11+$0x430]  }
0x41a: {  	v40 =	vld [tilespmem:s11+$0x440]  }
0x41b: {  	v55 =	vld [tilespmem:s11+$0x450]  }
0x41c: {  	v56 =	vld [tilespmem:s11+$0x460]  }
0x41d: {  	s20 =	smov.u32 s1;
	v60 =	vld [tilespmem:s11+$0x470]  }
.LBB2_41:
0x41e: {  	v2 =	vld [tilespmem:$0x1FF90];
	_ =	sdelay $0x4  }
0x41f: {  	v2 =	vpsel !p0, $0x0, v2  }
0x420: {  	[tilespmem:$0x1FF90] =	vst v2;
	v2 =	vld [tilespmem:$0x1FFA0];
	_ =	sdelay $0x4  }
0x421: {  	v2 =	vpsel !p0, $0x0, v2  }
0x422: {  	[tilespmem:$0x1FFA0] =	vst v2;
	v2 =	vld [tilespmem:$0x1FFB0];
	_ =	sdelay $0x4  }
0x423: {  	v2 =	vpsel !p0, $0x0, v2  }
0x424: {  	[tilespmem:$0x1FFB0] =	vst v2;
	v2 =	vld [tilespmem:$0x1FFC0];
	_ =	sdelay $0x1  }
0x425: {  	v54 =	vpsel !p0, $0x0, v54;
	v50 =	vpsel !p0, $0x0, v50;
	v34 =	vpsel !p0, $0x0, v34  }
0x426: {  	v58 =	vpsel !p0, $0x0, v58;
	v62 =	vpsel !p0, $0x0, v62;
	v51 =	vpsel !p0, $0x0, v51  }
0x427: {  	v46 =	vpsel !p0, $0x0, v46;
	v53 =	vpsel !p0, $0x0, v53;
	v52 =	vpsel !p0, $0x0, v52  }
0x428: {  	v37 =	vpsel !p0, $0x0, v37;
	v32 =	vpsel !p0, $0x0, v32;
	v2 =	vpsel !p0, $0x0, v2  }
0x429: {  	v31 =	vpsel !p0, $0x0, v31;
	v30 =	vpsel !p0, $0x0, v30;
	v0 =	vbroadcast v0, $0x0;
	s22 =	smov.u32 s26;
	[tilespmem:$0x1FFC0] =	vst v2  }
.LBB2_42:
0x42a: {  	v2 =	vld [tilespmem:s22+$0x100];
	_ =	sdelay $0x2  }
0x42b: {  	s1 =	ssub.s32 $0x80, s22  }
0x42c: {  	v3 =	vmov s1  }
0x42d: {  	vm2 =	vlt.s32 v3, v39;
	vm1 =	vne.s32 v2, v0  }
0x42e: {  	vm1 =	vmor vm2, vm1  }
0x42f: {  	v2 =	vmctz.xlane vm1;
	_ =	sdelay $0x1  }
0x430: {  	(v2sf) =	vpush v2, $0x0;
	_ =	sdelay $0xe  }
0x431: {  	s31 =	spop (v2sf)  }
0x432: {  	p0 =	sgt.s32 s31, $0xF  }
.Ltmp32:
0x433: {  	_ = 	snop;
	(pc) =	sbr.rel @p0 .LBB2_42-.Ltmp32, $2  }
0x434: {  	_ =	sdelay $0x2  }
0x435: {  	s22 =	sadd.s32 s22, s31  }
0x436: {  	s1 =	sadd.s32 s26, s21  }
0x437: {  	p0 =	slt.s32 s1, s9  }
0x438: {  	p1 =	sge.s32 @!p0 s1, s14  }
0x439: {  	p1 =	por p0, p1  }
.Ltmp33:
0x43a: {  	_ = 	snop;
	(pc) =	sbr.rel @p1 .LBB2_44-.Ltmp33, $1  }
0x43b: {  	_ =	sdelay $0x3  }
0x43c: {  	s23 =	ssub.s32 s22, s26  }
0x43d: {  	s1 =	sshrl.u32 s23, $0x1F  }
0x43e: {  	s1 =	sadd.s32 s1, s23  }
0x43f: {  	s25 =	sand.u32 $0xFFFFFFFE, s1  }
0x440: {  	s24 =	sadd.s32 s26, s25  }
0x441: {  	p0 =	sge.s32 s26, s24  }
.Ltmp34:
0x442: {  	_ = 	snop;
	(pc) =	sbr.rel @p0 .LBB2_53-.Ltmp34, $1  }
0x443: {  	_ =	sdelay $0x3  }
0x444: {  	s1 =	sshll.u32 s26, $0x7;
	s7 =	sshll.u32 s26, $0x8  }
0x445: {  	s11 =	sadd.s32 $0x80, s1;
	s29 =	sadd.s32 $0x100, s7  }
0x446: {  	s7 =	sand.u32 $0xFFFFF800, s29;
	s30 =	sand.u32 $0x380, s11  }
0x447: {  	[tilespmem:$0x1FCB0] =	vst v54;
	s1 =	sor.u32 s30, s7  }
0x448: {  	v42 =	vld [tilespmem:s1+$0x8300]  }
0x449: {  	v43 =	vld [tilespmem:s1+$0x8310]  }
0x44a: {  	v6 =	vld [tilespmem:s1+$0x8320]  }
0x44b: {  	v8 =	vld [tilespmem:s1+$0x8330]  }
0x44c: {  	v9 =	vld [tilespmem:s1+$0x8340]  }
0x44d: {  	v10 =	vld [tilespmem:s1+$0x8350]  }
0x44e: {  	v11 =	vld [tilespmem:s1+$0x8360]  }
0x44f: {  	v12 =	vld [tilespmem:s1+$0x8370]  }
0x450: {  	v13 =	vld [tilespmem:s1+$0x8700]  }
0x451: {  	v14 =	vld [tilespmem:s1+$0x8710]  }
0x452: {  	v15 =	vld [tilespmem:s1+$0x8720]  }
0x453: {  	v17 =	vld [tilespmem:s1+$0x8730]  }
0x454: {  	v16 =	vld [tilespmem:s1+$0x8740]  }
0x455: {  	s31 =	sadd.s32 $0xFFFFFF00, s29;
	s28 =	sadd.s32 $0xFFFFFF80, s11;
	v54 =	vld [tilespmem:s1+$0x8750]  }
0x456: {  	s7 =	sand.u32 $0xFFFFF800, s31;
	s28 =	sand.u32 $0x380, s28;
	v18 =	vld [tilespmem:s1+$0x8760]  }
0x457: {  	s7 =	sor.u32 s28, s7;
	v24 =	vld [tilespmem:s1+$0x8770]  }
0x458: {  	v2 =	vmov v55;
	v55 =	vld [tilespmem:s7+$0x8300]  }
0x459: {  	v7 =	vmov v35;
	v4 =	vmov v56;
	v56 =	vld [tilespmem:s7+$0x8310];
	[tilespmem:$0x1FBE0] =	vst v6  }
0x45a: {  	v21 =	vmov v57;
	v5 =	vmul.f32 v43, v57;
	v57 =	vld [tilespmem:s7+$0x8320];
	[tilespmem:$0x1FE70] =	vst v7  }
0x45b: {  	[tilespmem:$0x1FBF0] =	vst v8  }
0x45c: {  	[tilespmem:$0x1FC00] =	vst v9  }
0x45d: {  	v20 =	vmov v60;
	v60 =	vld [tilespmem:s7+$0x8330];
	[tilespmem:$0x1FC10] =	vst v10  }
0x45e: {  	[tilespmem:$0x1FC20] =	vst v11  }
0x45f: {  	v27 =	vmov v51;
	v51 =	vmov v58;
	v58 =	vld [tilespmem:s7+$0x8340];
	[tilespmem:$0x1FC30] =	vst v12  }
0x460: {  	[tilespmem:$0x1FC40] =	vst v13  }
0x461: {  	v26 =	vmov v50;
	v50 =	vmov v62;
	v62 =	vld [tilespmem:s7+$0x8350];
	[tilespmem:$0x1FC50] =	vst v14  }
0x462: {  	v3 =	vmul.f32 v42, v63;
	v6 =	vmul.f32 v6, v59;
	[tilespmem:$0x1FC60] =	vst v15  }
0x463: {  	v33 =	vmul.f32 v54, v2;
	v7 =	vmul.f32 v8, v7;
	v22 =	vld [tilespmem:s7+$0x8360];
	[tilespmem:$0x1FC70] =	vst v17  }
0x464: {  	v0 =	vmovc v40;
	v25 =	vmov v35;
	v8 =	vmul.f32 v9, v61;
	v9 =	vmul.f32 v10, v29;
	[tilespmem:$0x1FC80] =	vst v16  }
0x465: {  	v39 =	vmovc v29;
	v35 =	vmov v2;
	v19 =	vmul.f32 v55, v63;
	v10 =	vmul.f32 v11, v45;
	v23 =	vld [tilespmem:s7+$0x8370];
	[tilespmem:$0x1FC90] =	vst v18  }
0x466: {  	v38 =	vmovc v4;
	v41 =	vmov v20;
	v11 =	vmul.f32 v12, v47;
	v16 =	vmul.f32 v16, v0;
	v0 =	vld [tilespmem:s7+$0x8700];
	[tilespmem:$0x1FCA0] =	vst v24  }
0x467: {  	v5 =	vadd.f32 v5, v3;
	v12 =	vmul.f32 v13, v48;
	v13 =	vmul.f32 v14, v49;
	v2 =	vld [tilespmem:s7+$0x8710];
	[tilespmem:$0x1FE50] =	vst v21  }
0x468: {  	v6 =	vadd.f32 v7, v6;
	v7 =	vadd.f32 v9, v8;
	v18 =	vmul.f32 v18, v4;
	v4 =	vld [tilespmem:s7+$0x8720];
	[tilespmem:$0x1FE40] =	vst v63  }
0x469: {  	v14 =	vmul.f32 v15, v44;
	v15 =	vmul.f32 v17, v36;
	v9 =	vadd.f32 v11, v10;
	v63 =	vld [tilespmem:s7+$0x8730];
	[tilespmem:$0x1FE80] =	vst v61  }
0x46a: {  	v20 =	vmul.f32 v24, v20;
	v10 =	vadd.f32 v13, v12;
	v5 =	vadd.f32 v6, v5;
	[tilespmem:$0x1FE60] =	vst v59  }
0x46b: {  	v12 =	vadd.f32 v15, v14;
	v7 =	vadd.f32 v9, v7;
	v24 =	vmul.f32 v57, v59;
	v59 =	vld [tilespmem:s7+$0x8740];
	[tilespmem:$0x1FE90] =	vst v39  }
0x46c: {  	v25 =	vmul.f32 v60, v25;
	v13 =	vadd.f32 v33, v16;
	v8 =	vmul.f32 v58, v61;
	v61 =	vld [tilespmem:s7+$0x8750]  }
0x46d: {  	v21 =	vmul.f32 v56, v21;
	v33 =	vadd.f32 v20, v18;
	v10 =	vadd.f32 v12, v10;
	v3 =	vld [tilespmem:s7+$0x8760]  }
0x46e: {  	v5 =	vadd.f32 v7, v5;
	v18 =	vadd.f32 v25, v24;
	v39 =	vmul.f32 v62, v39;
	v24 =	vld [tilespmem:s7+$0x8770];
	[tilespmem:$0x1FF00] =	vst v40  }
0x46f: {  	v14 =	vmul.f32 v22, v45;
	v13 =	vadd.f32 v33, v13;
	v17 =	vmul.f32 v23, v47;
	[tilespmem:$0x1FF10] =	vst v35  }
0x470: {  	[tilespmem:$0x1FF20] =	vst v38;
	v8 =	vadd.f32 v39, v8;
	v39 =	vmul.f32 v0, v48;
	v6 =	vmul.f32 v2, v49  }
0x471: {  	v15 =	vadd.f32 v21, v19;
	[tilespmem:$0x1FF30] =	vst v41;
	v9 =	vmul.f32 v4, v44;
	v12 =	vmul.f32 v63, v36  }
0x472: {  	v10 =	vadd.f32 v13, v10;
	[tilespmem:$0x1FEA0] =	vst v45;
	v33 =	vmul.f32 v59, v40;
	v35 =	vmul.f32 v61, v35  }
0x473: {  	[tilespmem:$0x1FF40] =	vst v30;
	v6 =	vadd.f32 v6, v39;
	v39 =	vmul.f32 v3, v38;
	v7 =	vmul.f32 v24, v41  }
0x474: {  	[tilespmem:$0x1FEB0] =	vst v47;
	v14 =	vadd.f32 v17, v14;
	v9 =	vadd.f32 v12, v9  }
0x475: {  	s26 =	sadd.s32 $0x2, s26;
	[tilespmem:$0x1FF50] =	vst v31;
	v40 =	vadd.f32 v35, v33;
	v7 =	vadd.f32 v7, v39  }
0x476: {  	p0 =	slt.s32 s26, s24;
	[tilespmem:$0x1FEC0] =	vst v48;
	v8 =	vadd.f32 v14, v8;
	v41 =	vadd.f32 v18, v15  }
.Ltmp35:
0x477: {  	[tilespmem:$0x1FF60] =	vst v32;
	v6 =	vadd.f32 v9, v6;
	v7 =	vadd.f32 v7, v40;
	(pc) =	sbr.rel @!p0 .LBB2_52-.Ltmp35, $4  }
0x478: {  	[tilespmem:$0x1FED0] =	vst v49;
	v5 =	vadd.f32 v10, v5  }
0x479: {  	[tilespmem:$0x1FF70] =	vst v37;
	v8 =	vadd.f32 v8, v41;
	v6 =	vadd.f32 v7, v6  }
0x47a: {  	v28 =	vmov v34;
	v29 =	vmov v46;
	[tilespmem:$0x1FEE0] =	vst v44  }
0x47b: {  	s29 =	sadd.s32 $0x200, s29;
	s28 =	sadd.s32 $0x100, s11;
	[tilespmem:$0x1FEF0] =	vst v36;
	v30 =	vmovc v26;
	v31 =	vmov v27;
	v32 =	vld [tilespmem:$0x1FCB0];
	(xrf2) =	vadd.scan.msk.f32 $0xffff, v5;
	v25 =	vadd.f32 v6, v8  }
.LBB2_51:
0x47c: {  	s1 =	sand.u32 $0xFFFFF800, s29;
	s7 =	sand.u32 $0x380, s28;
	v41 =	vld [tilespmem:$0x1FE40]  }
0x47d: {  	v36 =	vld [tilespmem:$0x1FE60];
	s11 =	sor.u32 s7, s1  }
0x47e: {  	v7 =	vld [tilespmem:s11+$0x8320]  }
0x47f: {  	v39 =	vld [tilespmem:$0x1FE50]  }
0x480: {  	v33 =	vld [tilespmem:$0x1FEA0]  }
0x481: {  	v45 =	vld [tilespmem:$0x1FEC0]  }
0x482: {  	v48 =	vld [tilespmem:$0x1FEE0]  }
0x483: {  	v5 =	vld [tilespmem:s11+$0x8300];
	v34 =	vmul.f32 v7, v36  }
0x484: {  	v10 =	vld [tilespmem:s11+$0x8340]  }
0x485: {  	(xrf2) =	vadd.scan.msk.f32 $0xffff, v25;
	[tilespmem:$0x1FB50] =	vst v34;
	v34 =	vld [tilespmem:$0x1FE80]  }
0x486: {  	v12 =	vld [tilespmem:s11+$0x8360]  }
0x487: {  	v6 =	vld [tilespmem:s11+$0x8310]  }
0x488: {  	v11 =	vld [tilespmem:s11+$0x8350];
	v9, _, _ =	vpop (xrf2)  }
0x489: {  	v13 =	vld [tilespmem:s11+$0x8370];
	v9 =	vmul.f32 $1.442695020e+00, v9  }
0x48a: {  	v14 =	vld [tilespmem:s11+$0x8700];
	v35 =	vmul.f32 v10, v34  }
0x48b: {  	v16 =	vld [tilespmem:s11+$0x8720];
	v40 =	vmul.f32 v12, v33;
	v9 =	vbroadcast v9, $0xF  }
0x48c: {  	[tilespmem:$0x1FB70] =	vst v35;
	v35 =	vld [tilespmem:$0x1FE90]  }
0x48d: {  	[tilespmem:$0x1FB90] =	vst v40;
	v40 =	vld [tilespmem:$0x1FEB0];
	(erf) = vpow2.f32 v9;
	_ =	sdelay $0x1  }
0x48e: {  	v17 =	vmul.f32 v5, v41;
	v18 =	vmul.f32 v6, v39;
	v15, _, _ =	vpop (xrf2)  }
0x48f: {  	v37 =	vld [tilespmem:$0x1FE70];
	v20 =	vmul.f32 v14, v45;
	v15 =	vmul.f32 $1.442695020e+00, v15  }
0x490: {  	v47 =	vld [tilespmem:$0x1FED0];
	v44 =	vmul.f32 v16, v48;
	[tilespmem:$0x1FB30] =	vst v17;
	v38 =	vmul.f32 v11, v35  }
0x491: {  	v46 =	vld [tilespmem:$0x1FC10];
	[tilespmem:$0x1FB40] =	vst v18;
	v15 =	vbroadcast v15, $0xF;
	v21 =	vmul.f32 v13, v40  }
0x492: {  	v8 =	vld [tilespmem:s11+$0x8330];
	[tilespmem:$0x1FBB0] =	vst v20  }
0x493: {  	v17 =	vld [tilespmem:s11+$0x8730];
	[tilespmem:$0x1FBC0] =	vst v44  }
0x494: {  	v18 =	vld [tilespmem:s11+$0x8740];
	[tilespmem:$0x1FB80] =	vst v38;
	v38 =	vmov v11  }
0x495: {  	v44 =	vld [tilespmem:$0x1FF00];
	(erf) = vpow2.f32 v15;
	[tilespmem:$0x1FBA0] =	vst v21;
	v21 =	vmov v5;
	v15 =	vpop (erf)  }
0x496: {  	[tilespmem:$0x1FBD0] =	vst v21;
	v20 =	vmul.f32 v15, v43;
	v43 =	vld [tilespmem:$0x1FC20]  }
0x497: {  	v9 =	vld [tilespmem:s11+$0x8710];
	[tilespmem:$0x1FC10] =	vst v38;
	v38 =	vmov v12  }
0x498: {  	v21 =	vmov v7;
	[tilespmem:$0x1FC20] =	vst v38;
	v38 =	vld [tilespmem:$0x1FC40]  }
0x499: {  	v5 =	vld [tilespmem:$0x1FBE0]  }
0x49a: {  	v19 =	vmul.f32 v8, v37;
	v7 =	vmov v8;
	v8 =	vmul.f32 v15, v46;
	v46 =	vld [tilespmem:$0x1FC30]  }
0x49b: {  	[tilespmem:$0x1FBE0] =	vst v21;
	v21 =	vmov v10;
	v10 =	vmul.f32 v15, v43;
	v43 =	vld [tilespmem:$0x1FC50]  }
0x49c: {  	[tilespmem:$0x1FB60] =	vst v19;
	v19 =	vmul.f32 v15, v42;
	v42 =	vmov v6;
	v6 =	vld [tilespmem:$0x1FBF0]  }
0x49d: {  	[tilespmem:$0x1FBF0] =	vst v7;
	v12 =	vmul.f32 v15, v38;
	v38 =	vmov v14;
	v14 =	vld [tilespmem:$0x1FC60]  }
0x49e: {  	[tilespmem:$0x1FC40] =	vst v38;
	v38 =	vld [tilespmem:$0x1FC70]  }
0x49f: {  	v7 =	vld [tilespmem:$0x1FC00];
	[tilespmem:$0x1FC00] =	vst v21;
	v11 =	vmul.f32 v15, v46;
	v46 =	vmov v13  }
0x4a0: {  	v27 =	vmul.f32 v18, v44;
	[tilespmem:$0x1FC30] =	vst v46;
	v13 =	vmul.f32 v15, v43;
	v43 =	vmov v16  }
0x4a1: {  	v25 =	vmul.f32 v9, v47;
	v21 =	vpop (erf);
	[tilespmem:$0x1FC60] =	vst v43;
	v43 =	vmul.f32 v15, v54;
	v54 =	vmov v17  }
0x4a2: {  	v46 =	vmov v9;
	[tilespmem:$0x1FC70] =	vst v54;
	v54 =	vmul.f32 v21, v56;
	v9 =	vmul.f32 v15, v14  }
0x4a3: {  	v14 =	vmul.f32 v15, v38;
	v38 =	vmul.f32 v21, v57  }
0x4a4: {  	v49 =	vld [tilespmem:$0x1FEF0];
	v5 =	vmul.f32 v15, v5;
	v57 =	vmul.f32 v21, v60  }
0x4a5: {  	v56 =	vmovc v18;
	v60 =	vadd.f32 v54, v28;
	v54 =	vmul.f32 v21, v58;
	v18 =	vadd.f32 v38, v51;
	_ =	sdelay $0x1  }
0x4a6: {  	v7 =	vmul.f32 v15, v7;
	v51 =	vadd.f32 v5, v18;
	v5 =	vadd.f32 v54, v31;
	_ =	sdelay $0x1  }
0x4a7: {  	v26 =	vmul.f32 v17, v49;
	v22 =	vmul.f32 v21, v22;
	v31 =	vadd.f32 v7, v5;
	v7 =	vld [tilespmem:$0x1FF70]  }
0x4a8: {  	v6 =	vmul.f32 v15, v6;
	v17 =	vmul.f32 v21, v55;
	v55 =	vadd.f32 v57, v50  }
0x4a9: {  	v38 =	vmul.f32 v21, v62;
	v62 =	vadd.f32 v22, v53  }
0x4aa: {  	v0 =	vmul.f32 v21, v0;
	v50 =	vadd.f32 v6, v55  }
0x4ab: {  	v6 =	vadd.f32 v38, v29;
	v53 =	vadd.f32 v10, v62;
	v62 =	vld [tilespmem:$0x1FF50]  }
0x4ac: {  	v0 =	vadd.f32 v0, v7;
	v7 =	vld [tilespmem:$0x1FF60]  }
0x4ad: {  	v29 =	vadd.f32 v8, v6;
	v6 =	vmul.f32 v21, v63;
	v63 =	vld [tilespmem:$0x1FF40]  }
0x4ae: {  	v4 =	vmul.f32 v21, v4  }
0x4af: {  	v2 =	vmul.f32 v21, v2  }
0x4b0: {  	v4 =	vadd.f32 v4, v62  }
0x4b1: {  	v0 =	vadd.f32 v12, v0;
	v2 =	vadd.f32 v2, v7  }
0x4b2: {  	v6 =	vadd.f32 v6, v63  }
0x4b3: {  	[tilespmem:$0x1FF70] =	vst v0;
	v0 =	vadd.f32 v13, v2;
	v2 =	vadd.f32 v9, v4;
	_ =	sdelay $0x1  }
0x4b4: {  	[tilespmem:$0x1FF50] =	vst v2;
	v2 =	vadd.f32 v14, v6;
	_ =	sdelay $0x1  }
0x4b5: {  	v16 =	vadd.f32 v21, v32;
	[tilespmem:$0x1FF40] =	vst v2;
	v2 =	vld [tilespmem:$0x1FF90];
	_ =	sdelay $0x1  }
0x4b6: {  	v32 =	vadd.f32 v15, v16;
	v16 =	vadd.f32 v17, v30  }
0x4b7: {  	s30 =	sadd.s32 $0xFFFFFF00, s29;
	s31 =	sadd.s32 $0xFFFFFF80, s28;
	[tilespmem:$0x1FC50] =	vst v46;
	v46 =	vld [tilespmem:$0x1FC80];
	v28 =	vadd.f32 v20, v60;
	v60 =	vmul.f32 v21, v23;
	v7 =	vmul.f32 v21, v59  }
0x4b8: {  	s1 =	sand.u32 $0xFFFFF800, s30;
	s7 =	sand.u32 $0x380, s31;
	v30 =	vadd.f32 v19, v16;
	v4 =	vld [tilespmem:$0x1FFA0]  }
0x4b9: {  	s1 =	sor.u32 s7, s1;
	v16 =	vadd.f32 v60, v52;
	v2 =	vadd.f32 v7, v2;
	v7 =	vld [tilespmem:$0x1FFB0]  }
0x4ba: {  	[tilespmem:$0x1FC80] =	vst v56;
	v56 =	vld [tilespmem:s1+$0x8310]  }
0x4bb: {  	v52 =	vadd.f32 v11, v16;
	v16 =	vmul.f32 v21, v61;
	v6 =	vld [tilespmem:$0x1FC90]  }
0x4bc: {  	v3 =	vmul.f32 v21, v3;
	v46 =	vmul.f32 v15, v46;
	v58 =	vld [tilespmem:s1+$0x8340]  }
0x4bd: {  	v57 =	vld [tilespmem:s1+$0x8320];
	v4 =	vadd.f32 v16, v4  }
0x4be: {  	v2 =	vadd.f32 v46, v2;
	v3 =	vadd.f32 v3, v7;
	v7 =	vld [tilespmem:$0x1FFC0]  }
0x4bf: {  	v22 =	vld [tilespmem:s1+$0x8360]  }
0x4c0: {  	v23 =	vld [tilespmem:s1+$0x8370];
	v6 =	vmul.f32 v15, v6;
	[tilespmem:$0x1FF90] =	vst v2;
	v2 =	vadd.f32 v43, v4  }
0x4c1: {  	v9 =	vmul.f32 v56, v39;
	v39 =	vld [tilespmem:$0x1FB40];
	[tilespmem:$0x1FF60] =	vst v0;
	v0 =	vmul.f32 v21, v24  }
0x4c2: {  	[tilespmem:$0x1FFA0] =	vst v2;
	v2 =	vadd.f32 v6, v3;
	v3 =	vld [tilespmem:$0x1FB30]  }
0x4c3: {  	v0 =	vadd.f32 v0, v7;
	v7 =	vld [tilespmem:$0x1FCA0]  }
0x4c4: {  	v20 =	vld [tilespmem:$0x1FBA0]  }
0x4c5: {  	v38 =	vld [tilespmem:s11+$0x8760]  }
0x4c6: {  	v46 =	vld [tilespmem:$0x1FB60]  }
0x4c7: {  	v43 =	vmov v42;
	v42 =	vld [tilespmem:$0x1FF20]  }
0x4c8: {  	v7 =	vmul.f32 v15, v7;
	v15 =	vadd.f32 v39, v3;
	v3 =	vld [tilespmem:$0x1FB50]  }
0x4c9: {  	v54 =	vld [tilespmem:s11+$0x8750]  }
0x4ca: {  	v55 =	vld [tilespmem:s1+$0x8300]  }
0x4cb: {  	v60 =	vld [tilespmem:s1+$0x8330]  }
0x4cc: {  	v61 =	vld [tilespmem:$0x1FB80];
	v17 =	vmov v38  }
0x4cd: {  	[tilespmem:$0x1FC90] =	vst v17;
	v8 =	vmul.f32 v17, v42;
	v17 =	vadd.f32 v46, v3;
	v3 =	vld [tilespmem:$0x1FB70]  }
0x4ce: {  	v5 =	vld [tilespmem:s11+$0x8770]  }
0x4cf: {  	v62 =	vld [tilespmem:s1+$0x8350]  }
0x4d0: {  	v38 =	vld [tilespmem:$0x1FF10]  }
0x4d1: {  	v63 =	vld [tilespmem:s1+$0x8730]  }
0x4d2: {  	v18 =	vadd.f32 v61, v3;
	v3 =	vld [tilespmem:$0x1FB90]  }
0x4d3: {  	v24 =	vld [tilespmem:$0x1FBC0]  }
0x4d4: {  	v59 =	vld [tilespmem:s1+$0x8740]  }
0x4d5: {  	v10 =	vmul.f32 v57, v36;
	v4 =	vld [tilespmem:s1+$0x8720]  }
0x4d6: {  	v36 =	vmul.f32 v58, v34;
	v6 =	vmul.f32 v55, v41;
	v41 =	vld [tilespmem:$0x1FF30]  }
0x4d7: {  	v11 =	vmul.f32 v60, v37;
	v0 =	vadd.f32 v7, v0;
	v20 =	vadd.f32 v20, v3;
	v3 =	vld [tilespmem:$0x1FBB0]  }
0x4d8: {  	v19 =	vmovc v5;
	v5 =	vmul.f32 v54, v38;
	v37 =	vmul.f32 v62, v35;
	v26 =	vadd.f32 v26, v24;
	v24 =	vld [tilespmem:s1+$0x8770]  }
0x4d9: {  	v14 =	vmul.f32 v22, v33;
	v16 =	vmul.f32 v23, v40;
	[tilespmem:$0x1FFC0] =	vst v0;
	v0 =	vld [tilespmem:s1+$0x8700]  }
0x4da: {  	v34 =	vadd.f32 v11, v10;
	v5 =	vadd.f32 v5, v27;
	v61 =	vld [tilespmem:s1+$0x8750]  }
0x4db: {  	v35 =	vadd.f32 v37, v36;
	v14 =	vadd.f32 v16, v14;
	[tilespmem:$0x1FFB0] =	vst v2;
	v2 =	vld [tilespmem:s1+$0x8710];
	v7 =	vmul.f32 v19, v41  }
0x4dc: {  	v33 =	vmul.f32 v63, v49;
	v27 =	vmul.f32 v4, v48;
	v21 =	vadd.f32 v25, v3;
	v3 =	vld [tilespmem:s1+$0x8760]  }
0x4dd: {  	v36 =	vmul.f32 v59, v44;
	v49 =	vadd.f32 v14, v35;
	v7 =	vadd.f32 v7, v8  }
0x4de: {  	v6 =	vadd.f32 v9, v6;
	v48 =	vmul.f32 v24, v41;
	v8 =	vadd.f32 v33, v27  }
0x4df: {  	[tilespmem:$0x1FCA0] =	vst v19;
	v5 =	vadd.f32 v7, v5;
	v19 =	vmul.f32 v0, v45;
	v45 =	vmul.f32 v61, v38  }
0x4e0: {  	v37 =	vadd.f32 v17, v15;
	v39 =	vadd.f32 v20, v18;
	v25 =	vmul.f32 v2, v47  }
0x4e1: {  	v11 =	vadd.f32 v45, v36;
	v46 =	vadd.f32 v26, v21;
	v7 =	vmul.f32 v3, v42  }
0x4e2: {  	v12 =	vadd.f32 v39, v37;
	v47 =	vadd.f32 v25, v19  }
0x4e3: {  	s26 =	sadd.s32 $0x2, s26;
	v5 =	vadd.f32 v5, v46;
	v7 =	vadd.f32 v48, v7  }
0x4e4: {  	p0 =	slt.s32 s26, s24;
	v6 =	vadd.f32 v34, v6;
	v8 =	vadd.f32 v8, v47  }
.Ltmp36:
0x4e5: {  	v5 =	vadd.f32 v5, v12;
	v7 =	vadd.f32 v7, v11;
	(pc) =	sbr.rel @p0 .LBB2_51-.Ltmp36, $3  }
0x4e6: {  	_ = 	snop  }
0x4e7: {  	(xrf2) =	vadd.scan.msk.f32 $0xffff, v5;
	v5 =	vadd.f32 v49, v6;
	v6 =	vadd.f32 v7, v8;
	_ =	sdelay $0x1  }
0x4e8: {  	s28 =	sadd.s32 $0x100, s28;
	s29 =	sadd.s32 $0x200, s29;
	v42 =	vld [tilespmem:$0x1FBD0];
	v25 =	vadd.f32 v6, v5  }
.LBB2_52:
0x4e9: {  	_ =	sdelay $0x2  }
0x4ea: {  	(xrf2) =	vadd.scan.msk.f32 $0xffff, v25;
	_ =	sdelay $0x5  }
0x4eb: {  	v5, _, _ =	vpop (xrf2)  }
0x4ec: {  	v5 =	vmul.f32 $1.442695020e+00, v5;
	_ =	sdelay $0x1  }
0x4ed: {  	v5 =	vbroadcast v5, $0xF  }
0x4ee: {  	v48, _, _ =	vpop (xrf2)  }
0x4ef: {  	v8 =	vld [tilespmem:$0x1FBE0];
	(erf) = vpow2.f32 v5;
	v5 =	vmul.f32 $1.442695020e+00, v48  }
0x4f0: {  	v9 =	vld [tilespmem:$0x1FBF0]  }
0x4f1: {  	v10 =	vld [tilespmem:$0x1FC00];
	v5 =	vbroadcast v5, $0xF  }
0x4f2: {  	v11 =	vld [tilespmem:$0x1FC10]  }
0x4f3: {  	v12 =	vld [tilespmem:$0x1FC20];
	(erf) = vpow2.f32 v5  }
0x4f4: {  	v13 =	vld [tilespmem:$0x1FC30]  }
0x4f5: {  	v14 =	vld [tilespmem:$0x1FC40]  }
0x4f6: {  	v15 =	vld [tilespmem:$0x1FC50]  }
0x4f7: {  	v16 =	vld [tilespmem:$0x1FC60]  }
0x4f8: {  	v17 =	vld [tilespmem:$0x1FC70]  }
0x4f9: {  	v20 =	vld [tilespmem:$0x1FC80];
	v5 =	vpop (erf)  }
0x4fa: {  	v45 =	vld [tilespmem:$0x1FF70];
	v6 =	vmul.f32 v5, v42  }
0x4fb: {  	v47 =	vld [tilespmem:$0x1FF60];
	v7 =	vmul.f32 v5, v43;
	v8 =	vmul.f32 v5, v8  }
0x4fc: {  	v35 =	vld [tilespmem:$0x1FE70];
	v9 =	vmul.f32 v5, v9;
	v10 =	vmul.f32 v5, v10;
	v18 =	vpop (erf)  }
0x4fd: {  	v11 =	vmul.f32 v5, v11;
	v49 =	vmul.f32 v18, v55;
	v55 =	vld [tilespmem:$0x1FF40]  }
0x4fe: {  	v12 =	vmul.f32 v5, v12;
	v27 =	vmul.f32 v18, v57;
	v57 =	vld [tilespmem:$0x1FFA0]  }
0x4ff: {  	v13 =	vmul.f32 v5, v13;
	v48 =	vmul.f32 v18, v59;
	v59 =	vld [tilespmem:$0x1FC90]  }
0x500: {  	v14 =	vmul.f32 v5, v14;
	v36 =	vmul.f32 v18, v60;
	v60 =	vld [tilespmem:$0x1FFB0]  }
0x501: {  	v26 =	vmul.f32 v18, v56;
	v56 =	vmul.f32 v18, v61;
	v61 =	vld [tilespmem:$0x1FFC0]  }
0x502: {  	v39 =	vmul.f32 v18, v58;
	v44 =	vmul.f32 v18, v63;
	v63 =	vld [tilespmem:$0x1FCA0]  }
0x503: {  	v0 =	vmul.f32 v18, v0;
	v2 =	vmul.f32 v18, v2;
	v37 =	vadd.f32 v49, v30;
	v49 =	vld [tilespmem:$0x1FF50]  }
0x504: {  	v15 =	vmul.f32 v5, v15;
	v19 =	vadd.f32 v18, v32;
	v41 =	vadd.f32 v39, v31;
	v39 =	vld [tilespmem:$0x1FF80]  }
0x505: {  	v16 =	vmul.f32 v5, v16;
	v0 =	vadd.f32 v0, v45;
	v2 =	vadd.f32 v2, v47;
	v45 =	vld [tilespmem:$0x1FEA0]  }
0x506: {  	v17 =	vmul.f32 v5, v17;
	v21 =	vmul.f32 v5, v54;
	v54 =	vadd.f32 v5, v19;
	v47 =	vld [tilespmem:$0x1FEB0]  }
0x507: {  	v38 =	vadd.f32 v26, v28;
	v30 =	vmul.f32 v18, v62;
	v32 =	vadd.f32 v15, v2;
	v2 =	vld [tilespmem:$0x1FF90]  }
0x508: {  	v40 =	vmul.f32 v18, v23;
	v28 =	vadd.f32 v36, v50;
	v36 =	vld [tilespmem:$0x1FEF0];
	v50 =	vadd.f32 v6, v37  }
0x509: {  	v4 =	vmul.f32 v18, v4;
	v34 =	vadd.f32 v7, v38;
	v42 =	vadd.f32 v30, v29;
	v29 =	vld [tilespmem:$0x1FE90]  }
0x50a: {  	v3 =	vmul.f32 v18, v3;
	v6 =	vadd.f32 v40, v52;
	v37 =	vadd.f32 v14, v0;
	v40 =	vld [tilespmem:$0x1FF00]  }
0x50b: {  	v20 =	vmul.f32 v5, v20;
	v7 =	vadd.f32 v44, v55;
	v44 =	vld [tilespmem:$0x1FEE0];
	v4 =	vadd.f32 v4, v49  }
0x50c: {  	v22 =	vmul.f32 v18, v22;
	v3 =	vadd.f32 v3, v60;
	v55 =	vld [tilespmem:$0x1FF10];
	v2 =	vadd.f32 v48, v2  }
0x50d: {  	v0 =	vmul.f32 v18, v24;
	v60 =	vld [tilespmem:$0x1FF30];
	v52 =	vadd.f32 v13, v6;
	v31 =	vadd.f32 v16, v4  }
0x50e: {  	v6 =	vmul.f32 v5, v59;
	v59 =	vld [tilespmem:$0x1FE60];
	v4 =	vadd.f32 v56, v57;
	v2 =	vadd.f32 v20, v2  }
0x50f: {  	v27 =	vadd.f32 v27, v51;
	v0 =	vadd.f32 v0, v61;
	v5 =	vmul.f32 v5, v63;
	v63 =	vld [tilespmem:$0x1FE40]  }
0x510: {  	v43 =	vadd.f32 v22, v53;
	v61 =	vld [tilespmem:$0x1FE80];
	[tilespmem:$0x1FF90] =	vst v2;
	v2 =	vadd.f32 v21, v4  }
0x511: {  	v58 =	vadd.f32 v8, v27;
	v49 =	vld [tilespmem:$0x1FED0];
	v0 =	vadd.f32 v5, v0  }
0x512: {  	v62 =	vadd.f32 v9, v28;
	v57 =	vld [tilespmem:$0x1FE50];
	[tilespmem:$0x1FFA0] =	vst v2;
	v2 =	vadd.f32 v6, v3  }
0x513: {  	v51 =	vadd.f32 v10, v41;
	v53 =	vadd.f32 v12, v43;
	v48 =	vld [tilespmem:$0x1FEC0];
	[tilespmem:$0x1FFC0] =	vst v0  }
0x514: {  	v46 =	vadd.f32 v11, v42;
	v42 =	vlaneseq.u32;
	v30 =	vadd.f32 v17, v7;
	v56 =	vld [tilespmem:$0x1FF20];
	[tilespmem:$0x1FFB0] =	vst v2  }
.LBB2_53:
0x515: {  	p0 =	sge.s32 s24, s22  }
.Ltmp37:
0x516: {  	_ = 	snop;
	(pc) =	sbr.rel @p0 .LBB2_56-.Ltmp37, $1  }
0x517: {  	_ =	sdelay $0x3  }
0x518: {  	s11 =	ssub.s32 s23, s25;
	s23 =	sshll.u32 s24, $0x7;
	s24 =	sshll.u32 s24, $0x8  }
.LBB2_55:
0x519: {  	s1 =	sand.u32 $0xFFFFF800, s24;
	s7 =	sand.u32 $0x380, s23  }
0x51a: {  	s1 =	sor.u32 s7, s1  }
0x51b: {  	v0 =	vld [tilespmem:s1+$0x8300]  }
0x51c: {  	v2 =	vld [tilespmem:s1+$0x8310]  }
0x51d: {  	v3 =	vld [tilespmem:s1+$0x8320]  }
0x51e: {  	v4 =	vld [tilespmem:s1+$0x8330]  }
0x51f: {  	v5 =	vld [tilespmem:s1+$0x8340]  }
0x520: {  	v6 =	vld [tilespmem:s1+$0x8350]  }
0x521: {  	v7 =	vld [tilespmem:s1+$0x8360]  }
0x522: {  	v8 =	vld [tilespmem:s1+$0x8370]  }
0x523: {  	v9 =	vld [tilespmem:s1+$0x8700]  }
0x524: {  	v10 =	vld [tilespmem:s1+$0x8710]  }
0x525: {  	v11 =	vld [tilespmem:s1+$0x8720]  }
0x526: {  	v12 =	vld [tilespmem:s1+$0x8730]  }
0x527: {  	v15 =	vld [tilespmem:s1+$0x8750];
	v14 =	vmul.f32 v0, v63;
	v16 =	vmul.f32 v2, v57  }
0x528: {  	v18 =	vld [tilespmem:s1+$0x8760];
	v17 =	vmul.f32 v3, v59;
	v19 =	vmul.f32 v4, v35  }
0x529: {  	v21 =	vld [tilespmem:s1+$0x8770];
	v20 =	vmul.f32 v5, v61;
	v22 =	vmul.f32 v6, v29  }
0x52a: {  	v13 =	vld [tilespmem:s1+$0x8740];
	v23 =	vmul.f32 v7, v45;
	v24 =	vmul.f32 v8, v47  }
0x52b: {  	v25 =	vmul.f32 v9, v48;
	v26 =	vmul.f32 v10, v49  }
0x52c: {  	v27 =	vmul.f32 v11, v44;
	v28 =	vmul.f32 v12, v36  }
0x52d: {  	v41 =	vmul.f32 v15, v55;
	v43 =	vmul.f32 v18, v56  }
0x52e: {  	v33 =	vmul.f32 v21, v60;
	v14 =	vadd.f32 v16, v14;
	v17 =	vadd.f32 v19, v17  }
0x52f: {  	v16 =	vmul.f32 v13, v40;
	v20 =	vadd.f32 v22, v20;
	v23 =	vadd.f32 v24, v23  }
0x530: {  	v25 =	vadd.f32 v26, v25;
	v38 =	vadd.f32 v28, v27  }
0x531: {  	v16 =	vadd.f32 v41, v16;
	v41 =	vadd.f32 v33, v43  }
0x532: {  	v14 =	vadd.f32 v17, v14;
	v43 =	vadd.f32 v23, v20  }
0x533: {  	v24 =	vadd.f32 v38, v25;
	v16 =	vadd.f32 v41, v16;
	_ =	sdelay $0x1  }
0x534: {  	v14 =	vadd.f32 v43, v14;
	v16 =	vadd.f32 v16, v24;
	_ =	sdelay $0x1  }
0x535: {  	v14 =	vadd.f32 v16, v14;
	_ =	sdelay $0x1  }
0x536: {  	(xrf2) =	vadd.scan.msk.f32 $0xffff, v14;
	_ =	sdelay $0x9  }
0x537: {  	v14, _, _ =	vpop (xrf2)  }
0x538: {  	v14 =	vmul.f32 $1.442695020e+00, v14;
	_ =	sdelay $0x1  }
0x539: {  	v14 =	vbroadcast v14, $0xF;
	_ =	sdelay $0x1  }
0x53a: {  	(erf) = vpow2.f32 v14;
	_ =	sdelay $0x8  }
0x53b: {  	v14 =	vpop (erf)  }
0x53c: {  	v0 =	vmul.f32 v14, v0;
	_ =	sdelay $0x1  }
0x53d: {  	v50 =	vadd.f32 v0, v50;
	v0 =	vmul.f32 v14, v4;
	_ =	sdelay $0x1  }
0x53e: {  	v62 =	vadd.f32 v0, v62;
	v0 =	vmul.f32 v14, v7  }
0x53f: {  	v43 =	vld [tilespmem:$0x1FF90];
	v2 =	vmul.f32 v14, v2  }
0x540: {  	v53 =	vadd.f32 v0, v53;
	v0 =	vmul.f32 v14, v10  }
0x541: {  	v34 =	vadd.f32 v2, v34;
	v2 =	vmul.f32 v14, v6  }
0x542: {  	v32 =	vadd.f32 v0, v32;
	v0 =	vmul.f32 v14, v13  }
0x543: {  	v46 =	vadd.f32 v2, v46;
	v2 =	vmul.f32 v14, v8  }
0x544: {  	v25 =	vmul.f32 v14, v5;
	v5 =	vadd.f32 v0, v43;
	v0 =	vld [tilespmem:$0x1FFA0]  }
0x545: {  	v52 =	vadd.f32 v2, v52;
	v2 =	vmul.f32 v14, v12;
	_ =	sdelay $0x1  }
0x546: {  	v30 =	vadd.f32 v2, v30;
	v2 =	vmul.f32 v14, v15;
	_ =	sdelay $0x1  }
0x547: {  	v0 =	vadd.f32 v2, v0  }
0x548: {  	v3 =	vmul.f32 v14, v3  }
0x549: {  	[tilespmem:$0x1FFA0] =	vst v0;
	v0 =	vld [tilespmem:$0x1FFB0]  }
0x54a: {  	v58 =	vadd.f32 v3, v58;
	v3 =	vmul.f32 v14, v9;
	_ =	sdelay $0x1  }
0x54b: {  	v37 =	vadd.f32 v3, v37;
	v3 =	vmul.f32 v14, v18;
	_ =	sdelay $0x1  }
0x54c: {  	v0 =	vadd.f32 v3, v0;
	_ =	sdelay $0x1  }
0x54d: {  	[tilespmem:$0x1FFB0] =	vst v0;
	v0 =	vld [tilespmem:$0x1FFC0];
	_ =	sdelay $0x1  }
0x54e: {  	p0 =	sne.s32 s11, $0x1  }
.Ltmp38:
0x54f: {  	v41 =	vmul.f32 v14, v21;
	(pc) =	sbr.rel @p0 .LBB2_55-.Ltmp38, $4  }
0x550: {  	_ = 	snop  }
0x551: {  	v26 =	vmul.f32 v14, v11;
	v0 =	vadd.f32 v41, v0  }
0x552: {  	v54 =	vadd.f32 v14, v54;
	[tilespmem:$0x1FF90] =	vst v5  }
0x553: {  	s23 =	sadd.s32 $0x80, s23;
	s24 =	sadd.s32 $0x100, s24;
	s11 =	sadd.s32 $0xFFFFFFFF, s11;
	v51 =	vadd.f32 v25, v51;
	v31 =	vadd.f32 v26, v31;
	[tilespmem:$0x1FFC0] =	vst v0  }
.Ltmp39:
0x554: {  	_ = 	snop;
	(pc) =	sbr.rel .LBB2_56-.Ltmp39, $1  }
0x555: {  	_ =	sdelay $0x3  }
.LBB2_6:
0x556: {  	v54 =	vimm.f32 $0.0e+00  }
0x557: {  	v50 =	vimm.f32 $0.0e+00;
	v34 =	vimm.f32 $0.0e+00;
	v58 =	vimm.f32 $0.0e+00  }
0x558: {  	v62 =	vimm.f32 $0.0e+00;
	v51 =	vimm.f32 $0.0e+00;
	v0 =	vimm.f32 $0.0e+00  }
0x559: {  	v46 =	vimm.f32 $0.0e+00;
	v53 =	vimm.f32 $0.0e+00;
	[tilespmem:$0x1FF90] =	vst v0;
	v0 =	vimm.f32 $0.0e+00  }
0x55a: {  	v52 =	vimm.f32 $0.0e+00;
	v37 =	vimm.f32 $0.0e+00;
	[tilespmem:$0x1FFA0] =	vst v0;
	v0 =	vimm.f32 $0.0e+00  }
0x55b: {  	v32 =	vimm.f32 $0.0e+00;
	v31 =	vimm.f32 $0.0e+00;
	v30 =	vimm.f32 $0.0e+00;
	[tilespmem:$0x1FFB0] =	vst v0  }
.LBB2_58:
0x55c: {  	(xrf0) =	vmax.scan.msk.f32 $0xffff, v54;
	_ =	sdelay $0x5  }
0x55d: {  	v0, _, _ =	vpop (xrf0)  }
0x55e: {  	(v2sf) =	vpush v0, $0xF;
	_ =	sdelay $0xe  }
0x55f: {  	s1 =	spop (v2sf)  }
0x560: {  	p0 =	sgt.f32 s1, $0.0e+00  }
.Ltmp40:
0x561: {  	_ = 	snop;
	(pc) =	sbr.rel @!p0 .LBB2_59-.Ltmp40, $1  }
0x562: {  	_ =	sdelay $0x3  }
0x563: {  	s11 =	sadd.s32 $0x40, s10  }
0x564: {  	p0 =	slt.s32 s16, s11  }
.Ltmp41:
0x565: {  	_ = 	snop;
	(pc) =	sbr.rel @p0 .LBB2_65-.Ltmp41, $2  }
0x566: {  	_ =	sdelay $0x2  }
0x567: {  	s17 =	rddreg [dreg:$0x8]  }
.LBB2_61:
0x568: {  	s1 =	sshll.u32 s10, $0x5  }
0x569: {  	s1 =	sand.u32 $0xFFFFF00, s1  }
0x56a: {  	s7 =	simm.s32 $0x0;
	s1 =	sadd.s32 s3, s1  }
0x56b: {  	[hbm4b:s1+s7] =	stream.linear.scatter [tilespmem:s4], [sflag:$0x3], $0x4000, $0x38;
	[tilespmem:$0x1C380] =	vst v63  }
0x56c: {  	_ =	swait.ge [sflag:s12], $0x4000  }
0x56d: {  	s30 =	sand.u32 $0x3800, s7;
	s7 =	sand.u32 $0x380, s7;
	[sflag:s12] =	ssyncset.done $0x0  }
0x56e: {  	s7 =	sor.u32 s7, s30;
	[sflag:s12] =	ssyncadd.s32 $0xFFFFC000  }
0x56f: {  	s1 =	sadd.s32 $0x10300, s7;
	[tilespmem:s7+$0x10300] =	vst v1  }
0x570: {  	[tilespmem:s1+$0x40] =	vst v1  }
0x571: {  	[tilespmem:s1+$0x50] =	vst v1  }
0x572: {  	[tilespmem:s1+$0x60] =	vst v1  }
0x573: {  	[tilespmem:s1+$0x70] =	vst v1  }
0x574: {  	[tilespmem:s1+$0x400] =	vst v1  }
0x575: {  	[tilespmem:s1+$0x410] =	vst v1  }
0x576: {  	[tilespmem:s1+$0x420] =	vst v1  }
0x577: {  	[tilespmem:s1+$0x430] =	vst v1  }
0x578: {  	[tilespmem:s1+$0x440] =	vst v1  }
0x579: {  	[tilespmem:s1+$0x450] =	vst v1  }
0x57a: {  	[tilespmem:s1+$0x460] =	vst v1  }
0x57b: {  	[tilespmem:s1+$0x10] =	vst v1  }
0x57c: {  	s31 =	simm.s32 $0x100;
	s9 =	simm.s32 $0x80;
	s10 =	smov.u32 s11;
	[tilespmem:s1+$0x20] =	vst v1  }
0x57d: {  	s11 =	simm.s32 $0x200;
	s14 =	sand.u32 $0x3800, s31;
	s15 =	sand.u32 $0x380, s9;
	[tilespmem:s1+$0x30] =	vst v1  }
.LBB2_62:
0x57e: {  	p0 =	seq.s32 s11, $0x3F00;
	s7 =	sor.u32 s15, s14;
	[tilespmem:s1+$0x470] =	vst v1  }
0x57f: {  	s1 =	sadd.s32 $0x10300, s7;
	[tilespmem:s7+$0x10300] =	vst v1  }
0x580: {  	[tilespmem:s1+$0x10] =	vst v1  }
0x581: {  	[tilespmem:s1+$0x20] =	vst v1  }
0x582: {  	[tilespmem:s1+$0x30] =	vst v1  }
0x583: {  	[tilespmem:s1+$0x40] =	vst v1  }
0x584: {  	[tilespmem:s1+$0x50] =	vst v1  }
0x585: {  	[tilespmem:s1+$0x60] =	vst v1  }
0x586: {  	[tilespmem:s1+$0x70] =	vst v1  }
0x587: {  	[tilespmem:s1+$0x400] =	vst v1  }
0x588: {  	[tilespmem:s1+$0x410] =	vst v1  }
.Ltmp42:
0x589: {  	[tilespmem:s1+$0x420] =	vst v1;
	(pc) =	sbr.rel @!p0 .LBB2_62-.Ltmp42, $4  }
0x58a: {  	[tilespmem:s1+$0x430] =	vst v1  }
0x58b: {  	[tilespmem:s1+$0x440] =	vst v1  }
0x58c: {  	s9 =	sadd.s32 $0x80, s9;
	[tilespmem:s1+$0x450] =	vst v1  }
0x58d: {  	s14 =	sand.u32 $0x3800, s11;
	s11 =	sadd.s32 $0x100, s11;
	s15 =	sand.u32 $0x380, s9;
	[tilespmem:s1+$0x460] =	vst v1  }
0x58e: {  	s7 =	sor.u32 s15, s14;
	[tilespmem:s1+$0x470] =	vst v1  }
0x58f: {  	s31 =	sadd.s32 $0x10300, s7;
	[tilespmem:s7+$0x10300] =	vst v1  }
0x590: {  	[tilespmem:s31+$0x10] =	vst v1  }
0x591: {  	[tilespmem:s31+$0x20] =	vst v1  }
0x592: {  	[tilespmem:s31+$0x30] =	vst v1  }
0x593: {  	[tilespmem:s31+$0x40] =	vst v1  }
0x594: {  	[tilespmem:s31+$0x50] =	vst v1  }
0x595: {  	[tilespmem:s31+$0x60] =	vst v1  }
0x596: {  	[tilespmem:s31+$0x70] =	vst v1  }
0x597: {  	[tilespmem:s31+$0x400] =	vst v1  }
0x598: {  	[tilespmem:s31+$0x410] =	vst v1  }
0x599: {  	[tilespmem:s31+$0x420] =	vst v1  }
0x59a: {  	[tilespmem:s31+$0x430] =	vst v1  }
0x59b: {  	[tilespmem:s31+$0x440] =	vst v1  }
0x59c: {  	[tilespmem:s31+$0x450] =	vst v1  }
0x59d: {  	[tilespmem:s31+$0x460] =	vst v1  }
0x59e: {  	[tilespmem:s31+$0x470] =	vst v1  }
0x59f: {  	s11 =	sadd.s32 $0x40, s10  }
0x5a0: {  	p0 =	slt.s32 s16, s11  }
.Ltmp43:
0x5a1: {  	_ = 	snop;
	(pc) =	sbr.rel @!p0 .LBB2_61-.Ltmp43, $1  }
0x5a2: {  	_ =	sdelay $0x3  }
.LBB2_65:
0x5a3: {  	(erf) = vrcp.f32 v54;
	_ =	sdelay $0x7  }
0x5a4: {  	s1 =	ssub.s32 s16, s10  }
0x5a5: {  	s7 =	sshll.u32 s1, $0x8;
	s1 =	sshll.u32 s1, $0x7;
	v0 =	vpop (erf)  }
0x5a6: {  	s7 =	sand.u32 $0xFFFFF800, s7;
	s1 =	sand.u32 $0x380, s1;
	v2 =	vmul.f32 v50, v0  }
0x5a7: {  	s1 =	sor.u32 s1, s7;
	v3 =	vmul.f32 v34, v0  }
0x5a8: {  	s7 =	sadd.s32 $0x10300, s1;
	[tilespmem:s1+$0x10300] =	vst v2;
	v2 =	vmul.f32 v58, v0  }
0x5a9: {  	[tilespmem:s7+$0x10] =	vst v3;
	v3 =	vmul.f32 v62, v0  }
0x5aa: {  	[tilespmem:s7+$0x20] =	vst v2;
	v2 =	vmul.f32 v51, v0  }
0x5ab: {  	[tilespmem:s7+$0x30] =	vst v3;
	v3 =	vmul.f32 v46, v0  }
0x5ac: {  	[tilespmem:s7+$0x40] =	vst v2;
	v2 =	vmul.f32 v53, v0  }
0x5ad: {  	[tilespmem:s7+$0x50] =	vst v3;
	v3 =	vmul.f32 v52, v0  }
0x5ae: {  	[tilespmem:s7+$0x60] =	vst v2;
	v2 =	vmul.f32 v37, v0  }
0x5af: {  	[tilespmem:s7+$0x70] =	vst v3;
	v3 =	vmul.f32 v32, v0  }
0x5b0: {  	[tilespmem:s7+$0x400] =	vst v2;
	v2 =	vmul.f32 v31, v0  }
0x5b1: {  	[tilespmem:s7+$0x410] =	vst v3;
	v3 =	vmul.f32 v30, v0  }
0x5b2: {  	[tilespmem:s7+$0x420] =	vst v2;
	v2 =	vld [tilespmem:$0x1FF90]  }
0x5b3: {  	[tilespmem:s7+$0x430] =	vst v3;
	v3 =	vld [tilespmem:$0x1FFA0];
	_ =	sdelay $0x3  }
0x5b4: {  	v2 =	vmul.f32 v2, v0  }
0x5b5: {  	v3 =	vmul.f32 v3, v0  }
0x5b6: {  	[tilespmem:s7+$0x440] =	vst v2;
	v2 =	vld [tilespmem:$0x1FFB0]  }
0x5b7: {  	[tilespmem:s7+$0x450] =	vst v3;
	v3 =	vld [tilespmem:$0x1FFC0];
	_ =	sdelay $0x2  }
.Ltmp44:
0x5b8: {  	_ = 	snop;
	(pc) =	sbr.rel .LBB2_66-.Ltmp44, $4  }
0x5b9: {  	v2 =	vmul.f32 v2, v0  }
0x5ba: {  	v0 =	vmul.f32 v3, v0  }
0x5bb: {  	[tilespmem:s7+$0x460] =	vst v2  }
0x5bc: {  	[tilespmem:s7+$0x470] =	vst v0  }
.LBB2_59:
0x5bd: {  	s17 =	rddreg [dreg:$0x8]  }
.LBB2_66:
0x5be: {  	s11 =	sadd.s32 $0x40, s10  }
0x5bf: {  	p0 =	sgt.s32 s11, s8  }
.Ltmp45:
0x5c0: {  	_ = 	snop;
	(pc) =	sbr.rel @p0 .LBB2_67-.Ltmp45, $1  }
0x5c1: {  	_ =	sdelay $0x3  }
.LBB2_70:
0x5c2: {  	s1 =	sshll.u32 s10, $0x5  }
0x5c3: {  	s1 =	sand.u32 $0xFFFFF00, s1  }
0x5c4: {  	s7 =	simm.s32 $0x0;
	s1 =	sadd.s32 s3, s1  }
0x5c5: {  	[hbm4b:s1+s7] =	stream.linear.scatter [tilespmem:s4], [sflag:$0x3], $0x4000, $0x38;
	[tilespmem:$0x1C380] =	vst v63  }
0x5c6: {  	_ =	swait.ge [sflag:s12], $0x4000  }
0x5c7: {  	s30 =	sand.u32 $0x3800, s7;
	s7 =	sand.u32 $0x380, s7;
	[sflag:s12] =	ssyncset.done $0x0  }
0x5c8: {  	s7 =	sor.u32 s7, s30;
	[sflag:s12] =	ssyncadd.s32 $0xFFFFC000  }
0x5c9: {  	s1 =	sadd.s32 $0x10300, s7;
	[tilespmem:s7+$0x10300] =	vst v1  }
0x5ca: {  	[tilespmem:s1+$0x40] =	vst v1  }
0x5cb: {  	[tilespmem:s1+$0x50] =	vst v1  }
0x5cc: {  	[tilespmem:s1+$0x60] =	vst v1  }
0x5cd: {  	[tilespmem:s1+$0x70] =	vst v1  }
0x5ce: {  	[tilespmem:s1+$0x400] =	vst v1  }
0x5cf: {  	[tilespmem:s1+$0x410] =	vst v1  }
0x5d0: {  	[tilespmem:s1+$0x420] =	vst v1  }
0x5d1: {  	[tilespmem:s1+$0x430] =	vst v1  }
0x5d2: {  	[tilespmem:s1+$0x440] =	vst v1  }
0x5d3: {  	[tilespmem:s1+$0x450] =	vst v1  }
0x5d4: {  	[tilespmem:s1+$0x460] =	vst v1  }
0x5d5: {  	[tilespmem:s1+$0x10] =	vst v1  }
0x5d6: {  	s31 =	simm.s32 $0x100;
	s9 =	simm.s32 $0x80;
	s10 =	smov.u32 s11;
	[tilespmem:s1+$0x20] =	vst v1  }
0x5d7: {  	s11 =	simm.s32 $0x200;
	s14 =	sand.u32 $0x3800, s31;
	s15 =	sand.u32 $0x380, s9;
	[tilespmem:s1+$0x30] =	vst v1  }
.LBB2_71:
0x5d8: {  	p0 =	seq.s32 s11, $0x3F00;
	s7 =	sor.u32 s15, s14;
	[tilespmem:s1+$0x470] =	vst v1  }
0x5d9: {  	s1 =	sadd.s32 $0x10300, s7;
	[tilespmem:s7+$0x10300] =	vst v1  }
0x5da: {  	[tilespmem:s1+$0x10] =	vst v1  }
0x5db: {  	[tilespmem:s1+$0x20] =	vst v1  }
0x5dc: {  	[tilespmem:s1+$0x30] =	vst v1  }
0x5dd: {  	[tilespmem:s1+$0x40] =	vst v1  }
0x5de: {  	[tilespmem:s1+$0x50] =	vst v1  }
0x5df: {  	[tilespmem:s1+$0x60] =	vst v1  }
0x5e0: {  	[tilespmem:s1+$0x70] =	vst v1  }
0x5e1: {  	[tilespmem:s1+$0x400] =	vst v1  }
0x5e2: {  	[tilespmem:s1+$0x410] =	vst v1  }
.Ltmp46:
0x5e3: {  	[tilespmem:s1+$0x420] =	vst v1;
	(pc) =	sbr.rel @!p0 .LBB2_71-.Ltmp46, $4  }
0x5e4: {  	[tilespmem:s1+$0x430] =	vst v1  }
0x5e5: {  	[tilespmem:s1+$0x440] =	vst v1  }
0x5e6: {  	s9 =	sadd.s32 $0x80, s9;
	[tilespmem:s1+$0x450] =	vst v1  }
0x5e7: {  	s14 =	sand.u32 $0x3800, s11;
	s11 =	sadd.s32 $0x100, s11;
	s15 =	sand.u32 $0x380, s9;
	[tilespmem:s1+$0x460] =	vst v1  }
0x5e8: {  	s7 =	sor.u32 s15, s14;
	[tilespmem:s1+$0x470] =	vst v1  }
0x5e9: {  	s31 =	sadd.s32 $0x10300, s7;
	[tilespmem:s7+$0x10300] =	vst v1  }
0x5ea: {  	[tilespmem:s31+$0x10] =	vst v1  }
0x5eb: {  	[tilespmem:s31+$0x20] =	vst v1  }
0x5ec: {  	[tilespmem:s31+$0x30] =	vst v1  }
0x5ed: {  	[tilespmem:s31+$0x40] =	vst v1  }
0x5ee: {  	[tilespmem:s31+$0x50] =	vst v1  }
0x5ef: {  	[tilespmem:s31+$0x60] =	vst v1  }
0x5f0: {  	[tilespmem:s31+$0x70] =	vst v1  }
0x5f1: {  	[tilespmem:s31+$0x400] =	vst v1  }
0x5f2: {  	[tilespmem:s31+$0x410] =	vst v1  }
0x5f3: {  	[tilespmem:s31+$0x420] =	vst v1  }
0x5f4: {  	[tilespmem:s31+$0x430] =	vst v1  }
0x5f5: {  	[tilespmem:s31+$0x440] =	vst v1  }
0x5f6: {  	[tilespmem:s31+$0x450] =	vst v1  }
0x5f7: {  	[tilespmem:s31+$0x460] =	vst v1  }
0x5f8: {  	[tilespmem:s31+$0x470] =	vst v1  }
0x5f9: {  	s11 =	sadd.s32 $0x40, s10  }
0x5fa: {  	p0 =	sgt.s32 s11, s8  }
.Ltmp47:
0x5fb: {  	_ = 	snop;
	(pc) =	sbr.rel @!p0 .LBB2_70-.Ltmp47, $4  }
.Ltmp48:
0x5fc: {  	_ = 	snop;
	(pc) =	sbr.rel @p0 .LBB2_67-.Ltmp48, $4  }
0x5fd: {  	_ = 	snop  }
0x5fe: {  	_ = 	snop  }
0x5ff: {  	_ = 	snop  }
0x600: {  	_ = 	snop  }
.LBB2_68:
0x601: {  	_ =	sfence.sel $0x180000  }
0x602: {  	[bflag:$0x0] =	sbarrier.arrive $0xFFFF  }
0x603: {  	_ =	strace $0x90000047  }
0x604: {  	s0 =	stileid.u32;
	[bflag:$0x2] =	sbarrier.arrive $0xFFFF  }
0x605: {  	p0 =	sne.s32 s0, $0x0;
	s0 =	rddreg [dreg:$0x3]  }
0x606: {  	s0 =	sadd.s32 @!p0 $0x100000, s0  }
0x607: {  	[sflag:s0] =	ssyncadd.tile.s32 @!p0 $0x1;
	_ =	shalt  }
.Lfunc_end2:
_tile_overlayer_lowered:
.L_overlay_start_2:
0x608: {  	(tag) =	ssettag $0x2  }
0x609: {  	s0 =	rddreg [dreg:$0x0];
	s2 =	stileid.u32  }
0x60a: {  	s1 =	rddreg [dreg:$0x1];
	p0 =	sne.s32 s2, $0x0  }
0x60b: {  	s3 =	rddreg [dreg:$0x2];
	[bflag:$0x3] =	sbarrier.arrive $0xFFFF;
	s2 =	simm.s32 @!p0 $0x1C03  }
0x60c: {  	[timem:s3], [sflag:s2] =	dma.local @!p0 [hbm:s0], s1  }
0x60d: {  	s0 =	simm.s32 @!p0 $0x3  }
0x60e: {  	_ =	swait.ge @!p0 [sflag:s0], s1  }
0x60f: {  	s1 =	ssub.s32 @!p0 $0x0, s1;
	[sflag:s0] =	ssyncset.done @!p0 $0x0  }
0x610: {  	[sflag:s0] =	ssyncadd.s32 @!p0 s1  }
0x611: {  	[bflag:$0x3] =	sbarrier.arrive $0xFFFF  }
0x612: {  	_ =	shalt  }

</sc_bundles>
